<compile_context>
chip_gen: v7x
topology: tpu7x:2x2x1
jax: 0.10.2.dev20260603
libtpu: 0.0.44.dev20260713+nightly
codegen_flags: <defaults>
</compile_context>

<pallas_src>
import functools

import jax
import jax.numpy as jnp
from jax import lax
from jax.experimental import pallas as pl
from jax.experimental.pallas import tpu as pltpu
from jax.experimental.pallas import tpu_sc as plsc

N_NODES = 10000
N_EDGES = 320000
D_FEAT = 128

NC = 2
NS = 16
NW = NC * NS
L = 16

CH = 128
N_CHUNK = 80
E_PER_W = N_CHUNK * CH
E_PAD = NW * E_PER_W
N_PAD = N_NODES + 240
ROWS_PER_TILE = N_PAD // NS

A_CH = 112
B_CH = 2 * N_CHUNK - A_CH
GSPLIT = 4
MAXC = max(A_CH, B_CH)
TOT_CH = NW * N_CHUNK
TOT_CH_PAD = TOT_CH + MAXC

_mesh = plsc.VectorSubcoreMesh(core_axis_name="c", subcore_axis_name="s",
                               num_cores=NC, num_subcores=NS)


@functools.partial(
    pl.kernel,
    out_type=jax.ShapeDtypeStruct((NC, N_PAD, D_FEAT), jnp.float32),
    mesh=_mesh,
    scratch_types=[
        pltpu.VMEM_SHARED((N_PAD, D_FEAT), jnp.float32),
        pltpu.VMEM((N_CHUNK, CH), jnp.int32),
        pltpu.VMEM((CH, D_FEAT), jnp.float32),
        pltpu.VMEM((L, D_FEAT), jnp.float32),
    ],
)
def _deg_kernel(dst_hbm, deg_out, hist, dst_v, ones_v, zbuf):
    c = lax.axis_index("c")
    s = lax.axis_index("s")
    w = c * NS + s

    pltpu.sync_copy(dst_hbm.at[pl.ds(w * N_CHUNK, N_CHUNK)], dst_v)

    ones = jnp.ones((L,), jnp.float32)
    zeros = jnp.zeros((L,), jnp.float32)

    @pl.loop(0, CH)
    def _(i):
        for j in range(D_FEAT // L):
            ones_v[i, pl.ds(j * L, L)] = ones

    for i in range(L):
        for j in range(D_FEAT // L):
            zbuf[i, pl.ds(j * L, L)] = zeros

    row0 = s * ROWS_PER_TILE

    @pl.loop(0, ROWS_PER_TILE // L)
    def _(r):
        pltpu.sync_copy(zbuf, hist.at[pl.ds(row0 + r * L, L)])
    plsc.subcore_barrier()

    @pl.loop(0, N_CHUNK)
    def _(j):
        pltpu.sync_copy(ones_v, hist.at[dst_v.at[j]], add=True)

    plsc.subcore_barrier()
    pltpu.sync_copy(hist.at[pl.ds(row0, ROWS_PER_TILE)],
                    deg_out.at[c, pl.ds(row0, ROWS_PER_TILE)])


_TC_BLK = N_NODES // 10


def _dis_block(dp_ref):
    deg = dp_ref[0, :, 0] + dp_ref[1, :, 0]
    return jnp.where(deg > 0.0, lax.rsqrt(deg), 0.0)


def _norm_body(dp_ref, x_ref, xp_ref):
    dis = _dis_block(dp_ref)
    xp_ref[...] = x_ref[...] * dis[:, None]


def _norm_scale(deg_part, x):
    return pl.pallas_call(
        _norm_body,
        grid=(10,),
        in_specs=[
            pl.BlockSpec((NC, _TC_BLK, D_FEAT), lambda i: (0, i, 0)),
            pl.BlockSpec((_TC_BLK, D_FEAT), lambda i: (i, 0)),
        ],
        out_specs=pl.BlockSpec((_TC_BLK, D_FEAT), lambda i: (i, 0)),
        out_shape=jax.ShapeDtypeStruct((N_NODES, D_FEAT), jnp.float32),
    )(deg_part, x)


@functools.partial(
    pl.kernel,
    out_type=jax.ShapeDtypeStruct((NC, N_PAD, D_FEAT), jnp.float32),
    mesh=_mesh,
    scratch_types=[
        pltpu.VMEM_SHARED((N_PAD, D_FEAT), jnp.float32),
        pltpu.VMEM((MAXC, CH), jnp.int32),
        pltpu.VMEM((2, CH), jnp.int32),
        [pltpu.VMEM((CH, D_FEAT), jnp.float32) for _ in range(2)],
        [pltpu.SemaphoreType.DMA for _ in range(2)],
        [pltpu.SemaphoreType.DMA for _ in range(2)],
        [pltpu.SemaphoreType.DMA for _ in range(2)],
    ],
)
def _scatter_kernel(xp_hbm, src_hbm, dst_hbm, out_hbm,
                    acc, src_v, dring, rows, gsem, ssem, dsem):
    c = lax.axis_index("c")
    s = lax.axis_index("s")
    nch = jnp.where(c == 0, A_CH, B_CH)
    base = jnp.where(c == 0, s * A_CH, NS * A_CH + s * B_CH)

    pltpu.sync_copy(src_hbm.at[pl.ds(base, MAXC)], src_v)

    zeros = jnp.zeros((L,), jnp.float32)
    for i in range(L):
        for j in range(D_FEAT // L):
            rows[0][i, pl.ds(j * L, L)] = zeros
    row0 = s * ROWS_PER_TILE

    @pl.loop(0, ROWS_PER_TILE // L)
    def _(r):
        pltpu.sync_copy(rows[0].at[pl.ds(0, L)],
                        acc.at[pl.ds(row0 + r * L, L)])
    plsc.subcore_barrier()

    GL = CH // GSPLIT

    def fire_gather(j, b):
        for g in range(GSPLIT):
            pltpu.async_copy(xp_hbm.at[src_v.at[j, pl.ds(g * GL, GL)]],
                             rows[b].at[pl.ds(g * GL, GL)], gsem[b])

    def wait_gather(j, b):
        for g in range(GSPLIT):
            pltpu.make_async_copy(xp_hbm.at[src_v.at[j, pl.ds(g * GL, GL)]],
                                  rows[b].at[pl.ds(g * GL, GL)],
                                  gsem[b]).wait()

    for b in range(2):
        pltpu.async_copy(dst_hbm.at[base + b], dring.at[b], dsem[b])
        fire_gather(b, b)

    def step(j, b, first):
        o = 1 - b

        def retire():
            pltpu.make_async_copy(rows[o], acc.at[dring.at[o]],
                                  ssem[o]).wait()

            @pl.when(j + 1 < nch)
            def _():
                pltpu.async_copy(dst_hbm.at[base + j + 1], dring.at[o],
                                 dsem[o])
                fire_gather(j + 1, o)

        if first:
            pl.when(j >= 1)(retire)
        else:
            retire()

        pltpu.make_async_copy(dst_hbm.at[base + j], dring.at[b],
                              dsem[b]).wait()
        wait_gather(j, b)
        pltpu.async_copy(rows[b], acc.at[dring.at[b]], ssem[b], add=True)

    @pl.loop(0, nch // 2)
    def _(g):
        j0 = g * 2
        step(j0, 0, True)
        step(j0 + 1, 1, False)

    pltpu.make_async_copy(rows[1], acc.at[dring.at[1]], ssem[1]).wait()

    plsc.subcore_barrier()
    pltpu.sync_copy(acc.at[pl.ds(row0, ROWS_PER_TILE)],
                    out_hbm.at[c, pl.ds(row0, ROWS_PER_TILE)])


def _combine_body(part_ref, dp_ref, out_ref):
    dis = _dis_block(dp_ref)
    out_ref[...] = (part_ref[0] + part_ref[1]) * dis[:, None]


def _combine(part, deg_part):
    return pl.pallas_call(
        _combine_body,
        grid=(10,),
        in_specs=[
            pl.BlockSpec((NC, _TC_BLK, D_FEAT), lambda i: (0, i, 0)),
            pl.BlockSpec((NC, _TC_BLK, D_FEAT), lambda i: (0, i, 0)),
        ],
        out_specs=pl.BlockSpec((_TC_BLK, D_FEAT), lambda i: (i, 0)),
        out_shape=jax.ShapeDtypeStruct((N_NODES, D_FEAT), jnp.float32),
    )(part, deg_part)


def kernel(taste_x, taste_edge_index):
    ei = taste_edge_index.astype(jnp.int32)
    pad = TOT_CH_PAD * CH - N_EDGES
    src = jnp.concatenate([ei[0], jnp.zeros((pad,), jnp.int32)])
    dst = jnp.concatenate([ei[1], jnp.full((pad,), N_NODES, jnp.int32)])
    src = src.reshape(TOT_CH_PAD, CH)
    dst = dst.reshape(TOT_CH_PAD, CH)
    deg_part = _deg_kernel(dst)
    xp = _norm_scale(deg_part, taste_x)
    part = _scatter_kernel(xp, src, dst)
    return _combine(part, deg_part)

# --- scband reference (transcript-rebuilt; emitter-appended) ---
"""Pipeline reference for scband-taste-gnn-2473901163078 (READ-ONLY COPY).

The authoritative reference and input builder live on the scoring server;
editing this copy changes nothing except your own understanding.
"""

import jax, jax.numpy as jnp
import numpy as np

N_NODES = 10000
N_EDGES = 320000
D_FEAT = 128


def setup_inputs(seed: int = 0) -> dict:
    key = jax.random.key(seed)
    k1, k2 = jax.random.split(key)
    taste_x = jax.random.normal(k1, (N_NODES, D_FEAT), dtype=jnp.float32)
    taste_edge_index = jax.random.randint(k2, (2, N_EDGES), 0, N_NODES, dtype=jnp.int64)
    return {"taste_x": taste_x, "taste_edge_index": taste_edge_index}


def reference(taste_x, taste_edge_index):
    # LGConv (LightGCN propagation): out_i = sum_{(j->i) in E} norm_ij * x_j
    # with norm_ij = deg(i)^-1/2 * deg(j)^-1/2, gcn_norm with add_self_loops=False.
    src = taste_edge_index[0]
    dst = taste_edge_index[1]
    num_nodes = taste_x.shape[0]
    edge_weight = jnp.ones((src.shape[0],), dtype=taste_x.dtype)
    # degree computed on destination (col), as in torch_geometric gcn_norm
    deg = jax.ops.segment_sum(edge_weight, dst, num_segments=num_nodes)
    deg_inv_sqrt = jnp.where(deg > 0, deg ** -0.5, 0.0)
    norm = deg_inv_sqrt[src] * deg_inv_sqrt[dst]
    messages = norm[:, None] * jnp.take(taste_x, src, axis=0)
    out = jnp.zeros_like(taste_x).at[dst].add(messages)
    return out

if __name__ == "__main__":
    import jax
    _d = setup_inputs()
    print(jax.jit(kernel)(*tuple(_d.values())))

</pallas_src>

<mosaic_0001>
#map = affine_map<(d0, d1) -> (0, 0)>
#map1 = affine_map<(d0, d1) -> (0, 0, 0)>
module attributes {stable_mosaic.version = 14 : i64} {
  func.func @_deg_kernel(%arg0: i32, %arg1: i32, %arg2: memref<2672x128xi32, #tpu.memory_space<hbm>>, %arg3: memref<2x10240x128xf32, #tpu.memory_space<hbm>>, %arg4: memref<10240x128xf32, #tpu.memory_space<vmem_shared>>, %arg5: memref<80x128xi32, #tpu.memory_space<vmem>>, %arg6: memref<128x128xf32, #tpu.memory_space<vmem>>, %arg7: memref<16x128xf32, #tpu.memory_space<vmem>>) attributes {dimension_semantics = [#tpu.dimension_semantics<core_parallel>, #tpu.dimension_semantics<subcore_parallel>], iteration_bounds = array<i64: 2, 16>, scalar_prefetch = 0 : i64, scratch_operands = 4 : i64, tpu.core_type = #tpu.core_type<sc_vector_subcore>, window_params = [{transform_indices = #map}, {transform_indices = #map1}]} {
    %mul3A = arith.constant 16 : i32
    %mul3A_0 = arith.muli %arg0, %mul3A : i32
    %add3A = arith.addi %mul3A_0, %arg1 : i32
    %mul3A_1 = arith.constant 80 : i32
    %mul3A_2 = arith.muli %add3A, %mul3A_1 : i32
    "tpu.region"() ({
      %run_scoped3A = tpu.sem_alloc : memref<!tpu.dma_semaphore, #tpu.memory_space<semaphore_mem>>
      %dma_start3A = arith.constant 0 : i32
      %dma_start3A_790 = tpu.memref_slice %arg2[%mul3A_2, %dma_start3A] : memref<2672x128xi32, #tpu.memory_space<hbm>> -> memref<80x128xi32, #tpu.memory_space<hbm>>
      %dma_start3A_791 = arith.constant 0 : i32
      %dma_start3A_792 = tpu.memref_slice %arg2[%mul3A_2, %dma_start3A_791] : memref<2672x128xi32, #tpu.memory_space<hbm>> -> memref<80x128xi32, #tpu.memory_space<hbm>>
      tpu.enqueue_dma source(%dma_start3A_792 : memref<80x128xi32, #tpu.memory_space<hbm>>) target(%arg5 : memref<80x128xi32, #tpu.memory_space<vmem>>) target_semaphore(%run_scoped3A : memref<!tpu.dma_semaphore, #tpu.memory_space<semaphore_mem>>)
      %dma_wait3A = arith.constant 0 : i32
      %dma_wait3A_793 = tpu.memref_slice %arg2[%mul3A_2, %dma_wait3A] : memref<2672x128xi32, #tpu.memory_space<hbm>> -> memref<80x128xi32, #tpu.memory_space<hbm>>
      %dma_wait3A_794 = arith.constant 0 : i32
      %dma_wait3A_795 = tpu.memref_slice %arg2[%mul3A_2, %dma_wait3A_794] : memref<2672x128xi32, #tpu.memory_space<hbm>> -> memref<80x128xi32, #tpu.memory_space<hbm>>
      tpu.wait_dma2 semaphore(%run_scoped3A : memref<!tpu.dma_semaphore, #tpu.memory_space<semaphore_mem>>) src(%dma_wait3A_795 : memref<80x128xi32, #tpu.memory_space<hbm>>) dst(%arg5 : memref<80x128xi32, #tpu.memory_space<vmem>>)
      tpu.yield
    }) : () -> ()
    %broadcast_in_dim3A = arith.constant 1.000000e+00 : f32
    %broadcast_in_dim3A_3 = vector.broadcast %broadcast_in_dim3A : f32 to vector<16xf32>
    %broadcast_in_dim3A_4 = arith.constant 0.000000e+00 : f32
    %broadcast_in_dim3A_5 = vector.broadcast %broadcast_in_dim3A_4 : f32 to vector<16xf32>
    %scan3A = arith.constant 0 : i32
    %scan3A_6 = arith.constant 128 : i32
    %scan3A_7 = arith.addi %scan3A, %scan3A_6 : i32
    %scan3A_8 = arith.constant 1 : i32
    scf.for %scan3A_790 = %scan3A to %scan3A_7 step %scan3A_8  : i32 {
      %mul3A_791 = arith.constant 1 : i32
      %mul3A_792 = arith.muli %scan3A_790, %mul3A_791 : i32
      %add3A_793 = arith.constant 0 : i32
      %add3A_794 = arith.addi %add3A_793, %mul3A_792 : i32
      %swap3A_795 = arith.index_cast %add3A_794 : i32 to index
      %swap3A_796 = arith.constant 0 : index
      %swap3A_797 = tpu.vector_load %arg6[%swap3A_795, %swap3A_796] {strides = array<i32>} : memref<128x128xf32, #tpu.memory_space<vmem>>, vector<1x16xf32>,
      %swap3A_798 = vector.shape_cast %swap3A_797 : vector<1x16xf32> to vector<16xf32>
      %swap3A_799 = vector.shape_cast %broadcast_in_dim3A_3 : vector<16xf32> to vector<1x16xf32>
      tpu.vector_store %arg6[%swap3A_795, %swap3A_796], %swap3A_799 {strides = array<i32>} : memref<128x128xf32, #tpu.memory_space<vmem>>, vector<1x16xf32>,
      %swap3A_800 = arith.index_cast %add3A_794 : i32 to index
      %swap3A_801 = arith.constant 16 : index
      %swap3A_802 = tpu.vector_load %arg6[%swap3A_800, %swap3A_801] {strides = array<i32>} : memref<128x128xf32, #tpu.memory_space<vmem>>, vector<1x16xf32>,
      %swap3A_803 = vector.shape_cast %swap3A_802 : vector<1x16xf32> to vector<16xf32>
      %swap3A_804 = vector.shape_cast %broadcast_in_dim3A_3 : vector<16xf32> to vector<1x16xf32>
      tpu.vector_store %arg6[%swap3A_800, %swap3A_801], %swap3A_804 {strides = array<i32>} : memref<128x128xf32, #tpu.memory_space<vmem>>, vector<1x16xf32>,
      %swap3A_805 = arith.index_cast %add3A_794 : i32 to index
      %swap3A_806 = arith.constant 32 : index
      %swap3A_807 = tpu.vector_load %arg6[%swap3A_805, %swap3A_806] {strides = array<i32>} : memref<128x128xf32, #tpu.memory_space<vmem>>, vector<1x16xf32>,
      %swap3A_808 = vector.shape_cast %swap3A_807 : vector<1x16xf32> to vector<16xf32>
      %swap3A_809 = vector.shape_cast %broadcast_in_dim3A_3 : vector<16xf32> to vector<1x16xf32>
      tpu.vector_store %arg6[%swap3A_805, %swap3A_806], %swap3A_809 {strides = array<i32>} : memref<128x128xf32, #tpu.memory_space<vmem>>, vector<1x16xf32>,
      %swap3A_810 = arith.index_cast %add3A_794 : i32 to index
      %swap3A_811 = arith.constant 48 : index
      %swap3A_812 = tpu.vector_load %arg6[%swap3A_810, %swap3A_811] {strides = array<i32>} : memref<128x128xf32, #tpu.memory_space<vmem>>, vector<1x16xf32>,
      %swap3A_813 = vector.shape_cast %swap3A_812 : vector<1x16xf32> to vector<16xf32>
      %swap3A_814 = vector.shape_cast %broadcast_in_dim3A_3 : vector<16xf32> to vector<1x16xf32>
      tpu.vector_store %arg6[%swap3A_810, %swap3A_811], %swap3A_814 {strides = array<i32>} : memref<128x128xf32, #tpu.memory_space<vmem>>, vector<1x16xf32>,
      %swap3A_815 = arith.index_cast %add3A_794 : i32 to index
      %swap3A_816 = arith.constant 64 : index
      %swap3A_817 = tpu.vector_load %arg6[%swap3A_815, %swap3A_816] {strides = array<i32>} : memref<128x128xf32, #tpu.memory_space<vmem>>, vector<1x16xf32>,
      %swap3A_818 = vector.shape_cast %swap3A_817 : vector<1x16xf32> to vector<16xf32>
      %swap3A_819 = vector.shape_cast %broadcast_in_dim3A_3 : vector<16xf32> to vector<1x16xf32>
      tpu.vector_store %arg6[%swap3A_815, %swap3A_816], %swap3A_819 {strides = array<i32>} : memref<128x128xf32, #tpu.memory_space<vmem>>, vector<1x16xf32>,
      %swap3A_820 = arith.index_cast %add3A_794 : i32 to index
      %swap3A_821 = arith.constant 80 : index
      %swap3A_822 = tpu.vector_load %arg6[%swap3A_820, %swap3A_821] {strides = array<i32>} : memref<128x128xf32, #tpu.memory_space<vmem>>, vector<1x16xf32>,
      %swap3A_823 = vector.shape_cast %swap3A_822 : vector<1x16xf32> to vector<16xf32>
      %swap3A_824 = vector.shape_cast %broadcast_in_dim3A_3 : vector<16xf32> to vector<1x16xf32>
      tpu.vector_store %arg6[%swap3A_820, %swap3A_821], %swap3A_824 {strides = array<i32>} : memref<128x128xf32, #tpu.memory_space<vmem>>, vector<1x16xf32>,
      %swap3A_825 = arith.index_cast %add3A_794 : i32 to index
      %swap3A_826 = arith.constant 96 : index
      %swap3A_827 = tpu.vector_load %arg6[%swap3A_825, %swap3A_826] {strides = array<i32>} : memref<128x128xf32, #tpu.memory_space<vmem>>, vector<1x16xf32>,
      %swap3A_828 = vector.shape_cast %swap3A_827 : vector<1x16xf32> to vector<16xf32>
      %swap3A_829 = vector.shape_cast %broadcast_in_dim3A_3 : vector<16xf32> to vector<1x16xf32>
      tpu.vector_store %arg6[%swap3A_825, %swap3A_826], %swap3A_829 {strides = array<i32>} : memref<128x128xf32, #tpu.memory_space<vmem>>, vector<1x16xf32>,
      %swap3A_830 = arith.index_cast %add3A_794 : i32 to index
      %swap3A_831 = arith.constant 112 : index
      %swap3A_832 = tpu.vector_load %arg6[%swap3A_830, %swap3A_831] {strides = array<i32>} : memref<128x128xf32, #tpu.memory_space<vmem>>, vector<1x16xf32>,
      %swap3A_833 = vector.shape_cast %swap3A_832 : vector<1x16xf32> to vector<16xf32>
      %swap3A_834 = vector.shape_cast %broadcast_in_dim3A_3 : vector<16xf32> to vector<1x16xf32>
      tpu.vector_store %arg6[%swap3A_830, %swap3A_831], %swap3A_834 {strides = array<i32>} : memref<128x128xf32, #tpu.memory_space<vmem>>, vector<1x16xf32>,
    }
    %scan3A_9 = arith.constant 128 : i32
    %swap3A = arith.constant 0 : i32
    %swap3A_10 = arith.index_cast %swap3A : i32 to index
    %swap3A_11 = arith.constant 0 : index
    %swap3A_12 = tpu.vector_load %arg7[%swap3A_10, %swap3A_11] {strides = array<i32>} : memref<16x128xf32, #tpu.memory_space<vmem>>, vector<1x16xf32>,
    %swap3A_13 = vector.shape_cast %swap3A_12 : vector<1x16xf32> to vector<16xf32>
    %swap3A_14 = vector.shape_cast %broadcast_in_dim3A_5 : vector<16xf32> to vector<1x16xf32>
    tpu.vector_store %arg7[%swap3A_10, %swap3A_11], %swap3A_14 {strides = array<i32>} : memref<16x128xf32, #tpu.memory_space<vmem>>, vector<1x16xf32>,
    %swap3A_15 = arith.constant 0 : i32
    %swap3A_16 = arith.index_cast %swap3A_15 : i32 to index
    %swap3A_17 = arith.constant 16 : index
    %swap3A_18 = tpu.vector_load %arg7[%swap3A_16, %swap3A_17] {strides = array<i32>} : memref<16x128xf32, #tpu.memory_space<vmem>>, vector<1x16xf32>,
    %swap3A_19 = vector.shape_cast %swap3A_18 : vector<1x16xf32> to vector<16xf32>
    %swap3A_20 = vector.shape_cast %broadcast_in_dim3A_5 : vector<16xf32> to vector<1x16xf32>
    tpu.vector_store %arg7[%swap3A_16, %swap3A_17], %swap3A_20 {strides = array<i32>} : memref<16x128xf32, #tpu.memory_space<vmem>>, vector<1x16xf32>,
    %swap3A_21 = arith.constant 0 : i32
    %swap3A_22 = arith.index_cast %swap3A_21 : i32 to index
    %swap3A_23 = arith.constant 32 : index
    %swap3A_24 = tpu.vector_load %arg7[%swap3A_22, %swap3A_23] {strides = array<i32>} : memref<16x128xf32, #tpu.memory_space<vmem>>, vector<1x16xf32>,
    %swap3A_25 = vector.shape_cast %swap3A_24 : vector<1x16xf32> to vector<16xf32>
    %swap3A_26 = vector.shape_cast %broadcast_in_dim3A_5 : vector<16xf32> to vector<1x16xf32>
    tpu.vector_store %arg7[%swap3A_22, %swap3A_23], %swap3A_26 {strides = array<i32>} : memref<16x128xf32, #tpu.memory_space<vmem>>, vector<1x16xf32>,
    %swap3A_27 = arith.constant 0 : i32
    %swap3A_28 = arith.index_cast %swap3A_27 : i32 to index
    %swap3A_29 = arith.constant 48 : index
    %swap3A_30 = tpu.vector_load %arg7[%swap3A_28, %swap3A_29] {strides = array<i32>} : memref<16x128xf32, #tpu.memory_space<vmem>>, vector<1x16xf32>,
    %swap3A_31 = vector.shape_cast %swap3A_30 : vector<1x16xf32> to vector<16xf32>
    %swap3A_32 = vector.shape_cast %broadcast_in_dim3A_5 : vector<16xf32> to vector<1x16xf32>
    tpu.vector_store %arg7[%swap3A_28, %swap3A_29], %swap3A_32 {strides = array<i32>} : memref<16x128xf32, #tpu.memory_space<vmem>>, vector<1x16xf32>,
    %swap3A_33 = arith.constant 0 : i32
    %swap3A_34 = arith.index_cast %swap3A_33 : i32 to index
    %swap3A_35 = arith.constant 64 : index
    %swap3A_36 = tpu.vector_load %arg7[%swap3A_34, %swap3A_35] {strides = array<i32>} : memref<16x128xf32, #tpu.memory_space<vmem>>, vector<1x16xf32>,
    %swap3A_37 = vector.shape_cast %swap3A_36 : vector<1x16xf32> to vector<16xf32>
    %swap3A_38 = vector.shape_cast %broadcast_in_dim3A_5 : vector<16xf32> to vector<1x16xf32>
    tpu.vector_store %arg7[%swap3A_34, %swap3A_35], %swap3A_38 {strides = array<i32>} : memref<16x128xf32, #tpu.memory_space<vmem>>, vector<1x16xf32>,
    %swap3A_39 = arith.constant 0 : i32
    %swap3A_40 = arith.index_cast %swap3A_39 : i32 to index
    %swap3A_41 = arith.constant 80 : index
    %swap3A_42 = tpu.vector_load %arg7[%swap3A_40, %swap3A_41] {strides = array<i32>} : memref<16x128xf32, #tpu.memory_space<vmem>>, vector<1x16xf32>,
    %swap3A_43 = vector.shape_cast %swap3A_42 : vector<1x16xf32> to vector<16xf32>
    %swap3A_44 = vector.shape_cast %broadcast_in_dim3A_5 : vector<16xf32> to vector<1x16xf32>
    tpu.vector_store %arg7[%swap3A_40, %swap3A_41], %swap3A_44 {strides = array<i32>} : memref<16x128xf32, #tpu.memory_space<vmem>>, vector<1x16xf32>,
    %swap3A_45 = arith.constant 0 : i32
    %swap3A_46 = arith.index_cast %swap3A_45 : i32 to index
    %swap3A_47 = arith.constant 96 : index
    %swap3A_48 = tpu.vector_load %arg7[%swap3A_46, %swap3A_47] {strides = array<i32>} : memref<16x128xf32, #tpu.memory_space<vmem>>, vector<1x16xf32>,
    %swap3A_49 = vector.shape_cast %swap3A_48 : vector<1x16xf32> to vector<16xf32>
    %swap3A_50 = vector.shape_cast %broadcast_in_dim3A_5 : vector<16xf32> to vector<1x16xf32>
    tpu.vector_store %arg7[%swap3A_46, %swap3A_47], %swap3A_50 {strides = array<i32>} : memref<16x128xf32, #tpu.memory_space<vmem>>, vector<1x16xf32>,
    %swap3A_51 = arith.constant 0 : i32
    %swap3A_52 = arith.index_cast %swap3A_51 : i32 to index
    %swap3A_53 = arith.constant 112 : index
    %swap3A_54 = tpu.vector_load %arg7[%swap3A_52, %swap3A_53] {strides = array<i32>} : memref<16x128xf32, #tpu.memory_space<vmem>>, vector<1x16xf32>,
    %swap3A_55 = vector.shape_cast %swap3A_54 : vector<1x16xf32> to vector<16xf32>
    %swap3A_56 = vector.shape_cast %broadcast_in_dim3A_5 : vector<16xf32> to vector<1x16xf32>
    tpu.vector_store %arg7[%swap3A_52, %swap3A_53], %swap3A_56 {strides = array<i32>} : memref<16x128xf32, #tpu.memory_space<vmem>>, vector<1x16xf32>,
    %swap3A_57 = arith.constant 1 : i32
    %swap3A_58 = arith.index_cast %swap3A_57 : i32 to index
    %swap3A_59 = arith.constant 0 : index
    %swap3A_60 = tpu.vector_load %arg7[%swap3A_58, %swap3A_59] {strides = array<i32>} : memref<16x128xf32, #tpu.memory_space<vmem>>, vector<1x16xf32>,
    %swap3A_61 = vector.shape_cast %swap3A_60 : vector<1x16xf32> to vector<16xf32>
    %swap3A_62 = vector.shape_cast %broadcast_in_dim3A_5 : vector<16xf32> to vector<1x16xf32>
    tpu.vector_store %arg7[%swap3A_58, %swap3A_59], %swap3A_62 {strides = array<i32>} : memref<16x128xf32, #tpu.memory_space<vmem>>, vector<1x16xf32>,
    %swap3A_63 = arith.constant 1 : i32
    %swap3A_64 = arith.index_cast %swap3A_63 : i32 to index
    %swap3A_65 = arith.constant 16 : index
    %swap3A_66 = tpu.vector_load %arg7[%swap3A_64, %swap3A_65] {strides = array<i32>} : memref<16x128xf32, #tpu.memory_space<vmem>>, vector<1x16xf32>,
    %swap3A_67 = vector.shape_cast %swap3A_66 : vector<1x16xf32> to vector<16xf32>
    %swap3A_68 = vector.shape_cast %broadcast_in_dim3A_5 : vector<16xf32> to vector<1x16xf32>
    tpu.vector_store %arg7[%swap3A_64, %swap3A_65], %swap3A_68 {strides = array<i32>} : memref<16x128xf32, #tpu.memory_space<vmem>>, vector<1x16xf32>,
    %swap3A_69 = arith.constant 1 : i32
    %swap3A_70 = arith.index_cast %swap3A_69 : i32 to index
    %swap3A_71 = arith.constant 32 : index
    %swap3A_72 = tpu.vector_load %arg7[%swap3A_70, %swap3A_71] {strides = array<i32>} : memref<16x128xf32, #tpu.memory_space<vmem>>, vector<1x16xf32>,
    %swap3A_73 = vector.shape_cast %swap3A_72 : vector<1x16xf32> to vector<16xf32>
    %swap3A_74 = vector.shape_cast %broadcast_in_dim3A_5 : vector<16xf32> to vector<1x16xf32>
    tpu.vector_store %arg7[%swap3A_70, %swap3A_71], %swap3A_74 {strides = array<i32>} : memref<16x128xf32, #tpu.memory_space<vmem>>, vector<1x16xf32>,
    %swap3A_75 = arith.constant 1 : i32
    %swap3A_76 = arith.index_cast %swap3A_75 : i32 to index
    %swap3A_77 = arith.constant 48 : index
    %swap3A_78 = tpu.vector_load %arg7[%swap3A_76, %swap3A_77] {strides = array<i32>} : memref<16x128xf32, #tpu.memory_space<vmem>>, vector<1x16xf32>,
    %swap3A_79 = vector.shape_cast %swap3A_78 : vector<1x16xf32> to vector<16xf32>
    %swap3A_80 = vector.shape_cast %broadcast_in_dim3A_5 : vector<16xf32> to vector<1x16xf32>
    tpu.vector_store %arg7[%swap3A_76, %swap3A_77], %swap3A_80 {strides = array<i32>} : memref<16x128xf32, #tpu.memory_space<vmem>>, vector<1x16xf32>,
    %swap3A_81 = arith.constant 1 : i32
    %swap3A_82 = arith.index_cast %swap3A_81 : i32 to index
    %swap3A_83 = arith.constant 64 : index
    %swap3A_84 = tpu.vector_load %arg7[%swap3A_82, %swap3A_83] {strides = array<i32>} : memref<16x128xf32, #tpu.memory_space<vmem>>, vector<1x16xf32>,
    %swap3A_85 = vector.shape_cast %swap3A_84 : vector<1x16xf32> to vector<16xf32>
    %swap3A_86 = vector.shape_cast %broadcast_in_dim3A_5 : vector<16xf32> to vector<1x16xf32>
    tpu.vector_store %arg7[%swap3A_82, %swap3A_83], %swap3A_86 {strides = array<i32>} : memref<16x128xf32, #tpu.memory_space<vmem>>, vector<1x16xf32>,
    %swap3A_87 = arith.constant 1 : i32
    %swap3A_88 = arith.index_cast %swap3A_87 : i32 to index
    %swap3A_89 = arith.constant 80 : index
    %swap3A_90 = tpu.vector_load %arg7[%swap3A_88, %swap3A_89] {strides = array<i32>} : memref<16x128xf32, #tpu.memory_space<vmem>>, vector<1x16xf32>,
    %swap3A_91 = vector.shape_cast %swap3A_90 : vector<1x16xf32> to vector<16xf32>
    %swap3A_92 = vector.shape_cast %broadcast_in_dim3A_5 : vector<16xf32> to vector<1x16xf32>
    tpu.vector_store %arg7[%swap3A_88, %swap3A_89], %swap3A_92 {strides = array<i32>} : memref<16x128xf32, #tpu.memory_space<vmem>>, vector<1x16xf32>,
    %swap3A_93 = arith.constant 1 : i32
    %swap3A_94 = arith.index_cast %swap3A_93 : i32 to index
    %swap3A_95 = arith.constant 96 : index
    %swap3A_96 = tpu.vector_load %arg7[%swap3A_94, %swap3A_95] {strides = array<i32>} : memref<16x128xf32, #tpu.memory_space<vmem>>, vector<1x16xf32>,
    %swap3A_97 = vector.shape_cast %swap3A_96 : vector<1x16xf32> to vector<16xf32>
    %swap3A_98 = vector.shape_cast %broadcast_in_dim3A_5 : vector<16xf32> to vector<1x16xf32>
    tpu.vector_store %arg7[%swap3A_94, %swap3A_95], %swap3A_98 {strides = array<i32>} : memref<16x128xf32, #tpu.memory_space<vmem>>, vector<1x16xf32>,
    %swap3A_99 = arith.constant 1 : i32
    %swap3A_100 = arith.index_cast %swap3A_99 : i32 to index
    %swap3A_101 = arith.constant 112 : index
    %swap3A_102 = tpu.vector_load %arg7[%swap3A_100, %swap3A_101] {strides = array<i32>} : memref<16x128xf32, #tpu.memory_space<vmem>>, vector<1x16xf32>,
    %swap3A_103 = vector.shape_cast %swap3A_102 : vector<1x16xf32> to vector<16xf32>
    %swap3A_104 = vector.shape_cast %broadcast_in_dim3A_5 : vector<16xf32> to vector<1x16xf32>
    tpu.vector_store %arg7[%swap3A_100, %swap3A_101], %swap3A_104 {strides = array<i32>} : memref<16x128xf32, #tpu.memory_space<vmem>>, vector<1x16xf32>,
    %swap3A_105 = arith.constant 2 : i32
    %swap3A_106 = arith.index_cast %swap3A_105 : i32 to index
    %swap3A_107 = arith.constant 0 : index
    %swap3A_108 = tpu.vector_load %arg7[%swap3A_106, %swap3A_107] {strides = array<i32>} : memref<16x128xf32, #tpu.memory_space<vmem>>, vector<1x16xf32>,
    %swap3A_109 = vector.shape_cast %swap3A_108 : vector<1x16xf32> to vector<16xf32>
    %swap3A_110 = vector.shape_cast %broadcast_in_dim3A_5 : vector<16xf32> to vector<1x16xf32>
    tpu.vector_store %arg7[%swap3A_106, %swap3A_107], %swap3A_110 {strides = array<i32>} : memref<16x128xf32, #tpu.memory_space<vmem>>, vector<1x16xf32>,
    %swap3A_111 = arith.constant 2 : i32
    %swap3A_112 = arith.index_cast %swap3A_111 : i32 to index
    %swap3A_113 = arith.constant 16 : index
    %swap3A_114 = tpu.vector_load %arg7[%swap3A_112, %swap3A_113] {strides = array<i32>} : memref<16x128xf32, #tpu.memory_space<vmem>>, vector<1x16xf32>,
    %swap3A_115 = vector.shape_cast %swap3A_114 : vector<1x16xf32> to vector<16xf32>
    %swap3A_116 = vector.shape_cast %broadcast_in_dim3A_5 : vector<16xf32> to vector<1x16xf32>
    tpu.vector_store %arg7[%swap3A_112, %swap3A_113], %swap3A_116 {strides = array<i32>} : memref<16x128xf32, #tpu.memory_space<vmem>>, vector<1x16xf32>,
    %swap3A_117 = arith.constant 2 : i32
    %swap3A_118 = arith.index_cast %swap3A_117 : i32 to index
    %swap3A_119 = arith.constant 32 : index
    %swap3A_120 = tpu.vector_load %arg7[%swap3A_118, %swap3A_119] {strides = array<i32>} : memref<16x128xf32, #tpu.memory_space<vmem>>, vector<1x16xf32>,
    %swap3A_121 = vector.shape_cast %swap3A_120 : vector<1x16xf32> to vector<16xf32>
    %swap3A_122 = vector.shape_cast %broadcast_in_dim3A_5 : vector<16xf32> to vector<1x16xf32>
    tpu.vector_store %arg7[%swap3A_118, %swap3A_119], %swap3A_122 {strides = array<i32>} : memref<16x128xf32, #tpu.memory_space<vmem>>, vector<1x16xf32>,
    %swap3A_123 = arith.constant 2 : i32
    %swap3A_124 = arith.index_cast %swap3A_123 : i32 to index
    %swap3A_125 = arith.constant 48 : index
    %swap3A_126 = tpu.vector_load %arg7[%swap3A_124, %swap3A_125] {strides = array<i32>} : memref<16x128xf32, #tpu.memory_space<vmem>>, vector<1x16xf32>,
    %swap3A_127 = vector.shape_cast %swap3A_126 : vector<1x16xf32> to vector<16xf32>
    %swap3A_128 = vector.shape_cast %broadcast_in_dim3A_5 : vector<16xf32> to vector<1x16xf32>
    tpu.vector_store %arg7[%swap3A_124, %swap3A_125], %swap3A_128 {strides = array<i32>} : memref<16x128xf32, #tpu.memory_space<vmem>>, vector<1x16xf32>,
    %swap3A_129 = arith.constant 2 : i32
    %swap3A_130 = arith.index_cast %swap3A_129 : i32 to index
    %swap3A_131 = arith.constant 64 : index
    %swap3A_132 = tpu.vector_load %arg7[%swap3A_130, %swap3A_131] {strides = array<i32>} : memref<16x128xf32, #tpu.memory_space<vmem>>, vector<1x16xf32>,
    %swap3A_133 = vector.shape_cast %swap3A_132 : vector<1x16xf32> to vector<16xf32>
    %swap3A_134 = vector.shape_cast %broadcast_in_dim3A_5 : vector<16xf32> to vector<1x16xf32>
    tpu.vector_store %arg7[%swap3A_130, %swap3A_131], %swap3A_134 {strides = array<i32>} : memref<16x128xf32, #tpu.memory_space<vmem>>, vector<1x16xf32>,
    %swap3A_135 = arith.constant 2 : i32
    %swap3A_136 = arith.index_cast %swap3A_135 : i32 to index
    %swap3A_137 = arith.constant 80 : index
    %swap3A_138 = tpu.vector_load %arg7[%swap3A_136, %swap3A_137] {strides = array<i32>} : memref<16x128xf32, #tpu.memory_space<vmem>>, vector<1x16xf32>,
    %swap3A_139 = vector.shape_cast %swap3A_138 : vector<1x16xf32> to vector<16xf32>
    %swap3A_140 = vector.shape_cast %broadcast_in_dim3A_5 : vector<16xf32> to vector<1x16xf32>
    tpu.vector_store %arg7[%swap3A_136, %swap3A_137], %swap3A_140 {strides = array<i32>} : memref<16x128xf32, #tpu.memory_space<vmem>>, vector<1x16xf32>,
    %swap3A_141 = arith.constant 2 : i32
    %swap3A_142 = arith.index_cast %swap3A_141 : i32 to index
    %swap3A_143 = arith.constant 96 : index
    %swap3A_144 = tpu.vector_load %arg7[%swap3A_142, %swap3A_143] {strides = array<i32>} : memref<16x128xf32, #tpu.memory_space<vmem>>, vector<1x16xf32>,
    %swap3A_145 = vector.shape_cast %swap3A_144 : vector<1x16xf32> to vector<16xf32>
    %swap3A_146 = vector.shape_cast %broadcast_in_dim3A_5 : vector<16xf32> to vector<1x16xf32>
    tpu.vector_store %arg7[%swap3A_142, %swap3A_143], %swap3A_146 {strides = array<i32>} : memref<16x128xf32, #tpu.memory_space<vmem>>, vector<1x16xf32>,
    %swap3A_147 = arith.constant 2 : i32
    %swap3A_148 = arith.index_cast %swap3A_147 : i32 to index
    %swap3A_149 = arith.constant 112 : index
    %swap3A_150 = tpu.vector_load %arg7[%swap3A_148, %swap3A_149] {strides = array<i32>} : memref<16x128xf32, #tpu.memory_space<vmem>>, vector<1x16xf32>,
    %swap3A_151 = vector.shape_cast %swap3A_150 : vector<1x16xf32> to vector<16xf32>
    %swap3A_152 = vector.shape_cast %broadcast_in_dim3A_5 : vector<16xf32> to vector<1x16xf32>
    tpu.vector_store %arg7[%swap3A_148, %swap3A_149], %swap3A_152 {strides = array<i32>} : memref<16x128xf32, #tpu.memory_space<vmem>>, vector<1x16xf32>,
    %swap3A_153 = arith.constant 3 : i32
    %swap3A_154 = arith.index_cast %swap3A_153 : i32 to index
    %swap3A_155 = arith.constant 0 : index
    %swap3A_156 = tpu.vector_load %arg7[%swap3A_154, %swap3A_155] {strides = array<i32>} : memref<16x128xf32, #tpu.memory_space<vmem>>, vector<1x16xf32>,
    %swap3A_157 = vector.shape_cast %swap3A_156 : vector<1x16xf32> to vector<16xf32>
    %swap3A_158 = vector.shape_cast %broadcast_in_dim3A_5 : vector<16xf32> to vector<1x16xf32>
    tpu.vector_store %arg7[%swap3A_154, %swap3A_155], %swap3A_158 {strides = array<i32>} : memref<16x128xf32, #tpu.memory_space<vmem>>, vector<1x16xf32>,
    %swap3A_159 = arith.constant 3 : i32
    %swap3A_160 = arith.index_cast %swap3A_159 : i32 to index
    %swap3A_161 = arith.constant 16 : index
    %swap3A_162 = tpu.vector_load %arg7[%swap3A_160, %swap3A_161] {strides = array<i32>} : memref<16x128xf32, #tpu.memory_space<vmem>>, vector<1x16xf32>,
    %swap3A_163 = vector.shape_cast %swap3A_162 : vector<1x16xf32> to vector<16xf32>
    %swap3A_164 = vector.shape_cast %broadcast_in_dim3A_5 : vector<16xf32> to vector<1x16xf32>
    tpu.vector_store %arg7[%swap3A_160, %swap3A_161], %swap3A_164 {strides = array<i32>} : memref<16x128xf32, #tpu.memory_space<vmem>>, vector<1x16xf32>,
    %swap3A_165 = arith.constant 3 : i32
    %swap3A_166 = arith.index_cast %swap3A_165 : i32 to index
    %swap3A_167 = arith.constant 32 : index
    %swap3A_168 = tpu.vector_load %arg7[%swap3A_166, %swap3A_167] {strides = array<i32>} : memref<16x128xf32, #tpu.memory_space<vmem>>, vector<1x16xf32>,
    %swap3A_169 = vector.shape_cast %swap3A_168 : vector<1x16xf32> to vector<16xf32>
    %swap3A_170 = vector.shape_cast %broadcast_in_dim3A_5 : vector<16xf32> to vector<1x16xf32>
    tpu.vector_store %arg7[%swap3A_166, %swap3A_167], %swap3A_170 {strides = array<i32>} : memref<16x128xf32, #tpu.memory_space<vmem>>, vector<1x16xf32>,
    %swap3A_171 = arith.constant 3 : i32
    %swap3A_172 = arith.index_cast %swap3A_171 : i32 to index
    %swap3A_173 = arith.constant 48 : index
    %swap3A_174 = tpu.vector_load %arg7[%swap3A_172, %swap3A_173] {strides = array<i32>} : memref<16x128xf32, #tpu.memory_space<vmem>>, vector<1x16xf32>,
    %swap3A_175 = vector.shape_cast %swap3A_174 : vector<1x16xf32> to vector<16xf32>
    %swap3A_176 = vector.shape_cast %broadcast_in_dim3A_5 : vector<16xf32> to vector<1x16xf32>
    tpu.vector_store %arg7[%swap3A_172, %swap3A_173], %swap3A_176 {strides = array<i32>} : memref<16x128xf32, #tpu.memory_space<vmem>>, vector<1x16xf32>,
    %swap3A_177 = arith.constant 3 : i32
    %swap3A_178 = arith.index_cast %swap3A_177 : i32 to index
    %swap3A_179 = arith.constant 64 : index
    %swap3A_180 = tpu.vector_load %arg7[%swap3A_178, %swap3A_179] {strides = array<i32>} : memref<16x128xf32, #tpu.memory_space<vmem>>, vector<1x16xf32>,
    %swap3A_181 = vector.shape_cast %swap3A_180 : vector<1x16xf32> to vector<16xf32>
    %swap3A_182 = vector.shape_cast %broadcast_in_dim3A_5 : vector<16xf32> to vector<1x16xf32>
    tpu.vector_store %arg7[%swap3A_178, %swap3A_179], %swap3A_182 {strides = array<i32>} : memref<16x128xf32, #tpu.memory_space<vmem>>, vector<1x16xf32>,
    %swap3A_183 = arith.constant 3 : i32
    %swap3A_184 = arith.index_cast %swap3A_183 : i32 to index
    %swap3A_185 = arith.constant 80 : index
    %swap3A_186 = tpu.vector_load %arg7[%swap3A_184, %swap3A_185] {strides = array<i32>} : memref<16x128xf32, #tpu.memory_space<vmem>>, vector<1x16xf32>,
    %swap3A_187 = vector.shape_cast %swap3A_186 : vector<1x16xf32> to vector<16xf32>
    %swap3A_188 = vector.shape_cast %broadcast_in_dim3A_5 : vector<16xf32> to vector<1x16xf32>
    tpu.vector_store %arg7[%swap3A_184, %swap3A_185], %swap3A_188 {strides = array<i32>} : memref<16x128xf32, #tpu.memory_space<vmem>>, vector<1x16xf32>,
    %swap3A_189 = arith.constant 3 : i32
    %swap3A_190 = arith.index_cast %swap3A_189 : i32 to index
    %swap3A_191 = arith.constant 96 : index
    %swap3A_192 = tpu.vector_load %arg7[%swap3A_190, %swap3A_191] {strides = array<i32>} : memref<16x128xf32, #tpu.memory_space<vmem>>, vector<1x16xf32>,
    %swap3A_193 = vector.shape_cast %swap3A_192 : vector<1x16xf32> to vector<16xf32>
    %swap3A_194 = vector.shape_cast %broadcast_in_dim3A_5 : vector<16xf32> to vector<1x16xf32>
    tpu.vector_store %arg7[%swap3A_190, %swap3A_191], %swap3A_194 {strides = array<i32>} : memref<16x128xf32, #tpu.memory_space<vmem>>, vector<1x16xf32>,
    %swap3A_195 = arith.constant 3 : i32
    %swap3A_196 = arith.index_cast %swap3A_195 : i32 to index
    %swap3A_197 = arith.constant 112 : index
    %swap3A_198 = tpu.vector_load %arg7[%swap3A_196, %swap3A_197] {strides = array<i32>} : memref<16x128xf32, #tpu.memory_space<vmem>>, vector<1x16xf32>,
    %swap3A_199 = vector.shape_cast %swap3A_198 : vector<1x16xf32> to vector<16xf32>
    %swap3A_200 = vector.shape_cast %broadcast_in_dim3A_5 : vector<16xf32> to vector<1x16xf32>
    tpu.vector_store %arg7[%swap3A_196, %swap3A_197], %swap3A_200 {strides = array<i32>} : memref<16x128xf32, #tpu.memory_space<vmem>>, vector<1x16xf32>,
    %swap3A_201 = arith.constant 4 : i32
    %swap3A_202 = arith.index_cast %swap3A_201 : i32 to index
    %swap3A_203 = arith.constant 0 : index
    %swap3A_204 = tpu.vector_load %arg7[%swap3A_202, %swap3A_203] {strides = array<i32>} : memref<16x128xf32, #tpu.memory_space<vmem>>, vector<1x16xf32>,
    %swap3A_205 = vector.shape_cast %swap3A_204 : vector<1x16xf32> to vector<16xf32>
    %swap3A_206 = vector.shape_cast %broadcast_in_dim3A_5 : vector<16xf32> to vector<1x16xf32>
    tpu.vector_store %arg7[%swap3A_202, %swap3A_203], %swap3A_206 {strides = array<i32>} : memref<16x128xf32, #tpu.memory_space<vmem>>, vector<1x16xf32>,
    %swap3A_207 = arith.constant 4 : i32
    %swap3A_208 = arith.index_cast %swap3A_207 : i32 to index
    %swap3A_209 = arith.constant 16 : index
    %swap3A_210 = tpu.vector_load %arg7[%swap3A_208, %swap3A_209] {strides = array<i32>} : memref<16x128xf32, #tpu.memory_space<vmem>>, vector<1x16xf32>,
    %swap3A_211 = vector.shape_cast %swap3A_210 : vector<1x16xf32> to vector<16xf32>
    %swap3A_212 = vector.shape_cast %broadcast_in_dim3A_5 : vector<16xf32> to vector<1x16xf32>
    tpu.vector_store %arg7[%swap3A_208, %swap3A_209], %swap3A_212 {strides = array<i32>} : memref<16x128xf32, #tpu.memory_space<vmem>>, vector<1x16xf32>,
    %swap3A_213 = arith.constant 4 : i32
    %swap3A_214 = arith.index_cast %swap3A_213 : i32 to index
    %swap3A_215 = arith.constant 32 : index
    %swap3A_216 = tpu.vector_load %arg7[%swap3A_214, %swap3A_215] {strides = array<i32>} : memref<16x128xf32, #tpu.memory_space<vmem>>, vector<1x16xf32>,
    %swap3A_217 = vector.shape_cast %swap3A_216 : vector<1x16xf32> to vector<16xf32>
    %swap3A_218 = vector.shape_cast %broadcast_in_dim3A_5 : vector<16xf32> to vector<1x16xf32>
    tpu.vector_store %arg7[%swap3A_214, %swap3A_215], %swap3A_218 {strides = array<i32>} : memref<16x128xf32, #tpu.memory_space<vmem>>, vector<1x16xf32>,
    %swap3A_219 = arith.constant 4 : i32
    %swap3A_220 = arith.index_cast %swap3A_219 : i32 to index
    %swap3A_221 = arith.constant 48 : index
    %swap3A_222 = tpu.vector_load %arg7[%swap3A_220, %swap3A_221] {strides = array<i32>} : memref<16x128xf32, #tpu.memory_space<vmem>>, vector<1x16xf32>,
    %swap3A_223 = vector.shape_cast %swap3A_222 : vector<1x16xf32> to vector<16xf32>
    %swap3A_224 = vector.shape_cast %broadcast_in_dim3A_5 : vector<16xf32> to vector<1x16xf32>
    tpu.vector_store %arg7[%swap3A_220, %swap3A_221], %swap3A_224 {strides = array<i32>} : memref<16x128xf32, #tpu.memory_space<vmem>>, vector<1x16xf32>,
    %swap3A_225 = arith.constant 4 : i32
    %swap3A_226 = arith.index_cast %swap3A_225 : i32 to index
    %swap3A_227 = arith.constant 64 : index
    %swap3A_228 = tpu.vector_load %arg7[%swap3A_226, %swap3A_227] {strides = array<i32>} : memref<16x128xf32, #tpu.memory_space<vmem>>, vector<1x16xf32>,
    %swap3A_229 = vector.shape_cast %swap3A_228 : vector<1x16xf32> to vector<16xf32>
    %swap3A_230 = vector.shape_cast %broadcast_in_dim3A_5 : vector<16xf32> to vector<1x16xf32>
    tpu.vector_store %arg7[%swap3A_226, %swap3A_227], %swap3A_230 {strides = array<i32>} : memref<16x128xf32, #tpu.memory_space<vmem>>, vector<1x16xf32>,
    %swap3A_231 = arith.constant 4 : i32
    %swap3A_232 = arith.index_cast %swap3A_231 : i32 to index
    %swap3A_233 = arith.constant 80 : index
    %swap3A_234 = tpu.vector_load %arg7[%swap3A_232, %swap3A_233] {strides = array<i32>} : memref<16x128xf32, #tpu.memory_space<vmem>>, vector<1x16xf32>,
    %swap3A_235 = vector.shape_cast %swap3A_234 : vector<1x16xf32> to vector<16xf32>
    %swap3A_236 = vector.shape_cast %broadcast_in_dim3A_5 : vector<16xf32> to vector<1x16xf32>
    tpu.vector_store %arg7[%swap3A_232, %swap3A_233], %swap3A_236 {strides = array<i32>} : memref<16x128xf32, #tpu.memory_space<vmem>>, vector<1x16xf32>,
    %swap3A_237 = arith.constant 4 : i32
    %swap3A_238 = arith.index_cast %swap3A_237 : i32 to index
    %swap3A_239 = arith.constant 96 : index
    %swap3A_240 = tpu.vector_load %arg7[%swap3A_238, %swap3A_239] {strides = array<i32>} : memref<16x128xf32, #tpu.memory_space<vmem>>, vector<1x16xf32>,
    %swap3A_241 = vector.shape_cast %swap3A_240 : vector<1x16xf32> to vector<16xf32>
    %swap3A_242 = vector.shape_cast %broadcast_in_dim3A_5 : vector<16xf32> to vector<1x16xf32>
    tpu.vector_store %arg7[%swap3A_238, %swap3A_239], %swap3A_242 {strides = array<i32>} : memref<16x128xf32, #tpu.memory_space<vmem>>, vector<1x16xf32>,
    %swap3A_243 = arith.constant 4 : i32
    %swap3A_244 = arith.index_cast %swap3A_243 : i32 to index
    %swap3A_245 = arith.constant 112 : index
    %swap3A_246 = tpu.vector_load %arg7[%swap3A_244, %swap3A_245] {strides = array<i32>} : memref<16x128xf32, #tpu.memory_space<vmem>>, vector<1x16xf32>,
    %swap3A_247 = vector.shape_cast %swap3A_246 : vector<1x16xf32> to vector<16xf32>
    %swap3A_248 = vector.shape_cast %broadcast_in_dim3A_5 : vector<16xf32> to vector<1x16xf32>
    tpu.vector_store %arg7[%swap3A_244, %swap3A_245], %swap3A_248 {strides = array<i32>} : memref<16x128xf32, #tpu.memory_space<vmem>>, vector<1x16xf32>,
    %swap3A_249 = arith.constant 5 : i32
    %swap3A_250 = arith.index_cast %swap3A_249 : i32 to index
    %swap3A_251 = arith.constant 0 : index
    %swap3A_252 = tpu.vector_load %arg7[%swap3A_250, %swap3A_251] {strides = array<i32>} : memref<16x128xf32, #tpu.memory_space<vmem>>, vector<1x16xf32>,
    %swap3A_253 = vector.shape_cast %swap3A_252 : vector<1x16xf32> to vector<16xf32>
    %swap3A_254 = vector.shape_cast %broadcast_in_dim3A_5 : vector<16xf32> to vector<1x16xf32>
    tpu.vector_store %arg7[%swap3A_250, %swap3A_251], %swap3A_254 {strides = array<i32>} : memref<16x128xf32, #tpu.memory_space<vmem>>, vector<1x16xf32>,
    %swap3A_255 = arith.constant 5 : i32
    %swap3A_256 = arith.index_cast %swap3A_255 : i32 to index
    %swap3A_257 = arith.constant 16 : index
    %swap3A_258 = tpu.vector_load %arg7[%swap3A_256, %swap3A_257] {strides = array<i32>} : memref<16x128xf32, #tpu.memory_space<vmem>>, vector<1x16xf32>,
    %swap3A_259 = vector.shape_cast %swap3A_258 : vector<1x16xf32> to vector<16xf32>
    %swap3A_260 = vector.shape_cast %broadcast_in_dim3A_5 : vector<16xf32> to vector<1x16xf32>
    tpu.vector_store %arg7[%swap3A_256, %swap3A_257], %swap3A_260 {strides = array<i32>} : memref<16x128xf32, #tpu.memory_space<vmem>>, vector<1x16xf32>,
    %swap3A_261 = arith.constant 5 : i32
    %swap3A_262 = arith.index_cast %swap3A_261 : i32 to index
    %swap3A_263 = arith.constant 32 : index
    %swap3A_264 = tpu.vector_load %arg7[%swap3A_262, %swap3A_263] {strides = array<i32>} : memref<16x128xf32, #tpu.memory_space<vmem>>, vector<1x16xf32>,
    %swap3A_265 = vector.shape_cast %swap3A_264 : vector<1x16xf32> to vector<16xf32>
    %swap3A_266 = vector.shape_cast %broadcast_in_dim3A_5 : vector<16xf32> to vector<1x16xf32>
    tpu.vector_store %arg7[%swap3A_262, %swap3A_263], %swap3A_266 {strides = array<i32>} : memref<16x128xf32, #tpu.memory_space<vmem>>, vector<1x16xf32>,
    %swap3A_267 = arith.constant 5 : i32
    %swap3A_268 = arith.index_cast %swap3A_267 : i32 to index
    %swap3A_269 = arith.constant 48 : index
    %swap3A_270 = tpu.vector_load %arg7[%swap3A_268, %swap3A_269] {strides = array<i32>} : memref<16x128xf32, #tpu.memory_space<vmem>>, vector<1x16xf32>,
    %swap3A_271 = vector.shape_cast %swap3A_270 : vector<1x16xf32> to vector<16xf32>
    %swap3A_272 = vector.shape_cast %broadcast_in_dim3A_5 : vector<16xf32> to vector<1x16xf32>
    tpu.vector_store %arg7[%swap3A_268, %swap3A_269], %swap3A_272 {strides = array<i32>} : memref<16x128xf32, #tpu.memory_space<vmem>>, vector<1x16xf32>,
    %swap3A_273 = arith.constant 5 : i32
    %swap3A_274 = arith.index_cast %swap3A_273 : i32 to index
    %swap3A_275 = arith.constant 64 : index
    %swap3A_276 = tpu.vector_load %arg7[%swap3A_274, %swap3A_275] {strides = array<i32>} : memref<16x128xf32, #tpu.memory_space<vmem>>, vector<1x16xf32>,
    %swap3A_277 = vector.shape_cast %swap3A_276 : vector<1x16xf32> to vector<16xf32>
    %swap3A_278 = vector.shape_cast %broadcast_in_dim3A_5 : vector<16xf32> to vector<1x16xf32>
    tpu.vector_store %arg7[%swap3A_274, %swap3A_275], %swap3A_278 {strides = array<i32>} : memref<16x128xf32, #tpu.memory_space<vmem>>, vector<1x16xf32>,
    %swap3A_279 = arith.constant 5 : i32
    %swap3A_280 = arith.index_cast %swap3A_279 : i32 to index
    %swap3A_281 = arith.constant 80 : index
    %swap3A_282 = tpu.vector_load %arg7[%swap3A_280, %swap3A_281] {strides = array<i32>} : memref<16x128xf32, #tpu.memory_space<vmem>>, vector<1x16xf32>,
    %swap3A_283 = vector.shape_cast %swap3A_282 : vector<1x16xf32> to vector<16xf32>
    %swap3A_284 = vector.shape_cast %broadcast_in_dim3A_5 : vector<16xf32> to vector<1x16xf32>
    tpu.vector_store %arg7[%swap3A_280, %swap3A_281], %swap3A_284 {strides = array<i32>} : memref<16x128xf32, #tpu.memory_space<vmem>>, vector<1x16xf32>,
    %swap3A_285 = arith.constant 5 : i32
    %swap3A_286 = arith.index_cast %swap3A_285 : i32 to index
    %swap3A_287 = arith.constant 96 : index
    %swap3A_288 = tpu.vector_load %arg7[%swap3A_286, %swap3A_287] {strides = array<i32>} : memref<16x128xf32, #tpu.memory_space<vmem>>, vector<1x16xf32>,
    %swap3A_289 = vector.shape_cast %swap3A_288 : vector<1x16xf32> to vector<16xf32>
    %swap3A_290 = vector.shape_cast %broadcast_in_dim3A_5 : vector<16xf32> to vector<1x16xf32>
    tpu.vector_store %arg7[%swap3A_286, %swap3A_287], %swap3A_290 {strides = array<i32>} : memref<16x128xf32, #tpu.memory_space<vmem>>, vector<1x16xf32>,
    %swap3A_291 = arith.constant 5 : i32
    %swap3A_292 = arith.index_cast %swap3A_291 : i32 to index
    %swap3A_293 = arith.constant 112 : index
    %swap3A_294 = tpu.vector_load %arg7[%swap3A_292, %swap3A_293] {strides = array<i32>} : memref<16x128xf32, #tpu.memory_space<vmem>>, vector<1x16xf32>,
    %swap3A_295 = vector.shape_cast %swap3A_294 : vector<1x16xf32> to vector<16xf32>
    %swap3A_296 = vector.shape_cast %broadcast_in_dim3A_5 : vector<16xf32> to vector<1x16xf32>
    tpu.vector_store %arg7[%swap3A_292, %swap3A_293], %swap3A_296 {strides = array<i32>} : memref<16x128xf32, #tpu.memory_space<vmem>>, vector<1x16xf32>,
    %swap3A_297 = arith.constant 6 : i32
    %swap3A_298 = arith.index_cast %swap3A_297 : i32 to index
    %swap3A_299 = arith.constant 0 : index
    %swap3A_300 = tpu.vector_load %arg7[%swap3A_298, %swap3A_299] {strides = array<i32>} : memref<16x128xf32, #tpu.memory_space<vmem>>, vector<1x16xf32>,
    %swap3A_301 = vector.shape_cast %swap3A_300 : vector<1x16xf32> to vector<16xf32>
    %swap3A_302 = vector.shape_cast %broadcast_in_dim3A_5 : vector<16xf32> to vector<1x16xf32>
    tpu.vector_store %arg7[%swap3A_298, %swap3A_299], %swap3A_302 {strides = array<i32>} : memref<16x128xf32, #tpu.memory_space<vmem>>, vector<1x16xf32>,
    %swap3A_303 = arith.constant 6 : i32
    %swap3A_304 = arith.index_cast %swap3A_303 : i32 to index
    %swap3A_305 = arith.constant 16 : index
    %swap3A_306 = tpu.vector_load %arg7[%swap3A_304, %swap3A_305] {strides = array<i32>} : memref<16x128xf32, #tpu.memory_space<vmem>>, vector<1x16xf32>,
    %swap3A_307 = vector.shape_cast %swap3A_306 : vector<1x16xf32> to vector<16xf32>
    %swap3A_308 = vector.shape_cast %broadcast_in_dim3A_5 : vector<16xf32> to vector<1x16xf32>
    tpu.vector_store %arg7[%swap3A_304, %swap3A_305], %swap3A_308 {strides = array<i32>} : memref<16x128xf32, #tpu.memory_space<vmem>>, vector<1x16xf32>,
    %swap3A_309 = arith.constant 6 : i32
    %swap3A_310 = arith.index_cast %swap3A_309 : i32 to index
    %swap3A_311 = arith.constant 32 : index
    %swap3A_312 = tpu.vector_load %arg7[%swap3A_310, %swap3A_311] {strides = array<i32>} : memref<16x128xf32, #tpu.memory_space<vmem>>, vector<1x16xf32>,
    %swap3A_313 = vector.shape_cast %swap3A_312 : vector<1x16xf32> to vector<16xf32>
    %swap3A_314 = vector.shape_cast %broadcast_in_dim3A_5 : vector<16xf32> to vector<1x16xf32>
    tpu.vector_store %arg7[%swap3A_310, %swap3A_311], %swap3A_314 {strides = array<i32>} : memref<16x128xf32, #tpu.memory_space<vmem>>, vector<1x16xf32>,
    %swap3A_315 = arith.constant 6 : i32
    %swap3A_316 = arith.index_cast %swap3A_315 : i32 to index
    %swap3A_317 = arith.constant 48 : index
    %swap3A_318 = tpu.vector_load %arg7[%swap3A_316, %swap3A_317] {strides = array<i32>} : memref<16x128xf32, #tpu.memory_space<vmem>>, vector<1x16xf32>,
    %swap3A_319 = vector.shape_cast %swap3A_318 : vector<1x16xf32> to vector<16xf32>
    %swap3A_320 = vector.shape_cast %broadcast_in_dim3A_5 : vector<16xf32> to vector<1x16xf32>
    tpu.vector_store %arg7[%swap3A_316, %swap3A_317], %swap3A_320 {strides = array<i32>} : memref<16x128xf32, #tpu.memory_space<vmem>>, vector<1x16xf32>,
    %swap3A_321 = arith.constant 6 : i32
    %swap3A_322 = arith.index_cast %swap3A_321 : i32 to index
    %swap3A_323 = arith.constant 64 : index
    %swap3A_324 = tpu.vector_load %arg7[%swap3A_322, %swap3A_323] {strides = array<i32>} : memref<16x128xf32, #tpu.memory_space<vmem>>, vector<1x16xf32>,
    %swap3A_325 = vector.shape_cast %swap3A_324 : vector<1x16xf32> to vector<16xf32>
    %swap3A_326 = vector.shape_cast %broadcast_in_dim3A_5 : vector<16xf32> to vector<1x16xf32>
    tpu.vector_store %arg7[%swap3A_322, %swap3A_323], %swap3A_326 {strides = array<i32>} : memref<16x128xf32, #tpu.memory_space<vmem>>, vector<1x16xf32>,
    %swap3A_327 = arith.constant 6 : i32
    %swap3A_328 = arith.index_cast %swap3A_327 : i32 to index
    %swap3A_329 = arith.constant 80 : index
    %swap3A_330 = tpu.vector_load %arg7[%swap3A_328, %swap3A_329] {strides = array<i32>} : memref<16x128xf32, #tpu.memory_space<vmem>>, vector<1x16xf32>,
    %swap3A_331 = vector.shape_cast %swap3A_330 : vector<1x16xf32> to vector<16xf32>
    %swap3A_332 = vector.shape_cast %broadcast_in_dim3A_5 : vector<16xf32> to vector<1x16xf32>
    tpu.vector_store %arg7[%swap3A_328, %swap3A_329], %swap3A_332 {strides = array<i32>} : memref<16x128xf32, #tpu.memory_space<vmem>>, vector<1x16xf32>,
    %swap3A_333 = arith.constant 6 : i32
    %swap3A_334 = arith.index_cast %swap3A_333 : i32 to index
    %swap3A_335 = arith.constant 96 : index
    %swap3A_336 = tpu.vector_load %arg7[%swap3A_334, %swap3A_335] {strides = array<i32>} : memref<16x128xf32, #tpu.memory_space<vmem>>, vector<1x16xf32>,
    %swap3A_337 = vector.shape_cast %swap3A_336 : vector<1x16xf32> to vector<16xf32>
    %swap3A_338 = vector.shape_cast %broadcast_in_dim3A_5 : vector<16xf32> to vector<1x16xf32>
    tpu.vector_store %arg7[%swap3A_334, %swap3A_335], %swap3A_338 {strides = array<i32>} : memref<16x128xf32, #tpu.memory_space<vmem>>, vector<1x16xf32>,
    %swap3A_339 = arith.constant 6 : i32
    %swap3A_340 = arith.index_cast %swap3A_339 : i32 to index
    %swap3A_341 = arith.constant 112 : index
    %swap3A_342 = tpu.vector_load %arg7[%swap3A_340, %swap3A_341] {strides = array<i32>} : memref<16x128xf32, #tpu.memory_space<vmem>>, vector<1x16xf32>,
    %swap3A_343 = vector.shape_cast %swap3A_342 : vector<1x16xf32> to vector<16xf32>
    %swap3A_344 = vector.shape_cast %broadcast_in_dim3A_5 : vector<16xf32> to vector<1x16xf32>
    tpu.vector_store %arg7[%swap3A_340, %swap3A_341], %swap3A_344 {strides = array<i32>} : memref<16x128xf32, #tpu.memory_space<vmem>>, vector<1x16xf32>,
    %swap3A_345 = arith.constant 7 : i32
    %swap3A_346 = arith.index_cast %swap3A_345 : i32 to index
    %swap3A_347 = arith.constant 0 : index
    %swap3A_348 = tpu.vector_load %arg7[%swap3A_346, %swap3A_347] {strides = array<i32>} : memref<16x128xf32, #tpu.memory_space<vmem>>, vector<1x16xf32>,
    %swap3A_349 = vector.shape_cast %swap3A_348 : vector<1x16xf32> to vector<16xf32>
    %swap3A_350 = vector.shape_cast %broadcast_in_dim3A_5 : vector<16xf32> to vector<1x16xf32>
    tpu.vector_store %arg7[%swap3A_346, %swap3A_347], %swap3A_350 {strides = array<i32>} : memref<16x128xf32, #tpu.memory_space<vmem>>, vector<1x16xf32>,
    %swap3A_351 = arith.constant 7 : i32
    %swap3A_352 = arith.index_cast %swap3A_351 : i32 to index
    %swap3A_353 = arith.constant 16 : index
    %swap3A_354 = tpu.vector_load %arg7[%swap3A_352, %swap3A_353] {strides = array<i32>} : memref<16x128xf32, #tpu.memory_space<vmem>>, vector<1x16xf32>,
    %swap3A_355 = vector.shape_cast %swap3A_354 : vector<1x16xf32> to vector<16xf32>
    %swap3A_356 = vector.shape_cast %broadcast_in_dim3A_5 : vector<16xf32> to vector<1x16xf32>
    tpu.vector_store %arg7[%swap3A_352, %swap3A_353], %swap3A_356 {strides = array<i32>} : memref<16x128xf32, #tpu.memory_space<vmem>>, vector<1x16xf32>,
    %swap3A_357 = arith.constant 7 : i32
    %swap3A_358 = arith.index_cast %swap3A_357 : i32 to index
    %swap3A_359 = arith.constant 32 : index
    %swap3A_360 = tpu.vector_load %arg7[%swap3A_358, %swap3A_359] {strides = array<i32>} : memref<16x128xf32, #tpu.memory_space<vmem>>, vector<1x16xf32>,
    %swap3A_361 = vector.shape_cast %swap3A_360 : vector<1x16xf32> to vector<16xf32>
    %swap3A_362 = vector.shape_cast %broadcast_in_dim3A_5 : vector<16xf32> to vector<1x16xf32>
    tpu.vector_store %arg7[%swap3A_358, %swap3A_359], %swap3A_362 {strides = array<i32>} : memref<16x128xf32, #tpu.memory_space<vmem>>, vector<1x16xf32>,
    %swap3A_363 = arith.constant 7 : i32
    %swap3A_364 = arith.index_cast %swap3A_363 : i32 to index
    %swap3A_365 = arith.constant 48 : index
    %swap3A_366 = tpu.vector_load %arg7[%swap3A_364, %swap3A_365] {strides = array<i32>} : memref<16x128xf32, #tpu.memory_space<vmem>>, vector<1x16xf32>,
    %swap3A_367 = vector.shape_cast %swap3A_366 : vector<1x16xf32> to vector<16xf32>
    %swap3A_368 = vector.shape_cast %broadcast_in_dim3A_5 : vector<16xf32> to vector<1x16xf32>
    tpu.vector_store %arg7[%swap3A_364, %swap3A_365], %swap3A_368 {strides = array<i32>} : memref<16x128xf32, #tpu.memory_space<vmem>>, vector<1x16xf32>,
    %swap3A_369 = arith.constant 7 : i32
    %swap3A_370 = arith.index_cast %swap3A_369 : i32 to index
    %swap3A_371 = arith.constant 64 : index
    %swap3A_372 = tpu.vector_load %arg7[%swap3A_370, %swap3A_371] {strides = array<i32>} : memref<16x128xf32, #tpu.memory_space<vmem>>, vector<1x16xf32>,
    %swap3A_373 = vector.shape_cast %swap3A_372 : vector<1x16xf32> to vector<16xf32>
    %swap3A_374 = vector.shape_cast %broadcast_in_dim3A_5 : vector<16xf32> to vector<1x16xf32>
    tpu.vector_store %arg7[%swap3A_370, %swap3A_371], %swap3A_374 {strides = array<i32>} : memref<16x128xf32, #tpu.memory_space<vmem>>, vector<1x16xf32>,
    %swap3A_375 = arith.constant 7 : i32
    %swap3A_376 = arith.index_cast %swap3A_375 : i32 to index
    %swap3A_377 = arith.constant 80 : index
    %swap3A_378 = tpu.vector_load %arg7[%swap3A_376, %swap3A_377] {strides = array<i32>} : memref<16x128xf32, #tpu.memory_space<vmem>>, vector<1x16xf32>,
    %swap3A_379 = vector.shape_cast %swap3A_378 : vector<1x16xf32> to vector<16xf32>
    %swap3A_380 = vector.shape_cast %broadcast_in_dim3A_5 : vector<16xf32> to vector<1x16xf32>
    tpu.vector_store %arg7[%swap3A_376, %swap3A_377], %swap3A_380 {strides = array<i32>} : memref<16x128xf32, #tpu.memory_space<vmem>>, vector<1x16xf32>,
    %swap3A_381 = arith.constant 7 : i32
    %swap3A_382 = arith.index_cast %swap3A_381 : i32 to index
    %swap3A_383 = arith.constant 96 : index
    %swap3A_384 = tpu.vector_load %arg7[%swap3A_382, %swap3A_383] {strides = array<i32>} : memref<16x128xf32, #tpu.memory_space<vmem>>, vector<1x16xf32>,
    %swap3A_385 = vector.shape_cast %swap3A_384 : vector<1x16xf32> to vector<16xf32>
    %swap3A_386 = vector.shape_cast %broadcast_in_dim3A_5 : vector<16xf32> to vector<1x16xf32>
    tpu.vector_store %arg7[%swap3A_382, %swap3A_383], %swap3A_386 {strides = array<i32>} : memref<16x128xf32, #tpu.memory_space<vmem>>, vector<1x16xf32>,
    %swap3A_387 = arith.constant 7 : i32
    %swap3A_388 = arith.index_cast %swap3A_387 : i32 to index
    %swap3A_389 = arith.constant 112 : index
    %swap3A_390 = tpu.vector_load %arg7[%swap3A_388, %swap3A_389] {strides = array<i32>} : memref<16x128xf32, #tpu.memory_space<vmem>>, vector<1x16xf32>,
    %swap3A_391 = vector.shape_cast %swap3A_390 : vector<1x16xf32> to vector<16xf32>
    %swap3A_392 = vector.shape_cast %broadcast_in_dim3A_5 : vector<16xf32> to vector<1x16xf32>
    tpu.vector_store %arg7[%swap3A_388, %swap3A_389], %swap3A_392 {strides = array<i32>} : memref<16x128xf32, #tpu.memory_space<vmem>>, vector<1x16xf32>,
    %swap3A_393 = arith.constant 8 : i32
    %swap3A_394 = arith.index_cast %swap3A_393 : i32 to index
    %swap3A_395 = arith.constant 0 : index
    %swap3A_396 = tpu.vector_load %arg7[%swap3A_394, %swap3A_395] {strides = array<i32>} : memref<16x128xf32, #tpu.memory_space<vmem>>, vector<1x16xf32>,
    %swap3A_397 = vector.shape_cast %swap3A_396 : vector<1x16xf32> to vector<16xf32>
    %swap3A_398 = vector.shape_cast %broadcast_in_dim3A_5 : vector<16xf32> to vector<1x16xf32>
    tpu.vector_store %arg7[%swap3A_394, %swap3A_395], %swap3A_398 {strides = array<i32>} : memref<16x128xf32, #tpu.memory_space<vmem>>, vector<1x16xf32>,
    %swap3A_399 = arith.constant 8 : i32
    %swap3A_400 = arith.index_cast %swap3A_399 : i32 to index
    %swap3A_401 = arith.constant 16 : index
    %swap3A_402 = tpu.vector_load %arg7[%swap3A_400, %swap3A_401] {strides = array<i32>} : memref<16x128xf32, #tpu.memory_space<vmem>>, vector<1x16xf32>,
    %swap3A_403 = vector.shape_cast %swap3A_402 : vector<1x16xf32> to vector<16xf32>
    %swap3A_404 = vector.shape_cast %broadcast_in_dim3A_5 : vector<16xf32> to vector<1x16xf32>
    tpu.vector_store %arg7[%swap3A_400, %swap3A_401], %swap3A_404 {strides = array<i32>} : memref<16x128xf32, #tpu.memory_space<vmem>>, vector<1x16xf32>,
    %swap3A_405 = arith.constant 8 : i32
    %swap3A_406 = arith.index_cast %swap3A_405 : i32 to index
    %swap3A_407 = arith.constant 32 : index
    %swap3A_408 = tpu.vector_load %arg7[%swap3A_406, %swap3A_407] {strides = array<i32>} : memref<16x128xf32, #tpu.memory_space<vmem>>, vector<1x16xf32>,
    %swap3A_409 = vector.shape_cast %swap3A_408 : vector<1x16xf32> to vector<16xf32>
    %swap3A_410 = vector.shape_cast %broadcast_in_dim3A_5 : vector<16xf32> to vector<1x16xf32>
    tpu.vector_store %arg7[%swap3A_406, %swap3A_407], %swap3A_410 {strides = array<i32>} : memref<16x128xf32, #tpu.memory_space<vmem>>, vector<1x16xf32>,
    %swap3A_411 = arith.constant 8 : i32
    %swap3A_412 = arith.index_cast %swap3A_411 : i32 to index
    %swap3A_413 = arith.constant 48 : index
    %swap3A_414 = tpu.vector_load %arg7[%swap3A_412, %swap3A_413] {strides = array<i32>} : memref<16x128xf32, #tpu.memory_space<vmem>>, vector<1x16xf32>,
    %swap3A_415 = vector.shape_cast %swap3A_414 : vector<1x16xf32> to vector<16xf32>
    %swap3A_416 = vector.shape_cast %broadcast_in_dim3A_5 : vector<16xf32> to vector<1x16xf32>
    tpu.vector_store %arg7[%swap3A_412, %swap3A_413], %swap3A_416 {strides = array<i32>} : memref<16x128xf32, #tpu.memory_space<vmem>>, vector<1x16xf32>,
    %swap3A_417 = arith.constant 8 : i32
    %swap3A_418 = arith.index_cast %swap3A_417 : i32 to index
    %swap3A_419 = arith.constant 64 : index
    %swap3A_420 = tpu.vector_load %arg7[%swap3A_418, %swap3A_419] {strides = array<i32>} : memref<16x128xf32, #tpu.memory_space<vmem>>, vector<1x16xf32>,
    %swap3A_421 = vector.shape_cast %swap3A_420 : vector<1x16xf32> to vector<16xf32>
    %swap3A_422 = vector.shape_cast %broadcast_in_dim3A_5 : vector<16xf32> to vector<1x16xf32>
    tpu.vector_store %arg7[%swap3A_418, %swap3A_419], %swap3A_422 {strides = array<i32>} : memref<16x128xf32, #tpu.memory_space<vmem>>, vector<1x16xf32>,
    %swap3A_423 = arith.constant 8 : i32
    %swap3A_424 = arith.index_cast %swap3A_423 : i32 to index
    %swap3A_425 = arith.constant 80 : index
    %swap3A_426 = tpu.vector_load %arg7[%swap3A_424, %swap3A_425] {strides = array<i32>} : memref<16x128xf32, #tpu.memory_space<vmem>>, vector<1x16xf32>,
    %swap3A_427 = vector.shape_cast %swap3A_426 : vector<1x16xf32> to vector<16xf32>
    %swap3A_428 = vector.shape_cast %broadcast_in_dim3A_5 : vector<16xf32> to vector<1x16xf32>
    tpu.vector_store %arg7[%swap3A_424, %swap3A_425], %swap3A_428 {strides = array<i32>} : memref<16x128xf32, #tpu.memory_space<vmem>>, vector<1x16xf32>,
    %swap3A_429 = arith.constant 8 : i32
    %swap3A_430 = arith.index_cast %swap3A_429 : i32 to index
    %swap3A_431 = arith.constant 96 : index
    %swap3A_432 = tpu.vector_load %arg7[%swap3A_430, %swap3A_431] {strides = array<i32>} : memref<16x128xf32, #tpu.memory_space<vmem>>, vector<1x16xf32>,
    %swap3A_433 = vector.shape_cast %swap3A_432 : vector<1x16xf32> to vector<16xf32>
    %swap3A_434 = vector.shape_cast %broadcast_in_dim3A_5 : vector<16xf32> to vector<1x16xf32>
    tpu.vector_store %arg7[%swap3A_430, %swap3A_431], %swap3A_434 {strides = array<i32>} : memref<16x128xf32, #tpu.memory_space<vmem>>, vector<1x16xf32>,
    %swap3A_435 = arith.constant 8 : i32
    %swap3A_436 = arith.index_cast %swap3A_435 : i32 to index
    %swap3A_437 = arith.constant 112 : index
    %swap3A_438 = tpu.vector_load %arg7[%swap3A_436, %swap3A_437] {strides = array<i32>} : memref<16x128xf32, #tpu.memory_space<vmem>>, vector<1x16xf32>,
    %swap3A_439 = vector.shape_cast %swap3A_438 : vector<1x16xf32> to vector<16xf32>
    %swap3A_440 = vector.shape_cast %broadcast_in_dim3A_5 : vector<16xf32> to vector<1x16xf32>
    tpu.vector_store %arg7[%swap3A_436, %swap3A_437], %swap3A_440 {strides = array<i32>} : memref<16x128xf32, #tpu.memory_space<vmem>>, vector<1x16xf32>,
    %swap3A_441 = arith.constant 9 : i32
    %swap3A_442 = arith.index_cast %swap3A_441 : i32 to index
    %swap3A_443 = arith.constant 0 : index
    %swap3A_444 = tpu.vector_load %arg7[%swap3A_442, %swap3A_443] {strides = array<i32>} : memref<16x128xf32, #tpu.memory_space<vmem>>, vector<1x16xf32>,
    %swap3A_445 = vector.shape_cast %swap3A_444 : vector<1x16xf32> to vector<16xf32>
    %swap3A_446 = vector.shape_cast %broadcast_in_dim3A_5 : vector<16xf32> to vector<1x16xf32>
    tpu.vector_store %arg7[%swap3A_442, %swap3A_443], %swap3A_446 {strides = array<i32>} : memref<16x128xf32, #tpu.memory_space<vmem>>, vector<1x16xf32>,
    %swap3A_447 = arith.constant 9 : i32
    %swap3A_448 = arith.index_cast %swap3A_447 : i32 to index
    %swap3A_449 = arith.constant 16 : index
    %swap3A_450 = tpu.vector_load %arg7[%swap3A_448, %swap3A_449] {strides = array<i32>} : memref<16x128xf32, #tpu.memory_space<vmem>>, vector<1x16xf32>,
    %swap3A_451 = vector.shape_cast %swap3A_450 : vector<1x16xf32> to vector<16xf32>
    %swap3A_452 = vector.shape_cast %broadcast_in_dim3A_5 : vector<16xf32> to vector<1x16xf32>
    tpu.vector_store %arg7[%swap3A_448, %swap3A_449], %swap3A_452 {strides = array<i32>} : memref<16x128xf32, #tpu.memory_space<vmem>>, vector<1x16xf32>,
    %swap3A_453 = arith.constant 9 : i32
    %swap3A_454 = arith.index_cast %swap3A_453 : i32 to index
    %swap3A_455 = arith.constant 32 : index
    %swap3A_456 = tpu.vector_load %arg7[%swap3A_454, %swap3A_455] {strides = array<i32>} : memref<16x128xf32, #tpu.memory_space<vmem>>, vector<1x16xf32>,
    %swap3A_457 = vector.shape_cast %swap3A_456 : vector<1x16xf32> to vector<16xf32>
    %swap3A_458 = vector.shape_cast %broadcast_in_dim3A_5 : vector<16xf32> to vector<1x16xf32>
    tpu.vector_store %arg7[%swap3A_454, %swap3A_455], %swap3A_458 {strides = array<i32>} : memref<16x128xf32, #tpu.memory_space<vmem>>, vector<1x16xf32>,
    %swap3A_459 = arith.constant 9 : i32
    %swap3A_460 = arith.index_cast %swap3A_459 : i32 to index
    %swap3A_461 = arith.constant 48 : index
    %swap3A_462 = tpu.vector_load %arg7[%swap3A_460, %swap3A_461] {strides = array<i32>} : memref<16x128xf32, #tpu.memory_space<vmem>>, vector<1x16xf32>,
    %swap3A_463 = vector.shape_cast %swap3A_462 : vector<1x16xf32> to vector<16xf32>
    %swap3A_464 = vector.shape_cast %broadcast_in_dim3A_5 : vector<16xf32> to vector<1x16xf32>
    tpu.vector_store %arg7[%swap3A_460, %swap3A_461], %swap3A_464 {strides = array<i32>} : memref<16x128xf32, #tpu.memory_space<vmem>>, vector<1x16xf32>,
    %swap3A_465 = arith.constant 9 : i32
    %swap3A_466 = arith.index_cast %swap3A_465 : i32 to index
    %swap3A_467 = arith.constant 64 : index
    %swap3A_468 = tpu.vector_load %arg7[%swap3A_466, %swap3A_467] {strides = array<i32>} : memref<16x128xf32, #tpu.memory_space<vmem>>, vector<1x16xf32>,
    %swap3A_469 = vector.shape_cast %swap3A_468 : vector<1x16xf32> to vector<16xf32>
    %swap3A_470 = vector.shape_cast %broadcast_in_dim3A_5 : vector<16xf32> to vector<1x16xf32>
    tpu.vector_store %arg7[%swap3A_466, %swap3A_467], %swap3A_470 {strides = array<i32>} : memref<16x128xf32, #tpu.memory_space<vmem>>, vector<1x16xf32>,
    %swap3A_471 = arith.constant 9 : i32
    %swap3A_472 = arith.index_cast %swap3A_471 : i32 to index
    %swap3A_473 = arith.constant 80 : index
    %swap3A_474 = tpu.vector_load %arg7[%swap3A_472, %swap3A_473] {strides = array<i32>} : memref<16x128xf32, #tpu.memory_space<vmem>>, vector<1x16xf32>,
    %swap3A_475 = vector.shape_cast %swap3A_474 : vector<1x16xf32> to vector<16xf32>
    %swap3A_476 = vector.shape_cast %broadcast_in_dim3A_5 : vector<16xf32> to vector<1x16xf32>
    tpu.vector_store %arg7[%swap3A_472, %swap3A_473], %swap3A_476 {strides = array<i32>} : memref<16x128xf32, #tpu.memory_space<vmem>>, vector<1x16xf32>,
    %swap3A_477 = arith.constant 9 : i32
    %swap3A_478 = arith.index_cast %swap3A_477 : i32 to index
    %swap3A_479 = arith.constant 96 : index
    %swap3A_480 = tpu.vector_load %arg7[%swap3A_478, %swap3A_479] {strides = array<i32>} : memref<16x128xf32, #tpu.memory_space<vmem>>, vector<1x16xf32>,
    %swap3A_481 = vector.shape_cast %swap3A_480 : vector<1x16xf32> to vector<16xf32>
    %swap3A_482 = vector.shape_cast %broadcast_in_dim3A_5 : vector<16xf32> to vector<1x16xf32>
    tpu.vector_store %arg7[%swap3A_478, %swap3A_479], %swap3A_482 {strides = array<i32>} : memref<16x128xf32, #tpu.memory_space<vmem>>, vector<1x16xf32>,
    %swap3A_483 = arith.constant 9 : i32
    %swap3A_484 = arith.index_cast %swap3A_483 : i32 to index
    %swap3A_485 = arith.constant 112 : index
    %swap3A_486 = tpu.vector_load %arg7[%swap3A_484, %swap3A_485] {strides = array<i32>} : memref<16x128xf32, #tpu.memory_space<vmem>>, vector<1x16xf32>,
    %swap3A_487 = vector.shape_cast %swap3A_486 : vector<1x16xf32> to vector<16xf32>
    %swap3A_488 = vector.shape_cast %broadcast_in_dim3A_5 : vector<16xf32> to vector<1x16xf32>
    tpu.vector_store %arg7[%swap3A_484, %swap3A_485], %swap3A_488 {strides = array<i32>} : memref<16x128xf32, #tpu.memory_space<vmem>>, vector<1x16xf32>,
    %swap3A_489 = arith.constant 10 : i32
    %swap3A_490 = arith.index_cast %swap3A_489 : i32 to index
    %swap3A_491 = arith.constant 0 : index
    %swap3A_492 = tpu.vector_load %arg7[%swap3A_490, %swap3A_491] {strides = array<i32>} : memref<16x128xf32, #tpu.memory_space<vmem>>, vector<1x16xf32>,
    %swap3A_493 = vector.shape_cast %swap3A_492 : vector<1x16xf32> to vector<16xf32>
    %swap3A_494 = vector.shape_cast %broadcast_in_dim3A_5 : vector<16xf32> to vector<1x16xf32>
    tpu.vector_store %arg7[%swap3A_490, %swap3A_491], %swap3A_494 {strides = array<i32>} : memref<16x128xf32, #tpu.memory_space<vmem>>, vector<1x16xf32>,
    %swap3A_495 = arith.constant 10 : i32
    %swap3A_496 = arith.index_cast %swap3A_495 : i32 to index
    %swap3A_497 = arith.constant 16 : index
    %swap3A_498 = tpu.vector_load %arg7[%swap3A_496, %swap3A_497] {strides = array<i32>} : memref<16x128xf32, #tpu.memory_space<vmem>>, vector<1x16xf32>,
    %swap3A_499 = vector.shape_cast %swap3A_498 : vector<1x16xf32> to vector<16xf32>
    %swap3A_500 = vector.shape_cast %broadcast_in_dim3A_5 : vector<16xf32> to vector<1x16xf32>
    tpu.vector_store %arg7[%swap3A_496, %swap3A_497], %swap3A_500 {strides = array<i32>} : memref<16x128xf32, #tpu.memory_space<vmem>>, vector<1x16xf32>,
    %swap3A_501 = arith.constant 10 : i32
    %swap3A_502 = arith.index_cast %swap3A_501 : i32 to index
    %swap3A_503 = arith.constant 32 : index
    %swap3A_504 = tpu.vector_load %arg7[%swap3A_502, %swap3A_503] {strides = array<i32>} : memref<16x128xf32, #tpu.memory_space<vmem>>, vector<1x16xf32>,
    %swap3A_505 = vector.shape_cast %swap3A_504 : vector<1x16xf32> to vector<16xf32>
    %swap3A_506 = vector.shape_cast %broadcast_in_dim3A_5 : vector<16xf32> to vector<1x16xf32>
    tpu.vector_store %arg7[%swap3A_502, %swap3A_503], %swap3A_506 {strides = array<i32>} : memref<16x128xf32, #tpu.memory_space<vmem>>, vector<1x16xf32>,
    %swap3A_507 = arith.constant 10 : i32
    %swap3A_508 = arith.index_cast %swap3A_507 : i32 to index
    %swap3A_509 = arith.constant 48 : index
    %swap3A_510 = tpu.vector_load %arg7[%swap3A_508, %swap3A_509] {strides = array<i32>} : memref<16x128xf32, #tpu.memory_space<vmem>>, vector<1x16xf32>,
    %swap3A_511 = vector.shape_cast %swap3A_510 : vector<1x16xf32> to vector<16xf32>
    %swap3A_512 = vector.shape_cast %broadcast_in_dim3A_5 : vector<16xf32> to vector<1x16xf32>
    tpu.vector_store %arg7[%swap3A_508, %swap3A_509], %swap3A_512 {strides = array<i32>} : memref<16x128xf32, #tpu.memory_space<vmem>>, vector<1x16xf32>,
    %swap3A_513 = arith.constant 10 : i32
    %swap3A_514 = arith.index_cast %swap3A_513 : i32 to index
    %swap3A_515 = arith.constant 64 : index
    %swap3A_516 = tpu.vector_load %arg7[%swap3A_514, %swap3A_515] {strides = array<i32>} : memref<16x128xf32, #tpu.memory_space<vmem>>, vector<1x16xf32>,
    %swap3A_517 = vector.shape_cast %swap3A_516 : vector<1x16xf32> to vector<16xf32>
    %swap3A_518 = vector.shape_cast %broadcast_in_dim3A_5 : vector<16xf32> to vector<1x16xf32>
    tpu.vector_store %arg7[%swap3A_514, %swap3A_515], %swap3A_518 {strides = array<i32>} : memref<16x128xf32, #tpu.memory_space<vmem>>, vector<1x16xf32>,
    %swap3A_519 = arith.constant 10 : i32
    %swap3A_520 = arith.index_cast %swap3A_519 : i32 to index
    %swap3A_521 = arith.constant 80 : index
    %swap3A_522 = tpu.vector_load %arg7[%swap3A_520, %swap3A_521] {strides = array<i32>} : memref<16x128xf32, #tpu.memory_space<vmem>>, vector<1x16xf32>,
    %swap3A_523 = vector.shape_cast %swap3A_522 : vector<1x16xf32> to vector<16xf32>
    %swap3A_524 = vector.shape_cast %broadcast_in_dim3A_5 : vector<16xf32> to vector<1x16xf32>
    tpu.vector_store %arg7[%swap3A_520, %swap3A_521], %swap3A_524 {strides = array<i32>} : memref<16x128xf32, #tpu.memory_space<vmem>>, vector<1x16xf32>,
    %swap3A_525 = arith.constant 10 : i32
    %swap3A_526 = arith.index_cast %swap3A_525 : i32 to index
    %swap3A_527 = arith.constant 96 : index
    %swap3A_528 = tpu.vector_load %arg7[%swap3A_526, %swap3A_527] {strides = array<i32>} : memref<16x128xf32, #tpu.memory_space<vmem>>, vector<1x16xf32>,
    %swap3A_529 = vector.shape_cast %swap3A_528 : vector<1x16xf32> to vector<16xf32>
    %swap3A_530 = vector.shape_cast %broadcast_in_dim3A_5 : vector<16xf32> to vector<1x16xf32>
    tpu.vector_store %arg7[%swap3A_526, %swap3A_527], %swap3A_530 {strides = array<i32>} : memref<16x128xf32, #tpu.memory_space<vmem>>, vector<1x16xf32>,
    %swap3A_531 = arith.constant 10 : i32
    %swap3A_532 = arith.index_cast %swap3A_531 : i32 to index
    %swap3A_533 = arith.constant 112 : index
    %swap3A_534 = tpu.vector_load %arg7[%swap3A_532, %swap3A_533] {strides = array<i32>} : memref<16x128xf32, #tpu.memory_space<vmem>>, vector<1x16xf32>,
    %swap3A_535 = vector.shape_cast %swap3A_534 : vector<1x16xf32> to vector<16xf32>
    %swap3A_536 = vector.shape_cast %broadcast_in_dim3A_5 : vector<16xf32> to vector<1x16xf32>
    tpu.vector_store %arg7[%swap3A_532, %swap3A_533], %swap3A_536 {strides = array<i32>} : memref<16x128xf32, #tpu.memory_space<vmem>>, vector<1x16xf32>,
    %swap3A_537 = arith.constant 11 : i32
    %swap3A_538 = arith.index_cast %swap3A_537 : i32 to index
    %swap3A_539 = arith.constant 0 : index
    %swap3A_540 = tpu.vector_load %arg7[%swap3A_538, %swap3A_539] {strides = array<i32>} : memref<16x128xf32, #tpu.memory_space<vmem>>, vector<1x16xf32>,
    %swap3A_541 = vector.shape_cast %swap3A_540 : vector<1x16xf32> to vector<16xf32>
    %swap3A_542 = vector.shape_cast %broadcast_in_dim3A_5 : vector<16xf32> to vector<1x16xf32>
    tpu.vector_store %arg7[%swap3A_538, %swap3A_539], %swap3A_542 {strides = array<i32>} : memref<16x128xf32, #tpu.memory_space<vmem>>, vector<1x16xf32>,
    %swap3A_543 = arith.constant 11 : i32
    %swap3A_544 = arith.index_cast %swap3A_543 : i32 to index
    %swap3A_545 = arith.constant 16 : index
    %swap3A_546 = tpu.vector_load %arg7[%swap3A_544, %swap3A_545] {strides = array<i32>} : memref<16x128xf32, #tpu.memory_space<vmem>>, vector<1x16xf32>,
    %swap3A_547 = vector.shape_cast %swap3A_546 : vector<1x16xf32> to vector<16xf32>
    %swap3A_548 = vector.shape_cast %broadcast_in_dim3A_5 : vector<16xf32> to vector<1x16xf32>
    tpu.vector_store %arg7[%swap3A_544, %swap3A_545], %swap3A_548 {strides = array<i32>} : memref<16x128xf32, #tpu.memory_space<vmem>>, vector<1x16xf32>,
    %swap3A_549 = arith.constant 11 : i32
    %swap3A_550 = arith.index_cast %swap3A_549 : i32 to index
    %swap3A_551 = arith.constant 32 : index
    %swap3A_552 = tpu.vector_load %arg7[%swap3A_550, %swap3A_551] {strides = array<i32>} : memref<16x128xf32, #tpu.memory_space<vmem>>, vector<1x16xf32>,
    %swap3A_553 = vector.shape_cast %swap3A_552 : vector<1x16xf32> to vector<16xf32>
    %swap3A_554 = vector.shape_cast %broadcast_in_dim3A_5 : vector<16xf32> to vector<1x16xf32>
    tpu.vector_store %arg7[%swap3A_550, %swap3A_551], %swap3A_554 {strides = array<i32>} : memref<16x128xf32, #tpu.memory_space<vmem>>, vector<1x16xf32>,
    %swap3A_555 = arith.constant 11 : i32
    %swap3A_556 = arith.index_cast %swap3A_555 : i32 to index
    %swap3A_557 = arith.constant 48 : index
    %swap3A_558 = tpu.vector_load %arg7[%swap3A_556, %swap3A_557] {strides = array<i32>} : memref<16x128xf32, #tpu.memory_space<vmem>>, vector<1x16xf32>,
    %swap3A_559 = vector.shape_cast %swap3A_558 : vector<1x16xf32> to vector<16xf32>
    %swap3A_560 = vector.shape_cast %broadcast_in_dim3A_5 : vector<16xf32> to vector<1x16xf32>
    tpu.vector_store %arg7[%swap3A_556, %swap3A_557], %swap3A_560 {strides = array<i32>} : memref<16x128xf32, #tpu.memory_space<vmem>>, vector<1x16xf32>,
    %swap3A_561 = arith.constant 11 : i32
    %swap3A_562 = arith.index_cast %swap3A_561 : i32 to index
    %swap3A_563 = arith.constant 64 : index
    %swap3A_564 = tpu.vector_load %arg7[%swap3A_562, %swap3A_563] {strides = array<i32>} : memref<16x128xf32, #tpu.memory_space<vmem>>, vector<1x16xf32>,
    %swap3A_565 = vector.shape_cast %swap3A_564 : vector<1x16xf32> to vector<16xf32>
    %swap3A_566 = vector.shape_cast %broadcast_in_dim3A_5 : vector<16xf32> to vector<1x16xf32>
    tpu.vector_store %arg7[%swap3A_562, %swap3A_563], %swap3A_566 {strides = array<i32>} : memref<16x128xf32, #tpu.memory_space<vmem>>, vector<1x16xf32>,
    %swap3A_567 = arith.constant 11 : i32
    %swap3A_568 = arith.index_cast %swap3A_567 : i32 to index
    %swap3A_569 = arith.constant 80 : index
    %swap3A_570 = tpu.vector_load %arg7[%swap3A_568, %swap3A_569] {strides = array<i32>} : memref<16x128xf32, #tpu.memory_space<vmem>>, vector<1x16xf32>,
    %swap3A_571 = vector.shape_cast %swap3A_570 : vector<1x16xf32> to vector<16xf32>
    %swap3A_572 = vector.shape_cast %broadcast_in_dim3A_5 : vector<16xf32> to vector<1x16xf32>
    tpu.vector_store %arg7[%swap3A_568, %swap3A_569], %swap3A_572 {strides = array<i32>} : memref<16x128xf32, #tpu.memory_space<vmem>>, vector<1x16xf32>,
    %swap3A_573 = arith.constant 11 : i32
    %swap3A_574 = arith.index_cast %swap3A_573 : i32 to index
    %swap3A_575 = arith.constant 96 : index
    %swap3A_576 = tpu.vector_load %arg7[%swap3A_574, %swap3A_575] {strides = array<i32>} : memref<16x128xf32, #tpu.memory_space<vmem>>, vector<1x16xf32>,
    %swap3A_577 = vector.shape_cast %swap3A_576 : vector<1x16xf32> to vector<16xf32>
    %swap3A_578 = vector.shape_cast %broadcast_in_dim3A_5 : vector<16xf32> to vector<1x16xf32>
    tpu.vector_store %arg7[%swap3A_574, %swap3A_575], %swap3A_578 {strides = array<i32>} : memref<16x128xf32, #tpu.memory_space<vmem>>, vector<1x16xf32>,
    %swap3A_579 = arith.constant 11 : i32
    %swap3A_580 = arith.index_cast %swap3A_579 : i32 to index
    %swap3A_581 = arith.constant 112 : index
    %swap3A_582 = tpu.vector_load %arg7[%swap3A_580, %swap3A_581] {strides = array<i32>} : memref<16x128xf32, #tpu.memory_space<vmem>>, vector<1x16xf32>,
    %swap3A_583 = vector.shape_cast %swap3A_582 : vector<1x16xf32> to vector<16xf32>
    %swap3A_584 = vector.shape_cast %broadcast_in_dim3A_5 : vector<16xf32> to vector<1x16xf32>
    tpu.vector_store %arg7[%swap3A_580, %swap3A_581], %swap3A_584 {strides = array<i32>} : memref<16x128xf32, #tpu.memory_space<vmem>>, vector<1x16xf32>,
    %swap3A_585 = arith.constant 12 : i32
    %swap3A_586 = arith.index_cast %swap3A_585 : i32 to index
    %swap3A_587 = arith.constant 0 : index
    %swap3A_588 = tpu.vector_load %arg7[%swap3A_586, %swap3A_587] {strides = array<i32>} : memref<16x128xf32, #tpu.memory_space<vmem>>, vector<1x16xf32>,
    %swap3A_589 = vector.shape_cast %swap3A_588 : vector<1x16xf32> to vector<16xf32>
    %swap3A_590 = vector.shape_cast %broadcast_in_dim3A_5 : vector<16xf32> to vector<1x16xf32>
    tpu.vector_store %arg7[%swap3A_586, %swap3A_587], %swap3A_590 {strides = array<i32>} : memref<16x128xf32, #tpu.memory_space<vmem>>, vector<1x16xf32>,
    %swap3A_591 = arith.constant 12 : i32
    %swap3A_592 = arith.index_cast %swap3A_591 : i32 to index
    %swap3A_593 = arith.constant 16 : index
    %swap3A_594 = tpu.vector_load %arg7[%swap3A_592, %swap3A_593] {strides = array<i32>} : memref<16x128xf32, #tpu.memory_space<vmem>>, vector<1x16xf32>,
    %swap3A_595 = vector.shape_cast %swap3A_594 : vector<1x16xf32> to vector<16xf32>
    %swap3A_596 = vector.shape_cast %broadcast_in_dim3A_5 : vector<16xf32> to vector<1x16xf32>
    tpu.vector_store %arg7[%swap3A_592, %swap3A_593], %swap3A_596 {strides = array<i32>} : memref<16x128xf32, #tpu.memory_space<vmem>>, vector<1x16xf32>,
    %swap3A_597 = arith.constant 12 : i32
    %swap3A_598 = arith.index_cast %swap3A_597 : i32 to index
    %swap3A_599 = arith.constant 32 : index
    %swap3A_600 = tpu.vector_load %arg7[%swap3A_598, %swap3A_599] {strides = array<i32>} : memref<16x128xf32, #tpu.memory_space<vmem>>, vector<1x16xf32>,
    %swap3A_601 = vector.shape_cast %swap3A_600 : vector<1x16xf32> to vector<16xf32>
    %swap3A_602 = vector.shape_cast %broadcast_in_dim3A_5 : vector<16xf32> to vector<1x16xf32>
    tpu.vector_store %arg7[%swap3A_598, %swap3A_599], %swap3A_602 {strides = array<i32>} : memref<16x128xf32, #tpu.memory_space<vmem>>, vector<1x16xf32>,
    %swap3A_603 = arith.constant 12 : i32
    %swap3A_604 = arith.index_cast %swap3A_603 : i32 to index
    %swap3A_605 = arith.constant 48 : index
    %swap3A_606 = tpu.vector_load %arg7[%swap3A_604, %swap3A_605] {strides = array<i32>} : memref<16x128xf32, #tpu.memory_space<vmem>>, vector<1x16xf32>,
    %swap3A_607 = vector.shape_cast %swap3A_606 : vector<1x16xf32> to vector<16xf32>
    %swap3A_608 = vector.shape_cast %broadcast_in_dim3A_5 : vector<16xf32> to vector<1x16xf32>
    tpu.vector_store %arg7[%swap3A_604, %swap3A_605], %swap3A_608 {strides = array<i32>} : memref<16x128xf32, #tpu.memory_space<vmem>>, vector<1x16xf32>,
    %swap3A_609 = arith.constant 12 : i32
    %swap3A_610 = arith.index_cast %swap3A_609 : i32 to index
    %swap3A_611 = arith.constant 64 : index
    %swap3A_612 = tpu.vector_load %arg7[%swap3A_610, %swap3A_611] {strides = array<i32>} : memref<16x128xf32, #tpu.memory_space<vmem>>, vector<1x16xf32>,
    %swap3A_613 = vector.shape_cast %swap3A_612 : vector<1x16xf32> to vector<16xf32>
    %swap3A_614 = vector.shape_cast %broadcast_in_dim3A_5 : vector<16xf32> to vector<1x16xf32>
    tpu.vector_store %arg7[%swap3A_610, %swap3A_611], %swap3A_614 {strides = array<i32>} : memref<16x128xf32, #tpu.memory_space<vmem>>, vector<1x16xf32>,
    %swap3A_615 = arith.constant 12 : i32
    %swap3A_616 = arith.index_cast %swap3A_615 : i32 to index
    %swap3A_617 = arith.constant 80 : index
    %swap3A_618 = tpu.vector_load %arg7[%swap3A_616, %swap3A_617] {strides = array<i32>} : memref<16x128xf32, #tpu.memory_space<vmem>>, vector<1x16xf32>,
    %swap3A_619 = vector.shape_cast %swap3A_618 : vector<1x16xf32> to vector<16xf32>
    %swap3A_620 = vector.shape_cast %broadcast_in_dim3A_5 : vector<16xf32> to vector<1x16xf32>
    tpu.vector_store %arg7[%swap3A_616, %swap3A_617], %swap3A_620 {strides = array<i32>} : memref<16x128xf32, #tpu.memory_space<vmem>>, vector<1x16xf32>,
    %swap3A_621 = arith.constant 12 : i32
    %swap3A_622 = arith.index_cast %swap3A_621 : i32 to index
    %swap3A_623 = arith.constant 96 : index
    %swap3A_624 = tpu.vector_load %arg7[%swap3A_622, %swap3A_623] {strides = array<i32>} : memref<16x128xf32, #tpu.memory_space<vmem>>, vector<1x16xf32>,
    %swap3A_625 = vector.shape_cast %swap3A_624 : vector<1x16xf32> to vector<16xf32>
    %swap3A_626 = vector.shape_cast %broadcast_in_dim3A_5 : vector<16xf32> to vector<1x16xf32>
    tpu.vector_store %arg7[%swap3A_622, %swap3A_623], %swap3A_626 {strides = array<i32>} : memref<16x128xf32, #tpu.memory_space<vmem>>, vector<1x16xf32>,
    %swap3A_627 = arith.constant 12 : i32
    %swap3A_628 = arith.index_cast %swap3A_627 : i32 to index
    %swap3A_629 = arith.constant 112 : index
    %swap3A_630 = tpu.vector_load %arg7[%swap3A_628, %swap3A_629] {strides = array<i32>} : memref<16x128xf32, #tpu.memory_space<vmem>>, vector<1x16xf32>,
    %swap3A_631 = vector.shape_cast %swap3A_630 : vector<1x16xf32> to vector<16xf32>
    %swap3A_632 = vector.shape_cast %broadcast_in_dim3A_5 : vector<16xf32> to vector<1x16xf32>
    tpu.vector_store %arg7[%swap3A_628, %swap3A_629], %swap3A_632 {strides = array<i32>} : memref<16x128xf32, #tpu.memory_space<vmem>>, vector<1x16xf32>,
    %swap3A_633 = arith.constant 13 : i32
    %swap3A_634 = arith.index_cast %swap3A_633 : i32 to index
    %swap3A_635 = arith.constant 0 : index
    %swap3A_636 = tpu.vector_load %arg7[%swap3A_634, %swap3A_635] {strides = array<i32>} : memref<16x128xf32, #tpu.memory_space<vmem>>, vector<1x16xf32>,
    %swap3A_637 = vector.shape_cast %swap3A_636 : vector<1x16xf32> to vector<16xf32>
    %swap3A_638 = vector.shape_cast %broadcast_in_dim3A_5 : vector<16xf32> to vector<1x16xf32>
    tpu.vector_store %arg7[%swap3A_634, %swap3A_635], %swap3A_638 {strides = array<i32>} : memref<16x128xf32, #tpu.memory_space<vmem>>, vector<1x16xf32>,
    %swap3A_639 = arith.constant 13 : i32
    %swap3A_640 = arith.index_cast %swap3A_639 : i32 to index
    %swap3A_641 = arith.constant 16 : index
    %swap3A_642 = tpu.vector_load %arg7[%swap3A_640, %swap3A_641] {strides = array<i32>} : memref<16x128xf32, #tpu.memory_space<vmem>>, vector<1x16xf32>,
    %swap3A_643 = vector.shape_cast %swap3A_642 : vector<1x16xf32> to vector<16xf32>
    %swap3A_644 = vector.shape_cast %broadcast_in_dim3A_5 : vector<16xf32> to vector<1x16xf32>
    tpu.vector_store %arg7[%swap3A_640, %swap3A_641], %swap3A_644 {strides = array<i32>} : memref<16x128xf32, #tpu.memory_space<vmem>>, vector<1x16xf32>,
    %swap3A_645 = arith.constant 13 : i32
    %swap3A_646 = arith.index_cast %swap3A_645 : i32 to index
    %swap3A_647 = arith.constant 32 : index
    %swap3A_648 = tpu.vector_load %arg7[%swap3A_646, %swap3A_647] {strides = array<i32>} : memref<16x128xf32, #tpu.memory_space<vmem>>, vector<1x16xf32>,
    %swap3A_649 = vector.shape_cast %swap3A_648 : vector<1x16xf32> to vector<16xf32>
    %swap3A_650 = vector.shape_cast %broadcast_in_dim3A_5 : vector<16xf32> to vector<1x16xf32>
    tpu.vector_store %arg7[%swap3A_646, %swap3A_647], %swap3A_650 {strides = array<i32>} : memref<16x128xf32, #tpu.memory_space<vmem>>, vector<1x16xf32>,
    %swap3A_651 = arith.constant 13 : i32
    %swap3A_652 = arith.index_cast %swap3A_651 : i32 to index
    %swap3A_653 = arith.constant 48 : index
    %swap3A_654 = tpu.vector_load %arg7[%swap3A_652, %swap3A_653] {strides = array<i32>} : memref<16x128xf32, #tpu.memory_space<vmem>>, vector<1x16xf32>,
    %swap3A_655 = vector.shape_cast %swap3A_654 : vector<1x16xf32> to vector<16xf32>
    %swap3A_656 = vector.shape_cast %broadcast_in_dim3A_5 : vector<16xf32> to vector<1x16xf32>
    tpu.vector_store %arg7[%swap3A_652, %swap3A_653], %swap3A_656 {strides = array<i32>} : memref<16x128xf32, #tpu.memory_space<vmem>>, vector<1x16xf32>,
    %swap3A_657 = arith.constant 13 : i32
    %swap3A_658 = arith.index_cast %swap3A_657 : i32 to index
    %swap3A_659 = arith.constant 64 : index
    %swap3A_660 = tpu.vector_load %arg7[%swap3A_658, %swap3A_659] {strides = array<i32>} : memref<16x128xf32, #tpu.memory_space<vmem>>, vector<1x16xf32>,
    %swap3A_661 = vector.shape_cast %swap3A_660 : vector<1x16xf32> to vector<16xf32>
    %swap3A_662 = vector.shape_cast %broadcast_in_dim3A_5 : vector<16xf32> to vector<1x16xf32>
    tpu.vector_store %arg7[%swap3A_658, %swap3A_659], %swap3A_662 {strides = array<i32>} : memref<16x128xf32, #tpu.memory_space<vmem>>, vector<1x16xf32>,
    %swap3A_663 = arith.constant 13 : i32
    %swap3A_664 = arith.index_cast %swap3A_663 : i32 to index
    %swap3A_665 = arith.constant 80 : index
    %swap3A_666 = tpu.vector_load %arg7[%swap3A_664, %swap3A_665] {strides = array<i32>} : memref<16x128xf32, #tpu.memory_space<vmem>>, vector<1x16xf32>,
    %swap3A_667 = vector.shape_cast %swap3A_666 : vector<1x16xf32> to vector<16xf32>
    %swap3A_668 = vector.shape_cast %broadcast_in_dim3A_5 : vector<16xf32> to vector<1x16xf32>
    tpu.vector_store %arg7[%swap3A_664, %swap3A_665], %swap3A_668 {strides = array<i32>} : memref<16x128xf32, #tpu.memory_space<vmem>>, vector<1x16xf32>,
    %swap3A_669 = arith.constant 13 : i32
    %swap3A_670 = arith.index_cast %swap3A_669 : i32 to index
    %swap3A_671 = arith.constant 96 : index
    %swap3A_672 = tpu.vector_load %arg7[%swap3A_670, %swap3A_671] {strides = array<i32>} : memref<16x128xf32, #tpu.memory_space<vmem>>, vector<1x16xf32>,
    %swap3A_673 = vector.shape_cast %swap3A_672 : vector<1x16xf32> to vector<16xf32>
    %swap3A_674 = vector.shape_cast %broadcast_in_dim3A_5 : vector<16xf32> to vector<1x16xf32>
    tpu.vector_store %arg7[%swap3A_670, %swap3A_671], %swap3A_674 {strides = array<i32>} : memref<16x128xf32, #tpu.memory_space<vmem>>, vector<1x16xf32>,
    %swap3A_675 = arith.constant 13 : i32
    %swap3A_676 = arith.index_cast %swap3A_675 : i32 to index
    %swap3A_677 = arith.constant 112 : index
    %swap3A_678 = tpu.vector_load %arg7[%swap3A_676, %swap3A_677] {strides = array<i32>} : memref<16x128xf32, #tpu.memory_space<vmem>>, vector<1x16xf32>,
    %swap3A_679 = vector.shape_cast %swap3A_678 : vector<1x16xf32> to vector<16xf32>
    %swap3A_680 = vector.shape_cast %broadcast_in_dim3A_5 : vector<16xf32> to vector<1x16xf32>
    tpu.vector_store %arg7[%swap3A_676, %swap3A_677], %swap3A_680 {strides = array<i32>} : memref<16x128xf32, #tpu.memory_space<vmem>>, vector<1x16xf32>,
    %swap3A_681 = arith.constant 14 : i32
    %swap3A_682 = arith.index_cast %swap3A_681 : i32 to index
    %swap3A_683 = arith.constant 0 : index
    %swap3A_684 = tpu.vector_load %arg7[%swap3A_682, %swap3A_683] {strides = array<i32>} : memref<16x128xf32, #tpu.memory_space<vmem>>, vector<1x16xf32>,
    %swap3A_685 = vector.shape_cast %swap3A_684 : vector<1x16xf32> to vector<16xf32>
    %swap3A_686 = vector.shape_cast %broadcast_in_dim3A_5 : vector<16xf32> to vector<1x16xf32>
    tpu.vector_store %arg7[%swap3A_682, %swap3A_683], %swap3A_686 {strides = array<i32>} : memref<16x128xf32, #tpu.memory_space<vmem>>, vector<1x16xf32>,
    %swap3A_687 = arith.constant 14 : i32
    %swap3A_688 = arith.index_cast %swap3A_687 : i32 to index
    %swap3A_689 = arith.constant 16 : index
    %swap3A_690 = tpu.vector_load %arg7[%swap3A_688, %swap3A_689] {strides = array<i32>} : memref<16x128xf32, #tpu.memory_space<vmem>>, vector<1x16xf32>,
    %swap3A_691 = vector.shape_cast %swap3A_690 : vector<1x16xf32> to vector<16xf32>
    %swap3A_692 = vector.shape_cast %broadcast_in_dim3A_5 : vector<16xf32> to vector<1x16xf32>
    tpu.vector_store %arg7[%swap3A_688, %swap3A_689], %swap3A_692 {strides = array<i32>} : memref<16x128xf32, #tpu.memory_space<vmem>>, vector<1x16xf32>,
    %swap3A_693 = arith.constant 14 : i32
    %swap3A_694 = arith.index_cast %swap3A_693 : i32 to index
    %swap3A_695 = arith.constant 32 : index
    %swap3A_696 = tpu.vector_load %arg7[%swap3A_694, %swap3A_695] {strides = array<i32>} : memref<16x128xf32, #tpu.memory_space<vmem>>, vector<1x16xf32>,
    %swap3A_697 = vector.shape_cast %swap3A_696 : vector<1x16xf32> to vector<16xf32>
    %swap3A_698 = vector.shape_cast %broadcast_in_dim3A_5 : vector<16xf32> to vector<1x16xf32>
    tpu.vector_store %arg7[%swap3A_694, %swap3A_695], %swap3A_698 {strides = array<i32>} : memref<16x128xf32, #tpu.memory_space<vmem>>, vector<1x16xf32>,
    %swap3A_699 = arith.constant 14 : i32
    %swap3A_700 = arith.index_cast %swap3A_699 : i32 to index
    %swap3A_701 = arith.constant 48 : index
    %swap3A_702 = tpu.vector_load %arg7[%swap3A_700, %swap3A_701] {strides = array<i32>} : memref<16x128xf32, #tpu.memory_space<vmem>>, vector<1x16xf32>,
    %swap3A_703 = vector.shape_cast %swap3A_702 : vector<1x16xf32> to vector<16xf32>
    %swap3A_704 = vector.shape_cast %broadcast_in_dim3A_5 : vector<16xf32> to vector<1x16xf32>
    tpu.vector_store %arg7[%swap3A_700, %swap3A_701], %swap3A_704 {strides = array<i32>} : memref<16x128xf32, #tpu.memory_space<vmem>>, vector<1x16xf32>,
    %swap3A_705 = arith.constant 14 : i32
    %swap3A_706 = arith.index_cast %swap3A_705 : i32 to index
    %swap3A_707 = arith.constant 64 : index
    %swap3A_708 = tpu.vector_load %arg7[%swap3A_706, %swap3A_707] {strides = array<i32>} : memref<16x128xf32, #tpu.memory_space<vmem>>, vector<1x16xf32>,
    %swap3A_709 = vector.shape_cast %swap3A_708 : vector<1x16xf32> to vector<16xf32>
    %swap3A_710 = vector.shape_cast %broadcast_in_dim3A_5 : vector<16xf32> to vector<1x16xf32>
    tpu.vector_store %arg7[%swap3A_706, %swap3A_707], %swap3A_710 {strides = array<i32>} : memref<16x128xf32, #tpu.memory_space<vmem>>, vector<1x16xf32>,
    %swap3A_711 = arith.constant 14 : i32
    %swap3A_712 = arith.index_cast %swap3A_711 : i32 to index
    %swap3A_713 = arith.constant 80 : index
    %swap3A_714 = tpu.vector_load %arg7[%swap3A_712, %swap3A_713] {strides = array<i32>} : memref<16x128xf32, #tpu.memory_space<vmem>>, vector<1x16xf32>,
    %swap3A_715 = vector.shape_cast %swap3A_714 : vector<1x16xf32> to vector<16xf32>
    %swap3A_716 = vector.shape_cast %broadcast_in_dim3A_5 : vector<16xf32> to vector<1x16xf32>
    tpu.vector_store %arg7[%swap3A_712, %swap3A_713], %swap3A_716 {strides = array<i32>} : memref<16x128xf32, #tpu.memory_space<vmem>>, vector<1x16xf32>,
    %swap3A_717 = arith.constant 14 : i32
    %swap3A_718 = arith.index_cast %swap3A_717 : i32 to index
    %swap3A_719 = arith.constant 96 : index
    %swap3A_720 = tpu.vector_load %arg7[%swap3A_718, %swap3A_719] {strides = array<i32>} : memref<16x128xf32, #tpu.memory_space<vmem>>, vector<1x16xf32>,
    %swap3A_721 = vector.shape_cast %swap3A_720 : vector<1x16xf32> to vector<16xf32>
    %swap3A_722 = vector.shape_cast %broadcast_in_dim3A_5 : vector<16xf32> to vector<1x16xf32>
    tpu.vector_store %arg7[%swap3A_718, %swap3A_719], %swap3A_722 {strides = array<i32>} : memref<16x128xf32, #tpu.memory_space<vmem>>, vector<1x16xf32>,
    %swap3A_723 = arith.constant 14 : i32
    %swap3A_724 = arith.index_cast %swap3A_723 : i32 to index
    %swap3A_725 = arith.constant 112 : index
    %swap3A_726 = tpu.vector_load %arg7[%swap3A_724, %swap3A_725] {strides = array<i32>} : memref<16x128xf32, #tpu.memory_space<vmem>>, vector<1x16xf32>,
    %swap3A_727 = vector.shape_cast %swap3A_726 : vector<1x16xf32> to vector<16xf32>
    %swap3A_728 = vector.shape_cast %broadcast_in_dim3A_5 : vector<16xf32> to vector<1x16xf32>
    tpu.vector_store %arg7[%swap3A_724, %swap3A_725], %swap3A_728 {strides = array<i32>} : memref<16x128xf32, #tpu.memory_space<vmem>>, vector<1x16xf32>,
    %swap3A_729 = arith.constant 15 : i32
    %swap3A_730 = arith.index_cast %swap3A_729 : i32 to index
    %swap3A_731 = arith.constant 0 : index
    %swap3A_732 = tpu.vector_load %arg7[%swap3A_730, %swap3A_731] {strides = array<i32>} : memref<16x128xf32, #tpu.memory_space<vmem>>, vector<1x16xf32>,
    %swap3A_733 = vector.shape_cast %swap3A_732 : vector<1x16xf32> to vector<16xf32>
    %swap3A_734 = vector.shape_cast %broadcast_in_dim3A_5 : vector<16xf32> to vector<1x16xf32>
    tpu.vector_store %arg7[%swap3A_730, %swap3A_731], %swap3A_734 {strides = array<i32>} : memref<16x128xf32, #tpu.memory_space<vmem>>, vector<1x16xf32>,
    %swap3A_735 = arith.constant 15 : i32
    %swap3A_736 = arith.index_cast %swap3A_735 : i32 to index
    %swap3A_737 = arith.constant 16 : index
    %swap3A_738 = tpu.vector_load %arg7[%swap3A_736, %swap3A_737] {strides = array<i32>} : memref<16x128xf32, #tpu.memory_space<vmem>>, vector<1x16xf32>,
    %swap3A_739 = vector.shape_cast %swap3A_738 : vector<1x16xf32> to vector<16xf32>
    %swap3A_740 = vector.shape_cast %broadcast_in_dim3A_5 : vector<16xf32> to vector<1x16xf32>
    tpu.vector_store %arg7[%swap3A_736, %swap3A_737], %swap3A_740 {strides = array<i32>} : memref<16x128xf32, #tpu.memory_space<vmem>>, vector<1x16xf32>,
    %swap3A_741 = arith.constant 15 : i32
    %swap3A_742 = arith.index_cast %swap3A_741 : i32 to index
    %swap3A_743 = arith.constant 32 : index
    %swap3A_744 = tpu.vector_load %arg7[%swap3A_742, %swap3A_743] {strides = array<i32>} : memref<16x128xf32, #tpu.memory_space<vmem>>, vector<1x16xf32>,
    %swap3A_745 = vector.shape_cast %swap3A_744 : vector<1x16xf32> to vector<16xf32>
    %swap3A_746 = vector.shape_cast %broadcast_in_dim3A_5 : vector<16xf32> to vector<1x16xf32>
    tpu.vector_store %arg7[%swap3A_742, %swap3A_743], %swap3A_746 {strides = array<i32>} : memref<16x128xf32, #tpu.memory_space<vmem>>, vector<1x16xf32>,
    %swap3A_747 = arith.constant 15 : i32
    %swap3A_748 = arith.index_cast %swap3A_747 : i32 to index
    %swap3A_749 = arith.constant 48 : index
    %swap3A_750 = tpu.vector_load %arg7[%swap3A_748, %swap3A_749] {strides = array<i32>} : memref<16x128xf32, #tpu.memory_space<vmem>>, vector<1x16xf32>,
    %swap3A_751 = vector.shape_cast %swap3A_750 : vector<1x16xf32> to vector<16xf32>
    %swap3A_752 = vector.shape_cast %broadcast_in_dim3A_5 : vector<16xf32> to vector<1x16xf32>
    tpu.vector_store %arg7[%swap3A_748, %swap3A_749], %swap3A_752 {strides = array<i32>} : memref<16x128xf32, #tpu.memory_space<vmem>>, vector<1x16xf32>,
    %swap3A_753 = arith.constant 15 : i32
    %swap3A_754 = arith.index_cast %swap3A_753 : i32 to index
    %swap3A_755 = arith.constant 64 : index
    %swap3A_756 = tpu.vector_load %arg7[%swap3A_754, %swap3A_755] {strides = array<i32>} : memref<16x128xf32, #tpu.memory_space<vmem>>, vector<1x16xf32>,
    %swap3A_757 = vector.shape_cast %swap3A_756 : vector<1x16xf32> to vector<16xf32>
    %swap3A_758 = vector.shape_cast %broadcast_in_dim3A_5 : vector<16xf32> to vector<1x16xf32>
    tpu.vector_store %arg7[%swap3A_754, %swap3A_755], %swap3A_758 {strides = array<i32>} : memref<16x128xf32, #tpu.memory_space<vmem>>, vector<1x16xf32>,
    %swap3A_759 = arith.constant 15 : i32
    %swap3A_760 = arith.index_cast %swap3A_759 : i32 to index
    %swap3A_761 = arith.constant 80 : index
    %swap3A_762 = tpu.vector_load %arg7[%swap3A_760, %swap3A_761] {strides = array<i32>} : memref<16x128xf32, #tpu.memory_space<vmem>>, vector<1x16xf32>,
    %swap3A_763 = vector.shape_cast %swap3A_762 : vector<1x16xf32> to vector<16xf32>
    %swap3A_764 = vector.shape_cast %broadcast_in_dim3A_5 : vector<16xf32> to vector<1x16xf32>
    tpu.vector_store %arg7[%swap3A_760, %swap3A_761], %swap3A_764 {strides = array<i32>} : memref<16x128xf32, #tpu.memory_space<vmem>>, vector<1x16xf32>,
    %swap3A_765 = arith.constant 15 : i32
    %swap3A_766 = arith.index_cast %swap3A_765 : i32 to index
    %swap3A_767 = arith.constant 96 : index
    %swap3A_768 = tpu.vector_load %arg7[%swap3A_766, %swap3A_767] {strides = array<i32>} : memref<16x128xf32, #tpu.memory_space<vmem>>, vector<1x16xf32>,
    %swap3A_769 = vector.shape_cast %swap3A_768 : vector<1x16xf32> to vector<16xf32>
    %swap3A_770 = vector.shape_cast %broadcast_in_dim3A_5 : vector<16xf32> to vector<1x16xf32>
    tpu.vector_store %arg7[%swap3A_766, %swap3A_767], %swap3A_770 {strides = array<i32>} : memref<16x128xf32, #tpu.memory_space<vmem>>, vector<1x16xf32>,
    %swap3A_771 = arith.constant 15 : i32
    %swap3A_772 = arith.index_cast %swap3A_771 : i32 to index
    %swap3A_773 = arith.constant 112 : index
    %swap3A_774 = tpu.vector_load %arg7[%swap3A_772, %swap3A_773] {strides = array<i32>} : memref<16x128xf32, #tpu.memory_space<vmem>>, vector<1x16xf32>,
    %swap3A_775 = vector.shape_cast %swap3A_774 : vector<1x16xf32> to vector<16xf32>
    %swap3A_776 = vector.shape_cast %broadcast_in_dim3A_5 : vector<16xf32> to vector<1x16xf32>
    tpu.vector_store %arg7[%swap3A_772, %swap3A_773], %swap3A_776 {strides = array<i32>} : memref<16x128xf32, #tpu.memory_space<vmem>>, vector<1x16xf32>,
    %mul3A_777 = arith.constant 640 : i32
    %mul3A_778 = arith.muli %arg1, %mul3A_777 : i32
    %scan3A_779 = arith.constant 0 : i32
    %scan3A_780 = arith.constant 40 : i32
    %scan3A_781 = arith.addi %scan3A_779, %scan3A_780 : i32
    %scan3A_782 = arith.constant 1 : i32
    scf.for %scan3A_790 = %scan3A_779 to %scan3A_781 step %scan3A_782  : i32 {
      %mul3A_791 = arith.constant 1 : i32
      %mul3A_792 = arith.muli %scan3A_790, %mul3A_791 : i32
      %add3A_793 = arith.constant 0 : i32
      %add3A_794 = arith.addi %add3A_793, %mul3A_792 : i32
      %mul3A_795 = arith.constant 16 : i32
      %mul3A_796 = arith.muli %add3A_794, %mul3A_795 : i32
      %add3A_797 = arith.addi %mul3A_778, %mul3A_796 : i32
      "tpu.region"() ({
        %run_scoped3A = tpu.sem_alloc : memref<!tpu.dma_semaphore, #tpu.memory_space<semaphore_mem>>
        %dma_start3A = arith.constant 0 : i32
        %dma_start3A_798 = tpu.memref_slice %arg4[%add3A_797, %dma_start3A] : memref<10240x128xf32, #tpu.memory_space<vmem_shared>> -> memref<16x128xf32, #tpu.memory_space<vmem_shared>>
        %dma_start3A_799 = arith.constant 0 : i32
        %dma_start3A_800 = tpu.memref_slice %arg4[%add3A_797, %dma_start3A_799] : memref<10240x128xf32, #tpu.memory_space<vmem_shared>> -> memref<16x128xf32, #tpu.memory_space<vmem_shared>>
        tpu.enqueue_dma source(%arg7 : memref<16x128xf32, #tpu.memory_space<vmem>>) target(%dma_start3A_800 : memref<16x128xf32, #tpu.memory_space<vmem_shared>>) target_semaphore(%run_scoped3A : memref<!tpu.dma_semaphore, #tpu.memory_space<semaphore_mem>>)
        %dma_wait3A = arith.constant 0 : i32
        %dma_wait3A_801 = tpu.memref_slice %arg4[%add3A_797, %dma_wait3A] : memref<10240x128xf32, #tpu.memory_space<vmem_shared>> -> memref<16x128xf32, #tpu.memory_space<vmem_shared>>
        %dma_wait3A_802 = arith.constant 0 : i32
        %dma_wait3A_803 = tpu.memref_slice %arg4[%add3A_797, %dma_wait3A_802] : memref<10240x128xf32, #tpu.memory_space<vmem_shared>> -> memref<16x128xf32, #tpu.memory_space<vmem_shared>>
        tpu.wait_dma2 semaphore(%run_scoped3A : memref<!tpu.dma_semaphore, #tpu.memory_space<semaphore_mem>>) src(%arg7 : memref<16x128xf32, #tpu.memory_space<vmem>>) dst(%dma_wait3A_803 : memref<16x128xf32, #tpu.memory_space<vmem_shared>>)
        tpu.yield
      }) : () -> ()
    }
    %scan3A_783 = arith.constant 40 : i32
    %barrier3A = arith.constant 0 : index
    tpu.barrier barrier_id(%barrier3A)
    %scan3A_784 = arith.constant 0 : i32
    %scan3A_785 = arith.constant 80 : i32
    %scan3A_786 = arith.addi %scan3A_784, %scan3A_785 : i32
    %scan3A_787 = arith.constant 1 : i32
    scf.for %scan3A_790 = %scan3A_784 to %scan3A_786 step %scan3A_787  : i32 {
      %mul3A_791 = arith.constant 1 : i32
      %mul3A_792 = arith.muli %scan3A_790, %mul3A_791 : i32
      %add3A_793 = arith.constant 0 : i32
      %add3A_794 = arith.addi %add3A_793, %mul3A_792 : i32
      "tpu.region"() ({
        %run_scoped3A = tpu.sem_alloc : memref<!tpu.dma_semaphore, #tpu.memory_space<semaphore_mem>>
        %dma_start3A = arith.constant 0 : i32
        %dma_start3A_795 = tpu.memref_slice %arg5[%add3A_794, %dma_start3A] : memref<80x128xi32, #tpu.memory_space<vmem>> -> memref<1x128xi32, #tpu.memory_space<vmem>>
        %dma_start3A_796 = tpu.memref_squeeze %dma_start3A_795 : memref<1x128xi32, #tpu.memory_space<vmem>> -> memref<128xi32, #tpu.memory_space<vmem>>
        %dma_start3A_797 = arith.constant 0 : i32
        %dma_start3A_798 = arith.constant 0 : i32
        %dma_start3A_799 = tpu.memref_slice %arg4[%dma_start3A_797, %dma_start3A_798] : memref<10240x128xf32, #tpu.memory_space<vmem_shared>> -> memref<10240x128xf32, #tpu.memory_space<vmem_shared>>
        tpu.enqueue_indirect_dma source(%arg6 : memref<128x128xf32, #tpu.memory_space<vmem>>) target(%dma_start3A_799 : memref<10240x128xf32, #tpu.memory_space<vmem_shared>>) offsets(%dma_start3A_796 : memref<128xi32, #tpu.memory_space<vmem>>) semaphore(%run_scoped3A : memref<!tpu.dma_semaphore, #tpu.memory_space<semaphore_mem>>) {add = true}
        %dma_wait3A = arith.constant 0 : i32
        %dma_wait3A_800 = tpu.memref_slice %arg5[%add3A_794, %dma_wait3A] : memref<80x128xi32, #tpu.memory_space<vmem>> -> memref<1x128xi32, #tpu.memory_space<vmem>>
        %dma_wait3A_801 = tpu.memref_squeeze %dma_wait3A_800 : memref<1x128xi32, #tpu.memory_space<vmem>> -> memref<128xi32, #tpu.memory_space<vmem>>
        %dma_wait3A_802 = arith.constant 0 : i32
        %dma_wait3A_803 = arith.constant 0 : i32
        %dma_wait3A_804 = tpu.memref_slice %arg4[%dma_wait3A_802, %dma_wait3A_803] : memref<10240x128xf32, #tpu.memory_space<vmem_shared>> -> memref<10240x128xf32, #tpu.memory_space<vmem_shared>>
        tpu.wait_indirect_dma semaphore(%run_scoped3A : memref<!tpu.dma_semaphore, #tpu.memory_space<semaphore_mem>>) src(%arg6 : memref<128x128xf32, #tpu.memory_space<vmem>>) dst(%dma_wait3A_804 : memref<10240x128xf32, #tpu.memory_space<vmem_shared>>)
        tpu.yield
      }) : () -> ()
    }
    %scan3A_788 = arith.constant 80 : i32
    %barrier3A_789 = arith.constant 0 : index
    tpu.barrier barrier_id(%barrier3A_789)
    "tpu.region"() ({
      %run_scoped3A = tpu.sem_alloc : memref<!tpu.dma_semaphore, #tpu.memory_space<semaphore_mem>>
      %dma_start3A = arith.constant 0 : i32
      %dma_start3A_790 = tpu.memref_slice %arg3[%arg0, %mul3A_778, %dma_start3A] : memref<2x10240x128xf32, #tpu.memory_space<hbm>> -> memref<1x640x128xf32, #tpu.memory_space<hbm>>
      %dma_start3A_791 = tpu.memref_squeeze %dma_start3A_790 : memref<1x640x128xf32, #tpu.memory_space<hbm>> -> memref<640x128xf32, #tpu.memory_space<hbm>>
      %dma_start3A_792 = arith.constant 0 : i32
      %dma_start3A_793 = tpu.memref_slice %arg4[%mul3A_778, %dma_start3A_792] : memref<10240x128xf32, #tpu.memory_space<vmem_shared>> -> memref<640x128xf32, #tpu.memory_space<vmem_shared>>
      tpu.enqueue_dma source(%dma_start3A_793 : memref<640x128xf32, #tpu.memory_space<vmem_shared>>) target(%dma_start3A_791 : memref<640x128xf32, #tpu.memory_space<hbm>>) target_semaphore(%run_scoped3A : memref<!tpu.dma_semaphore, #tpu.memory_space<semaphore_mem>>)
      %dma_wait3A = arith.constant 0 : i32
      %dma_wait3A_794 = tpu.memref_slice %arg3[%arg0, %mul3A_778, %dma_wait3A] : memref<2x10240x128xf32, #tpu.memory_space<hbm>> -> memref<1x640x128xf32, #tpu.memory_space<hbm>>
      %dma_wait3A_795 = tpu.memref_squeeze %dma_wait3A_794 : memref<1x640x128xf32, #tpu.memory_space<hbm>> -> memref<640x128xf32, #tpu.memory_space<hbm>>
      %dma_wait3A_796 = arith.constant 0 : i32
      %dma_wait3A_797 = tpu.memref_slice %arg4[%mul3A_778, %dma_wait3A_796] : memref<10240x128xf32, #tpu.memory_space<vmem_shared>> -> memref<640x128xf32, #tpu.memory_space<vmem_shared>>
      tpu.wait_dma2 semaphore(%run_scoped3A : memref<!tpu.dma_semaphore, #tpu.memory_space<semaphore_mem>>) src(%dma_wait3A_797 : memref<640x128xf32, #tpu.memory_space<vmem_shared>>) dst(%dma_wait3A_795 : memref<640x128xf32, #tpu.memory_space<hbm>>)
      tpu.yield
    }) : () -> ()
    return
  }
}

#map = affine_map<(d0, d1) -> (0, 0)>
#map1 = affine_map<(d0, d1) -> (0, 0, 0)>
module attributes {stable_mosaic.version = 14 : i64} {
  func.func @_scatter_kernel(%arg0: i32, %arg1: i32, %arg2: memref<10000x128xf32, #tpu.memory_space<hbm>>, %arg3: memref<2672x128xi32, #tpu.memory_space<hbm>>, %arg4: memref<2672x128xi32, #tpu.memory_space<hbm>>, %arg5: memref<2x10240x128xf32, #tpu.memory_space<hbm>>, %arg6: memref<10240x128xf32, #tpu.memory_space<vmem_shared>>, %arg7: memref<112x128xi32, #tpu.memory_space<vmem>>, %arg8: memref<2x128xi32, #tpu.memory_space<vmem>>, %arg9: memref<128x128xf32, #tpu.memory_space<vmem>>, %arg10: memref<128x128xf32, #tpu.memory_space<vmem>>, %arg11: memref<!tpu.dma_semaphore, #tpu.memory_space<semaphore_mem>>, %arg12: memref<!tpu.dma_semaphore, #tpu.memory_space<semaphore_mem>>, %arg13: memref<!tpu.dma_semaphore, #tpu.memory_space<semaphore_mem>>, %arg14: memref<!tpu.dma_semaphore, #tpu.memory_space<semaphore_mem>>, %arg15: memref<!tpu.dma_semaphore, #tpu.memory_space<semaphore_mem>>, %arg16: memref<!tpu.dma_semaphore, #tpu.memory_space<semaphore_mem>>) attributes {dimension_semantics = [#tpu.dimension_semantics<core_parallel>, #tpu.dimension_semantics<subcore_parallel>], iteration_bounds = array<i64: 2, 16>, scalar_prefetch = 0 : i64, scratch_operands = 11 : i64, tpu.core_type = #tpu.core_type<sc_vector_subcore>, window_params = [{transform_indices = #map}, {transform_indices = #map}, {transform_indices = #map}, {transform_indices = #map1}]} {
    %eq3A = arith.constant 0 : i32
    %eq3A_0 = arith.cmpi eq, %arg0, %eq3A : i32
    %jit3A = arith.constant 112 : i32
    %jit3A_1 = arith.constant 48 : i32
    %select_n3A = arith.select %eq3A_0, %jit3A, %jit3A_1 : i32
    %eq3A_2 = arith.constant 0 : i32
    %eq3A_3 = arith.cmpi eq, %arg0, %eq3A_2 : i32
    %mul3A = arith.constant 112 : i32
    %mul3A_4 = arith.muli %arg1, %mul3A : i32
    %mul3A_5 = arith.constant 48 : i32
    %mul3A_6 = arith.muli %arg1, %mul3A_5 : i32
    %add3A = arith.constant 1792 : i32
    %add3A_7 = arith.addi %add3A, %mul3A_6 : i32
    %select_n3A_8 = arith.select %eq3A_3, %mul3A_4, %add3A_7 : i32
    "tpu.region"() ({
      %run_scoped3A = tpu.sem_alloc : memref<!tpu.dma_semaphore, #tpu.memory_space<semaphore_mem>>
      %dma_start3A_935 = arith.constant 0 : i32
      %dma_start3A_936 = tpu.memref_slice %arg3[%select_n3A_8, %dma_start3A_935] : memref<2672x128xi32, #tpu.memory_space<hbm>> -> memref<112x128xi32, #tpu.memory_space<hbm>>
      %dma_start3A_937 = arith.constant 0 : i32
      %dma_start3A_938 = tpu.memref_slice %arg3[%select_n3A_8, %dma_start3A_937] : memref<2672x128xi32, #tpu.memory_space<hbm>> -> memref<112x128xi32, #tpu.memory_space<hbm>>
      tpu.enqueue_dma source(%dma_start3A_938 : memref<112x128xi32, #tpu.memory_space<hbm>>) target(%arg7 : memref<112x128xi32, #tpu.memory_space<vmem>>) target_semaphore(%run_scoped3A : memref<!tpu.dma_semaphore, #tpu.memory_space<semaphore_mem>>)
      %dma_wait3A_939 = arith.constant 0 : i32
      %dma_wait3A_940 = tpu.memref_slice %arg3[%select_n3A_8, %dma_wait3A_939] : memref<2672x128xi32, #tpu.memory_space<hbm>> -> memref<112x128xi32, #tpu.memory_space<hbm>>
      %dma_wait3A_941 = arith.constant 0 : i32
      %dma_wait3A_942 = tpu.memref_slice %arg3[%select_n3A_8, %dma_wait3A_941] : memref<2672x128xi32, #tpu.memory_space<hbm>> -> memref<112x128xi32, #tpu.memory_space<hbm>>
      tpu.wait_dma2 semaphore(%run_scoped3A : memref<!tpu.dma_semaphore, #tpu.memory_space<semaphore_mem>>) src(%dma_wait3A_942 : memref<112x128xi32, #tpu.memory_space<hbm>>) dst(%arg7 : memref<112x128xi32, #tpu.memory_space<vmem>>)
      tpu.yield
    }) : () -> ()
    %broadcast_in_dim3A = arith.constant 0.000000e+00 : f32
    %broadcast_in_dim3A_9 = vector.broadcast %broadcast_in_dim3A : f32 to vector<16xf32>
    %swap3A = arith.constant 0 : i32
    %swap3A_10 = arith.index_cast %swap3A : i32 to index
    %swap3A_11 = arith.constant 0 : index
    %swap3A_12 = tpu.vector_load %arg9[%swap3A_10, %swap3A_11] {strides = array<i32>} : memref<128x128xf32, #tpu.memory_space<vmem>>, vector<1x16xf32>,
    %swap3A_13 = vector.shape_cast %swap3A_12 : vector<1x16xf32> to vector<16xf32>
    %swap3A_14 = vector.shape_cast %broadcast_in_dim3A_9 : vector<16xf32> to vector<1x16xf32>
    tpu.vector_store %arg9[%swap3A_10, %swap3A_11], %swap3A_14 {strides = array<i32>} : memref<128x128xf32, #tpu.memory_space<vmem>>, vector<1x16xf32>,
    %swap3A_15 = arith.constant 0 : i32
    %swap3A_16 = arith.index_cast %swap3A_15 : i32 to index
    %swap3A_17 = arith.constant 16 : index
    %swap3A_18 = tpu.vector_load %arg9[%swap3A_16, %swap3A_17] {strides = array<i32>} : memref<128x128xf32, #tpu.memory_space<vmem>>, vector<1x16xf32>,
    %swap3A_19 = vector.shape_cast %swap3A_18 : vector<1x16xf32> to vector<16xf32>
    %swap3A_20 = vector.shape_cast %broadcast_in_dim3A_9 : vector<16xf32> to vector<1x16xf32>
    tpu.vector_store %arg9[%swap3A_16, %swap3A_17], %swap3A_20 {strides = array<i32>} : memref<128x128xf32, #tpu.memory_space<vmem>>, vector<1x16xf32>,
    %swap3A_21 = arith.constant 0 : i32
    %swap3A_22 = arith.index_cast %swap3A_21 : i32 to index
    %swap3A_23 = arith.constant 32 : index
    %swap3A_24 = tpu.vector_load %arg9[%swap3A_22, %swap3A_23] {strides = array<i32>} : memref<128x128xf32, #tpu.memory_space<vmem>>, vector<1x16xf32>,
    %swap3A_25 = vector.shape_cast %swap3A_24 : vector<1x16xf32> to vector<16xf32>
    %swap3A_26 = vector.shape_cast %broadcast_in_dim3A_9 : vector<16xf32> to vector<1x16xf32>
    tpu.vector_store %arg9[%swap3A_22, %swap3A_23], %swap3A_26 {strides = array<i32>} : memref<128x128xf32, #tpu.memory_space<vmem>>, vector<1x16xf32>,
    %swap3A_27 = arith.constant 0 : i32
    %swap3A_28 = arith.index_cast %swap3A_27 : i32 to index
    %swap3A_29 = arith.constant 48 : index
    %swap3A_30 = tpu.vector_load %arg9[%swap3A_28, %swap3A_29] {strides = array<i32>} : memref<128x128xf32, #tpu.memory_space<vmem>>, vector<1x16xf32>,
    %swap3A_31 = vector.shape_cast %swap3A_30 : vector<1x16xf32> to vector<16xf32>
    %swap3A_32 = vector.shape_cast %broadcast_in_dim3A_9 : vector<16xf32> to vector<1x16xf32>
    tpu.vector_store %arg9[%swap3A_28, %swap3A_29], %swap3A_32 {strides = array<i32>} : memref<128x128xf32, #tpu.memory_space<vmem>>, vector<1x16xf32>,
    %swap3A_33 = arith.constant 0 : i32
    %swap3A_34 = arith.index_cast %swap3A_33 : i32 to index
    %swap3A_35 = arith.constant 64 : index
    %swap3A_36 = tpu.vector_load %arg9[%swap3A_34, %swap3A_35] {strides = array<i32>} : memref<128x128xf32, #tpu.memory_space<vmem>>, vector<1x16xf32>,
    %swap3A_37 = vector.shape_cast %swap3A_36 : vector<1x16xf32> to vector<16xf32>
    %swap3A_38 = vector.shape_cast %broadcast_in_dim3A_9 : vector<16xf32> to vector<1x16xf32>
    tpu.vector_store %arg9[%swap3A_34, %swap3A_35], %swap3A_38 {strides = array<i32>} : memref<128x128xf32, #tpu.memory_space<vmem>>, vector<1x16xf32>,
    %swap3A_39 = arith.constant 0 : i32
    %swap3A_40 = arith.index_cast %swap3A_39 : i32 to index
    %swap3A_41 = arith.constant 80 : index
    %swap3A_42 = tpu.vector_load %arg9[%swap3A_40, %swap3A_41] {strides = array<i32>} : memref<128x128xf32, #tpu.memory_space<vmem>>, vector<1x16xf32>,
    %swap3A_43 = vector.shape_cast %swap3A_42 : vector<1x16xf32> to vector<16xf32>
    %swap3A_44 = vector.shape_cast %broadcast_in_dim3A_9 : vector<16xf32> to vector<1x16xf32>
    tpu.vector_store %arg9[%swap3A_40, %swap3A_41], %swap3A_44 {strides = array<i32>} : memref<128x128xf32, #tpu.memory_space<vmem>>, vector<1x16xf32>,
    %swap3A_45 = arith.constant 0 : i32
    %swap3A_46 = arith.index_cast %swap3A_45 : i32 to index
    %swap3A_47 = arith.constant 96 : index
    %swap3A_48 = tpu.vector_load %arg9[%swap3A_46, %swap3A_47] {strides = array<i32>} : memref<128x128xf32, #tpu.memory_space<vmem>>, vector<1x16xf32>,
    %swap3A_49 = vector.shape_cast %swap3A_48 : vector<1x16xf32> to vector<16xf32>
    %swap3A_50 = vector.shape_cast %broadcast_in_dim3A_9 : vector<16xf32> to vector<1x16xf32>
    tpu.vector_store %arg9[%swap3A_46, %swap3A_47], %swap3A_50 {strides = array<i32>} : memref<128x128xf32, #tpu.memory_space<vmem>>, vector<1x16xf32>,
    %swap3A_51 = arith.constant 0 : i32
    %swap3A_52 = arith.index_cast %swap3A_51 : i32 to index
    %swap3A_53 = arith.constant 112 : index
    %swap3A_54 = tpu.vector_load %arg9[%swap3A_52, %swap3A_53] {strides = array<i32>} : memref<128x128xf32, #tpu.memory_space<vmem>>, vector<1x16xf32>,
    %swap3A_55 = vector.shape_cast %swap3A_54 : vector<1x16xf32> to vector<16xf32>
    %swap3A_56 = vector.shape_cast %broadcast_in_dim3A_9 : vector<16xf32> to vector<1x16xf32>
    tpu.vector_store %arg9[%swap3A_52, %swap3A_53], %swap3A_56 {strides = array<i32>} : memref<128x128xf32, #tpu.memory_space<vmem>>, vector<1x16xf32>,
    %swap3A_57 = arith.constant 1 : i32
    %swap3A_58 = arith.index_cast %swap3A_57 : i32 to index
    %swap3A_59 = arith.constant 0 : index
    %swap3A_60 = tpu.vector_load %arg9[%swap3A_58, %swap3A_59] {strides = array<i32>} : memref<128x128xf32, #tpu.memory_space<vmem>>, vector<1x16xf32>,
    %swap3A_61 = vector.shape_cast %swap3A_60 : vector<1x16xf32> to vector<16xf32>
    %swap3A_62 = vector.shape_cast %broadcast_in_dim3A_9 : vector<16xf32> to vector<1x16xf32>
    tpu.vector_store %arg9[%swap3A_58, %swap3A_59], %swap3A_62 {strides = array<i32>} : memref<128x128xf32, #tpu.memory_space<vmem>>, vector<1x16xf32>,
    %swap3A_63 = arith.constant 1 : i32
    %swap3A_64 = arith.index_cast %swap3A_63 : i32 to index
    %swap3A_65 = arith.constant 16 : index
    %swap3A_66 = tpu.vector_load %arg9[%swap3A_64, %swap3A_65] {strides = array<i32>} : memref<128x128xf32, #tpu.memory_space<vmem>>, vector<1x16xf32>,
    %swap3A_67 = vector.shape_cast %swap3A_66 : vector<1x16xf32> to vector<16xf32>
    %swap3A_68 = vector.shape_cast %broadcast_in_dim3A_9 : vector<16xf32> to vector<1x16xf32>
    tpu.vector_store %arg9[%swap3A_64, %swap3A_65], %swap3A_68 {strides = array<i32>} : memref<128x128xf32, #tpu.memory_space<vmem>>, vector<1x16xf32>,
    %swap3A_69 = arith.constant 1 : i32
    %swap3A_70 = arith.index_cast %swap3A_69 : i32 to index
    %swap3A_71 = arith.constant 32 : index
    %swap3A_72 = tpu.vector_load %arg9[%swap3A_70, %swap3A_71] {strides = array<i32>} : memref<128x128xf32, #tpu.memory_space<vmem>>, vector<1x16xf32>,
    %swap3A_73 = vector.shape_cast %swap3A_72 : vector<1x16xf32> to vector<16xf32>
    %swap3A_74 = vector.shape_cast %broadcast_in_dim3A_9 : vector<16xf32> to vector<1x16xf32>
    tpu.vector_store %arg9[%swap3A_70, %swap3A_71], %swap3A_74 {strides = array<i32>} : memref<128x128xf32, #tpu.memory_space<vmem>>, vector<1x16xf32>,
    %swap3A_75 = arith.constant 1 : i32
    %swap3A_76 = arith.index_cast %swap3A_75 : i32 to index
    %swap3A_77 = arith.constant 48 : index
    %swap3A_78 = tpu.vector_load %arg9[%swap3A_76, %swap3A_77] {strides = array<i32>} : memref<128x128xf32, #tpu.memory_space<vmem>>, vector<1x16xf32>,
    %swap3A_79 = vector.shape_cast %swap3A_78 : vector<1x16xf32> to vector<16xf32>
    %swap3A_80 = vector.shape_cast %broadcast_in_dim3A_9 : vector<16xf32> to vector<1x16xf32>
    tpu.vector_store %arg9[%swap3A_76, %swap3A_77], %swap3A_80 {strides = array<i32>} : memref<128x128xf32, #tpu.memory_space<vmem>>, vector<1x16xf32>,
    %swap3A_81 = arith.constant 1 : i32
    %swap3A_82 = arith.index_cast %swap3A_81 : i32 to index
    %swap3A_83 = arith.constant 64 : index
    %swap3A_84 = tpu.vector_load %arg9[%swap3A_82, %swap3A_83] {strides = array<i32>} : memref<128x128xf32, #tpu.memory_space<vmem>>, vector<1x16xf32>,
    %swap3A_85 = vector.shape_cast %swap3A_84 : vector<1x16xf32> to vector<16xf32>
    %swap3A_86 = vector.shape_cast %broadcast_in_dim3A_9 : vector<16xf32> to vector<1x16xf32>
    tpu.vector_store %arg9[%swap3A_82, %swap3A_83], %swap3A_86 {strides = array<i32>} : memref<128x128xf32, #tpu.memory_space<vmem>>, vector<1x16xf32>,
    %swap3A_87 = arith.constant 1 : i32
    %swap3A_88 = arith.index_cast %swap3A_87 : i32 to index
    %swap3A_89 = arith.constant 80 : index
    %swap3A_90 = tpu.vector_load %arg9[%swap3A_88, %swap3A_89] {strides = array<i32>} : memref<128x128xf32, #tpu.memory_space<vmem>>, vector<1x16xf32>,
    %swap3A_91 = vector.shape_cast %swap3A_90 : vector<1x16xf32> to vector<16xf32>
    %swap3A_92 = vector.shape_cast %broadcast_in_dim3A_9 : vector<16xf32> to vector<1x16xf32>
    tpu.vector_store %arg9[%swap3A_88, %swap3A_89], %swap3A_92 {strides = array<i32>} : memref<128x128xf32, #tpu.memory_space<vmem>>, vector<1x16xf32>,
    %swap3A_93 = arith.constant 1 : i32
    %swap3A_94 = arith.index_cast %swap3A_93 : i32 to index
    %swap3A_95 = arith.constant 96 : index
    %swap3A_96 = tpu.vector_load %arg9[%swap3A_94, %swap3A_95] {strides = array<i32>} : memref<128x128xf32, #tpu.memory_space<vmem>>, vector<1x16xf32>,
    %swap3A_97 = vector.shape_cast %swap3A_96 : vector<1x16xf32> to vector<16xf32>
    %swap3A_98 = vector.shape_cast %broadcast_in_dim3A_9 : vector<16xf32> to vector<1x16xf32>
    tpu.vector_store %arg9[%swap3A_94, %swap3A_95], %swap3A_98 {strides = array<i32>} : memref<128x128xf32, #tpu.memory_space<vmem>>, vector<1x16xf32>,
    %swap3A_99 = arith.constant 1 : i32
    %swap3A_100 = arith.index_cast %swap3A_99 : i32 to index
    %swap3A_101 = arith.constant 112 : index
    %swap3A_102 = tpu.vector_load %arg9[%swap3A_100, %swap3A_101] {strides = array<i32>} : memref<128x128xf32, #tpu.memory_space<vmem>>, vector<1x16xf32>,
    %swap3A_103 = vector.shape_cast %swap3A_102 : vector<1x16xf32> to vector<16xf32>
    %swap3A_104 = vector.shape_cast %broadcast_in_dim3A_9 : vector<16xf32> to vector<1x16xf32>
    tpu.vector_store %arg9[%swap3A_100, %swap3A_101], %swap3A_104 {strides = array<i32>} : memref<128x128xf32, #tpu.memory_space<vmem>>, vector<1x16xf32>,
    %swap3A_105 = arith.constant 2 : i32
    %swap3A_106 = arith.index_cast %swap3A_105 : i32 to index
    %swap3A_107 = arith.constant 0 : index
    %swap3A_108 = tpu.vector_load %arg9[%swap3A_106, %swap3A_107] {strides = array<i32>} : memref<128x128xf32, #tpu.memory_space<vmem>>, vector<1x16xf32>,
    %swap3A_109 = vector.shape_cast %swap3A_108 : vector<1x16xf32> to vector<16xf32>
    %swap3A_110 = vector.shape_cast %broadcast_in_dim3A_9 : vector<16xf32> to vector<1x16xf32>
    tpu.vector_store %arg9[%swap3A_106, %swap3A_107], %swap3A_110 {strides = array<i32>} : memref<128x128xf32, #tpu.memory_space<vmem>>, vector<1x16xf32>,
    %swap3A_111 = arith.constant 2 : i32
    %swap3A_112 = arith.index_cast %swap3A_111 : i32 to index
    %swap3A_113 = arith.constant 16 : index
    %swap3A_114 = tpu.vector_load %arg9[%swap3A_112, %swap3A_113] {strides = array<i32>} : memref<128x128xf32, #tpu.memory_space<vmem>>, vector<1x16xf32>,
    %swap3A_115 = vector.shape_cast %swap3A_114 : vector<1x16xf32> to vector<16xf32>
    %swap3A_116 = vector.shape_cast %broadcast_in_dim3A_9 : vector<16xf32> to vector<1x16xf32>
    tpu.vector_store %arg9[%swap3A_112, %swap3A_113], %swap3A_116 {strides = array<i32>} : memref<128x128xf32, #tpu.memory_space<vmem>>, vector<1x16xf32>,
    %swap3A_117 = arith.constant 2 : i32
    %swap3A_118 = arith.index_cast %swap3A_117 : i32 to index
    %swap3A_119 = arith.constant 32 : index
    %swap3A_120 = tpu.vector_load %arg9[%swap3A_118, %swap3A_119] {strides = array<i32>} : memref<128x128xf32, #tpu.memory_space<vmem>>, vector<1x16xf32>,
    %swap3A_121 = vector.shape_cast %swap3A_120 : vector<1x16xf32> to vector<16xf32>
    %swap3A_122 = vector.shape_cast %broadcast_in_dim3A_9 : vector<16xf32> to vector<1x16xf32>
    tpu.vector_store %arg9[%swap3A_118, %swap3A_119], %swap3A_122 {strides = array<i32>} : memref<128x128xf32, #tpu.memory_space<vmem>>, vector<1x16xf32>,
    %swap3A_123 = arith.constant 2 : i32
    %swap3A_124 = arith.index_cast %swap3A_123 : i32 to index
    %swap3A_125 = arith.constant 48 : index
    %swap3A_126 = tpu.vector_load %arg9[%swap3A_124, %swap3A_125] {strides = array<i32>} : memref<128x128xf32, #tpu.memory_space<vmem>>, vector<1x16xf32>,
    %swap3A_127 = vector.shape_cast %swap3A_126 : vector<1x16xf32> to vector<16xf32>
    %swap3A_128 = vector.shape_cast %broadcast_in_dim3A_9 : vector<16xf32> to vector<1x16xf32>
    tpu.vector_store %arg9[%swap3A_124, %swap3A_125], %swap3A_128 {strides = array<i32>} : memref<128x128xf32, #tpu.memory_space<vmem>>, vector<1x16xf32>,
    %swap3A_129 = arith.constant 2 : i32
    %swap3A_130 = arith.index_cast %swap3A_129 : i32 to index
    %swap3A_131 = arith.constant 64 : index
    %swap3A_132 = tpu.vector_load %arg9[%swap3A_130, %swap3A_131] {strides = array<i32>} : memref<128x128xf32, #tpu.memory_space<vmem>>, vector<1x16xf32>,
    %swap3A_133 = vector.shape_cast %swap3A_132 : vector<1x16xf32> to vector<16xf32>
    %swap3A_134 = vector.shape_cast %broadcast_in_dim3A_9 : vector<16xf32> to vector<1x16xf32>
    tpu.vector_store %arg9[%swap3A_130, %swap3A_131], %swap3A_134 {strides = array<i32>} : memref<128x128xf32, #tpu.memory_space<vmem>>, vector<1x16xf32>,
    %swap3A_135 = arith.constant 2 : i32
    %swap3A_136 = arith.index_cast %swap3A_135 : i32 to index
    %swap3A_137 = arith.constant 80 : index
    %swap3A_138 = tpu.vector_load %arg9[%swap3A_136, %swap3A_137] {strides = array<i32>} : memref<128x128xf32, #tpu.memory_space<vmem>>, vector<1x16xf32>,
    %swap3A_139 = vector.shape_cast %swap3A_138 : vector<1x16xf32> to vector<16xf32>
    %swap3A_140 = vector.shape_cast %broadcast_in_dim3A_9 : vector<16xf32> to vector<1x16xf32>
    tpu.vector_store %arg9[%swap3A_136, %swap3A_137], %swap3A_140 {strides = array<i32>} : memref<128x128xf32, #tpu.memory_space<vmem>>, vector<1x16xf32>,
    %swap3A_141 = arith.constant 2 : i32
    %swap3A_142 = arith.index_cast %swap3A_141 : i32 to index
    %swap3A_143 = arith.constant 96 : index
    %swap3A_144 = tpu.vector_load %arg9[%swap3A_142, %swap3A_143] {strides = array<i32>} : memref<128x128xf32, #tpu.memory_space<vmem>>, vector<1x16xf32>,
    %swap3A_145 = vector.shape_cast %swap3A_144 : vector<1x16xf32> to vector<16xf32>
    %swap3A_146 = vector.shape_cast %broadcast_in_dim3A_9 : vector<16xf32> to vector<1x16xf32>
    tpu.vector_store %arg9[%swap3A_142, %swap3A_143], %swap3A_146 {strides = array<i32>} : memref<128x128xf32, #tpu.memory_space<vmem>>, vector<1x16xf32>,
    %swap3A_147 = arith.constant 2 : i32
    %swap3A_148 = arith.index_cast %swap3A_147 : i32 to index
    %swap3A_149 = arith.constant 112 : index
    %swap3A_150 = tpu.vector_load %arg9[%swap3A_148, %swap3A_149] {strides = array<i32>} : memref<128x128xf32, #tpu.memory_space<vmem>>, vector<1x16xf32>,
    %swap3A_151 = vector.shape_cast %swap3A_150 : vector<1x16xf32> to vector<16xf32>
    %swap3A_152 = vector.shape_cast %broadcast_in_dim3A_9 : vector<16xf32> to vector<1x16xf32>
    tpu.vector_store %arg9[%swap3A_148, %swap3A_149], %swap3A_152 {strides = array<i32>} : memref<128x128xf32, #tpu.memory_space<vmem>>, vector<1x16xf32>,
    %swap3A_153 = arith.constant 3 : i32
    %swap3A_154 = arith.index_cast %swap3A_153 : i32 to index
    %swap3A_155 = arith.constant 0 : index
    %swap3A_156 = tpu.vector_load %arg9[%swap3A_154, %swap3A_155] {strides = array<i32>} : memref<128x128xf32, #tpu.memory_space<vmem>>, vector<1x16xf32>,
    %swap3A_157 = vector.shape_cast %swap3A_156 : vector<1x16xf32> to vector<16xf32>
    %swap3A_158 = vector.shape_cast %broadcast_in_dim3A_9 : vector<16xf32> to vector<1x16xf32>
    tpu.vector_store %arg9[%swap3A_154, %swap3A_155], %swap3A_158 {strides = array<i32>} : memref<128x128xf32, #tpu.memory_space<vmem>>, vector<1x16xf32>,
    %swap3A_159 = arith.constant 3 : i32
    %swap3A_160 = arith.index_cast %swap3A_159 : i32 to index
    %swap3A_161 = arith.constant 16 : index
    %swap3A_162 = tpu.vector_load %arg9[%swap3A_160, %swap3A_161] {strides = array<i32>} : memref<128x128xf32, #tpu.memory_space<vmem>>, vector<1x16xf32>,
    %swap3A_163 = vector.shape_cast %swap3A_162 : vector<1x16xf32> to vector<16xf32>
    %swap3A_164 = vector.shape_cast %broadcast_in_dim3A_9 : vector<16xf32> to vector<1x16xf32>
    tpu.vector_store %arg9[%swap3A_160, %swap3A_161], %swap3A_164 {strides = array<i32>} : memref<128x128xf32, #tpu.memory_space<vmem>>, vector<1x16xf32>,
    %swap3A_165 = arith.constant 3 : i32
    %swap3A_166 = arith.index_cast %swap3A_165 : i32 to index
    %swap3A_167 = arith.constant 32 : index
    %swap3A_168 = tpu.vector_load %arg9[%swap3A_166, %swap3A_167] {strides = array<i32>} : memref<128x128xf32, #tpu.memory_space<vmem>>, vector<1x16xf32>,
    %swap3A_169 = vector.shape_cast %swap3A_168 : vector<1x16xf32> to vector<16xf32>
    %swap3A_170 = vector.shape_cast %broadcast_in_dim3A_9 : vector<16xf32> to vector<1x16xf32>
    tpu.vector_store %arg9[%swap3A_166, %swap3A_167], %swap3A_170 {strides = array<i32>} : memref<128x128xf32, #tpu.memory_space<vmem>>, vector<1x16xf32>,
    %swap3A_171 = arith.constant 3 : i32
    %swap3A_172 = arith.index_cast %swap3A_171 : i32 to index
    %swap3A_173 = arith.constant 48 : index
    %swap3A_174 = tpu.vector_load %arg9[%swap3A_172, %swap3A_173] {strides = array<i32>} : memref<128x128xf32, #tpu.memory_space<vmem>>, vector<1x16xf32>,
    %swap3A_175 = vector.shape_cast %swap3A_174 : vector<1x16xf32> to vector<16xf32>
    %swap3A_176 = vector.shape_cast %broadcast_in_dim3A_9 : vector<16xf32> to vector<1x16xf32>
    tpu.vector_store %arg9[%swap3A_172, %swap3A_173], %swap3A_176 {strides = array<i32>} : memref<128x128xf32, #tpu.memory_space<vmem>>, vector<1x16xf32>,
    %swap3A_177 = arith.constant 3 : i32
    %swap3A_178 = arith.index_cast %swap3A_177 : i32 to index
    %swap3A_179 = arith.constant 64 : index
    %swap3A_180 = tpu.vector_load %arg9[%swap3A_178, %swap3A_179] {strides = array<i32>} : memref<128x128xf32, #tpu.memory_space<vmem>>, vector<1x16xf32>,
    %swap3A_181 = vector.shape_cast %swap3A_180 : vector<1x16xf32> to vector<16xf32>
    %swap3A_182 = vector.shape_cast %broadcast_in_dim3A_9 : vector<16xf32> to vector<1x16xf32>
    tpu.vector_store %arg9[%swap3A_178, %swap3A_179], %swap3A_182 {strides = array<i32>} : memref<128x128xf32, #tpu.memory_space<vmem>>, vector<1x16xf32>,
    %swap3A_183 = arith.constant 3 : i32
    %swap3A_184 = arith.index_cast %swap3A_183 : i32 to index
    %swap3A_185 = arith.constant 80 : index
    %swap3A_186 = tpu.vector_load %arg9[%swap3A_184, %swap3A_185] {strides = array<i32>} : memref<128x128xf32, #tpu.memory_space<vmem>>, vector<1x16xf32>,
    %swap3A_187 = vector.shape_cast %swap3A_186 : vector<1x16xf32> to vector<16xf32>
    %swap3A_188 = vector.shape_cast %broadcast_in_dim3A_9 : vector<16xf32> to vector<1x16xf32>
    tpu.vector_store %arg9[%swap3A_184, %swap3A_185], %swap3A_188 {strides = array<i32>} : memref<128x128xf32, #tpu.memory_space<vmem>>, vector<1x16xf32>,
    %swap3A_189 = arith.constant 3 : i32
    %swap3A_190 = arith.index_cast %swap3A_189 : i32 to index
    %swap3A_191 = arith.constant 96 : index
    %swap3A_192 = tpu.vector_load %arg9[%swap3A_190, %swap3A_191] {strides = array<i32>} : memref<128x128xf32, #tpu.memory_space<vmem>>, vector<1x16xf32>,
    %swap3A_193 = vector.shape_cast %swap3A_192 : vector<1x16xf32> to vector<16xf32>
    %swap3A_194 = vector.shape_cast %broadcast_in_dim3A_9 : vector<16xf32> to vector<1x16xf32>
    tpu.vector_store %arg9[%swap3A_190, %swap3A_191], %swap3A_194 {strides = array<i32>} : memref<128x128xf32, #tpu.memory_space<vmem>>, vector<1x16xf32>,
    %swap3A_195 = arith.constant 3 : i32
    %swap3A_196 = arith.index_cast %swap3A_195 : i32 to index
    %swap3A_197 = arith.constant 112 : index
    %swap3A_198 = tpu.vector_load %arg9[%swap3A_196, %swap3A_197] {strides = array<i32>} : memref<128x128xf32, #tpu.memory_space<vmem>>, vector<1x16xf32>,
    %swap3A_199 = vector.shape_cast %swap3A_198 : vector<1x16xf32> to vector<16xf32>
    %swap3A_200 = vector.shape_cast %broadcast_in_dim3A_9 : vector<16xf32> to vector<1x16xf32>
    tpu.vector_store %arg9[%swap3A_196, %swap3A_197], %swap3A_200 {strides = array<i32>} : memref<128x128xf32, #tpu.memory_space<vmem>>, vector<1x16xf32>,
    %swap3A_201 = arith.constant 4 : i32
    %swap3A_202 = arith.index_cast %swap3A_201 : i32 to index
    %swap3A_203 = arith.constant 0 : index
    %swap3A_204 = tpu.vector_load %arg9[%swap3A_202, %swap3A_203] {strides = array<i32>} : memref<128x128xf32, #tpu.memory_space<vmem>>, vector<1x16xf32>,
    %swap3A_205 = vector.shape_cast %swap3A_204 : vector<1x16xf32> to vector<16xf32>
    %swap3A_206 = vector.shape_cast %broadcast_in_dim3A_9 : vector<16xf32> to vector<1x16xf32>
    tpu.vector_store %arg9[%swap3A_202, %swap3A_203], %swap3A_206 {strides = array<i32>} : memref<128x128xf32, #tpu.memory_space<vmem>>, vector<1x16xf32>,
    %swap3A_207 = arith.constant 4 : i32
    %swap3A_208 = arith.index_cast %swap3A_207 : i32 to index
    %swap3A_209 = arith.constant 16 : index
    %swap3A_210 = tpu.vector_load %arg9[%swap3A_208, %swap3A_209] {strides = array<i32>} : memref<128x128xf32, #tpu.memory_space<vmem>>, vector<1x16xf32>,
    %swap3A_211 = vector.shape_cast %swap3A_210 : vector<1x16xf32> to vector<16xf32>
    %swap3A_212 = vector.shape_cast %broadcast_in_dim3A_9 : vector<16xf32> to vector<1x16xf32>
    tpu.vector_store %arg9[%swap3A_208, %swap3A_209], %swap3A_212 {strides = array<i32>} : memref<128x128xf32, #tpu.memory_space<vmem>>, vector<1x16xf32>,
    %swap3A_213 = arith.constant 4 : i32
    %swap3A_214 = arith.index_cast %swap3A_213 : i32 to index
    %swap3A_215 = arith.constant 32 : index
    %swap3A_216 = tpu.vector_load %arg9[%swap3A_214, %swap3A_215] {strides = array<i32>} : memref<128x128xf32, #tpu.memory_space<vmem>>, vector<1x16xf32>,
    %swap3A_217 = vector.shape_cast %swap3A_216 : vector<1x16xf32> to vector<16xf32>
    %swap3A_218 = vector.shape_cast %broadcast_in_dim3A_9 : vector<16xf32> to vector<1x16xf32>
    tpu.vector_store %arg9[%swap3A_214, %swap3A_215], %swap3A_218 {strides = array<i32>} : memref<128x128xf32, #tpu.memory_space<vmem>>, vector<1x16xf32>,
    %swap3A_219 = arith.constant 4 : i32
    %swap3A_220 = arith.index_cast %swap3A_219 : i32 to index
    %swap3A_221 = arith.constant 48 : index
    %swap3A_222 = tpu.vector_load %arg9[%swap3A_220, %swap3A_221] {strides = array<i32>} : memref<128x128xf32, #tpu.memory_space<vmem>>, vector<1x16xf32>,
    %swap3A_223 = vector.shape_cast %swap3A_222 : vector<1x16xf32> to vector<16xf32>
    %swap3A_224 = vector.shape_cast %broadcast_in_dim3A_9 : vector<16xf32> to vector<1x16xf32>
    tpu.vector_store %arg9[%swap3A_220, %swap3A_221], %swap3A_224 {strides = array<i32>} : memref<128x128xf32, #tpu.memory_space<vmem>>, vector<1x16xf32>,
    %swap3A_225 = arith.constant 4 : i32
    %swap3A_226 = arith.index_cast %swap3A_225 : i32 to index
    %swap3A_227 = arith.constant 64 : index
    %swap3A_228 = tpu.vector_load %arg9[%swap3A_226, %swap3A_227] {strides = array<i32>} : memref<128x128xf32, #tpu.memory_space<vmem>>, vector<1x16xf32>,
    %swap3A_229 = vector.shape_cast %swap3A_228 : vector<1x16xf32> to vector<16xf32>
    %swap3A_230 = vector.shape_cast %broadcast_in_dim3A_9 : vector<16xf32> to vector<1x16xf32>
    tpu.vector_store %arg9[%swap3A_226, %swap3A_227], %swap3A_230 {strides = array<i32>} : memref<128x128xf32, #tpu.memory_space<vmem>>, vector<1x16xf32>,
    %swap3A_231 = arith.constant 4 : i32
    %swap3A_232 = arith.index_cast %swap3A_231 : i32 to index
    %swap3A_233 = arith.constant 80 : index
    %swap3A_234 = tpu.vector_load %arg9[%swap3A_232, %swap3A_233] {strides = array<i32>} : memref<128x128xf32, #tpu.memory_space<vmem>>, vector<1x16xf32>,
    %swap3A_235 = vector.shape_cast %swap3A_234 : vector<1x16xf32> to vector<16xf32>
    %swap3A_236 = vector.shape_cast %broadcast_in_dim3A_9 : vector<16xf32> to vector<1x16xf32>
    tpu.vector_store %arg9[%swap3A_232, %swap3A_233], %swap3A_236 {strides = array<i32>} : memref<128x128xf32, #tpu.memory_space<vmem>>, vector<1x16xf32>,
    %swap3A_237 = arith.constant 4 : i32
    %swap3A_238 = arith.index_cast %swap3A_237 : i32 to index
    %swap3A_239 = arith.constant 96 : index
    %swap3A_240 = tpu.vector_load %arg9[%swap3A_238, %swap3A_239] {strides = array<i32>} : memref<128x128xf32, #tpu.memory_space<vmem>>, vector<1x16xf32>,
    %swap3A_241 = vector.shape_cast %swap3A_240 : vector<1x16xf32> to vector<16xf32>
    %swap3A_242 = vector.shape_cast %broadcast_in_dim3A_9 : vector<16xf32> to vector<1x16xf32>
    tpu.vector_store %arg9[%swap3A_238, %swap3A_239], %swap3A_242 {strides = array<i32>} : memref<128x128xf32, #tpu.memory_space<vmem>>, vector<1x16xf32>,
    %swap3A_243 = arith.constant 4 : i32
    %swap3A_244 = arith.index_cast %swap3A_243 : i32 to index
    %swap3A_245 = arith.constant 112 : index
    %swap3A_246 = tpu.vector_load %arg9[%swap3A_244, %swap3A_245] {strides = array<i32>} : memref<128x128xf32, #tpu.memory_space<vmem>>, vector<1x16xf32>,
    %swap3A_247 = vector.shape_cast %swap3A_246 : vector<1x16xf32> to vector<16xf32>
    %swap3A_248 = vector.shape_cast %broadcast_in_dim3A_9 : vector<16xf32> to vector<1x16xf32>
    tpu.vector_store %arg9[%swap3A_244, %swap3A_245], %swap3A_248 {strides = array<i32>} : memref<128x128xf32, #tpu.memory_space<vmem>>, vector<1x16xf32>,
    %swap3A_249 = arith.constant 5 : i32
    %swap3A_250 = arith.index_cast %swap3A_249 : i32 to index
    %swap3A_251 = arith.constant 0 : index
    %swap3A_252 = tpu.vector_load %arg9[%swap3A_250, %swap3A_251] {strides = array<i32>} : memref<128x128xf32, #tpu.memory_space<vmem>>, vector<1x16xf32>,
    %swap3A_253 = vector.shape_cast %swap3A_252 : vector<1x16xf32> to vector<16xf32>
    %swap3A_254 = vector.shape_cast %broadcast_in_dim3A_9 : vector<16xf32> to vector<1x16xf32>
    tpu.vector_store %arg9[%swap3A_250, %swap3A_251], %swap3A_254 {strides = array<i32>} : memref<128x128xf32, #tpu.memory_space<vmem>>, vector<1x16xf32>,
    %swap3A_255 = arith.constant 5 : i32
    %swap3A_256 = arith.index_cast %swap3A_255 : i32 to index
    %swap3A_257 = arith.constant 16 : index
    %swap3A_258 = tpu.vector_load %arg9[%swap3A_256, %swap3A_257] {strides = array<i32>} : memref<128x128xf32, #tpu.memory_space<vmem>>, vector<1x16xf32>,
    %swap3A_259 = vector.shape_cast %swap3A_258 : vector<1x16xf32> to vector<16xf32>
    %swap3A_260 = vector.shape_cast %broadcast_in_dim3A_9 : vector<16xf32> to vector<1x16xf32>
    tpu.vector_store %arg9[%swap3A_256, %swap3A_257], %swap3A_260 {strides = array<i32>} : memref<128x128xf32, #tpu.memory_space<vmem>>, vector<1x16xf32>,
    %swap3A_261 = arith.constant 5 : i32
    %swap3A_262 = arith.index_cast %swap3A_261 : i32 to index
    %swap3A_263 = arith.constant 32 : index
    %swap3A_264 = tpu.vector_load %arg9[%swap3A_262, %swap3A_263] {strides = array<i32>} : memref<128x128xf32, #tpu.memory_space<vmem>>, vector<1x16xf32>,
    %swap3A_265 = vector.shape_cast %swap3A_264 : vector<1x16xf32> to vector<16xf32>
    %swap3A_266 = vector.shape_cast %broadcast_in_dim3A_9 : vector<16xf32> to vector<1x16xf32>
    tpu.vector_store %arg9[%swap3A_262, %swap3A_263], %swap3A_266 {strides = array<i32>} : memref<128x128xf32, #tpu.memory_space<vmem>>, vector<1x16xf32>,
    %swap3A_267 = arith.constant 5 : i32
    %swap3A_268 = arith.index_cast %swap3A_267 : i32 to index
    %swap3A_269 = arith.constant 48 : index
    %swap3A_270 = tpu.vector_load %arg9[%swap3A_268, %swap3A_269] {strides = array<i32>} : memref<128x128xf32, #tpu.memory_space<vmem>>, vector<1x16xf32>,
    %swap3A_271 = vector.shape_cast %swap3A_270 : vector<1x16xf32> to vector<16xf32>
    %swap3A_272 = vector.shape_cast %broadcast_in_dim3A_9 : vector<16xf32> to vector<1x16xf32>
    tpu.vector_store %arg9[%swap3A_268, %swap3A_269], %swap3A_272 {strides = array<i32>} : memref<128x128xf32, #tpu.memory_space<vmem>>, vector<1x16xf32>,
    %swap3A_273 = arith.constant 5 : i32
    %swap3A_274 = arith.index_cast %swap3A_273 : i32 to index
    %swap3A_275 = arith.constant 64 : index
    %swap3A_276 = tpu.vector_load %arg9[%swap3A_274, %swap3A_275] {strides = array<i32>} : memref<128x128xf32, #tpu.memory_space<vmem>>, vector<1x16xf32>,
    %swap3A_277 = vector.shape_cast %swap3A_276 : vector<1x16xf32> to vector<16xf32>
    %swap3A_278 = vector.shape_cast %broadcast_in_dim3A_9 : vector<16xf32> to vector<1x16xf32>
    tpu.vector_store %arg9[%swap3A_274, %swap3A_275], %swap3A_278 {strides = array<i32>} : memref<128x128xf32, #tpu.memory_space<vmem>>, vector<1x16xf32>,
    %swap3A_279 = arith.constant 5 : i32
    %swap3A_280 = arith.index_cast %swap3A_279 : i32 to index
    %swap3A_281 = arith.constant 80 : index
    %swap3A_282 = tpu.vector_load %arg9[%swap3A_280, %swap3A_281] {strides = array<i32>} : memref<128x128xf32, #tpu.memory_space<vmem>>, vector<1x16xf32>,
    %swap3A_283 = vector.shape_cast %swap3A_282 : vector<1x16xf32> to vector<16xf32>
    %swap3A_284 = vector.shape_cast %broadcast_in_dim3A_9 : vector<16xf32> to vector<1x16xf32>
    tpu.vector_store %arg9[%swap3A_280, %swap3A_281], %swap3A_284 {strides = array<i32>} : memref<128x128xf32, #tpu.memory_space<vmem>>, vector<1x16xf32>,
    %swap3A_285 = arith.constant 5 : i32
    %swap3A_286 = arith.index_cast %swap3A_285 : i32 to index
    %swap3A_287 = arith.constant 96 : index
    %swap3A_288 = tpu.vector_load %arg9[%swap3A_286, %swap3A_287] {strides = array<i32>} : memref<128x128xf32, #tpu.memory_space<vmem>>, vector<1x16xf32>,
    %swap3A_289 = vector.shape_cast %swap3A_288 : vector<1x16xf32> to vector<16xf32>
    %swap3A_290 = vector.shape_cast %broadcast_in_dim3A_9 : vector<16xf32> to vector<1x16xf32>
    tpu.vector_store %arg9[%swap3A_286, %swap3A_287], %swap3A_290 {strides = array<i32>} : memref<128x128xf32, #tpu.memory_space<vmem>>, vector<1x16xf32>,
    %swap3A_291 = arith.constant 5 : i32
    %swap3A_292 = arith.index_cast %swap3A_291 : i32 to index
    %swap3A_293 = arith.constant 112 : index
    %swap3A_294 = tpu.vector_load %arg9[%swap3A_292, %swap3A_293] {strides = array<i32>} : memref<128x128xf32, #tpu.memory_space<vmem>>, vector<1x16xf32>,
    %swap3A_295 = vector.shape_cast %swap3A_294 : vector<1x16xf32> to vector<16xf32>
    %swap3A_296 = vector.shape_cast %broadcast_in_dim3A_9 : vector<16xf32> to vector<1x16xf32>
    tpu.vector_store %arg9[%swap3A_292, %swap3A_293], %swap3A_296 {strides = array<i32>} : memref<128x128xf32, #tpu.memory_space<vmem>>, vector<1x16xf32>,
    %swap3A_297 = arith.constant 6 : i32
    %swap3A_298 = arith.index_cast %swap3A_297 : i32 to index
    %swap3A_299 = arith.constant 0 : index
    %swap3A_300 = tpu.vector_load %arg9[%swap3A_298, %swap3A_299] {strides = array<i32>} : memref<128x128xf32, #tpu.memory_space<vmem>>, vector<1x16xf32>,
    %swap3A_301 = vector.shape_cast %swap3A_300 : vector<1x16xf32> to vector<16xf32>
    %swap3A_302 = vector.shape_cast %broadcast_in_dim3A_9 : vector<16xf32> to vector<1x16xf32>
    tpu.vector_store %arg9[%swap3A_298, %swap3A_299], %swap3A_302 {strides = array<i32>} : memref<128x128xf32, #tpu.memory_space<vmem>>, vector<1x16xf32>,
    %swap3A_303 = arith.constant 6 : i32
    %swap3A_304 = arith.index_cast %swap3A_303 : i32 to index
    %swap3A_305 = arith.constant 16 : index
    %swap3A_306 = tpu.vector_load %arg9[%swap3A_304, %swap3A_305] {strides = array<i32>} : memref<128x128xf32, #tpu.memory_space<vmem>>, vector<1x16xf32>,
    %swap3A_307 = vector.shape_cast %swap3A_306 : vector<1x16xf32> to vector<16xf32>
    %swap3A_308 = vector.shape_cast %broadcast_in_dim3A_9 : vector<16xf32> to vector<1x16xf32>
    tpu.vector_store %arg9[%swap3A_304, %swap3A_305], %swap3A_308 {strides = array<i32>} : memref<128x128xf32, #tpu.memory_space<vmem>>, vector<1x16xf32>,
    %swap3A_309 = arith.constant 6 : i32
    %swap3A_310 = arith.index_cast %swap3A_309 : i32 to index
    %swap3A_311 = arith.constant 32 : index
    %swap3A_312 = tpu.vector_load %arg9[%swap3A_310, %swap3A_311] {strides = array<i32>} : memref<128x128xf32, #tpu.memory_space<vmem>>, vector<1x16xf32>,
    %swap3A_313 = vector.shape_cast %swap3A_312 : vector<1x16xf32> to vector<16xf32>
    %swap3A_314 = vector.shape_cast %broadcast_in_dim3A_9 : vector<16xf32> to vector<1x16xf32>
    tpu.vector_store %arg9[%swap3A_310, %swap3A_311], %swap3A_314 {strides = array<i32>} : memref<128x128xf32, #tpu.memory_space<vmem>>, vector<1x16xf32>,
    %swap3A_315 = arith.constant 6 : i32
    %swap3A_316 = arith.index_cast %swap3A_315 : i32 to index
    %swap3A_317 = arith.constant 48 : index
    %swap3A_318 = tpu.vector_load %arg9[%swap3A_316, %swap3A_317] {strides = array<i32>} : memref<128x128xf32, #tpu.memory_space<vmem>>, vector<1x16xf32>,
    %swap3A_319 = vector.shape_cast %swap3A_318 : vector<1x16xf32> to vector<16xf32>
    %swap3A_320 = vector.shape_cast %broadcast_in_dim3A_9 : vector<16xf32> to vector<1x16xf32>
    tpu.vector_store %arg9[%swap3A_316, %swap3A_317], %swap3A_320 {strides = array<i32>} : memref<128x128xf32, #tpu.memory_space<vmem>>, vector<1x16xf32>,
    %swap3A_321 = arith.constant 6 : i32
    %swap3A_322 = arith.index_cast %swap3A_321 : i32 to index
    %swap3A_323 = arith.constant 64 : index
    %swap3A_324 = tpu.vector_load %arg9[%swap3A_322, %swap3A_323] {strides = array<i32>} : memref<128x128xf32, #tpu.memory_space<vmem>>, vector<1x16xf32>,
    %swap3A_325 = vector.shape_cast %swap3A_324 : vector<1x16xf32> to vector<16xf32>
    %swap3A_326 = vector.shape_cast %broadcast_in_dim3A_9 : vector<16xf32> to vector<1x16xf32>
    tpu.vector_store %arg9[%swap3A_322, %swap3A_323], %swap3A_326 {strides = array<i32>} : memref<128x128xf32, #tpu.memory_space<vmem>>, vector<1x16xf32>,
    %swap3A_327 = arith.constant 6 : i32
    %swap3A_328 = arith.index_cast %swap3A_327 : i32 to index
    %swap3A_329 = arith.constant 80 : index
    %swap3A_330 = tpu.vector_load %arg9[%swap3A_328, %swap3A_329] {strides = array<i32>} : memref<128x128xf32, #tpu.memory_space<vmem>>, vector<1x16xf32>,
    %swap3A_331 = vector.shape_cast %swap3A_330 : vector<1x16xf32> to vector<16xf32>
    %swap3A_332 = vector.shape_cast %broadcast_in_dim3A_9 : vector<16xf32> to vector<1x16xf32>
    tpu.vector_store %arg9[%swap3A_328, %swap3A_329], %swap3A_332 {strides = array<i32>} : memref<128x128xf32, #tpu.memory_space<vmem>>, vector<1x16xf32>,
    %swap3A_333 = arith.constant 6 : i32
    %swap3A_334 = arith.index_cast %swap3A_333 : i32 to index
    %swap3A_335 = arith.constant 96 : index
    %swap3A_336 = tpu.vector_load %arg9[%swap3A_334, %swap3A_335] {strides = array<i32>} : memref<128x128xf32, #tpu.memory_space<vmem>>, vector<1x16xf32>,
    %swap3A_337 = vector.shape_cast %swap3A_336 : vector<1x16xf32> to vector<16xf32>
    %swap3A_338 = vector.shape_cast %broadcast_in_dim3A_9 : vector<16xf32> to vector<1x16xf32>
    tpu.vector_store %arg9[%swap3A_334, %swap3A_335], %swap3A_338 {strides = array<i32>} : memref<128x128xf32, #tpu.memory_space<vmem>>, vector<1x16xf32>,
    %swap3A_339 = arith.constant 6 : i32
    %swap3A_340 = arith.index_cast %swap3A_339 : i32 to index
    %swap3A_341 = arith.constant 112 : index
    %swap3A_342 = tpu.vector_load %arg9[%swap3A_340, %swap3A_341] {strides = array<i32>} : memref<128x128xf32, #tpu.memory_space<vmem>>, vector<1x16xf32>,
    %swap3A_343 = vector.shape_cast %swap3A_342 : vector<1x16xf32> to vector<16xf32>
    %swap3A_344 = vector.shape_cast %broadcast_in_dim3A_9 : vector<16xf32> to vector<1x16xf32>
    tpu.vector_store %arg9[%swap3A_340, %swap3A_341], %swap3A_344 {strides = array<i32>} : memref<128x128xf32, #tpu.memory_space<vmem>>, vector<1x16xf32>,
    %swap3A_345 = arith.constant 7 : i32
    %swap3A_346 = arith.index_cast %swap3A_345 : i32 to index
    %swap3A_347 = arith.constant 0 : index
    %swap3A_348 = tpu.vector_load %arg9[%swap3A_346, %swap3A_347] {strides = array<i32>} : memref<128x128xf32, #tpu.memory_space<vmem>>, vector<1x16xf32>,
    %swap3A_349 = vector.shape_cast %swap3A_348 : vector<1x16xf32> to vector<16xf32>
    %swap3A_350 = vector.shape_cast %broadcast_in_dim3A_9 : vector<16xf32> to vector<1x16xf32>
    tpu.vector_store %arg9[%swap3A_346, %swap3A_347], %swap3A_350 {strides = array<i32>} : memref<128x128xf32, #tpu.memory_space<vmem>>, vector<1x16xf32>,
    %swap3A_351 = arith.constant 7 : i32
    %swap3A_352 = arith.index_cast %swap3A_351 : i32 to index
    %swap3A_353 = arith.constant 16 : index
    %swap3A_354 = tpu.vector_load %arg9[%swap3A_352, %swap3A_353] {strides = array<i32>} : memref<128x128xf32, #tpu.memory_space<vmem>>, vector<1x16xf32>,
    %swap3A_355 = vector.shape_cast %swap3A_354 : vector<1x16xf32> to vector<16xf32>
    %swap3A_356 = vector.shape_cast %broadcast_in_dim3A_9 : vector<16xf32> to vector<1x16xf32>
    tpu.vector_store %arg9[%swap3A_352, %swap3A_353], %swap3A_356 {strides = array<i32>} : memref<128x128xf32, #tpu.memory_space<vmem>>, vector<1x16xf32>,
    %swap3A_357 = arith.constant 7 : i32
    %swap3A_358 = arith.index_cast %swap3A_357 : i32 to index
    %swap3A_359 = arith.constant 32 : index
    %swap3A_360 = tpu.vector_load %arg9[%swap3A_358, %swap3A_359] {strides = array<i32>} : memref<128x128xf32, #tpu.memory_space<vmem>>, vector<1x16xf32>,
    %swap3A_361 = vector.shape_cast %swap3A_360 : vector<1x16xf32> to vector<16xf32>
    %swap3A_362 = vector.shape_cast %broadcast_in_dim3A_9 : vector<16xf32> to vector<1x16xf32>
    tpu.vector_store %arg9[%swap3A_358, %swap3A_359], %swap3A_362 {strides = array<i32>} : memref<128x128xf32, #tpu.memory_space<vmem>>, vector<1x16xf32>,
    %swap3A_363 = arith.constant 7 : i32
    %swap3A_364 = arith.index_cast %swap3A_363 : i32 to index
    %swap3A_365 = arith.constant 48 : index
    %swap3A_366 = tpu.vector_load %arg9[%swap3A_364, %swap3A_365] {strides = array<i32>} : memref<128x128xf32, #tpu.memory_space<vmem>>, vector<1x16xf32>,
    %swap3A_367 = vector.shape_cast %swap3A_366 : vector<1x16xf32> to vector<16xf32>
    %swap3A_368 = vector.shape_cast %broadcast_in_dim3A_9 : vector<16xf32> to vector<1x16xf32>
    tpu.vector_store %arg9[%swap3A_364, %swap3A_365], %swap3A_368 {strides = array<i32>} : memref<128x128xf32, #tpu.memory_space<vmem>>, vector<1x16xf32>,
    %swap3A_369 = arith.constant 7 : i32
    %swap3A_370 = arith.index_cast %swap3A_369 : i32 to index
    %swap3A_371 = arith.constant 64 : index
    %swap3A_372 = tpu.vector_load %arg9[%swap3A_370, %swap3A_371] {strides = array<i32>} : memref<128x128xf32, #tpu.memory_space<vmem>>, vector<1x16xf32>,
    %swap3A_373 = vector.shape_cast %swap3A_372 : vector<1x16xf32> to vector<16xf32>
    %swap3A_374 = vector.shape_cast %broadcast_in_dim3A_9 : vector<16xf32> to vector<1x16xf32>
    tpu.vector_store %arg9[%swap3A_370, %swap3A_371], %swap3A_374 {strides = array<i32>} : memref<128x128xf32, #tpu.memory_space<vmem>>, vector<1x16xf32>,
    %swap3A_375 = arith.constant 7 : i32
    %swap3A_376 = arith.index_cast %swap3A_375 : i32 to index
    %swap3A_377 = arith.constant 80 : index
    %swap3A_378 = tpu.vector_load %arg9[%swap3A_376, %swap3A_377] {strides = array<i32>} : memref<128x128xf32, #tpu.memory_space<vmem>>, vector<1x16xf32>,
    %swap3A_379 = vector.shape_cast %swap3A_378 : vector<1x16xf32> to vector<16xf32>
    %swap3A_380 = vector.shape_cast %broadcast_in_dim3A_9 : vector<16xf32> to vector<1x16xf32>
    tpu.vector_store %arg9[%swap3A_376, %swap3A_377], %swap3A_380 {strides = array<i32>} : memref<128x128xf32, #tpu.memory_space<vmem>>, vector<1x16xf32>,
    %swap3A_381 = arith.constant 7 : i32
    %swap3A_382 = arith.index_cast %swap3A_381 : i32 to index
    %swap3A_383 = arith.constant 96 : index
    %swap3A_384 = tpu.vector_load %arg9[%swap3A_382, %swap3A_383] {strides = array<i32>} : memref<128x128xf32, #tpu.memory_space<vmem>>, vector<1x16xf32>,
    %swap3A_385 = vector.shape_cast %swap3A_384 : vector<1x16xf32> to vector<16xf32>
    %swap3A_386 = vector.shape_cast %broadcast_in_dim3A_9 : vector<16xf32> to vector<1x16xf32>
    tpu.vector_store %arg9[%swap3A_382, %swap3A_383], %swap3A_386 {strides = array<i32>} : memref<128x128xf32, #tpu.memory_space<vmem>>, vector<1x16xf32>,
    %swap3A_387 = arith.constant 7 : i32
    %swap3A_388 = arith.index_cast %swap3A_387 : i32 to index
    %swap3A_389 = arith.constant 112 : index
    %swap3A_390 = tpu.vector_load %arg9[%swap3A_388, %swap3A_389] {strides = array<i32>} : memref<128x128xf32, #tpu.memory_space<vmem>>, vector<1x16xf32>,
    %swap3A_391 = vector.shape_cast %swap3A_390 : vector<1x16xf32> to vector<16xf32>
    %swap3A_392 = vector.shape_cast %broadcast_in_dim3A_9 : vector<16xf32> to vector<1x16xf32>
    tpu.vector_store %arg9[%swap3A_388, %swap3A_389], %swap3A_392 {strides = array<i32>} : memref<128x128xf32, #tpu.memory_space<vmem>>, vector<1x16xf32>,
    %swap3A_393 = arith.constant 8 : i32
    %swap3A_394 = arith.index_cast %swap3A_393 : i32 to index
    %swap3A_395 = arith.constant 0 : index
    %swap3A_396 = tpu.vector_load %arg9[%swap3A_394, %swap3A_395] {strides = array<i32>} : memref<128x128xf32, #tpu.memory_space<vmem>>, vector<1x16xf32>,
    %swap3A_397 = vector.shape_cast %swap3A_396 : vector<1x16xf32> to vector<16xf32>
    %swap3A_398 = vector.shape_cast %broadcast_in_dim3A_9 : vector<16xf32> to vector<1x16xf32>
    tpu.vector_store %arg9[%swap3A_394, %swap3A_395], %swap3A_398 {strides = array<i32>} : memref<128x128xf32, #tpu.memory_space<vmem>>, vector<1x16xf32>,
    %swap3A_399 = arith.constant 8 : i32
    %swap3A_400 = arith.index_cast %swap3A_399 : i32 to index
    %swap3A_401 = arith.constant 16 : index
    %swap3A_402 = tpu.vector_load %arg9[%swap3A_400, %swap3A_401] {strides = array<i32>} : memref<128x128xf32, #tpu.memory_space<vmem>>, vector<1x16xf32>,
    %swap3A_403 = vector.shape_cast %swap3A_402 : vector<1x16xf32> to vector<16xf32>
    %swap3A_404 = vector.shape_cast %broadcast_in_dim3A_9 : vector<16xf32> to vector<1x16xf32>
    tpu.vector_store %arg9[%swap3A_400, %swap3A_401], %swap3A_404 {strides = array<i32>} : memref<128x128xf32, #tpu.memory_space<vmem>>, vector<1x16xf32>,
    %swap3A_405 = arith.constant 8 : i32
    %swap3A_406 = arith.index_cast %swap3A_405 : i32 to index
    %swap3A_407 = arith.constant 32 : index
    %swap3A_408 = tpu.vector_load %arg9[%swap3A_406, %swap3A_407] {strides = array<i32>} : memref<128x128xf32, #tpu.memory_space<vmem>>, vector<1x16xf32>,
    %swap3A_409 = vector.shape_cast %swap3A_408 : vector<1x16xf32> to vector<16xf32>
    %swap3A_410 = vector.shape_cast %broadcast_in_dim3A_9 : vector<16xf32> to vector<1x16xf32>
    tpu.vector_store %arg9[%swap3A_406, %swap3A_407], %swap3A_410 {strides = array<i32>} : memref<128x128xf32, #tpu.memory_space<vmem>>, vector<1x16xf32>,
    %swap3A_411 = arith.constant 8 : i32
    %swap3A_412 = arith.index_cast %swap3A_411 : i32 to index
    %swap3A_413 = arith.constant 48 : index
    %swap3A_414 = tpu.vector_load %arg9[%swap3A_412, %swap3A_413] {strides = array<i32>} : memref<128x128xf32, #tpu.memory_space<vmem>>, vector<1x16xf32>,
    %swap3A_415 = vector.shape_cast %swap3A_414 : vector<1x16xf32> to vector<16xf32>
    %swap3A_416 = vector.shape_cast %broadcast_in_dim3A_9 : vector<16xf32> to vector<1x16xf32>
    tpu.vector_store %arg9[%swap3A_412, %swap3A_413], %swap3A_416 {strides = array<i32>} : memref<128x128xf32, #tpu.memory_space<vmem>>, vector<1x16xf32>,
    %swap3A_417 = arith.constant 8 : i32
    %swap3A_418 = arith.index_cast %swap3A_417 : i32 to index
    %swap3A_419 = arith.constant 64 : index
    %swap3A_420 = tpu.vector_load %arg9[%swap3A_418, %swap3A_419] {strides = array<i32>} : memref<128x128xf32, #tpu.memory_space<vmem>>, vector<1x16xf32>,
    %swap3A_421 = vector.shape_cast %swap3A_420 : vector<1x16xf32> to vector<16xf32>
    %swap3A_422 = vector.shape_cast %broadcast_in_dim3A_9 : vector<16xf32> to vector<1x16xf32>
    tpu.vector_store %arg9[%swap3A_418, %swap3A_419], %swap3A_422 {strides = array<i32>} : memref<128x128xf32, #tpu.memory_space<vmem>>, vector<1x16xf32>,
    %swap3A_423 = arith.constant 8 : i32
    %swap3A_424 = arith.index_cast %swap3A_423 : i32 to index
    %swap3A_425 = arith.constant 80 : index
    %swap3A_426 = tpu.vector_load %arg9[%swap3A_424, %swap3A_425] {strides = array<i32>} : memref<128x128xf32, #tpu.memory_space<vmem>>, vector<1x16xf32>,
    %swap3A_427 = vector.shape_cast %swap3A_426 : vector<1x16xf32> to vector<16xf32>
    %swap3A_428 = vector.shape_cast %broadcast_in_dim3A_9 : vector<16xf32> to vector<1x16xf32>
    tpu.vector_store %arg9[%swap3A_424, %swap3A_425], %swap3A_428 {strides = array<i32>} : memref<128x128xf32, #tpu.memory_space<vmem>>, vector<1x16xf32>,
    %swap3A_429 = arith.constant 8 : i32
    %swap3A_430 = arith.index_cast %swap3A_429 : i32 to index
    %swap3A_431 = arith.constant 96 : index
    %swap3A_432 = tpu.vector_load %arg9[%swap3A_430, %swap3A_431] {strides = array<i32>} : memref<128x128xf32, #tpu.memory_space<vmem>>, vector<1x16xf32>,
    %swap3A_433 = vector.shape_cast %swap3A_432 : vector<1x16xf32> to vector<16xf32>
    %swap3A_434 = vector.shape_cast %broadcast_in_dim3A_9 : vector<16xf32> to vector<1x16xf32>
    tpu.vector_store %arg9[%swap3A_430, %swap3A_431], %swap3A_434 {strides = array<i32>} : memref<128x128xf32, #tpu.memory_space<vmem>>, vector<1x16xf32>,
    %swap3A_435 = arith.constant 8 : i32
    %swap3A_436 = arith.index_cast %swap3A_435 : i32 to index
    %swap3A_437 = arith.constant 112 : index
    %swap3A_438 = tpu.vector_load %arg9[%swap3A_436, %swap3A_437] {strides = array<i32>} : memref<128x128xf32, #tpu.memory_space<vmem>>, vector<1x16xf32>,
    %swap3A_439 = vector.shape_cast %swap3A_438 : vector<1x16xf32> to vector<16xf32>
    %swap3A_440 = vector.shape_cast %broadcast_in_dim3A_9 : vector<16xf32> to vector<1x16xf32>
    tpu.vector_store %arg9[%swap3A_436, %swap3A_437], %swap3A_440 {strides = array<i32>} : memref<128x128xf32, #tpu.memory_space<vmem>>, vector<1x16xf32>,
    %swap3A_441 = arith.constant 9 : i32
    %swap3A_442 = arith.index_cast %swap3A_441 : i32 to index
    %swap3A_443 = arith.constant 0 : index
    %swap3A_444 = tpu.vector_load %arg9[%swap3A_442, %swap3A_443] {strides = array<i32>} : memref<128x128xf32, #tpu.memory_space<vmem>>, vector<1x16xf32>,
    %swap3A_445 = vector.shape_cast %swap3A_444 : vector<1x16xf32> to vector<16xf32>
    %swap3A_446 = vector.shape_cast %broadcast_in_dim3A_9 : vector<16xf32> to vector<1x16xf32>
    tpu.vector_store %arg9[%swap3A_442, %swap3A_443], %swap3A_446 {strides = array<i32>} : memref<128x128xf32, #tpu.memory_space<vmem>>, vector<1x16xf32>,
    %swap3A_447 = arith.constant 9 : i32
    %swap3A_448 = arith.index_cast %swap3A_447 : i32 to index
    %swap3A_449 = arith.constant 16 : index
    %swap3A_450 = tpu.vector_load %arg9[%swap3A_448, %swap3A_449] {strides = array<i32>} : memref<128x128xf32, #tpu.memory_space<vmem>>, vector<1x16xf32>,
    %swap3A_451 = vector.shape_cast %swap3A_450 : vector<1x16xf32> to vector<16xf32>
    %swap3A_452 = vector.shape_cast %broadcast_in_dim3A_9 : vector<16xf32> to vector<1x16xf32>
    tpu.vector_store %arg9[%swap3A_448, %swap3A_449], %swap3A_452 {strides = array<i32>} : memref<128x128xf32, #tpu.memory_space<vmem>>, vector<1x16xf32>,
    %swap3A_453 = arith.constant 9 : i32
    %swap3A_454 = arith.index_cast %swap3A_453 : i32 to index
    %swap3A_455 = arith.constant 32 : index
    %swap3A_456 = tpu.vector_load %arg9[%swap3A_454, %swap3A_455] {strides = array<i32>} : memref<128x128xf32, #tpu.memory_space<vmem>>, vector<1x16xf32>,
    %swap3A_457 = vector.shape_cast %swap3A_456 : vector<1x16xf32> to vector<16xf32>
    %swap3A_458 = vector.shape_cast %broadcast_in_dim3A_9 : vector<16xf32> to vector<1x16xf32>
    tpu.vector_store %arg9[%swap3A_454, %swap3A_455], %swap3A_458 {strides = array<i32>} : memref<128x128xf32, #tpu.memory_space<vmem>>, vector<1x16xf32>,
    %swap3A_459 = arith.constant 9 : i32
    %swap3A_460 = arith.index_cast %swap3A_459 : i32 to index
    %swap3A_461 = arith.constant 48 : index
    %swap3A_462 = tpu.vector_load %arg9[%swap3A_460, %swap3A_461] {strides = array<i32>} : memref<128x128xf32, #tpu.memory_space<vmem>>, vector<1x16xf32>,
    %swap3A_463 = vector.shape_cast %swap3A_462 : vector<1x16xf32> to vector<16xf32>
    %swap3A_464 = vector.shape_cast %broadcast_in_dim3A_9 : vector<16xf32> to vector<1x16xf32>
    tpu.vector_store %arg9[%swap3A_460, %swap3A_461], %swap3A_464 {strides = array<i32>} : memref<128x128xf32, #tpu.memory_space<vmem>>, vector<1x16xf32>,
    %swap3A_465 = arith.constant 9 : i32
    %swap3A_466 = arith.index_cast %swap3A_465 : i32 to index
    %swap3A_467 = arith.constant 64 : index
    %swap3A_468 = tpu.vector_load %arg9[%swap3A_466, %swap3A_467] {strides = array<i32>} : memref<128x128xf32, #tpu.memory_space<vmem>>, vector<1x16xf32>,
    %swap3A_469 = vector.shape_cast %swap3A_468 : vector<1x16xf32> to vector<16xf32>
    %swap3A_470 = vector.shape_cast %broadcast_in_dim3A_9 : vector<16xf32> to vector<1x16xf32>
    tpu.vector_store %arg9[%swap3A_466, %swap3A_467], %swap3A_470 {strides = array<i32>} : memref<128x128xf32, #tpu.memory_space<vmem>>, vector<1x16xf32>,
    %swap3A_471 = arith.constant 9 : i32
    %swap3A_472 = arith.index_cast %swap3A_471 : i32 to index
    %swap3A_473 = arith.constant 80 : index
    %swap3A_474 = tpu.vector_load %arg9[%swap3A_472, %swap3A_473] {strides = array<i32>} : memref<128x128xf32, #tpu.memory_space<vmem>>, vector<1x16xf32>,
    %swap3A_475 = vector.shape_cast %swap3A_474 : vector<1x16xf32> to vector<16xf32>
    %swap3A_476 = vector.shape_cast %broadcast_in_dim3A_9 : vector<16xf32> to vector<1x16xf32>
    tpu.vector_store %arg9[%swap3A_472, %swap3A_473], %swap3A_476 {strides = array<i32>} : memref<128x128xf32, #tpu.memory_space<vmem>>, vector<1x16xf32>,
    %swap3A_477 = arith.constant 9 : i32
    %swap3A_478 = arith.index_cast %swap3A_477 : i32 to index
    %swap3A_479 = arith.constant 96 : index
    %swap3A_480 = tpu.vector_load %arg9[%swap3A_478, %swap3A_479] {strides = array<i32>} : memref<128x128xf32, #tpu.memory_space<vmem>>, vector<1x16xf32>,
    %swap3A_481 = vector.shape_cast %swap3A_480 : vector<1x16xf32> to vector<16xf32>
    %swap3A_482 = vector.shape_cast %broadcast_in_dim3A_9 : vector<16xf32> to vector<1x16xf32>
    tpu.vector_store %arg9[%swap3A_478, %swap3A_479], %swap3A_482 {strides = array<i32>} : memref<128x128xf32, #tpu.memory_space<vmem>>, vector<1x16xf32>,
    %swap3A_483 = arith.constant 9 : i32
    %swap3A_484 = arith.index_cast %swap3A_483 : i32 to index
    %swap3A_485 = arith.constant 112 : index
    %swap3A_486 = tpu.vector_load %arg9[%swap3A_484, %swap3A_485] {strides = array<i32>} : memref<128x128xf32, #tpu.memory_space<vmem>>, vector<1x16xf32>,
    %swap3A_487 = vector.shape_cast %swap3A_486 : vector<1x16xf32> to vector<16xf32>
    %swap3A_488 = vector.shape_cast %broadcast_in_dim3A_9 : vector<16xf32> to vector<1x16xf32>
    tpu.vector_store %arg9[%swap3A_484, %swap3A_485], %swap3A_488 {strides = array<i32>} : memref<128x128xf32, #tpu.memory_space<vmem>>, vector<1x16xf32>,
    %swap3A_489 = arith.constant 10 : i32
    %swap3A_490 = arith.index_cast %swap3A_489 : i32 to index
    %swap3A_491 = arith.constant 0 : index
    %swap3A_492 = tpu.vector_load %arg9[%swap3A_490, %swap3A_491] {strides = array<i32>} : memref<128x128xf32, #tpu.memory_space<vmem>>, vector<1x16xf32>,
    %swap3A_493 = vector.shape_cast %swap3A_492 : vector<1x16xf32> to vector<16xf32>
    %swap3A_494 = vector.shape_cast %broadcast_in_dim3A_9 : vector<16xf32> to vector<1x16xf32>
    tpu.vector_store %arg9[%swap3A_490, %swap3A_491], %swap3A_494 {strides = array<i32>} : memref<128x128xf32, #tpu.memory_space<vmem>>, vector<1x16xf32>,
    %swap3A_495 = arith.constant 10 : i32
    %swap3A_496 = arith.index_cast %swap3A_495 : i32 to index
    %swap3A_497 = arith.constant 16 : index
    %swap3A_498 = tpu.vector_load %arg9[%swap3A_496, %swap3A_497] {strides = array<i32>} : memref<128x128xf32, #tpu.memory_space<vmem>>, vector<1x16xf32>,
    %swap3A_499 = vector.shape_cast %swap3A_498 : vector<1x16xf32> to vector<16xf32>
    %swap3A_500 = vector.shape_cast %broadcast_in_dim3A_9 : vector<16xf32> to vector<1x16xf32>
    tpu.vector_store %arg9[%swap3A_496, %swap3A_497], %swap3A_500 {strides = array<i32>} : memref<128x128xf32, #tpu.memory_space<vmem>>, vector<1x16xf32>,
    %swap3A_501 = arith.constant 10 : i32
    %swap3A_502 = arith.index_cast %swap3A_501 : i32 to index
    %swap3A_503 = arith.constant 32 : index
    %swap3A_504 = tpu.vector_load %arg9[%swap3A_502, %swap3A_503] {strides = array<i32>} : memref<128x128xf32, #tpu.memory_space<vmem>>, vector<1x16xf32>,
    %swap3A_505 = vector.shape_cast %swap3A_504 : vector<1x16xf32> to vector<16xf32>
    %swap3A_506 = vector.shape_cast %broadcast_in_dim3A_9 : vector<16xf32> to vector<1x16xf32>
    tpu.vector_store %arg9[%swap3A_502, %swap3A_503], %swap3A_506 {strides = array<i32>} : memref<128x128xf32, #tpu.memory_space<vmem>>, vector<1x16xf32>,
    %swap3A_507 = arith.constant 10 : i32
    %swap3A_508 = arith.index_cast %swap3A_507 : i32 to index
    %swap3A_509 = arith.constant 48 : index
    %swap3A_510 = tpu.vector_load %arg9[%swap3A_508, %swap3A_509] {strides = array<i32>} : memref<128x128xf32, #tpu.memory_space<vmem>>, vector<1x16xf32>,
    %swap3A_511 = vector.shape_cast %swap3A_510 : vector<1x16xf32> to vector<16xf32>
    %swap3A_512 = vector.shape_cast %broadcast_in_dim3A_9 : vector<16xf32> to vector<1x16xf32>
    tpu.vector_store %arg9[%swap3A_508, %swap3A_509], %swap3A_512 {strides = array<i32>} : memref<128x128xf32, #tpu.memory_space<vmem>>, vector<1x16xf32>,
    %swap3A_513 = arith.constant 10 : i32
    %swap3A_514 = arith.index_cast %swap3A_513 : i32 to index
    %swap3A_515 = arith.constant 64 : index
    %swap3A_516 = tpu.vector_load %arg9[%swap3A_514, %swap3A_515] {strides = array<i32>} : memref<128x128xf32, #tpu.memory_space<vmem>>, vector<1x16xf32>,
    %swap3A_517 = vector.shape_cast %swap3A_516 : vector<1x16xf32> to vector<16xf32>
    %swap3A_518 = vector.shape_cast %broadcast_in_dim3A_9 : vector<16xf32> to vector<1x16xf32>
    tpu.vector_store %arg9[%swap3A_514, %swap3A_515], %swap3A_518 {strides = array<i32>} : memref<128x128xf32, #tpu.memory_space<vmem>>, vector<1x16xf32>,
    %swap3A_519 = arith.constant 10 : i32
    %swap3A_520 = arith.index_cast %swap3A_519 : i32 to index
    %swap3A_521 = arith.constant 80 : index
    %swap3A_522 = tpu.vector_load %arg9[%swap3A_520, %swap3A_521] {strides = array<i32>} : memref<128x128xf32, #tpu.memory_space<vmem>>, vector<1x16xf32>,
    %swap3A_523 = vector.shape_cast %swap3A_522 : vector<1x16xf32> to vector<16xf32>
    %swap3A_524 = vector.shape_cast %broadcast_in_dim3A_9 : vector<16xf32> to vector<1x16xf32>
    tpu.vector_store %arg9[%swap3A_520, %swap3A_521], %swap3A_524 {strides = array<i32>} : memref<128x128xf32, #tpu.memory_space<vmem>>, vector<1x16xf32>,
    %swap3A_525 = arith.constant 10 : i32
    %swap3A_526 = arith.index_cast %swap3A_525 : i32 to index
    %swap3A_527 = arith.constant 96 : index
    %swap3A_528 = tpu.vector_load %arg9[%swap3A_526, %swap3A_527] {strides = array<i32>} : memref<128x128xf32, #tpu.memory_space<vmem>>, vector<1x16xf32>,
    %swap3A_529 = vector.shape_cast %swap3A_528 : vector<1x16xf32> to vector<16xf32>
    %swap3A_530 = vector.shape_cast %broadcast_in_dim3A_9 : vector<16xf32> to vector<1x16xf32>
    tpu.vector_store %arg9[%swap3A_526, %swap3A_527], %swap3A_530 {strides = array<i32>} : memref<128x128xf32, #tpu.memory_space<vmem>>, vector<1x16xf32>,
    %swap3A_531 = arith.constant 10 : i32
    %swap3A_532 = arith.index_cast %swap3A_531 : i32 to index
    %swap3A_533 = arith.constant 112 : index
    %swap3A_534 = tpu.vector_load %arg9[%swap3A_532, %swap3A_533] {strides = array<i32>} : memref<128x128xf32, #tpu.memory_space<vmem>>, vector<1x16xf32>,
    %swap3A_535 = vector.shape_cast %swap3A_534 : vector<1x16xf32> to vector<16xf32>
    %swap3A_536 = vector.shape_cast %broadcast_in_dim3A_9 : vector<16xf32> to vector<1x16xf32>
    tpu.vector_store %arg9[%swap3A_532, %swap3A_533], %swap3A_536 {strides = array<i32>} : memref<128x128xf32, #tpu.memory_space<vmem>>, vector<1x16xf32>,
    %swap3A_537 = arith.constant 11 : i32
    %swap3A_538 = arith.index_cast %swap3A_537 : i32 to index
    %swap3A_539 = arith.constant 0 : index
    %swap3A_540 = tpu.vector_load %arg9[%swap3A_538, %swap3A_539] {strides = array<i32>} : memref<128x128xf32, #tpu.memory_space<vmem>>, vector<1x16xf32>,
    %swap3A_541 = vector.shape_cast %swap3A_540 : vector<1x16xf32> to vector<16xf32>
    %swap3A_542 = vector.shape_cast %broadcast_in_dim3A_9 : vector<16xf32> to vector<1x16xf32>
    tpu.vector_store %arg9[%swap3A_538, %swap3A_539], %swap3A_542 {strides = array<i32>} : memref<128x128xf32, #tpu.memory_space<vmem>>, vector<1x16xf32>,
    %swap3A_543 = arith.constant 11 : i32
    %swap3A_544 = arith.index_cast %swap3A_543 : i32 to index
    %swap3A_545 = arith.constant 16 : index
    %swap3A_546 = tpu.vector_load %arg9[%swap3A_544, %swap3A_545] {strides = array<i32>} : memref<128x128xf32, #tpu.memory_space<vmem>>, vector<1x16xf32>,
    %swap3A_547 = vector.shape_cast %swap3A_546 : vector<1x16xf32> to vector<16xf32>
    %swap3A_548 = vector.shape_cast %broadcast_in_dim3A_9 : vector<16xf32> to vector<1x16xf32>
    tpu.vector_store %arg9[%swap3A_544, %swap3A_545], %swap3A_548 {strides = array<i32>} : memref<128x128xf32, #tpu.memory_space<vmem>>, vector<1x16xf32>,
    %swap3A_549 = arith.constant 11 : i32
    %swap3A_550 = arith.index_cast %swap3A_549 : i32 to index
    %swap3A_551 = arith.constant 32 : index
    %swap3A_552 = tpu.vector_load %arg9[%swap3A_550, %swap3A_551] {strides = array<i32>} : memref<128x128xf32, #tpu.memory_space<vmem>>, vector<1x16xf32>,
    %swap3A_553 = vector.shape_cast %swap3A_552 : vector<1x16xf32> to vector<16xf32>
    %swap3A_554 = vector.shape_cast %broadcast_in_dim3A_9 : vector<16xf32> to vector<1x16xf32>
    tpu.vector_store %arg9[%swap3A_550, %swap3A_551], %swap3A_554 {strides = array<i32>} : memref<128x128xf32, #tpu.memory_space<vmem>>, vector<1x16xf32>,
    %swap3A_555 = arith.constant 11 : i32
    %swap3A_556 = arith.index_cast %swap3A_555 : i32 to index
    %swap3A_557 = arith.constant 48 : index
    %swap3A_558 = tpu.vector_load %arg9[%swap3A_556, %swap3A_557] {strides = array<i32>} : memref<128x128xf32, #tpu.memory_space<vmem>>, vector<1x16xf32>,
    %swap3A_559 = vector.shape_cast %swap3A_558 : vector<1x16xf32> to vector<16xf32>
    %swap3A_560 = vector.shape_cast %broadcast_in_dim3A_9 : vector<16xf32> to vector<1x16xf32>
    tpu.vector_store %arg9[%swap3A_556, %swap3A_557], %swap3A_560 {strides = array<i32>} : memref<128x128xf32, #tpu.memory_space<vmem>>, vector<1x16xf32>,
    %swap3A_561 = arith.constant 11 : i32
    %swap3A_562 = arith.index_cast %swap3A_561 : i32 to index
    %swap3A_563 = arith.constant 64 : index
    %swap3A_564 = tpu.vector_load %arg9[%swap3A_562, %swap3A_563] {strides = array<i32>} : memref<128x128xf32, #tpu.memory_space<vmem>>, vector<1x16xf32>,
    %swap3A_565 = vector.shape_cast %swap3A_564 : vector<1x16xf32> to vector<16xf32>
    %swap3A_566 = vector.shape_cast %broadcast_in_dim3A_9 : vector<16xf32> to vector<1x16xf32>
    tpu.vector_store %arg9[%swap3A_562, %swap3A_563], %swap3A_566 {strides = array<i32>} : memref<128x128xf32, #tpu.memory_space<vmem>>, vector<1x16xf32>,
    %swap3A_567 = arith.constant 11 : i32
    %swap3A_568 = arith.index_cast %swap3A_567 : i32 to index
    %swap3A_569 = arith.constant 80 : index
    %swap3A_570 = tpu.vector_load %arg9[%swap3A_568, %swap3A_569] {strides = array<i32>} : memref<128x128xf32, #tpu.memory_space<vmem>>, vector<1x16xf32>,
    %swap3A_571 = vector.shape_cast %swap3A_570 : vector<1x16xf32> to vector<16xf32>
    %swap3A_572 = vector.shape_cast %broadcast_in_dim3A_9 : vector<16xf32> to vector<1x16xf32>
    tpu.vector_store %arg9[%swap3A_568, %swap3A_569], %swap3A_572 {strides = array<i32>} : memref<128x128xf32, #tpu.memory_space<vmem>>, vector<1x16xf32>,
    %swap3A_573 = arith.constant 11 : i32
    %swap3A_574 = arith.index_cast %swap3A_573 : i32 to index
    %swap3A_575 = arith.constant 96 : index
    %swap3A_576 = tpu.vector_load %arg9[%swap3A_574, %swap3A_575] {strides = array<i32>} : memref<128x128xf32, #tpu.memory_space<vmem>>, vector<1x16xf32>,
    %swap3A_577 = vector.shape_cast %swap3A_576 : vector<1x16xf32> to vector<16xf32>
    %swap3A_578 = vector.shape_cast %broadcast_in_dim3A_9 : vector<16xf32> to vector<1x16xf32>
    tpu.vector_store %arg9[%swap3A_574, %swap3A_575], %swap3A_578 {strides = array<i32>} : memref<128x128xf32, #tpu.memory_space<vmem>>, vector<1x16xf32>,
    %swap3A_579 = arith.constant 11 : i32
    %swap3A_580 = arith.index_cast %swap3A_579 : i32 to index
    %swap3A_581 = arith.constant 112 : index
    %swap3A_582 = tpu.vector_load %arg9[%swap3A_580, %swap3A_581] {strides = array<i32>} : memref<128x128xf32, #tpu.memory_space<vmem>>, vector<1x16xf32>,
    %swap3A_583 = vector.shape_cast %swap3A_582 : vector<1x16xf32> to vector<16xf32>
    %swap3A_584 = vector.shape_cast %broadcast_in_dim3A_9 : vector<16xf32> to vector<1x16xf32>
    tpu.vector_store %arg9[%swap3A_580, %swap3A_581], %swap3A_584 {strides = array<i32>} : memref<128x128xf32, #tpu.memory_space<vmem>>, vector<1x16xf32>,
    %swap3A_585 = arith.constant 12 : i32
    %swap3A_586 = arith.index_cast %swap3A_585 : i32 to index
    %swap3A_587 = arith.constant 0 : index
    %swap3A_588 = tpu.vector_load %arg9[%swap3A_586, %swap3A_587] {strides = array<i32>} : memref<128x128xf32, #tpu.memory_space<vmem>>, vector<1x16xf32>,
    %swap3A_589 = vector.shape_cast %swap3A_588 : vector<1x16xf32> to vector<16xf32>
    %swap3A_590 = vector.shape_cast %broadcast_in_dim3A_9 : vector<16xf32> to vector<1x16xf32>
    tpu.vector_store %arg9[%swap3A_586, %swap3A_587], %swap3A_590 {strides = array<i32>} : memref<128x128xf32, #tpu.memory_space<vmem>>, vector<1x16xf32>,
    %swap3A_591 = arith.constant 12 : i32
    %swap3A_592 = arith.index_cast %swap3A_591 : i32 to index
    %swap3A_593 = arith.constant 16 : index
    %swap3A_594 = tpu.vector_load %arg9[%swap3A_592, %swap3A_593] {strides = array<i32>} : memref<128x128xf32, #tpu.memory_space<vmem>>, vector<1x16xf32>,
    %swap3A_595 = vector.shape_cast %swap3A_594 : vector<1x16xf32> to vector<16xf32>
    %swap3A_596 = vector.shape_cast %broadcast_in_dim3A_9 : vector<16xf32> to vector<1x16xf32>
    tpu.vector_store %arg9[%swap3A_592, %swap3A_593], %swap3A_596 {strides = array<i32>} : memref<128x128xf32, #tpu.memory_space<vmem>>, vector<1x16xf32>,
    %swap3A_597 = arith.constant 12 : i32
    %swap3A_598 = arith.index_cast %swap3A_597 : i32 to index
    %swap3A_599 = arith.constant 32 : index
    %swap3A_600 = tpu.vector_load %arg9[%swap3A_598, %swap3A_599] {strides = array<i32>} : memref<128x128xf32, #tpu.memory_space<vmem>>, vector<1x16xf32>,
    %swap3A_601 = vector.shape_cast %swap3A_600 : vector<1x16xf32> to vector<16xf32>
    %swap3A_602 = vector.shape_cast %broadcast_in_dim3A_9 : vector<16xf32> to vector<1x16xf32>
    tpu.vector_store %arg9[%swap3A_598, %swap3A_599], %swap3A_602 {strides = array<i32>} : memref<128x128xf32, #tpu.memory_space<vmem>>, vector<1x16xf32>,
    %swap3A_603 = arith.constant 12 : i32
    %swap3A_604 = arith.index_cast %swap3A_603 : i32 to index
    %swap3A_605 = arith.constant 48 : index
    %swap3A_606 = tpu.vector_load %arg9[%swap3A_604, %swap3A_605] {strides = array<i32>} : memref<128x128xf32, #tpu.memory_space<vmem>>, vector<1x16xf32>,
    %swap3A_607 = vector.shape_cast %swap3A_606 : vector<1x16xf32> to vector<16xf32>
    %swap3A_608 = vector.shape_cast %broadcast_in_dim3A_9 : vector<16xf32> to vector<1x16xf32>
    tpu.vector_store %arg9[%swap3A_604, %swap3A_605], %swap3A_608 {strides = array<i32>} : memref<128x128xf32, #tpu.memory_space<vmem>>, vector<1x16xf32>,
    %swap3A_609 = arith.constant 12 : i32
    %swap3A_610 = arith.index_cast %swap3A_609 : i32 to index
    %swap3A_611 = arith.constant 64 : index
    %swap3A_612 = tpu.vector_load %arg9[%swap3A_610, %swap3A_611] {strides = array<i32>} : memref<128x128xf32, #tpu.memory_space<vmem>>, vector<1x16xf32>,
    %swap3A_613 = vector.shape_cast %swap3A_612 : vector<1x16xf32> to vector<16xf32>
    %swap3A_614 = vector.shape_cast %broadcast_in_dim3A_9 : vector<16xf32> to vector<1x16xf32>
    tpu.vector_store %arg9[%swap3A_610, %swap3A_611], %swap3A_614 {strides = array<i32>} : memref<128x128xf32, #tpu.memory_space<vmem>>, vector<1x16xf32>,
    %swap3A_615 = arith.constant 12 : i32
    %swap3A_616 = arith.index_cast %swap3A_615 : i32 to index
    %swap3A_617 = arith.constant 80 : index
    %swap3A_618 = tpu.vector_load %arg9[%swap3A_616, %swap3A_617] {strides = array<i32>} : memref<128x128xf32, #tpu.memory_space<vmem>>, vector<1x16xf32>,
    %swap3A_619 = vector.shape_cast %swap3A_618 : vector<1x16xf32> to vector<16xf32>
    %swap3A_620 = vector.shape_cast %broadcast_in_dim3A_9 : vector<16xf32> to vector<1x16xf32>
    tpu.vector_store %arg9[%swap3A_616, %swap3A_617], %swap3A_620 {strides = array<i32>} : memref<128x128xf32, #tpu.memory_space<vmem>>, vector<1x16xf32>,
    %swap3A_621 = arith.constant 12 : i32
    %swap3A_622 = arith.index_cast %swap3A_621 : i32 to index
    %swap3A_623 = arith.constant 96 : index
    %swap3A_624 = tpu.vector_load %arg9[%swap3A_622, %swap3A_623] {strides = array<i32>} : memref<128x128xf32, #tpu.memory_space<vmem>>, vector<1x16xf32>,
    %swap3A_625 = vector.shape_cast %swap3A_624 : vector<1x16xf32> to vector<16xf32>
    %swap3A_626 = vector.shape_cast %broadcast_in_dim3A_9 : vector<16xf32> to vector<1x16xf32>
    tpu.vector_store %arg9[%swap3A_622, %swap3A_623], %swap3A_626 {strides = array<i32>} : memref<128x128xf32, #tpu.memory_space<vmem>>, vector<1x16xf32>,
    %swap3A_627 = arith.constant 12 : i32
    %swap3A_628 = arith.index_cast %swap3A_627 : i32 to index
    %swap3A_629 = arith.constant 112 : index
    %swap3A_630 = tpu.vector_load %arg9[%swap3A_628, %swap3A_629] {strides = array<i32>} : memref<128x128xf32, #tpu.memory_space<vmem>>, vector<1x16xf32>,
    %swap3A_631 = vector.shape_cast %swap3A_630 : vector<1x16xf32> to vector<16xf32>
    %swap3A_632 = vector.shape_cast %broadcast_in_dim3A_9 : vector<16xf32> to vector<1x16xf32>
    tpu.vector_store %arg9[%swap3A_628, %swap3A_629], %swap3A_632 {strides = array<i32>} : memref<128x128xf32, #tpu.memory_space<vmem>>, vector<1x16xf32>,
    %swap3A_633 = arith.constant 13 : i32
    %swap3A_634 = arith.index_cast %swap3A_633 : i32 to index
    %swap3A_635 = arith.constant 0 : index
    %swap3A_636 = tpu.vector_load %arg9[%swap3A_634, %swap3A_635] {strides = array<i32>} : memref<128x128xf32, #tpu.memory_space<vmem>>, vector<1x16xf32>,
    %swap3A_637 = vector.shape_cast %swap3A_636 : vector<1x16xf32> to vector<16xf32>
    %swap3A_638 = vector.shape_cast %broadcast_in_dim3A_9 : vector<16xf32> to vector<1x16xf32>
    tpu.vector_store %arg9[%swap3A_634, %swap3A_635], %swap3A_638 {strides = array<i32>} : memref<128x128xf32, #tpu.memory_space<vmem>>, vector<1x16xf32>,
    %swap3A_639 = arith.constant 13 : i32
    %swap3A_640 = arith.index_cast %swap3A_639 : i32 to index
    %swap3A_641 = arith.constant 16 : index
    %swap3A_642 = tpu.vector_load %arg9[%swap3A_640, %swap3A_641] {strides = array<i32>} : memref<128x128xf32, #tpu.memory_space<vmem>>, vector<1x16xf32>,
    %swap3A_643 = vector.shape_cast %swap3A_642 : vector<1x16xf32> to vector<16xf32>
    %swap3A_644 = vector.shape_cast %broadcast_in_dim3A_9 : vector<16xf32> to vector<1x16xf32>
    tpu.vector_store %arg9[%swap3A_640, %swap3A_641], %swap3A_644 {strides = array<i32>} : memref<128x128xf32, #tpu.memory_space<vmem>>, vector<1x16xf32>,
    %swap3A_645 = arith.constant 13 : i32
    %swap3A_646 = arith.index_cast %swap3A_645 : i32 to index
    %swap3A_647 = arith.constant 32 : index
    %swap3A_648 = tpu.vector_load %arg9[%swap3A_646, %swap3A_647] {strides = array<i32>} : memref<128x128xf32, #tpu.memory_space<vmem>>, vector<1x16xf32>,
    %swap3A_649 = vector.shape_cast %swap3A_648 : vector<1x16xf32> to vector<16xf32>
    %swap3A_650 = vector.shape_cast %broadcast_in_dim3A_9 : vector<16xf32> to vector<1x16xf32>
    tpu.vector_store %arg9[%swap3A_646, %swap3A_647], %swap3A_650 {strides = array<i32>} : memref<128x128xf32, #tpu.memory_space<vmem>>, vector<1x16xf32>,
    %swap3A_651 = arith.constant 13 : i32
    %swap3A_652 = arith.index_cast %swap3A_651 : i32 to index
    %swap3A_653 = arith.constant 48 : index
    %swap3A_654 = tpu.vector_load %arg9[%swap3A_652, %swap3A_653] {strides = array<i32>} : memref<128x128xf32, #tpu.memory_space<vmem>>, vector<1x16xf32>,
    %swap3A_655 = vector.shape_cast %swap3A_654 : vector<1x16xf32> to vector<16xf32>
    %swap3A_656 = vector.shape_cast %broadcast_in_dim3A_9 : vector<16xf32> to vector<1x16xf32>
    tpu.vector_store %arg9[%swap3A_652, %swap3A_653], %swap3A_656 {strides = array<i32>} : memref<128x128xf32, #tpu.memory_space<vmem>>, vector<1x16xf32>,
    %swap3A_657 = arith.constant 13 : i32
    %swap3A_658 = arith.index_cast %swap3A_657 : i32 to index
    %swap3A_659 = arith.constant 64 : index
    %swap3A_660 = tpu.vector_load %arg9[%swap3A_658, %swap3A_659] {strides = array<i32>} : memref<128x128xf32, #tpu.memory_space<vmem>>, vector<1x16xf32>,
    %swap3A_661 = vector.shape_cast %swap3A_660 : vector<1x16xf32> to vector<16xf32>
    %swap3A_662 = vector.shape_cast %broadcast_in_dim3A_9 : vector<16xf32> to vector<1x16xf32>
    tpu.vector_store %arg9[%swap3A_658, %swap3A_659], %swap3A_662 {strides = array<i32>} : memref<128x128xf32, #tpu.memory_space<vmem>>, vector<1x16xf32>,
    %swap3A_663 = arith.constant 13 : i32
    %swap3A_664 = arith.index_cast %swap3A_663 : i32 to index
    %swap3A_665 = arith.constant 80 : index
    %swap3A_666 = tpu.vector_load %arg9[%swap3A_664, %swap3A_665] {strides = array<i32>} : memref<128x128xf32, #tpu.memory_space<vmem>>, vector<1x16xf32>,
    %swap3A_667 = vector.shape_cast %swap3A_666 : vector<1x16xf32> to vector<16xf32>
    %swap3A_668 = vector.shape_cast %broadcast_in_dim3A_9 : vector<16xf32> to vector<1x16xf32>
    tpu.vector_store %arg9[%swap3A_664, %swap3A_665], %swap3A_668 {strides = array<i32>} : memref<128x128xf32, #tpu.memory_space<vmem>>, vector<1x16xf32>,
    %swap3A_669 = arith.constant 13 : i32
    %swap3A_670 = arith.index_cast %swap3A_669 : i32 to index
    %swap3A_671 = arith.constant 96 : index
    %swap3A_672 = tpu.vector_load %arg9[%swap3A_670, %swap3A_671] {strides = array<i32>} : memref<128x128xf32, #tpu.memory_space<vmem>>, vector<1x16xf32>,
    %swap3A_673 = vector.shape_cast %swap3A_672 : vector<1x16xf32> to vector<16xf32>
    %swap3A_674 = vector.shape_cast %broadcast_in_dim3A_9 : vector<16xf32> to vector<1x16xf32>
    tpu.vector_store %arg9[%swap3A_670, %swap3A_671], %swap3A_674 {strides = array<i32>} : memref<128x128xf32, #tpu.memory_space<vmem>>, vector<1x16xf32>,
    %swap3A_675 = arith.constant 13 : i32
    %swap3A_676 = arith.index_cast %swap3A_675 : i32 to index
    %swap3A_677 = arith.constant 112 : index
    %swap3A_678 = tpu.vector_load %arg9[%swap3A_676, %swap3A_677] {strides = array<i32>} : memref<128x128xf32, #tpu.memory_space<vmem>>, vector<1x16xf32>,
    %swap3A_679 = vector.shape_cast %swap3A_678 : vector<1x16xf32> to vector<16xf32>
    %swap3A_680 = vector.shape_cast %broadcast_in_dim3A_9 : vector<16xf32> to vector<1x16xf32>
    tpu.vector_store %arg9[%swap3A_676, %swap3A_677], %swap3A_680 {strides = array<i32>} : memref<128x128xf32, #tpu.memory_space<vmem>>, vector<1x16xf32>,
    %swap3A_681 = arith.constant 14 : i32
    %swap3A_682 = arith.index_cast %swap3A_681 : i32 to index
    %swap3A_683 = arith.constant 0 : index
    %swap3A_684 = tpu.vector_load %arg9[%swap3A_682, %swap3A_683] {strides = array<i32>} : memref<128x128xf32, #tpu.memory_space<vmem>>, vector<1x16xf32>,
    %swap3A_685 = vector.shape_cast %swap3A_684 : vector<1x16xf32> to vector<16xf32>
    %swap3A_686 = vector.shape_cast %broadcast_in_dim3A_9 : vector<16xf32> to vector<1x16xf32>
    tpu.vector_store %arg9[%swap3A_682, %swap3A_683], %swap3A_686 {strides = array<i32>} : memref<128x128xf32, #tpu.memory_space<vmem>>, vector<1x16xf32>,
    %swap3A_687 = arith.constant 14 : i32
    %swap3A_688 = arith.index_cast %swap3A_687 : i32 to index
    %swap3A_689 = arith.constant 16 : index
    %swap3A_690 = tpu.vector_load %arg9[%swap3A_688, %swap3A_689] {strides = array<i32>} : memref<128x128xf32, #tpu.memory_space<vmem>>, vector<1x16xf32>,
    %swap3A_691 = vector.shape_cast %swap3A_690 : vector<1x16xf32> to vector<16xf32>
    %swap3A_692 = vector.shape_cast %broadcast_in_dim3A_9 : vector<16xf32> to vector<1x16xf32>
    tpu.vector_store %arg9[%swap3A_688, %swap3A_689], %swap3A_692 {strides = array<i32>} : memref<128x128xf32, #tpu.memory_space<vmem>>, vector<1x16xf32>,
    %swap3A_693 = arith.constant 14 : i32
    %swap3A_694 = arith.index_cast %swap3A_693 : i32 to index
    %swap3A_695 = arith.constant 32 : index
    %swap3A_696 = tpu.vector_load %arg9[%swap3A_694, %swap3A_695] {strides = array<i32>} : memref<128x128xf32, #tpu.memory_space<vmem>>, vector<1x16xf32>,
    %swap3A_697 = vector.shape_cast %swap3A_696 : vector<1x16xf32> to vector<16xf32>
    %swap3A_698 = vector.shape_cast %broadcast_in_dim3A_9 : vector<16xf32> to vector<1x16xf32>
    tpu.vector_store %arg9[%swap3A_694, %swap3A_695], %swap3A_698 {strides = array<i32>} : memref<128x128xf32, #tpu.memory_space<vmem>>, vector<1x16xf32>,
    %swap3A_699 = arith.constant 14 : i32
    %swap3A_700 = arith.index_cast %swap3A_699 : i32 to index
    %swap3A_701 = arith.constant 48 : index
    %swap3A_702 = tpu.vector_load %arg9[%swap3A_700, %swap3A_701] {strides = array<i32>} : memref<128x128xf32, #tpu.memory_space<vmem>>, vector<1x16xf32>,
    %swap3A_703 = vector.shape_cast %swap3A_702 : vector<1x16xf32> to vector<16xf32>
    %swap3A_704 = vector.shape_cast %broadcast_in_dim3A_9 : vector<16xf32> to vector<1x16xf32>
    tpu.vector_store %arg9[%swap3A_700, %swap3A_701], %swap3A_704 {strides = array<i32>} : memref<128x128xf32, #tpu.memory_space<vmem>>, vector<1x16xf32>,
    %swap3A_705 = arith.constant 14 : i32
    %swap3A_706 = arith.index_cast %swap3A_705 : i32 to index
    %swap3A_707 = arith.constant 64 : index
    %swap3A_708 = tpu.vector_load %arg9[%swap3A_706, %swap3A_707] {strides = array<i32>} : memref<128x128xf32, #tpu.memory_space<vmem>>, vector<1x16xf32>,
    %swap3A_709 = vector.shape_cast %swap3A_708 : vector<1x16xf32> to vector<16xf32>
    %swap3A_710 = vector.shape_cast %broadcast_in_dim3A_9 : vector<16xf32> to vector<1x16xf32>
    tpu.vector_store %arg9[%swap3A_706, %swap3A_707], %swap3A_710 {strides = array<i32>} : memref<128x128xf32, #tpu.memory_space<vmem>>, vector<1x16xf32>,
    %swap3A_711 = arith.constant 14 : i32
    %swap3A_712 = arith.index_cast %swap3A_711 : i32 to index
    %swap3A_713 = arith.constant 80 : index
    %swap3A_714 = tpu.vector_load %arg9[%swap3A_712, %swap3A_713] {strides = array<i32>} : memref<128x128xf32, #tpu.memory_space<vmem>>, vector<1x16xf32>,
    %swap3A_715 = vector.shape_cast %swap3A_714 : vector<1x16xf32> to vector<16xf32>
    %swap3A_716 = vector.shape_cast %broadcast_in_dim3A_9 : vector<16xf32> to vector<1x16xf32>
    tpu.vector_store %arg9[%swap3A_712, %swap3A_713], %swap3A_716 {strides = array<i32>} : memref<128x128xf32, #tpu.memory_space<vmem>>, vector<1x16xf32>,
    %swap3A_717 = arith.constant 14 : i32
    %swap3A_718 = arith.index_cast %swap3A_717 : i32 to index
    %swap3A_719 = arith.constant 96 : index
    %swap3A_720 = tpu.vector_load %arg9[%swap3A_718, %swap3A_719] {strides = array<i32>} : memref<128x128xf32, #tpu.memory_space<vmem>>, vector<1x16xf32>,
    %swap3A_721 = vector.shape_cast %swap3A_720 : vector<1x16xf32> to vector<16xf32>
    %swap3A_722 = vector.shape_cast %broadcast_in_dim3A_9 : vector<16xf32> to vector<1x16xf32>
    tpu.vector_store %arg9[%swap3A_718, %swap3A_719], %swap3A_722 {strides = array<i32>} : memref<128x128xf32, #tpu.memory_space<vmem>>, vector<1x16xf32>,
    %swap3A_723 = arith.constant 14 : i32
    %swap3A_724 = arith.index_cast %swap3A_723 : i32 to index
    %swap3A_725 = arith.constant 112 : index
    %swap3A_726 = tpu.vector_load %arg9[%swap3A_724, %swap3A_725] {strides = array<i32>} : memref<128x128xf32, #tpu.memory_space<vmem>>, vector<1x16xf32>,
    %swap3A_727 = vector.shape_cast %swap3A_726 : vector<1x16xf32> to vector<16xf32>
    %swap3A_728 = vector.shape_cast %broadcast_in_dim3A_9 : vector<16xf32> to vector<1x16xf32>
    tpu.vector_store %arg9[%swap3A_724, %swap3A_725], %swap3A_728 {strides = array<i32>} : memref<128x128xf32, #tpu.memory_space<vmem>>, vector<1x16xf32>,
    %swap3A_729 = arith.constant 15 : i32
    %swap3A_730 = arith.index_cast %swap3A_729 : i32 to index
    %swap3A_731 = arith.constant 0 : index
    %swap3A_732 = tpu.vector_load %arg9[%swap3A_730, %swap3A_731] {strides = array<i32>} : memref<128x128xf32, #tpu.memory_space<vmem>>, vector<1x16xf32>,
    %swap3A_733 = vector.shape_cast %swap3A_732 : vector<1x16xf32> to vector<16xf32>
    %swap3A_734 = vector.shape_cast %broadcast_in_dim3A_9 : vector<16xf32> to vector<1x16xf32>
    tpu.vector_store %arg9[%swap3A_730, %swap3A_731], %swap3A_734 {strides = array<i32>} : memref<128x128xf32, #tpu.memory_space<vmem>>, vector<1x16xf32>,
    %swap3A_735 = arith.constant 15 : i32
    %swap3A_736 = arith.index_cast %swap3A_735 : i32 to index
    %swap3A_737 = arith.constant 16 : index
    %swap3A_738 = tpu.vector_load %arg9[%swap3A_736, %swap3A_737] {strides = array<i32>} : memref<128x128xf32, #tpu.memory_space<vmem>>, vector<1x16xf32>,
    %swap3A_739 = vector.shape_cast %swap3A_738 : vector<1x16xf32> to vector<16xf32>
    %swap3A_740 = vector.shape_cast %broadcast_in_dim3A_9 : vector<16xf32> to vector<1x16xf32>
    tpu.vector_store %arg9[%swap3A_736, %swap3A_737], %swap3A_740 {strides = array<i32>} : memref<128x128xf32, #tpu.memory_space<vmem>>, vector<1x16xf32>,
    %swap3A_741 = arith.constant 15 : i32
    %swap3A_742 = arith.index_cast %swap3A_741 : i32 to index
    %swap3A_743 = arith.constant 32 : index
    %swap3A_744 = tpu.vector_load %arg9[%swap3A_742, %swap3A_743] {strides = array<i32>} : memref<128x128xf32, #tpu.memory_space<vmem>>, vector<1x16xf32>,
    %swap3A_745 = vector.shape_cast %swap3A_744 : vector<1x16xf32> to vector<16xf32>
    %swap3A_746 = vector.shape_cast %broadcast_in_dim3A_9 : vector<16xf32> to vector<1x16xf32>
    tpu.vector_store %arg9[%swap3A_742, %swap3A_743], %swap3A_746 {strides = array<i32>} : memref<128x128xf32, #tpu.memory_space<vmem>>, vector<1x16xf32>,
    %swap3A_747 = arith.constant 15 : i32
    %swap3A_748 = arith.index_cast %swap3A_747 : i32 to index
    %swap3A_749 = arith.constant 48 : index
    %swap3A_750 = tpu.vector_load %arg9[%swap3A_748, %swap3A_749] {strides = array<i32>} : memref<128x128xf32, #tpu.memory_space<vmem>>, vector<1x16xf32>,
    %swap3A_751 = vector.shape_cast %swap3A_750 : vector<1x16xf32> to vector<16xf32>
    %swap3A_752 = vector.shape_cast %broadcast_in_dim3A_9 : vector<16xf32> to vector<1x16xf32>
    tpu.vector_store %arg9[%swap3A_748, %swap3A_749], %swap3A_752 {strides = array<i32>} : memref<128x128xf32, #tpu.memory_space<vmem>>, vector<1x16xf32>,
    %swap3A_753 = arith.constant 15 : i32
    %swap3A_754 = arith.index_cast %swap3A_753 : i32 to index
    %swap3A_755 = arith.constant 64 : index
    %swap3A_756 = tpu.vector_load %arg9[%swap3A_754, %swap3A_755] {strides = array<i32>} : memref<128x128xf32, #tpu.memory_space<vmem>>, vector<1x16xf32>,
    %swap3A_757 = vector.shape_cast %swap3A_756 : vector<1x16xf32> to vector<16xf32>
    %swap3A_758 = vector.shape_cast %broadcast_in_dim3A_9 : vector<16xf32> to vector<1x16xf32>
    tpu.vector_store %arg9[%swap3A_754, %swap3A_755], %swap3A_758 {strides = array<i32>} : memref<128x128xf32, #tpu.memory_space<vmem>>, vector<1x16xf32>,
    %swap3A_759 = arith.constant 15 : i32
    %swap3A_760 = arith.index_cast %swap3A_759 : i32 to index
    %swap3A_761 = arith.constant 80 : index
    %swap3A_762 = tpu.vector_load %arg9[%swap3A_760, %swap3A_761] {strides = array<i32>} : memref<128x128xf32, #tpu.memory_space<vmem>>, vector<1x16xf32>,
    %swap3A_763 = vector.shape_cast %swap3A_762 : vector<1x16xf32> to vector<16xf32>
    %swap3A_764 = vector.shape_cast %broadcast_in_dim3A_9 : vector<16xf32> to vector<1x16xf32>
    tpu.vector_store %arg9[%swap3A_760, %swap3A_761], %swap3A_764 {strides = array<i32>} : memref<128x128xf32, #tpu.memory_space<vmem>>, vector<1x16xf32>,
    %swap3A_765 = arith.constant 15 : i32
    %swap3A_766 = arith.index_cast %swap3A_765 : i32 to index
    %swap3A_767 = arith.constant 96 : index
    %swap3A_768 = tpu.vector_load %arg9[%swap3A_766, %swap3A_767] {strides = array<i32>} : memref<128x128xf32, #tpu.memory_space<vmem>>, vector<1x16xf32>,
    %swap3A_769 = vector.shape_cast %swap3A_768 : vector<1x16xf32> to vector<16xf32>
    %swap3A_770 = vector.shape_cast %broadcast_in_dim3A_9 : vector<16xf32> to vector<1x16xf32>
    tpu.vector_store %arg9[%swap3A_766, %swap3A_767], %swap3A_770 {strides = array<i32>} : memref<128x128xf32, #tpu.memory_space<vmem>>, vector<1x16xf32>,
    %swap3A_771 = arith.constant 15 : i32
    %swap3A_772 = arith.index_cast %swap3A_771 : i32 to index
    %swap3A_773 = arith.constant 112 : index
    %swap3A_774 = tpu.vector_load %arg9[%swap3A_772, %swap3A_773] {strides = array<i32>} : memref<128x128xf32, #tpu.memory_space<vmem>>, vector<1x16xf32>,
    %swap3A_775 = vector.shape_cast %swap3A_774 : vector<1x16xf32> to vector<16xf32>
    %swap3A_776 = vector.shape_cast %broadcast_in_dim3A_9 : vector<16xf32> to vector<1x16xf32>
    tpu.vector_store %arg9[%swap3A_772, %swap3A_773], %swap3A_776 {strides = array<i32>} : memref<128x128xf32, #tpu.memory_space<vmem>>, vector<1x16xf32>,
    %mul3A_777 = arith.constant 640 : i32
    %mul3A_778 = arith.muli %arg1, %mul3A_777 : i32
    %scan3A = arith.constant 0 : i32
    %scan3A_779 = arith.constant 40 : i32
    %scan3A_780 = arith.addi %scan3A, %scan3A_779 : i32
    %scan3A_781 = arith.constant 1 : i32
    scf.for %scan3A_935 = %scan3A to %scan3A_780 step %scan3A_781  : i32 {
      %mul3A_936 = arith.constant 1 : i32
      %mul3A_937 = arith.muli %scan3A_935, %mul3A_936 : i32
      %add3A_938 = arith.constant 0 : i32
      %add3A_939 = arith.addi %add3A_938, %mul3A_937 : i32
      %mul3A_940 = arith.constant 16 : i32
      %mul3A_941 = arith.muli %add3A_939, %mul3A_940 : i32
      %add3A_942 = arith.addi %mul3A_778, %mul3A_941 : i32
      "tpu.region"() ({
        %run_scoped3A = tpu.sem_alloc : memref<!tpu.dma_semaphore, #tpu.memory_space<semaphore_mem>>
        %dma_start3A_943 = arith.constant 0 : i32
        %dma_start3A_944 = arith.constant 0 : i32
        %dma_start3A_945 = tpu.memref_slice %arg9[%dma_start3A_943, %dma_start3A_944] : memref<128x128xf32, #tpu.memory_space<vmem>> -> memref<16x128xf32, #tpu.memory_space<vmem>>
        %dma_start3A_946 = arith.constant 0 : i32
        %dma_start3A_947 = tpu.memref_slice %arg6[%add3A_942, %dma_start3A_946] : memref<10240x128xf32, #tpu.memory_space<vmem_shared>> -> memref<16x128xf32, #tpu.memory_space<vmem_shared>>
        %dma_start3A_948 = arith.constant 0 : i32
        %dma_start3A_949 = tpu.memref_slice %arg6[%add3A_942, %dma_start3A_948] : memref<10240x128xf32, #tpu.memory_space<vmem_shared>> -> memref<16x128xf32, #tpu.memory_space<vmem_shared>>
        %dma_start3A_950 = arith.constant 0 : i32
        %dma_start3A_951 = arith.constant 0 : i32
        %dma_start3A_952 = tpu.memref_slice %arg9[%dma_start3A_950, %dma_start3A_951] : memref<128x128xf32, #tpu.memory_space<vmem>> -> memref<16x128xf32, #tpu.memory_space<vmem>>
        tpu.enqueue_dma source(%dma_start3A_952 : memref<16x128xf32, #tpu.memory_space<vmem>>) target(%dma_start3A_949 : memref<16x128xf32, #tpu.memory_space<vmem_shared>>) target_semaphore(%run_scoped3A : memref<!tpu.dma_semaphore, #tpu.memory_space<semaphore_mem>>)
        %dma_wait3A_953 = arith.constant 0 : i32
        %dma_wait3A_954 = arith.constant 0 : i32
        %dma_wait3A_955 = tpu.memref_slice %arg9[%dma_wait3A_953, %dma_wait3A_954] : memref<128x128xf32, #tpu.memory_space<vmem>> -> memref<16x128xf32, #tpu.memory_space<vmem>>
        %dma_wait3A_956 = arith.constant 0 : i32
        %dma_wait3A_957 = tpu.memref_slice %arg6[%add3A_942, %dma_wait3A_956] : memref<10240x128xf32, #tpu.memory_space<vmem_shared>> -> memref<16x128xf32, #tpu.memory_space<vmem_shared>>
        %dma_wait3A_958 = arith.constant 0 : i32
        %dma_wait3A_959 = tpu.memref_slice %arg6[%add3A_942, %dma_wait3A_958] : memref<10240x128xf32, #tpu.memory_space<vmem_shared>> -> memref<16x128xf32, #tpu.memory_space<vmem_shared>>
        %dma_wait3A_960 = arith.constant 0 : i32
        %dma_wait3A_961 = arith.constant 0 : i32
        %dma_wait3A_962 = tpu.memref_slice %arg9[%dma_wait3A_960, %dma_wait3A_961] : memref<128x128xf32, #tpu.memory_space<vmem>> -> memref<16x128xf32, #tpu.memory_space<vmem>>
        tpu.wait_dma2 semaphore(%run_scoped3A : memref<!tpu.dma_semaphore, #tpu.memory_space<semaphore_mem>>) src(%dma_wait3A_962 : memref<16x128xf32, #tpu.memory_space<vmem>>) dst(%dma_wait3A_959 : memref<16x128xf32, #tpu.memory_space<vmem_shared>>)
        tpu.yield
      }) : () -> ()
    }
    %scan3A_782 = arith.constant 40 : i32
    %barrier3A = arith.constant 0 : index
    tpu.barrier barrier_id(%barrier3A)
    %add3A_783 = arith.constant 0 : i32
    %add3A_784 = arith.addi %select_n3A_8, %add3A_783 : i32
    %dma_start3A = arith.constant 0 : i32
    %dma_start3A_785 = arith.constant 0 : i32
    %dma_start3A_786 = tpu.memref_slice %arg8[%dma_start3A, %dma_start3A_785] : memref<2x128xi32, #tpu.memory_space<vmem>> -> memref<1x128xi32, #tpu.memory_space<vmem>>
    %dma_start3A_787 = tpu.memref_squeeze %dma_start3A_786 : memref<1x128xi32, #tpu.memory_space<vmem>> -> memref<128xi32, #tpu.memory_space<vmem>>
    %dma_start3A_788 = arith.constant 0 : i32
    %dma_start3A_789 = tpu.memref_slice %arg4[%add3A_784, %dma_start3A_788] : memref<2672x128xi32, #tpu.memory_space<hbm>> -> memref<1x128xi32, #tpu.memory_space<hbm>>
    %dma_start3A_790 = tpu.memref_squeeze %dma_start3A_789 : memref<1x128xi32, #tpu.memory_space<hbm>> -> memref<128xi32, #tpu.memory_space<hbm>>
    %dma_start3A_791 = arith.constant 0 : i32
    %dma_start3A_792 = tpu.memref_slice %arg8[%dma_start3A, %dma_start3A_791] : memref<2x128xi32, #tpu.memory_space<vmem>> -> memref<1x128xi32, #tpu.memory_space<vmem>>
    %dma_start3A_793 = tpu.memref_squeeze %dma_start3A_792 : memref<1x128xi32, #tpu.memory_space<vmem>> -> memref<128xi32, #tpu.memory_space<vmem>>
    %dma_start3A_794 = arith.constant 0 : i32
    %dma_start3A_795 = tpu.memref_slice %arg4[%add3A_784, %dma_start3A_794] : memref<2672x128xi32, #tpu.memory_space<hbm>> -> memref<1x128xi32, #tpu.memory_space<hbm>>
    %dma_start3A_796 = tpu.memref_squeeze %dma_start3A_795 : memref<1x128xi32, #tpu.memory_space<hbm>> -> memref<128xi32, #tpu.memory_space<hbm>>
    tpu.enqueue_dma source(%dma_start3A_796 : memref<128xi32, #tpu.memory_space<hbm>>) target(%dma_start3A_793 : memref<128xi32, #tpu.memory_space<vmem>>) target_semaphore(%arg15 : memref<!tpu.dma_semaphore, #tpu.memory_space<semaphore_mem>>)
    %dma_start3A_797 = arith.constant 0 : i32
    %dma_start3A_798 = arith.constant 0 : i32
    %dma_start3A_799 = arith.constant 0 : i32
    %dma_start3A_800 = tpu.memref_slice %arg9[%dma_start3A_798, %dma_start3A_799] : memref<128x128xf32, #tpu.memory_space<vmem>> -> memref<32x128xf32, #tpu.memory_space<vmem>>
    %dma_start3A_801 = arith.constant 0 : i32
    %dma_start3A_802 = tpu.memref_slice %arg7[%dma_start3A_797, %dma_start3A_801] : memref<112x128xi32, #tpu.memory_space<vmem>> -> memref<1x32xi32, #tpu.memory_space<vmem>>
    %dma_start3A_803 = tpu.memref_squeeze %dma_start3A_802 : memref<1x32xi32, #tpu.memory_space<vmem>> -> memref<32xi32, #tpu.memory_space<vmem>>
    %dma_start3A_804 = arith.constant 0 : i32
    %dma_start3A_805 = arith.constant 0 : i32
    %dma_start3A_806 = tpu.memref_slice %arg2[%dma_start3A_804, %dma_start3A_805] : memref<10000x128xf32, #tpu.memory_space<hbm>> -> memref<10000x128xf32, #tpu.memory_space<hbm>>
    tpu.enqueue_indirect_dma source(%dma_start3A_806 : memref<10000x128xf32, #tpu.memory_space<hbm>>) target(%dma_start3A_800 : memref<32x128xf32, #tpu.memory_space<vmem>>) offsets(%dma_start3A_803 : memref<32xi32, #tpu.memory_space<vmem>>) semaphore(%arg11 : memref<!tpu.dma_semaphore, #tpu.memory_space<semaphore_mem>>)
    %dma_start3A_807 = arith.constant 0 : i32
    %dma_start3A_808 = arith.constant 32 : i32
    %dma_start3A_809 = arith.constant 0 : i32
    %dma_start3A_810 = tpu.memref_slice %arg9[%dma_start3A_808, %dma_start3A_809] : memref<128x128xf32, #tpu.memory_space<vmem>> -> memref<32x128xf32, #tpu.memory_space<vmem>>
    %dma_start3A_811 = arith.constant 32 : i32
    %dma_start3A_812 = tpu.memref_slice %arg7[%dma_start3A_807, %dma_start3A_811] : memref<112x128xi32, #tpu.memory_space<vmem>> -> memref<1x32xi32, #tpu.memory_space<vmem>>
    %dma_start3A_813 = tpu.memref_squeeze %dma_start3A_812 : memref<1x32xi32, #tpu.memory_space<vmem>> -> memref<32xi32, #tpu.memory_space<vmem>>
    %dma_start3A_814 = arith.constant 0 : i32
    %dma_start3A_815 = arith.constant 0 : i32
    %dma_start3A_816 = tpu.memref_slice %arg2[%dma_start3A_814, %dma_start3A_815] : memref<10000x128xf32, #tpu.memory_space<hbm>> -> memref<10000x128xf32, #tpu.memory_space<hbm>>
    tpu.enqueue_indirect_dma source(%dma_start3A_816 : memref<10000x128xf32, #tpu.memory_space<hbm>>) target(%dma_start3A_810 : memref<32x128xf32, #tpu.memory_space<vmem>>) offsets(%dma_start3A_813 : memref<32xi32, #tpu.memory_space<vmem>>) semaphore(%arg11 : memref<!tpu.dma_semaphore, #tpu.memory_space<semaphore_mem>>)
    %dma_start3A_817 = arith.constant 0 : i32
    %dma_start3A_818 = arith.constant 64 : i32
    %dma_start3A_819 = arith.constant 0 : i32
    %dma_start3A_820 = tpu.memref_slice %arg9[%dma_start3A_818, %dma_start3A_819] : memref<128x128xf32, #tpu.memory_space<vmem>> -> memref<32x128xf32, #tpu.memory_space<vmem>>
    %dma_start3A_821 = arith.constant 64 : i32
    %dma_start3A_822 = tpu.memref_slice %arg7[%dma_start3A_817, %dma_start3A_821] : memref<112x128xi32, #tpu.memory_space<vmem>> -> memref<1x32xi32, #tpu.memory_space<vmem>>
    %dma_start3A_823 = tpu.memref_squeeze %dma_start3A_822 : memref<1x32xi32, #tpu.memory_space<vmem>> -> memref<32xi32, #tpu.memory_space<vmem>>
    %dma_start3A_824 = arith.constant 0 : i32
    %dma_start3A_825 = arith.constant 0 : i32
    %dma_start3A_826 = tpu.memref_slice %arg2[%dma_start3A_824, %dma_start3A_825] : memref<10000x128xf32, #tpu.memory_space<hbm>> -> memref<10000x128xf32, #tpu.memory_space<hbm>>
    tpu.enqueue_indirect_dma source(%dma_start3A_826 : memref<10000x128xf32, #tpu.memory_space<hbm>>) target(%dma_start3A_820 : memref<32x128xf32, #tpu.memory_space<vmem>>) offsets(%dma_start3A_823 : memref<32xi32, #tpu.memory_space<vmem>>) semaphore(%arg11 : memref<!tpu.dma_semaphore, #tpu.memory_space<semaphore_mem>>)
    %dma_start3A_827 = arith.constant 0 : i32
    %dma_start3A_828 = arith.constant 96 : i32
    %dma_start3A_829 = arith.constant 0 : i32
    %dma_start3A_830 = tpu.memref_slice %arg9[%dma_start3A_828, %dma_start3A_829] : memref<128x128xf32, #tpu.memory_space<vmem>> -> memref<32x128xf32, #tpu.memory_space<vmem>>
    %dma_start3A_831 = arith.constant 96 : i32
    %dma_start3A_832 = tpu.memref_slice %arg7[%dma_start3A_827, %dma_start3A_831] : memref<112x128xi32, #tpu.memory_space<vmem>> -> memref<1x32xi32, #tpu.memory_space<vmem>>
    %dma_start3A_833 = tpu.memref_squeeze %dma_start3A_832 : memref<1x32xi32, #tpu.memory_space<vmem>> -> memref<32xi32, #tpu.memory_space<vmem>>
    %dma_start3A_834 = arith.constant 0 : i32
    %dma_start3A_835 = arith.constant 0 : i32
    %dma_start3A_836 = tpu.memref_slice %arg2[%dma_start3A_834, %dma_start3A_835] : memref<10000x128xf32, #tpu.memory_space<hbm>> -> memref<10000x128xf32, #tpu.memory_space<hbm>>
    tpu.enqueue_indirect_dma source(%dma_start3A_836 : memref<10000x128xf32, #tpu.memory_space<hbm>>) target(%dma_start3A_830 : memref<32x128xf32, #tpu.memory_space<vmem>>) offsets(%dma_start3A_833 : memref<32xi32, #tpu.memory_space<vmem>>) semaphore(%arg11 : memref<!tpu.dma_semaphore, #tpu.memory_space<semaphore_mem>>)
    %add3A_837 = arith.constant 1 : i32
    %add3A_838 = arith.addi %select_n3A_8, %add3A_837 : i32
    %dma_start3A_839 = arith.constant 1 : i32
    %dma_start3A_840 = arith.constant 0 : i32
    %dma_start3A_841 = tpu.memref_slice %arg8[%dma_start3A_839, %dma_start3A_840] : memref<2x128xi32, #tpu.memory_space<vmem>> -> memref<1x128xi32, #tpu.memory_space<vmem>>
    %dma_start3A_842 = tpu.memref_squeeze %dma_start3A_841 : memref<1x128xi32, #tpu.memory_space<vmem>> -> memref<128xi32, #tpu.memory_space<vmem>>
    %dma_start3A_843 = arith.constant 0 : i32
    %dma_start3A_844 = tpu.memref_slice %arg4[%add3A_838, %dma_start3A_843] : memref<2672x128xi32, #tpu.memory_space<hbm>> -> memref<1x128xi32, #tpu.memory_space<hbm>>
    %dma_start3A_845 = tpu.memref_squeeze %dma_start3A_844 : memref<1x128xi32, #tpu.memory_space<hbm>> -> memref<128xi32, #tpu.memory_space<hbm>>
    %dma_start3A_846 = arith.constant 0 : i32
    %dma_start3A_847 = tpu.memref_slice %arg8[%dma_start3A_839, %dma_start3A_846] : memref<2x128xi32, #tpu.memory_space<vmem>> -> memref<1x128xi32, #tpu.memory_space<vmem>>
    %dma_start3A_848 = tpu.memref_squeeze %dma_start3A_847 : memref<1x128xi32, #tpu.memory_space<vmem>> -> memref<128xi32, #tpu.memory_space<vmem>>
    %dma_start3A_849 = arith.constant 0 : i32
    %dma_start3A_850 = tpu.memref_slice %arg4[%add3A_838, %dma_start3A_849] : memref<2672x128xi32, #tpu.memory_space<hbm>> -> memref<1x128xi32, #tpu.memory_space<hbm>>
    %dma_start3A_851 = tpu.memref_squeeze %dma_start3A_850 : memref<1x128xi32, #tpu.memory_space<hbm>> -> memref<128xi32, #tpu.memory_space<hbm>>
    tpu.enqueue_dma source(%dma_start3A_851 : memref<128xi32, #tpu.memory_space<hbm>>) target(%dma_start3A_848 : memref<128xi32, #tpu.memory_space<vmem>>) target_semaphore(%arg16 : memref<!tpu.dma_semaphore, #tpu.memory_space<semaphore_mem>>)
    %dma_start3A_852 = arith.constant 1 : i32
    %dma_start3A_853 = arith.constant 0 : i32
    %dma_start3A_854 = arith.constant 0 : i32
    %dma_start3A_855 = tpu.memref_slice %arg10[%dma_start3A_853, %dma_start3A_854] : memref<128x128xf32, #tpu.memory_space<vmem>> -> memref<32x128xf32, #tpu.memory_space<vmem>>
    %dma_start3A_856 = arith.constant 0 : i32
    %dma_start3A_857 = tpu.memref_slice %arg7[%dma_start3A_852, %dma_start3A_856] : memref<112x128xi32, #tpu.memory_space<vmem>> -> memref<1x32xi32, #tpu.memory_space<vmem>>
    %dma_start3A_858 = tpu.memref_squeeze %dma_start3A_857 : memref<1x32xi32, #tpu.memory_space<vmem>> -> memref<32xi32, #tpu.memory_space<vmem>>
    %dma_start3A_859 = arith.constant 0 : i32
    %dma_start3A_860 = arith.constant 0 : i32
    %dma_start3A_861 = tpu.memref_slice %arg2[%dma_start3A_859, %dma_start3A_860] : memref<10000x128xf32, #tpu.memory_space<hbm>> -> memref<10000x128xf32, #tpu.memory_space<hbm>>
    tpu.enqueue_indirect_dma source(%dma_start3A_861 : memref<10000x128xf32, #tpu.memory_space<hbm>>) target(%dma_start3A_855 : memref<32x128xf32, #tpu.memory_space<vmem>>) offsets(%dma_start3A_858 : memref<32xi32, #tpu.memory_space<vmem>>) semaphore(%arg12 : memref<!tpu.dma_semaphore, #tpu.memory_space<semaphore_mem>>)
    %dma_start3A_862 = arith.constant 1 : i32
    %dma_start3A_863 = arith.constant 32 : i32
    %dma_start3A_864 = arith.constant 0 : i32
    %dma_start3A_865 = tpu.memref_slice %arg10[%dma_start3A_863, %dma_start3A_864] : memref<128x128xf32, #tpu.memory_space<vmem>> -> memref<32x128xf32, #tpu.memory_space<vmem>>
    %dma_start3A_866 = arith.constant 32 : i32
    %dma_start3A_867 = tpu.memref_slice %arg7[%dma_start3A_862, %dma_start3A_866] : memref<112x128xi32, #tpu.memory_space<vmem>> -> memref<1x32xi32, #tpu.memory_space<vmem>>
    %dma_start3A_868 = tpu.memref_squeeze %dma_start3A_867 : memref<1x32xi32, #tpu.memory_space<vmem>> -> memref<32xi32, #tpu.memory_space<vmem>>
    %dma_start3A_869 = arith.constant 0 : i32
    %dma_start3A_870 = arith.constant 0 : i32
    %dma_start3A_871 = tpu.memref_slice %arg2[%dma_start3A_869, %dma_start3A_870] : memref<10000x128xf32, #tpu.memory_space<hbm>> -> memref<10000x128xf32, #tpu.memory_space<hbm>>
    tpu.enqueue_indirect_dma source(%dma_start3A_871 : memref<10000x128xf32, #tpu.memory_space<hbm>>) target(%dma_start3A_865 : memref<32x128xf32, #tpu.memory_space<vmem>>) offsets(%dma_start3A_868 : memref<32xi32, #tpu.memory_space<vmem>>) semaphore(%arg12 : memref<!tpu.dma_semaphore, #tpu.memory_space<semaphore_mem>>)
    %dma_start3A_872 = arith.constant 1 : i32
    %dma_start3A_873 = arith.constant 64 : i32
    %dma_start3A_874 = arith.constant 0 : i32
    %dma_start3A_875 = tpu.memref_slice %arg10[%dma_start3A_873, %dma_start3A_874] : memref<128x128xf32, #tpu.memory_space<vmem>> -> memref<32x128xf32, #tpu.memory_space<vmem>>
    %dma_start3A_876 = arith.constant 64 : i32
    %dma_start3A_877 = tpu.memref_slice %arg7[%dma_start3A_872, %dma_start3A_876] : memref<112x128xi32, #tpu.memory_space<vmem>> -> memref<1x32xi32, #tpu.memory_space<vmem>>
    %dma_start3A_878 = tpu.memref_squeeze %dma_start3A_877 : memref<1x32xi32, #tpu.memory_space<vmem>> -> memref<32xi32, #tpu.memory_space<vmem>>
    %dma_start3A_879 = arith.constant 0 : i32
    %dma_start3A_880 = arith.constant 0 : i32
    %dma_start3A_881 = tpu.memref_slice %arg2[%dma_start3A_879, %dma_start3A_880] : memref<10000x128xf32, #tpu.memory_space<hbm>> -> memref<10000x128xf32, #tpu.memory_space<hbm>>
    tpu.enqueue_indirect_dma source(%dma_start3A_881 : memref<10000x128xf32, #tpu.memory_space<hbm>>) target(%dma_start3A_875 : memref<32x128xf32, #tpu.memory_space<vmem>>) offsets(%dma_start3A_878 : memref<32xi32, #tpu.memory_space<vmem>>) semaphore(%arg12 : memref<!tpu.dma_semaphore, #tpu.memory_space<semaphore_mem>>)
    %dma_start3A_882 = arith.constant 1 : i32
    %dma_start3A_883 = arith.constant 96 : i32
    %dma_start3A_884 = arith.constant 0 : i32
    %dma_start3A_885 = tpu.memref_slice %arg10[%dma_start3A_883, %dma_start3A_884] : memref<128x128xf32, #tpu.memory_space<vmem>> -> memref<32x128xf32, #tpu.memory_space<vmem>>
    %dma_start3A_886 = arith.constant 96 : i32
    %dma_start3A_887 = tpu.memref_slice %arg7[%dma_start3A_882, %dma_start3A_886] : memref<112x128xi32, #tpu.memory_space<vmem>> -> memref<1x32xi32, #tpu.memory_space<vmem>>
    %dma_start3A_888 = tpu.memref_squeeze %dma_start3A_887 : memref<1x32xi32, #tpu.memory_space<vmem>> -> memref<32xi32, #tpu.memory_space<vmem>>
    %dma_start3A_889 = arith.constant 0 : i32
    %dma_start3A_890 = arith.constant 0 : i32
    %dma_start3A_891 = tpu.memref_slice %arg2[%dma_start3A_889, %dma_start3A_890] : memref<10000x128xf32, #tpu.memory_space<hbm>> -> memref<10000x128xf32, #tpu.memory_space<hbm>>
    tpu.enqueue_indirect_dma source(%dma_start3A_891 : memref<10000x128xf32, #tpu.memory_space<hbm>>) target(%dma_start3A_885 : memref<32x128xf32, #tpu.memory_space<vmem>>) offsets(%dma_start3A_888 : memref<32xi32, #tpu.memory_space<vmem>>) semaphore(%arg12 : memref<!tpu.dma_semaphore, #tpu.memory_space<semaphore_mem>>)
    %jit3A_892 = arith.constant 2 : i32
    %div3A = arith.divsi %select_n3A, %jit3A_892 : i32
    %sign3A = arith.constant 0 : i32
    %sign3A_893 = arith.cmpi sgt, %select_n3A, %sign3A : i32
    %sign3A_894 = arith.extui %sign3A_893 : i1 to i32
    %sign3A_895 = arith.constant 0 : i32
    %sign3A_896 = arith.cmpi slt, %select_n3A, %sign3A_895 : i32
    %sign3A_897 = arith.extui %sign3A_896 : i1 to i32
    %sign3A_898 = arith.subi %sign3A_894, %sign3A_897 : i32
    %sign3A_899 = arith.constant 0 : i32
    %sign3A_900 = arith.cmpi sgt, %jit3A_892, %sign3A_899 : i32
    %sign3A_901 = arith.extui %sign3A_900 : i1 to i32
    %sign3A_902 = arith.constant 0 : i32
    %sign3A_903 = arith.cmpi slt, %jit3A_892, %sign3A_902 : i32
    %sign3A_904 = arith.extui %sign3A_903 : i1 to i32
    %sign3A_905 = arith.subi %sign3A_901, %sign3A_904 : i32
    %ne3A = arith.cmpi ne, %sign3A_898, %sign3A_905 : i32
    %rem3A = arith.remsi %select_n3A, %jit3A_892 : i32
    %ne3A_906 = arith.constant 0 : i32
    %ne3A_907 = arith.cmpi ne, %rem3A, %ne3A_906 : i32
    %and3A = arith.andi %ne3A, %ne3A_907 : i1
    %sub3A = arith.constant 1 : i32
    %sub3A_908 = arith.subi %div3A, %sub3A : i32
    %select_n3A_909 = arith.select %and3A, %sub3A_908, %div3A : i32
    %sub3A_910 = arith.constant 0 : i32
    %sub3A_911 = arith.subi %select_n3A_909, %sub3A_910 : i32
    %sub3A_912 = arith.constant 1 : i32
    %sub3A_913 = arith.constant 1 : i32
    %sub3A_914 = arith.subi %sub3A_912, %sub3A_913 : i32
    %add3A_915 = arith.addi %sub3A_911, %sub3A_914 : i32
    %div3A_916 = arith.constant 1 : i32
    %div3A_917 = arith.divsi %add3A_915, %div3A_916 : i32
    %while3A = arith.constant 1 : i32
    %while3A_918 = arith.constant 0 : i32
    %while3A_919 = arith.constant 0 : i32
    %while3A_920 = arith.subi %div3A_917, %while3A_919 : i32
    %while3A_921 = arith.addi %while3A_919, %while3A_920 : i32
    %while3A_922 = arith.constant 1 : i32
    %while3A_923 = arith.divsi %while3A_920, %while3A_922 : i32
    %while3A_924 = arith.muli %while3A_923, %while3A_922 : i32
    %while3A_925 = arith.addi %while3A_919, %while3A_924 : i32
    %while3A_926 = arith.constant 1 : i32
    scf.for %while3A_935 = %while3A_919 to %while3A_925 step %while3A_926  : i32 {
      %mul3A_936 = arith.muli %while3A_935, %while3A : i32
      %add3A_937 = arith.addi %while3A_918, %mul3A_936 : i32
      %mul3A_938 = arith.constant 2 : i32
      %mul3A_939 = arith.muli %add3A_937, %mul3A_938 : i32
      %ge3A = arith.constant 1 : i32
      %ge3A_940 = arith.cmpi sge, %mul3A_939, %ge3A : i32
      %convert_element_type3A = arith.extui %ge3A_940 : i1 to i32
      %cond3A = arith.constant 0 : i32
      %cond3A_941 = arith.cmpi ne, %convert_element_type3A, %cond3A : i32
      scf.if %cond3A_941 {
        %dma_wait3A_1070 = arith.constant 1 : i32
        %dma_wait3A_1071 = arith.constant 0 : i32
        %dma_wait3A_1072 = tpu.memref_slice %arg8[%dma_wait3A_1070, %dma_wait3A_1071] : memref<2x128xi32, #tpu.memory_space<vmem>> -> memref<1x128xi32, #tpu.memory_space<vmem>>
        %dma_wait3A_1073 = tpu.memref_squeeze %dma_wait3A_1072 : memref<1x128xi32, #tpu.memory_space<vmem>> -> memref<128xi32, #tpu.memory_space<vmem>>
        %dma_wait3A_1074 = arith.constant 0 : i32
        %dma_wait3A_1075 = arith.constant 0 : i32
        %dma_wait3A_1076 = tpu.memref_slice %arg6[%dma_wait3A_1074, %dma_wait3A_1075] : memref<10240x128xf32, #tpu.memory_space<vmem_shared>> -> memref<10240x128xf32, #tpu.memory_space<vmem_shared>>
        tpu.wait_indirect_dma semaphore(%arg14 : memref<!tpu.dma_semaphore, #tpu.memory_space<semaphore_mem>>) src(%arg10 : memref<128x128xf32, #tpu.memory_space<vmem>>) dst(%dma_wait3A_1076 : memref<10240x128xf32, #tpu.memory_space<vmem_shared>>)
        %add3A_1077 = arith.constant 1 : i32
        %add3A_1078 = arith.addi %mul3A_939, %add3A_1077 : i32
        %lt3A_1079 = arith.cmpi slt, %add3A_1078, %select_n3A : i32
        %convert_element_type3A_1080 = arith.extui %lt3A_1079 : i1 to i32
        %cond3A_1081 = arith.constant 0 : i32
        %cond3A_1082 = arith.cmpi ne, %convert_element_type3A_1080, %cond3A_1081 : i32
        scf.if %cond3A_1082 {
          %add3A_1083 = arith.addi %select_n3A_8, %mul3A_939 : i32
          %add3A_1084 = arith.constant 1 : i32
          %add3A_1085 = arith.addi %add3A_1083, %add3A_1084 : i32
          %dma_start3A_1086 = arith.constant 1 : i32
          %dma_start3A_1087 = arith.constant 0 : i32
          %dma_start3A_1088 = tpu.memref_slice %arg8[%dma_start3A_1086, %dma_start3A_1087] : memref<2x128xi32, #tpu.memory_space<vmem>> -> memref<1x128xi32, #tpu.memory_space<vmem>>
          %dma_start3A_1089 = tpu.memref_squeeze %dma_start3A_1088 : memref<1x128xi32, #tpu.memory_space<vmem>> -> memref<128xi32, #tpu.memory_space<vmem>>
          %dma_start3A_1090 = arith.constant 0 : i32
          %dma_start3A_1091 = tpu.memref_slice %arg4[%add3A_1085, %dma_start3A_1090] : memref<2672x128xi32, #tpu.memory_space<hbm>> -> memref<1x128xi32, #tpu.memory_space<hbm>>
          %dma_start3A_1092 = tpu.memref_squeeze %dma_start3A_1091 : memref<1x128xi32, #tpu.memory_space<hbm>> -> memref<128xi32, #tpu.memory_space<hbm>>
          %dma_start3A_1093 = arith.constant 0 : i32
          %dma_start3A_1094 = tpu.memref_slice %arg8[%dma_start3A_1086, %dma_start3A_1093] : memref<2x128xi32, #tpu.memory_space<vmem>> -> memref<1x128xi32, #tpu.memory_space<vmem>>
          %dma_start3A_1095 = tpu.memref_squeeze %dma_start3A_1094 : memref<1x128xi32, #tpu.memory_space<vmem>> -> memref<128xi32, #tpu.memory_space<vmem>>
          %dma_start3A_1096 = arith.constant 0 : i32
          %dma_start3A_1097 = tpu.memref_slice %arg4[%add3A_1085, %dma_start3A_1096] : memref<2672x128xi32, #tpu.memory_space<hbm>> -> memref<1x128xi32, #tpu.memory_space<hbm>>
          %dma_start3A_1098 = tpu.memref_squeeze %dma_start3A_1097 : memref<1x128xi32, #tpu.memory_space<hbm>> -> memref<128xi32, #tpu.memory_space<hbm>>
          tpu.enqueue_dma source(%dma_start3A_1098 : memref<128xi32, #tpu.memory_space<hbm>>) target(%dma_start3A_1095 : memref<128xi32, #tpu.memory_space<vmem>>) target_semaphore(%arg16 : memref<!tpu.dma_semaphore, #tpu.memory_space<semaphore_mem>>)
          %add3A_1099 = arith.constant 1 : i32
          %add3A_1100 = arith.addi %mul3A_939, %add3A_1099 : i32
          %dma_start3A_1101 = arith.constant 0 : i32
          %dma_start3A_1102 = arith.constant 0 : i32
          %dma_start3A_1103 = tpu.memref_slice %arg10[%dma_start3A_1101, %dma_start3A_1102] : memref<128x128xf32, #tpu.memory_space<vmem>> -> memref<32x128xf32, #tpu.memory_space<vmem>>
          %dma_start3A_1104 = arith.constant 0 : i32
          %dma_start3A_1105 = tpu.memref_slice %arg7[%add3A_1100, %dma_start3A_1104] : memref<112x128xi32, #tpu.memory_space<vmem>> -> memref<1x32xi32, #tpu.memory_space<vmem>>
          %dma_start3A_1106 = tpu.memref_squeeze %dma_start3A_1105 : memref<1x32xi32, #tpu.memory_space<vmem>> -> memref<32xi32, #tpu.memory_space<vmem>>
          %dma_start3A_1107 = arith.constant 0 : i32
          %dma_start3A_1108 = arith.constant 0 : i32
          %dma_start3A_1109 = tpu.memref_slice %arg2[%dma_start3A_1107, %dma_start3A_1108] : memref<10000x128xf32, #tpu.memory_space<hbm>> -> memref<10000x128xf32, #tpu.memory_space<hbm>>
          tpu.enqueue_indirect_dma source(%dma_start3A_1109 : memref<10000x128xf32, #tpu.memory_space<hbm>>) target(%dma_start3A_1103 : memref<32x128xf32, #tpu.memory_space<vmem>>) offsets(%dma_start3A_1106 : memref<32xi32, #tpu.memory_space<vmem>>) semaphore(%arg12 : memref<!tpu.dma_semaphore, #tpu.memory_space<semaphore_mem>>)
          %dma_start3A_1110 = arith.constant 32 : i32
          %dma_start3A_1111 = arith.constant 0 : i32
          %dma_start3A_1112 = tpu.memref_slice %arg10[%dma_start3A_1110, %dma_start3A_1111] : memref<128x128xf32, #tpu.memory_space<vmem>> -> memref<32x128xf32, #tpu.memory_space<vmem>>
          %dma_start3A_1113 = arith.constant 32 : i32
          %dma_start3A_1114 = tpu.memref_slice %arg7[%add3A_1100, %dma_start3A_1113] : memref<112x128xi32, #tpu.memory_space<vmem>> -> memref<1x32xi32, #tpu.memory_space<vmem>>
          %dma_start3A_1115 = tpu.memref_squeeze %dma_start3A_1114 : memref<1x32xi32, #tpu.memory_space<vmem>> -> memref<32xi32, #tpu.memory_space<vmem>>
          %dma_start3A_1116 = arith.constant 0 : i32
          %dma_start3A_1117 = arith.constant 0 : i32
          %dma_start3A_1118 = tpu.memref_slice %arg2[%dma_start3A_1116, %dma_start3A_1117] : memref<10000x128xf32, #tpu.memory_space<hbm>> -> memref<10000x128xf32, #tpu.memory_space<hbm>>
          tpu.enqueue_indirect_dma source(%dma_start3A_1118 : memref<10000x128xf32, #tpu.memory_space<hbm>>) target(%dma_start3A_1112 : memref<32x128xf32, #tpu.memory_space<vmem>>) offsets(%dma_start3A_1115 : memref<32xi32, #tpu.memory_space<vmem>>) semaphore(%arg12 : memref<!tpu.dma_semaphore, #tpu.memory_space<semaphore_mem>>)
          %dma_start3A_1119 = arith.constant 64 : i32
          %dma_start3A_1120 = arith.constant 0 : i32
          %dma_start3A_1121 = tpu.memref_slice %arg10[%dma_start3A_1119, %dma_start3A_1120] : memref<128x128xf32, #tpu.memory_space<vmem>> -> memref<32x128xf32, #tpu.memory_space<vmem>>
          %dma_start3A_1122 = arith.constant 64 : i32
          %dma_start3A_1123 = tpu.memref_slice %arg7[%add3A_1100, %dma_start3A_1122] : memref<112x128xi32, #tpu.memory_space<vmem>> -> memref<1x32xi32, #tpu.memory_space<vmem>>
          %dma_start3A_1124 = tpu.memref_squeeze %dma_start3A_1123 : memref<1x32xi32, #tpu.memory_space<vmem>> -> memref<32xi32, #tpu.memory_space<vmem>>
          %dma_start3A_1125 = arith.constant 0 : i32
          %dma_start3A_1126 = arith.constant 0 : i32
          %dma_start3A_1127 = tpu.memref_slice %arg2[%dma_start3A_1125, %dma_start3A_1126] : memref<10000x128xf32, #tpu.memory_space<hbm>> -> memref<10000x128xf32, #tpu.memory_space<hbm>>
          tpu.enqueue_indirect_dma source(%dma_start3A_1127 : memref<10000x128xf32, #tpu.memory_space<hbm>>) target(%dma_start3A_1121 : memref<32x128xf32, #tpu.memory_space<vmem>>) offsets(%dma_start3A_1124 : memref<32xi32, #tpu.memory_space<vmem>>) semaphore(%arg12 : memref<!tpu.dma_semaphore, #tpu.memory_space<semaphore_mem>>)
          %dma_start3A_1128 = arith.constant 96 : i32
          %dma_start3A_1129 = arith.constant 0 : i32
          %dma_start3A_1130 = tpu.memref_slice %arg10[%dma_start3A_1128, %dma_start3A_1129] : memref<128x128xf32, #tpu.memory_space<vmem>> -> memref<32x128xf32, #tpu.memory_space<vmem>>
          %dma_start3A_1131 = arith.constant 96 : i32
          %dma_start3A_1132 = tpu.memref_slice %arg7[%add3A_1100, %dma_start3A_1131] : memref<112x128xi32, #tpu.memory_space<vmem>> -> memref<1x32xi32, #tpu.memory_space<vmem>>
          %dma_start3A_1133 = tpu.memref_squeeze %dma_start3A_1132 : memref<1x32xi32, #tpu.memory_space<vmem>> -> memref<32xi32, #tpu.memory_space<vmem>>
          %dma_start3A_1134 = arith.constant 0 : i32
          %dma_start3A_1135 = arith.constant 0 : i32
          %dma_start3A_1136 = tpu.memref_slice %arg2[%dma_start3A_1134, %dma_start3A_1135] : memref<10000x128xf32, #tpu.memory_space<hbm>> -> memref<10000x128xf32, #tpu.memory_space<hbm>>
          tpu.enqueue_indirect_dma source(%dma_start3A_1136 : memref<10000x128xf32, #tpu.memory_space<hbm>>) target(%dma_start3A_1130 : memref<32x128xf32, #tpu.memory_space<vmem>>) offsets(%dma_start3A_1133 : memref<32xi32, #tpu.memory_space<vmem>>) semaphore(%arg12 : memref<!tpu.dma_semaphore, #tpu.memory_space<semaphore_mem>>)
        } else {
        }
      } else {
      }
      %add3A_942 = arith.addi %select_n3A_8, %mul3A_939 : i32
      %dma_wait3A_943 = arith.constant 0 : i32
      %dma_wait3A_944 = arith.constant 0 : i32
      %dma_wait3A_945 = tpu.memref_slice %arg8[%dma_wait3A_943, %dma_wait3A_944] : memref<2x128xi32, #tpu.memory_space<vmem>> -> memref<1x128xi32, #tpu.memory_space<vmem>>
      %dma_wait3A_946 = tpu.memref_squeeze %dma_wait3A_945 : memref<1x128xi32, #tpu.memory_space<vmem>> -> memref<128xi32, #tpu.memory_space<vmem>>
      %dma_wait3A_947 = arith.constant 0 : i32
      %dma_wait3A_948 = tpu.memref_slice %arg4[%add3A_942, %dma_wait3A_947] : memref<2672x128xi32, #tpu.memory_space<hbm>> -> memref<1x128xi32, #tpu.memory_space<hbm>>
      %dma_wait3A_949 = tpu.memref_squeeze %dma_wait3A_948 : memref<1x128xi32, #tpu.memory_space<hbm>> -> memref<128xi32, #tpu.memory_space<hbm>>
      %dma_wait3A_950 = arith.constant 0 : i32
      %dma_wait3A_951 = tpu.memref_slice %arg8[%dma_wait3A_943, %dma_wait3A_950] : memref<2x128xi32, #tpu.memory_space<vmem>> -> memref<1x128xi32, #tpu.memory_space<vmem>>
      %dma_wait3A_952 = tpu.memref_squeeze %dma_wait3A_951 : memref<1x128xi32, #tpu.memory_space<vmem>> -> memref<128xi32, #tpu.memory_space<vmem>>
      %dma_wait3A_953 = arith.constant 0 : i32
      %dma_wait3A_954 = tpu.memref_slice %arg4[%add3A_942, %dma_wait3A_953] : memref<2672x128xi32, #tpu.memory_space<hbm>> -> memref<1x128xi32, #tpu.memory_space<hbm>>
      %dma_wait3A_955 = tpu.memref_squeeze %dma_wait3A_954 : memref<1x128xi32, #tpu.memory_space<hbm>> -> memref<128xi32, #tpu.memory_space<hbm>>
      tpu.wait_dma2 semaphore(%arg15 : memref<!tpu.dma_semaphore, #tpu.memory_space<semaphore_mem>>) src(%dma_wait3A_955 : memref<128xi32, #tpu.memory_space<hbm>>) dst(%dma_wait3A_952 : memref<128xi32, #tpu.memory_space<vmem>>)
      %dma_wait3A_956 = arith.constant 0 : i32
      %dma_wait3A_957 = arith.constant 0 : i32
      %dma_wait3A_958 = tpu.memref_slice %arg9[%dma_wait3A_956, %dma_wait3A_957] : memref<128x128xf32, #tpu.memory_space<vmem>> -> memref<32x128xf32, #tpu.memory_space<vmem>>
      %dma_wait3A_959 = arith.constant 0 : i32
      %dma_wait3A_960 = tpu.memref_slice %arg7[%mul3A_939, %dma_wait3A_959] : memref<112x128xi32, #tpu.memory_space<vmem>> -> memref<1x32xi32, #tpu.memory_space<vmem>>
      %dma_wait3A_961 = tpu.memref_squeeze %dma_wait3A_960 : memref<1x32xi32, #tpu.memory_space<vmem>> -> memref<32xi32, #tpu.memory_space<vmem>>
      %dma_wait3A_962 = arith.constant 0 : i32
      %dma_wait3A_963 = arith.constant 0 : i32
      %dma_wait3A_964 = tpu.memref_slice %arg2[%dma_wait3A_962, %dma_wait3A_963] : memref<10000x128xf32, #tpu.memory_space<hbm>> -> memref<10000x128xf32, #tpu.memory_space<hbm>>
      tpu.wait_indirect_dma semaphore(%arg11 : memref<!tpu.dma_semaphore, #tpu.memory_space<semaphore_mem>>) src(%dma_wait3A_964 : memref<10000x128xf32, #tpu.memory_space<hbm>>) dst(%dma_wait3A_958 : memref<32x128xf32, #tpu.memory_space<vmem>>)
      %dma_wait3A_965 = arith.constant 32 : i32
      %dma_wait3A_966 = arith.constant 0 : i32
      %dma_wait3A_967 = tpu.memref_slice %arg9[%dma_wait3A_965, %dma_wait3A_966] : memref<128x128xf32, #tpu.memory_space<vmem>> -> memref<32x128xf32, #tpu.memory_space<vmem>>
      %dma_wait3A_968 = arith.constant 32 : i32
      %dma_wait3A_969 = tpu.memref_slice %arg7[%mul3A_939, %dma_wait3A_968] : memref<112x128xi32, #tpu.memory_space<vmem>> -> memref<1x32xi32, #tpu.memory_space<vmem>>
      %dma_wait3A_970 = tpu.memref_squeeze %dma_wait3A_969 : memref<1x32xi32, #tpu.memory_space<vmem>> -> memref<32xi32, #tpu.memory_space<vmem>>
      %dma_wait3A_971 = arith.constant 0 : i32
      %dma_wait3A_972 = arith.constant 0 : i32
      %dma_wait3A_973 = tpu.memref_slice %arg2[%dma_wait3A_971, %dma_wait3A_972] : memref<10000x128xf32, #tpu.memory_space<hbm>> -> memref<10000x128xf32, #tpu.memory_space<hbm>>
      tpu.wait_indirect_dma semaphore(%arg11 : memref<!tpu.dma_semaphore, #tpu.memory_space<semaphore_mem>>) src(%dma_wait3A_973 : memref<10000x128xf32, #tpu.memory_space<hbm>>) dst(%dma_wait3A_967 : memref<32x128xf32, #tpu.memory_space<vmem>>)
      %dma_wait3A_974 = arith.constant 64 : i32
      %dma_wait3A_975 = arith.constant 0 : i32
      %dma_wait3A_976 = tpu.memref_slice %arg9[%dma_wait3A_974, %dma_wait3A_975] : memref<128x128xf32, #tpu.memory_space<vmem>> -> memref<32x128xf32, #tpu.memory_space<vmem>>
      %dma_wait3A_977 = arith.constant 64 : i32
      %dma_wait3A_978 = tpu.memref_slice %arg7[%mul3A_939, %dma_wait3A_977] : memref<112x128xi32, #tpu.memory_space<vmem>> -> memref<1x32xi32, #tpu.memory_space<vmem>>
      %dma_wait3A_979 = tpu.memref_squeeze %dma_wait3A_978 : memref<1x32xi32, #tpu.memory_space<vmem>> -> memref<32xi32, #tpu.memory_space<vmem>>
      %dma_wait3A_980 = arith.constant 0 : i32
      %dma_wait3A_981 = arith.constant 0 : i32
      %dma_wait3A_982 = tpu.memref_slice %arg2[%dma_wait3A_980, %dma_wait3A_981] : memref<10000x128xf32, #tpu.memory_space<hbm>> -> memref<10000x128xf32, #tpu.memory_space<hbm>>
      tpu.wait_indirect_dma semaphore(%arg11 : memref<!tpu.dma_semaphore, #tpu.memory_space<semaphore_mem>>) src(%dma_wait3A_982 : memref<10000x128xf32, #tpu.memory_space<hbm>>) dst(%dma_wait3A_976 : memref<32x128xf32, #tpu.memory_space<vmem>>)
      %dma_wait3A_983 = arith.constant 96 : i32
      %dma_wait3A_984 = arith.constant 0 : i32
      %dma_wait3A_985 = tpu.memref_slice %arg9[%dma_wait3A_983, %dma_wait3A_984] : memref<128x128xf32, #tpu.memory_space<vmem>> -> memref<32x128xf32, #tpu.memory_space<vmem>>
      %dma_wait3A_986 = arith.constant 96 : i32
      %dma_wait3A_987 = tpu.memref_slice %arg7[%mul3A_939, %dma_wait3A_986] : memref<112x128xi32, #tpu.memory_space<vmem>> -> memref<1x32xi32, #tpu.memory_space<vmem>>
      %dma_wait3A_988 = tpu.memref_squeeze %dma_wait3A_987 : memref<1x32xi32, #tpu.memory_space<vmem>> -> memref<32xi32, #tpu.memory_space<vmem>>
      %dma_wait3A_989 = arith.constant 0 : i32
      %dma_wait3A_990 = arith.constant 0 : i32
      %dma_wait3A_991 = tpu.memref_slice %arg2[%dma_wait3A_989, %dma_wait3A_990] : memref<10000x128xf32, #tpu.memory_space<hbm>> -> memref<10000x128xf32, #tpu.memory_space<hbm>>
      tpu.wait_indirect_dma semaphore(%arg11 : memref<!tpu.dma_semaphore, #tpu.memory_space<semaphore_mem>>) src(%dma_wait3A_991 : memref<10000x128xf32, #tpu.memory_space<hbm>>) dst(%dma_wait3A_985 : memref<32x128xf32, #tpu.memory_space<vmem>>)
      %dma_start3A_992 = arith.constant 0 : i32
      %dma_start3A_993 = arith.constant 0 : i32
      %dma_start3A_994 = tpu.memref_slice %arg8[%dma_start3A_992, %dma_start3A_993] : memref<2x128xi32, #tpu.memory_space<vmem>> -> memref<1x128xi32, #tpu.memory_space<vmem>>
      %dma_start3A_995 = tpu.memref_squeeze %dma_start3A_994 : memref<1x128xi32, #tpu.memory_space<vmem>> -> memref<128xi32, #tpu.memory_space<vmem>>
      %dma_start3A_996 = arith.constant 0 : i32
      %dma_start3A_997 = arith.constant 0 : i32
      %dma_start3A_998 = tpu.memref_slice %arg6[%dma_start3A_996, %dma_start3A_997] : memref<10240x128xf32, #tpu.memory_space<vmem_shared>> -> memref<10240x128xf32, #tpu.memory_space<vmem_shared>>
      tpu.enqueue_indirect_dma source(%arg9 : memref<128x128xf32, #tpu.memory_space<vmem>>) target(%dma_start3A_998 : memref<10240x128xf32, #tpu.memory_space<vmem_shared>>) offsets(%dma_start3A_995 : memref<128xi32, #tpu.memory_space<vmem>>) semaphore(%arg13 : memref<!tpu.dma_semaphore, #tpu.memory_space<semaphore_mem>>) {add = true}
      %add3A_999 = arith.constant 1 : i32
      %add3A_1000 = arith.addi %mul3A_939, %add3A_999 : i32
      %dma_wait3A_1001 = arith.constant 0 : i32
      %dma_wait3A_1002 = arith.constant 0 : i32
      %dma_wait3A_1003 = tpu.memref_slice %arg8[%dma_wait3A_1001, %dma_wait3A_1002] : memref<2x128xi32, #tpu.memory_space<vmem>> -> memref<1x128xi32, #tpu.memory_space<vmem>>
      %dma_wait3A_1004 = tpu.memref_squeeze %dma_wait3A_1003 : memref<1x128xi32, #tpu.memory_space<vmem>> -> memref<128xi32, #tpu.memory_space<vmem>>
      %dma_wait3A_1005 = arith.constant 0 : i32
      %dma_wait3A_1006 = arith.constant 0 : i32
      %dma_wait3A_1007 = tpu.memref_slice %arg6[%dma_wait3A_1005, %dma_wait3A_1006] : memref<10240x128xf32, #tpu.memory_space<vmem_shared>> -> memref<10240x128xf32, #tpu.memory_space<vmem_shared>>
      tpu.wait_indirect_dma semaphore(%arg13 : memref<!tpu.dma_semaphore, #tpu.memory_space<semaphore_mem>>) src(%arg9 : memref<128x128xf32, #tpu.memory_space<vmem>>) dst(%dma_wait3A_1007 : memref<10240x128xf32, #tpu.memory_space<vmem_shared>>)
      %add3A_1008 = arith.constant 1 : i32
      %add3A_1009 = arith.addi %add3A_1000, %add3A_1008 : i32
      %lt3A = arith.cmpi slt, %add3A_1009, %select_n3A : i32
      %convert_element_type3A_1010 = arith.extui %lt3A : i1 to i32
      %cond3A_1011 = arith.constant 0 : i32
      %cond3A_1012 = arith.cmpi ne, %convert_element_type3A_1010, %cond3A_1011 : i32
      scf.if %cond3A_1012 {
        %add3A_1070 = arith.addi %select_n3A_8, %add3A_1000 : i32
        %add3A_1071 = arith.constant 1 : i32
        %add3A_1072 = arith.addi %add3A_1070, %add3A_1071 : i32
        %dma_start3A_1073 = arith.constant 0 : i32
        %dma_start3A_1074 = arith.constant 0 : i32
        %dma_start3A_1075 = tpu.memref_slice %arg8[%dma_start3A_1073, %dma_start3A_1074] : memref<2x128xi32, #tpu.memory_space<vmem>> -> memref<1x128xi32, #tpu.memory_space<vmem>>
        %dma_start3A_1076 = tpu.memref_squeeze %dma_start3A_1075 : memref<1x128xi32, #tpu.memory_space<vmem>> -> memref<128xi32, #tpu.memory_space<vmem>>
        %dma_start3A_1077 = arith.constant 0 : i32
        %dma_start3A_1078 = tpu.memref_slice %arg4[%add3A_1072, %dma_start3A_1077] : memref<2672x128xi32, #tpu.memory_space<hbm>> -> memref<1x128xi32, #tpu.memory_space<hbm>>
        %dma_start3A_1079 = tpu.memref_squeeze %dma_start3A_1078 : memref<1x128xi32, #tpu.memory_space<hbm>> -> memref<128xi32, #tpu.memory_space<hbm>>
        %dma_start3A_1080 = arith.constant 0 : i32
        %dma_start3A_1081 = tpu.memref_slice %arg8[%dma_start3A_1073, %dma_start3A_1080] : memref<2x128xi32, #tpu.memory_space<vmem>> -> memref<1x128xi32, #tpu.memory_space<vmem>>
        %dma_start3A_1082 = tpu.memref_squeeze %dma_start3A_1081 : memref<1x128xi32, #tpu.memory_space<vmem>> -> memref<128xi32, #tpu.memory_space<vmem>>
        %dma_start3A_1083 = arith.constant 0 : i32
        %dma_start3A_1084 = tpu.memref_slice %arg4[%add3A_1072, %dma_start3A_1083] : memref<2672x128xi32, #tpu.memory_space<hbm>> -> memref<1x128xi32, #tpu.memory_space<hbm>>
        %dma_start3A_1085 = tpu.memref_squeeze %dma_start3A_1084 : memref<1x128xi32, #tpu.memory_space<hbm>> -> memref<128xi32, #tpu.memory_space<hbm>>
        tpu.enqueue_dma source(%dma_start3A_1085 : memref<128xi32, #tpu.memory_space<hbm>>) target(%dma_start3A_1082 : memref<128xi32, #tpu.memory_space<vmem>>) target_semaphore(%arg15 : memref<!tpu.dma_semaphore, #tpu.memory_space<semaphore_mem>>)
        %add3A_1086 = arith.constant 1 : i32
        %add3A_1087 = arith.addi %add3A_1000, %add3A_1086 : i32
        %dma_start3A_1088 = arith.constant 0 : i32
        %dma_start3A_1089 = arith.constant 0 : i32
        %dma_start3A_1090 = tpu.memref_slice %arg9[%dma_start3A_1088, %dma_start3A_1089] : memref<128x128xf32, #tpu.memory_space<vmem>> -> memref<32x128xf32, #tpu.memory_space<vmem>>
        %dma_start3A_1091 = arith.constant 0 : i32
        %dma_start3A_1092 = tpu.memref_slice %arg7[%add3A_1087, %dma_start3A_1091] : memref<112x128xi32, #tpu.memory_space<vmem>> -> memref<1x32xi32, #tpu.memory_space<vmem>>
        %dma_start3A_1093 = tpu.memref_squeeze %dma_start3A_1092 : memref<1x32xi32, #tpu.memory_space<vmem>> -> memref<32xi32, #tpu.memory_space<vmem>>
        %dma_start3A_1094 = arith.constant 0 : i32
        %dma_start3A_1095 = arith.constant 0 : i32
        %dma_start3A_1096 = tpu.memref_slice %arg2[%dma_start3A_1094, %dma_start3A_1095] : memref<10000x128xf32, #tpu.memory_space<hbm>> -> memref<10000x128xf32, #tpu.memory_space<hbm>>
        tpu.enqueue_indirect_dma source(%dma_start3A_1096 : memref<10000x128xf32, #tpu.memory_space<hbm>>) target(%dma_start3A_1090 : memref<32x128xf32, #tpu.memory_space<vmem>>) offsets(%dma_start3A_1093 : memref<32xi32, #tpu.memory_space<vmem>>) semaphore(%arg11 : memref<!tpu.dma_semaphore, #tpu.memory_space<semaphore_mem>>)
        %dma_start3A_1097 = arith.constant 32 : i32
        %dma_start3A_1098 = arith.constant 0 : i32
        %dma_start3A_1099 = tpu.memref_slice %arg9[%dma_start3A_1097, %dma_start3A_1098] : memref<128x128xf32, #tpu.memory_space<vmem>> -> memref<32x128xf32, #tpu.memory_space<vmem>>
        %dma_start3A_1100 = arith.constant 32 : i32
        %dma_start3A_1101 = tpu.memref_slice %arg7[%add3A_1087, %dma_start3A_1100] : memref<112x128xi32, #tpu.memory_space<vmem>> -> memref<1x32xi32, #tpu.memory_space<vmem>>
        %dma_start3A_1102 = tpu.memref_squeeze %dma_start3A_1101 : memref<1x32xi32, #tpu.memory_space<vmem>> -> memref<32xi32, #tpu.memory_space<vmem>>
        %dma_start3A_1103 = arith.constant 0 : i32
        %dma_start3A_1104 = arith.constant 0 : i32
        %dma_start3A_1105 = tpu.memref_slice %arg2[%dma_start3A_1103, %dma_start3A_1104] : memref<10000x128xf32, #tpu.memory_space<hbm>> -> memref<10000x128xf32, #tpu.memory_space<hbm>>
        tpu.enqueue_indirect_dma source(%dma_start3A_1105 : memref<10000x128xf32, #tpu.memory_space<hbm>>) target(%dma_start3A_1099 : memref<32x128xf32, #tpu.memory_space<vmem>>) offsets(%dma_start3A_1102 : memref<32xi32, #tpu.memory_space<vmem>>) semaphore(%arg11 : memref<!tpu.dma_semaphore, #tpu.memory_space<semaphore_mem>>)
        %dma_start3A_1106 = arith.constant 64 : i32
        %dma_start3A_1107 = arith.constant 0 : i32
        %dma_start3A_1108 = tpu.memref_slice %arg9[%dma_start3A_1106, %dma_start3A_1107] : memref<128x128xf32, #tpu.memory_space<vmem>> -> memref<32x128xf32, #tpu.memory_space<vmem>>
        %dma_start3A_1109 = arith.constant 64 : i32
        %dma_start3A_1110 = tpu.memref_slice %arg7[%add3A_1087, %dma_start3A_1109] : memref<112x128xi32, #tpu.memory_space<vmem>> -> memref<1x32xi32, #tpu.memory_space<vmem>>
        %dma_start3A_1111 = tpu.memref_squeeze %dma_start3A_1110 : memref<1x32xi32, #tpu.memory_space<vmem>> -> memref<32xi32, #tpu.memory_space<vmem>>
        %dma_start3A_1112 = arith.constant 0 : i32
        %dma_start3A_1113 = arith.constant 0 : i32
        %dma_start3A_1114 = tpu.memref_slice %arg2[%dma_start3A_1112, %dma_start3A_1113] : memref<10000x128xf32, #tpu.memory_space<hbm>> -> memref<10000x128xf32, #tpu.memory_space<hbm>>
        tpu.enqueue_indirect_dma source(%dma_start3A_1114 : memref<10000x128xf32, #tpu.memory_space<hbm>>) target(%dma_start3A_1108 : memref<32x128xf32, #tpu.memory_space<vmem>>) offsets(%dma_start3A_1111 : memref<32xi32, #tpu.memory_space<vmem>>) semaphore(%arg11 : memref<!tpu.dma_semaphore, #tpu.memory_space<semaphore_mem>>)
        %dma_start3A_1115 = arith.constant 96 : i32
        %dma_start3A_1116 = arith.constant 0 : i32
        %dma_start3A_1117 = tpu.memref_slice %arg9[%dma_start3A_1115, %dma_start3A_1116] : memref<128x128xf32, #tpu.memory_space<vmem>> -> memref<32x128xf32, #tpu.memory_space<vmem>>
        %dma_start3A_1118 = arith.constant 96 : i32
        %dma_start3A_1119 = tpu.memref_slice %arg7[%add3A_1087, %dma_start3A_1118] : memref<112x128xi32, #tpu.memory_space<vmem>> -> memref<1x32xi32, #tpu.memory_space<vmem>>
        %dma_start3A_1120 = tpu.memref_squeeze %dma_start3A_1119 : memref<1x32xi32, #tpu.memory_space<vmem>> -> memref<32xi32, #tpu.memory_space<vmem>>
        %dma_start3A_1121 = arith.constant 0 : i32
        %dma_start3A_1122 = arith.constant 0 : i32
        %dma_start3A_1123 = tpu.memref_slice %arg2[%dma_start3A_1121, %dma_start3A_1122] : memref<10000x128xf32, #tpu.memory_space<hbm>> -> memref<10000x128xf32, #tpu.memory_space<hbm>>
        tpu.enqueue_indirect_dma source(%dma_start3A_1123 : memref<10000x128xf32, #tpu.memory_space<hbm>>) target(%dma_start3A_1117 : memref<32x128xf32, #tpu.memory_space<vmem>>) offsets(%dma_start3A_1120 : memref<32xi32, #tpu.memory_space<vmem>>) semaphore(%arg11 : memref<!tpu.dma_semaphore, #tpu.memory_space<semaphore_mem>>)
      } else {
      }
      %add3A_1013 = arith.addi %select_n3A_8, %add3A_1000 : i32
      %dma_wait3A_1014 = arith.constant 1 : i32
      %dma_wait3A_1015 = arith.constant 0 : i32
      %dma_wait3A_1016 = tpu.memref_slice %arg8[%dma_wait3A_1014, %dma_wait3A_1015] : memref<2x128xi32, #tpu.memory_space<vmem>> -> memref<1x128xi32, #tpu.memory_space<vmem>>
      %dma_wait3A_1017 = tpu.memref_squeeze %dma_wait3A_1016 : memref<1x128xi32, #tpu.memory_space<vmem>> -> memref<128xi32, #tpu.memory_space<vmem>>
      %dma_wait3A_1018 = arith.constant 0 : i32
      %dma_wait3A_1019 = tpu.memref_slice %arg4[%add3A_1013, %dma_wait3A_1018] : memref<2672x128xi32, #tpu.memory_space<hbm>> -> memref<1x128xi32, #tpu.memory_space<hbm>>
      %dma_wait3A_1020 = tpu.memref_squeeze %dma_wait3A_1019 : memref<1x128xi32, #tpu.memory_space<hbm>> -> memref<128xi32, #tpu.memory_space<hbm>>
      %dma_wait3A_1021 = arith.constant 0 : i32
      %dma_wait3A_1022 = tpu.memref_slice %arg8[%dma_wait3A_1014, %dma_wait3A_1021] : memref<2x128xi32, #tpu.memory_space<vmem>> -> memref<1x128xi32, #tpu.memory_space<vmem>>
      %dma_wait3A_1023 = tpu.memref_squeeze %dma_wait3A_1022 : memref<1x128xi32, #tpu.memory_space<vmem>> -> memref<128xi32, #tpu.memory_space<vmem>>
      %dma_wait3A_1024 = arith.constant 0 : i32
      %dma_wait3A_1025 = tpu.memref_slice %arg4[%add3A_1013, %dma_wait3A_1024] : memref<2672x128xi32, #tpu.memory_space<hbm>> -> memref<1x128xi32, #tpu.memory_space<hbm>>
      %dma_wait3A_1026 = tpu.memref_squeeze %dma_wait3A_1025 : memref<1x128xi32, #tpu.memory_space<hbm>> -> memref<128xi32, #tpu.memory_space<hbm>>
      tpu.wait_dma2 semaphore(%arg16 : memref<!tpu.dma_semaphore, #tpu.memory_space<semaphore_mem>>) src(%dma_wait3A_1026 : memref<128xi32, #tpu.memory_space<hbm>>) dst(%dma_wait3A_1023 : memref<128xi32, #tpu.memory_space<vmem>>)
      %dma_wait3A_1027 = arith.constant 0 : i32
      %dma_wait3A_1028 = arith.constant 0 : i32
      %dma_wait3A_1029 = tpu.memref_slice %arg10[%dma_wait3A_1027, %dma_wait3A_1028] : memref<128x128xf32, #tpu.memory_space<vmem>> -> memref<32x128xf32, #tpu.memory_space<vmem>>
      %dma_wait3A_1030 = arith.constant 0 : i32
      %dma_wait3A_1031 = tpu.memref_slice %arg7[%add3A_1000, %dma_wait3A_1030] : memref<112x128xi32, #tpu.memory_space<vmem>> -> memref<1x32xi32, #tpu.memory_space<vmem>>
      %dma_wait3A_1032 = tpu.memref_squeeze %dma_wait3A_1031 : memref<1x32xi32, #tpu.memory_space<vmem>> -> memref<32xi32, #tpu.memory_space<vmem>>
      %dma_wait3A_1033 = arith.constant 0 : i32
      %dma_wait3A_1034 = arith.constant 0 : i32
      %dma_wait3A_1035 = tpu.memref_slice %arg2[%dma_wait3A_1033, %dma_wait3A_1034] : memref<10000x128xf32, #tpu.memory_space<hbm>> -> memref<10000x128xf32, #tpu.memory_space<hbm>>
      tpu.wait_indirect_dma semaphore(%arg12 : memref<!tpu.dma_semaphore, #tpu.memory_space<semaphore_mem>>) src(%dma_wait3A_1035 : memref<10000x128xf32, #tpu.memory_space<hbm>>) dst(%dma_wait3A_1029 : memref<32x128xf32, #tpu.memory_space<vmem>>)
      %dma_wait3A_1036 = arith.constant 32 : i32
      %dma_wait3A_1037 = arith.constant 0 : i32
      %dma_wait3A_1038 = tpu.memref_slice %arg10[%dma_wait3A_1036, %dma_wait3A_1037] : memref<128x128xf32, #tpu.memory_space<vmem>> -> memref<32x128xf32, #tpu.memory_space<vmem>>
      %dma_wait3A_1039 = arith.constant 32 : i32
      %dma_wait3A_1040 = tpu.memref_slice %arg7[%add3A_1000, %dma_wait3A_1039] : memref<112x128xi32, #tpu.memory_space<vmem>> -> memref<1x32xi32, #tpu.memory_space<vmem>>
      %dma_wait3A_1041 = tpu.memref_squeeze %dma_wait3A_1040 : memref<1x32xi32, #tpu.memory_space<vmem>> -> memref<32xi32, #tpu.memory_space<vmem>>
      %dma_wait3A_1042 = arith.constant 0 : i32
      %dma_wait3A_1043 = arith.constant 0 : i32
      %dma_wait3A_1044 = tpu.memref_slice %arg2[%dma_wait3A_1042, %dma_wait3A_1043] : memref<10000x128xf32, #tpu.memory_space<hbm>> -> memref<10000x128xf32, #tpu.memory_space<hbm>>
      tpu.wait_indirect_dma semaphore(%arg12 : memref<!tpu.dma_semaphore, #tpu.memory_space<semaphore_mem>>) src(%dma_wait3A_1044 : memref<10000x128xf32, #tpu.memory_space<hbm>>) dst(%dma_wait3A_1038 : memref<32x128xf32, #tpu.memory_space<vmem>>)
      %dma_wait3A_1045 = arith.constant 64 : i32
      %dma_wait3A_1046 = arith.constant 0 : i32
      %dma_wait3A_1047 = tpu.memref_slice %arg10[%dma_wait3A_1045, %dma_wait3A_1046] : memref<128x128xf32, #tpu.memory_space<vmem>> -> memref<32x128xf32, #tpu.memory_space<vmem>>
      %dma_wait3A_1048 = arith.constant 64 : i32
      %dma_wait3A_1049 = tpu.memref_slice %arg7[%add3A_1000, %dma_wait3A_1048] : memref<112x128xi32, #tpu.memory_space<vmem>> -> memref<1x32xi32, #tpu.memory_space<vmem>>
      %dma_wait3A_1050 = tpu.memref_squeeze %dma_wait3A_1049 : memref<1x32xi32, #tpu.memory_space<vmem>> -> memref<32xi32, #tpu.memory_space<vmem>>
      %dma_wait3A_1051 = arith.constant 0 : i32
      %dma_wait3A_1052 = arith.constant 0 : i32
      %dma_wait3A_1053 = tpu.memref_slice %arg2[%dma_wait3A_1051, %dma_wait3A_1052] : memref<10000x128xf32, #tpu.memory_space<hbm>> -> memref<10000x128xf32, #tpu.memory_space<hbm>>
      tpu.wait_indirect_dma semaphore(%arg12 : memref<!tpu.dma_semaphore, #tpu.memory_space<semaphore_mem>>) src(%dma_wait3A_1053 : memref<10000x128xf32, #tpu.memory_space<hbm>>) dst(%dma_wait3A_1047 : memref<32x128xf32, #tpu.memory_space<vmem>>)
      %dma_wait3A_1054 = arith.constant 96 : i32
      %dma_wait3A_1055 = arith.constant 0 : i32
      %dma_wait3A_1056 = tpu.memref_slice %arg10[%dma_wait3A_1054, %dma_wait3A_1055] : memref<128x128xf32, #tpu.memory_space<vmem>> -> memref<32x128xf32, #tpu.memory_space<vmem>>
      %dma_wait3A_1057 = arith.constant 96 : i32
      %dma_wait3A_1058 = tpu.memref_slice %arg7[%add3A_1000, %dma_wait3A_1057] : memref<112x128xi32, #tpu.memory_space<vmem>> -> memref<1x32xi32, #tpu.memory_space<vmem>>
      %dma_wait3A_1059 = tpu.memref_squeeze %dma_wait3A_1058 : memref<1x32xi32, #tpu.memory_space<vmem>> -> memref<32xi32, #tpu.memory_space<vmem>>
      %dma_wait3A_1060 = arith.constant 0 : i32
      %dma_wait3A_1061 = arith.constant 0 : i32
      %dma_wait3A_1062 = tpu.memref_slice %arg2[%dma_wait3A_1060, %dma_wait3A_1061] : memref<10000x128xf32, #tpu.memory_space<hbm>> -> memref<10000x128xf32, #tpu.memory_space<hbm>>
      tpu.wait_indirect_dma semaphore(%arg12 : memref<!tpu.dma_semaphore, #tpu.memory_space<semaphore_mem>>) src(%dma_wait3A_1062 : memref<10000x128xf32, #tpu.memory_space<hbm>>) dst(%dma_wait3A_1056 : memref<32x128xf32, #tpu.memory_space<vmem>>)
      %dma_start3A_1063 = arith.constant 1 : i32
      %dma_start3A_1064 = arith.constant 0 : i32
      %dma_start3A_1065 = tpu.memref_slice %arg8[%dma_start3A_1063, %dma_start3A_1064] : memref<2x128xi32, #tpu.memory_space<vmem>> -> memref<1x128xi32, #tpu.memory_space<vmem>>
      %dma_start3A_1066 = tpu.memref_squeeze %dma_start3A_1065 : memref<1x128xi32, #tpu.memory_space<vmem>> -> memref<128xi32, #tpu.memory_space<vmem>>
      %dma_start3A_1067 = arith.constant 0 : i32
      %dma_start3A_1068 = arith.constant 0 : i32
      %dma_start3A_1069 = tpu.memref_slice %arg6[%dma_start3A_1067, %dma_start3A_1068] : memref<10240x128xf32, #tpu.memory_space<vmem_shared>> -> memref<10240x128xf32, #tpu.memory_space<vmem_shared>>
      tpu.enqueue_indirect_dma source(%arg10 : memref<128x128xf32, #tpu.memory_space<vmem>>) target(%dma_start3A_1069 : memref<10240x128xf32, #tpu.memory_space<vmem_shared>>) offsets(%dma_start3A_1066 : memref<128xi32, #tpu.memory_space<vmem>>) semaphore(%arg14 : memref<!tpu.dma_semaphore, #tpu.memory_space<semaphore_mem>>) {add = true}
    }
    %while3A_927 = arith.constant 1 : i32
    scf.for %while3A_935 = %while3A_925 to %while3A_921 step %while3A_927  : i32 {
      %mul3A_936 = arith.muli %while3A_935, %while3A : i32
      %add3A_937 = arith.addi %while3A_918, %mul3A_936 : i32
      %mul3A_938 = arith.constant 2 : i32
      %mul3A_939 = arith.muli %add3A_937, %mul3A_938 : i32
      %ge3A = arith.constant 1 : i32
      %ge3A_940 = arith.cmpi sge, %mul3A_939, %ge3A : i32
      %convert_element_type3A = arith.extui %ge3A_940 : i1 to i32
      %cond3A = arith.constant 0 : i32
      %cond3A_941 = arith.cmpi ne, %convert_element_type3A, %cond3A : i32
      scf.if %cond3A_941 {
        %dma_wait3A_1070 = arith.constant 1 : i32
        %dma_wait3A_1071 = arith.constant 0 : i32
        %dma_wait3A_1072 = tpu.memref_slice %arg8[%dma_wait3A_1070, %dma_wait3A_1071] : memref<2x128xi32, #tpu.memory_space<vmem>> -> memref<1x128xi32, #tpu.memory_space<vmem>>
        %dma_wait3A_1073 = tpu.memref_squeeze %dma_wait3A_1072 : memref<1x128xi32, #tpu.memory_space<vmem>> -> memref<128xi32, #tpu.memory_space<vmem>>
        %dma_wait3A_1074 = arith.constant 0 : i32
        %dma_wait3A_1075 = arith.constant 0 : i32
        %dma_wait3A_1076 = tpu.memref_slice %arg6[%dma_wait3A_1074, %dma_wait3A_1075] : memref<10240x128xf32, #tpu.memory_space<vmem_shared>> -> memref<10240x128xf32, #tpu.memory_space<vmem_shared>>
        tpu.wait_indirect_dma semaphore(%arg14 : memref<!tpu.dma_semaphore, #tpu.memory_space<semaphore_mem>>) src(%arg10 : memref<128x128xf32, #tpu.memory_space<vmem>>) dst(%dma_wait3A_1076 : memref<10240x128xf32, #tpu.memory_space<vmem_shared>>)
        %add3A_1077 = arith.constant 1 : i32
        %add3A_1078 = arith.addi %mul3A_939, %add3A_1077 : i32
        %lt3A_1079 = arith.cmpi slt, %add3A_1078, %select_n3A : i32
        %convert_element_type3A_1080 = arith.extui %lt3A_1079 : i1 to i32
        %cond3A_1081 = arith.constant 0 : i32
        %cond3A_1082 = arith.cmpi ne, %convert_element_type3A_1080, %cond3A_1081 : i32
        scf.if %cond3A_1082 {
          %add3A_1083 = arith.addi %select_n3A_8, %mul3A_939 : i32
          %add3A_1084 = arith.constant 1 : i32
          %add3A_1085 = arith.addi %add3A_1083, %add3A_1084 : i32
          %dma_start3A_1086 = arith.constant 1 : i32
          %dma_start3A_1087 = arith.constant 0 : i32
          %dma_start3A_1088 = tpu.memref_slice %arg8[%dma_start3A_1086, %dma_start3A_1087] : memref<2x128xi32, #tpu.memory_space<vmem>> -> memref<1x128xi32, #tpu.memory_space<vmem>>
          %dma_start3A_1089 = tpu.memref_squeeze %dma_start3A_1088 : memref<1x128xi32, #tpu.memory_space<vmem>> -> memref<128xi32, #tpu.memory_space<vmem>>
          %dma_start3A_1090 = arith.constant 0 : i32
          %dma_start3A_1091 = tpu.memref_slice %arg4[%add3A_1085, %dma_start3A_1090] : memref<2672x128xi32, #tpu.memory_space<hbm>> -> memref<1x128xi32, #tpu.memory_space<hbm>>
          %dma_start3A_1092 = tpu.memref_squeeze %dma_start3A_1091 : memref<1x128xi32, #tpu.memory_space<hbm>> -> memref<128xi32, #tpu.memory_space<hbm>>
          %dma_start3A_1093 = arith.constant 0 : i32
          %dma_start3A_1094 = tpu.memref_slice %arg8[%dma_start3A_1086, %dma_start3A_1093] : memref<2x128xi32, #tpu.memory_space<vmem>> -> memref<1x128xi32, #tpu.memory_space<vmem>>
          %dma_start3A_1095 = tpu.memref_squeeze %dma_start3A_1094 : memref<1x128xi32, #tpu.memory_space<vmem>> -> memref<128xi32, #tpu.memory_space<vmem>>
          %dma_start3A_1096 = arith.constant 0 : i32
          %dma_start3A_1097 = tpu.memref_slice %arg4[%add3A_1085, %dma_start3A_1096] : memref<2672x128xi32, #tpu.memory_space<hbm>> -> memref<1x128xi32, #tpu.memory_space<hbm>>
          %dma_start3A_1098 = tpu.memref_squeeze %dma_start3A_1097 : memref<1x128xi32, #tpu.memory_space<hbm>> -> memref<128xi32, #tpu.memory_space<hbm>>
          tpu.enqueue_dma source(%dma_start3A_1098 : memref<128xi32, #tpu.memory_space<hbm>>) target(%dma_start3A_1095 : memref<128xi32, #tpu.memory_space<vmem>>) target_semaphore(%arg16 : memref<!tpu.dma_semaphore, #tpu.memory_space<semaphore_mem>>)
          %add3A_1099 = arith.constant 1 : i32
          %add3A_1100 = arith.addi %mul3A_939, %add3A_1099 : i32
          %dma_start3A_1101 = arith.constant 0 : i32
          %dma_start3A_1102 = arith.constant 0 : i32
          %dma_start3A_1103 = tpu.memref_slice %arg10[%dma_start3A_1101, %dma_start3A_1102] : memref<128x128xf32, #tpu.memory_space<vmem>> -> memref<32x128xf32, #tpu.memory_space<vmem>>
          %dma_start3A_1104 = arith.constant 0 : i32
          %dma_start3A_1105 = tpu.memref_slice %arg7[%add3A_1100, %dma_start3A_1104] : memref<112x128xi32, #tpu.memory_space<vmem>> -> memref<1x32xi32, #tpu.memory_space<vmem>>
          %dma_start3A_1106 = tpu.memref_squeeze %dma_start3A_1105 : memref<1x32xi32, #tpu.memory_space<vmem>> -> memref<32xi32, #tpu.memory_space<vmem>>
          %dma_start3A_1107 = arith.constant 0 : i32
          %dma_start3A_1108 = arith.constant 0 : i32
          %dma_start3A_1109 = tpu.memref_slice %arg2[%dma_start3A_1107, %dma_start3A_1108] : memref<10000x128xf32, #tpu.memory_space<hbm>> -> memref<10000x128xf32, #tpu.memory_space<hbm>>
          tpu.enqueue_indirect_dma source(%dma_start3A_1109 : memref<10000x128xf32, #tpu.memory_space<hbm>>) target(%dma_start3A_1103 : memref<32x128xf32, #tpu.memory_space<vmem>>) offsets(%dma_start3A_1106 : memref<32xi32, #tpu.memory_space<vmem>>) semaphore(%arg12 : memref<!tpu.dma_semaphore, #tpu.memory_space<semaphore_mem>>)
          %dma_start3A_1110 = arith.constant 32 : i32
          %dma_start3A_1111 = arith.constant 0 : i32
          %dma_start3A_1112 = tpu.memref_slice %arg10[%dma_start3A_1110, %dma_start3A_1111] : memref<128x128xf32, #tpu.memory_space<vmem>> -> memref<32x128xf32, #tpu.memory_space<vmem>>
          %dma_start3A_1113 = arith.constant 32 : i32
          %dma_start3A_1114 = tpu.memref_slice %arg7[%add3A_1100, %dma_start3A_1113] : memref<112x128xi32, #tpu.memory_space<vmem>> -> memref<1x32xi32, #tpu.memory_space<vmem>>
          %dma_start3A_1115 = tpu.memref_squeeze %dma_start3A_1114 : memref<1x32xi32, #tpu.memory_space<vmem>> -> memref<32xi32, #tpu.memory_space<vmem>>
          %dma_start3A_1116 = arith.constant 0 : i32
          %dma_start3A_1117 = arith.constant 0 : i32
          %dma_start3A_1118 = tpu.memref_slice %arg2[%dma_start3A_1116, %dma_start3A_1117] : memref<10000x128xf32, #tpu.memory_space<hbm>> -> memref<10000x128xf32, #tpu.memory_space<hbm>>
          tpu.enqueue_indirect_dma source(%dma_start3A_1118 : memref<10000x128xf32, #tpu.memory_space<hbm>>) target(%dma_start3A_1112 : memref<32x128xf32, #tpu.memory_space<vmem>>) offsets(%dma_start3A_1115 : memref<32xi32, #tpu.memory_space<vmem>>) semaphore(%arg12 : memref<!tpu.dma_semaphore, #tpu.memory_space<semaphore_mem>>)
          %dma_start3A_1119 = arith.constant 64 : i32
          %dma_start3A_1120 = arith.constant 0 : i32
          %dma_start3A_1121 = tpu.memref_slice %arg10[%dma_start3A_1119, %dma_start3A_1120] : memref<128x128xf32, #tpu.memory_space<vmem>> -> memref<32x128xf32, #tpu.memory_space<vmem>>
          %dma_start3A_1122 = arith.constant 64 : i32
          %dma_start3A_1123 = tpu.memref_slice %arg7[%add3A_1100, %dma_start3A_1122] : memref<112x128xi32, #tpu.memory_space<vmem>> -> memref<1x32xi32, #tpu.memory_space<vmem>>
          %dma_start3A_1124 = tpu.memref_squeeze %dma_start3A_1123 : memref<1x32xi32, #tpu.memory_space<vmem>> -> memref<32xi32, #tpu.memory_space<vmem>>
          %dma_start3A_1125 = arith.constant 0 : i32
          %dma_start3A_1126 = arith.constant 0 : i32
          %dma_start3A_1127 = tpu.memref_slice %arg2[%dma_start3A_1125, %dma_start3A_1126] : memref<10000x128xf32, #tpu.memory_space<hbm>> -> memref<10000x128xf32, #tpu.memory_space<hbm>>
          tpu.enqueue_indirect_dma source(%dma_start3A_1127 : memref<10000x128xf32, #tpu.memory_space<hbm>>) target(%dma_start3A_1121 : memref<32x128xf32, #tpu.memory_space<vmem>>) offsets(%dma_start3A_1124 : memref<32xi32, #tpu.memory_space<vmem>>) semaphore(%arg12 : memref<!tpu.dma_semaphore, #tpu.memory_space<semaphore_mem>>)
          %dma_start3A_1128 = arith.constant 96 : i32
          %dma_start3A_1129 = arith.constant 0 : i32
          %dma_start3A_1130 = tpu.memref_slice %arg10[%dma_start3A_1128, %dma_start3A_1129] : memref<128x128xf32, #tpu.memory_space<vmem>> -> memref<32x128xf32, #tpu.memory_space<vmem>>
          %dma_start3A_1131 = arith.constant 96 : i32
          %dma_start3A_1132 = tpu.memref_slice %arg7[%add3A_1100, %dma_start3A_1131] : memref<112x128xi32, #tpu.memory_space<vmem>> -> memref<1x32xi32, #tpu.memory_space<vmem>>
          %dma_start3A_1133 = tpu.memref_squeeze %dma_start3A_1132 : memref<1x32xi32, #tpu.memory_space<vmem>> -> memref<32xi32, #tpu.memory_space<vmem>>
          %dma_start3A_1134 = arith.constant 0 : i32
          %dma_start3A_1135 = arith.constant 0 : i32
          %dma_start3A_1136 = tpu.memref_slice %arg2[%dma_start3A_1134, %dma_start3A_1135] : memref<10000x128xf32, #tpu.memory_space<hbm>> -> memref<10000x128xf32, #tpu.memory_space<hbm>>
          tpu.enqueue_indirect_dma source(%dma_start3A_1136 : memref<10000x128xf32, #tpu.memory_space<hbm>>) target(%dma_start3A_1130 : memref<32x128xf32, #tpu.memory_space<vmem>>) offsets(%dma_start3A_1133 : memref<32xi32, #tpu.memory_space<vmem>>) semaphore(%arg12 : memref<!tpu.dma_semaphore, #tpu.memory_space<semaphore_mem>>)
        } else {
        }
      } else {
      }
      %add3A_942 = arith.addi %select_n3A_8, %mul3A_939 : i32
      %dma_wait3A_943 = arith.constant 0 : i32
      %dma_wait3A_944 = arith.constant 0 : i32
      %dma_wait3A_945 = tpu.memref_slice %arg8[%dma_wait3A_943, %dma_wait3A_944] : memref<2x128xi32, #tpu.memory_space<vmem>> -> memref<1x128xi32, #tpu.memory_space<vmem>>
      %dma_wait3A_946 = tpu.memref_squeeze %dma_wait3A_945 : memref<1x128xi32, #tpu.memory_space<vmem>> -> memref<128xi32, #tpu.memory_space<vmem>>
      %dma_wait3A_947 = arith.constant 0 : i32
      %dma_wait3A_948 = tpu.memref_slice %arg4[%add3A_942, %dma_wait3A_947] : memref<2672x128xi32, #tpu.memory_space<hbm>> -> memref<1x128xi32, #tpu.memory_space<hbm>>
      %dma_wait3A_949 = tpu.memref_squeeze %dma_wait3A_948 : memref<1x128xi32, #tpu.memory_space<hbm>> -> memref<128xi32, #tpu.memory_space<hbm>>
      %dma_wait3A_950 = arith.constant 0 : i32
      %dma_wait3A_951 = tpu.memref_slice %arg8[%dma_wait3A_943, %dma_wait3A_950] : memref<2x128xi32, #tpu.memory_space<vmem>> -> memref<1x128xi32, #tpu.memory_space<vmem>>
      %dma_wait3A_952 = tpu.memref_squeeze %dma_wait3A_951 : memref<1x128xi32, #tpu.memory_space<vmem>> -> memref<128xi32, #tpu.memory_space<vmem>>
      %dma_wait3A_953 = arith.constant 0 : i32
      %dma_wait3A_954 = tpu.memref_slice %arg4[%add3A_942, %dma_wait3A_953] : memref<2672x128xi32, #tpu.memory_space<hbm>> -> memref<1x128xi32, #tpu.memory_space<hbm>>
      %dma_wait3A_955 = tpu.memref_squeeze %dma_wait3A_954 : memref<1x128xi32, #tpu.memory_space<hbm>> -> memref<128xi32, #tpu.memory_space<hbm>>
      tpu.wait_dma2 semaphore(%arg15 : memref<!tpu.dma_semaphore, #tpu.memory_space<semaphore_mem>>) src(%dma_wait3A_955 : memref<128xi32, #tpu.memory_space<hbm>>) dst(%dma_wait3A_952 : memref<128xi32, #tpu.memory_space<vmem>>)
      %dma_wait3A_956 = arith.constant 0 : i32
      %dma_wait3A_957 = arith.constant 0 : i32
      %dma_wait3A_958 = tpu.memref_slice %arg9[%dma_wait3A_956, %dma_wait3A_957] : memref<128x128xf32, #tpu.memory_space<vmem>> -> memref<32x128xf32, #tpu.memory_space<vmem>>
      %dma_wait3A_959 = arith.constant 0 : i32
      %dma_wait3A_960 = tpu.memref_slice %arg7[%mul3A_939, %dma_wait3A_959] : memref<112x128xi32, #tpu.memory_space<vmem>> -> memref<1x32xi32, #tpu.memory_space<vmem>>
      %dma_wait3A_961 = tpu.memref_squeeze %dma_wait3A_960 : memref<1x32xi32, #tpu.memory_space<vmem>> -> memref<32xi32, #tpu.memory_space<vmem>>
      %dma_wait3A_962 = arith.constant 0 : i32
      %dma_wait3A_963 = arith.constant 0 : i32
      %dma_wait3A_964 = tpu.memref_slice %arg2[%dma_wait3A_962, %dma_wait3A_963] : memref<10000x128xf32, #tpu.memory_space<hbm>> -> memref<10000x128xf32, #tpu.memory_space<hbm>>
      tpu.wait_indirect_dma semaphore(%arg11 : memref<!tpu.dma_semaphore, #tpu.memory_space<semaphore_mem>>) src(%dma_wait3A_964 : memref<10000x128xf32, #tpu.memory_space<hbm>>) dst(%dma_wait3A_958 : memref<32x128xf32, #tpu.memory_space<vmem>>)
      %dma_wait3A_965 = arith.constant 32 : i32
      %dma_wait3A_966 = arith.constant 0 : i32
      %dma_wait3A_967 = tpu.memref_slice %arg9[%dma_wait3A_965, %dma_wait3A_966] : memref<128x128xf32, #tpu.memory_space<vmem>> -> memref<32x128xf32, #tpu.memory_space<vmem>>
      %dma_wait3A_968 = arith.constant 32 : i32
      %dma_wait3A_969 = tpu.memref_slice %arg7[%mul3A_939, %dma_wait3A_968] : memref<112x128xi32, #tpu.memory_space<vmem>> -> memref<1x32xi32, #tpu.memory_space<vmem>>
      %dma_wait3A_970 = tpu.memref_squeeze %dma_wait3A_969 : memref<1x32xi32, #tpu.memory_space<vmem>> -> memref<32xi32, #tpu.memory_space<vmem>>
      %dma_wait3A_971 = arith.constant 0 : i32
      %dma_wait3A_972 = arith.constant 0 : i32
      %dma_wait3A_973 = tpu.memref_slice %arg2[%dma_wait3A_971, %dma_wait3A_972] : memref<10000x128xf32, #tpu.memory_space<hbm>> -> memref<10000x128xf32, #tpu.memory_space<hbm>>
      tpu.wait_indirect_dma semaphore(%arg11 : memref<!tpu.dma_semaphore, #tpu.memory_space<semaphore_mem>>) src(%dma_wait3A_973 : memref<10000x128xf32, #tpu.memory_space<hbm>>) dst(%dma_wait3A_967 : memref<32x128xf32, #tpu.memory_space<vmem>>)
      %dma_wait3A_974 = arith.constant 64 : i32
      %dma_wait3A_975 = arith.constant 0 : i32
      %dma_wait3A_976 = tpu.memref_slice %arg9[%dma_wait3A_974, %dma_wait3A_975] : memref<128x128xf32, #tpu.memory_space<vmem>> -> memref<32x128xf32, #tpu.memory_space<vmem>>
      %dma_wait3A_977 = arith.constant 64 : i32
      %dma_wait3A_978 = tpu.memref_slice %arg7[%mul3A_939, %dma_wait3A_977] : memref<112x128xi32, #tpu.memory_space<vmem>> -> memref<1x32xi32, #tpu.memory_space<vmem>>
      %dma_wait3A_979 = tpu.memref_squeeze %dma_wait3A_978 : memref<1x32xi32, #tpu.memory_space<vmem>> -> memref<32xi32, #tpu.memory_space<vmem>>
      %dma_wait3A_980 = arith.constant 0 : i32
      %dma_wait3A_981 = arith.constant 0 : i32
      %dma_wait3A_982 = tpu.memref_slice %arg2[%dma_wait3A_980, %dma_wait3A_981] : memref<10000x128xf32, #tpu.memory_space<hbm>> -> memref<10000x128xf32, #tpu.memory_space<hbm>>
      tpu.wait_indirect_dma semaphore(%arg11 : memref<!tpu.dma_semaphore, #tpu.memory_space<semaphore_mem>>) src(%dma_wait3A_982 : memref<10000x128xf32, #tpu.memory_space<hbm>>) dst(%dma_wait3A_976 : memref<32x128xf32, #tpu.memory_space<vmem>>)
      %dma_wait3A_983 = arith.constant 96 : i32
      %dma_wait3A_984 = arith.constant 0 : i32
      %dma_wait3A_985 = tpu.memref_slice %arg9[%dma_wait3A_983, %dma_wait3A_984] : memref<128x128xf32, #tpu.memory_space<vmem>> -> memref<32x128xf32, #tpu.memory_space<vmem>>
      %dma_wait3A_986 = arith.constant 96 : i32
      %dma_wait3A_987 = tpu.memref_slice %arg7[%mul3A_939, %dma_wait3A_986] : memref<112x128xi32, #tpu.memory_space<vmem>> -> memref<1x32xi32, #tpu.memory_space<vmem>>
      %dma_wait3A_988 = tpu.memref_squeeze %dma_wait3A_987 : memref<1x32xi32, #tpu.memory_space<vmem>> -> memref<32xi32, #tpu.memory_space<vmem>>
      %dma_wait3A_989 = arith.constant 0 : i32
      %dma_wait3A_990 = arith.constant 0 : i32
      %dma_wait3A_991 = tpu.memref_slice %arg2[%dma_wait3A_989, %dma_wait3A_990] : memref<10000x128xf32, #tpu.memory_space<hbm>> -> memref<10000x128xf32, #tpu.memory_space<hbm>>
      tpu.wait_indirect_dma semaphore(%arg11 : memref<!tpu.dma_semaphore, #tpu.memory_space<semaphore_mem>>) src(%dma_wait3A_991 : memref<10000x128xf32, #tpu.memory_space<hbm>>) dst(%dma_wait3A_985 : memref<32x128xf32, #tpu.memory_space<vmem>>)
      %dma_start3A_992 = arith.constant 0 : i32
      %dma_start3A_993 = arith.constant 0 : i32
      %dma_start3A_994 = tpu.memref_slice %arg8[%dma_start3A_992, %dma_start3A_993] : memref<2x128xi32, #tpu.memory_space<vmem>> -> memref<1x128xi32, #tpu.memory_space<vmem>>
      %dma_start3A_995 = tpu.memref_squeeze %dma_start3A_994 : memref<1x128xi32, #tpu.memory_space<vmem>> -> memref<128xi32, #tpu.memory_space<vmem>>
      %dma_start3A_996 = arith.constant 0 : i32
      %dma_start3A_997 = arith.constant 0 : i32
      %dma_start3A_998 = tpu.memref_slice %arg6[%dma_start3A_996, %dma_start3A_997] : memref<10240x128xf32, #tpu.memory_space<vmem_shared>> -> memref<10240x128xf32, #tpu.memory_space<vmem_shared>>
      tpu.enqueue_indirect_dma source(%arg9 : memref<128x128xf32, #tpu.memory_space<vmem>>) target(%dma_start3A_998 : memref<10240x128xf32, #tpu.memory_space<vmem_shared>>) offsets(%dma_start3A_995 : memref<128xi32, #tpu.memory_space<vmem>>) semaphore(%arg13 : memref<!tpu.dma_semaphore, #tpu.memory_space<semaphore_mem>>) {add = true}
      %add3A_999 = arith.constant 1 : i32
      %add3A_1000 = arith.addi %mul3A_939, %add3A_999 : i32
      %dma_wait3A_1001 = arith.constant 0 : i32
      %dma_wait3A_1002 = arith.constant 0 : i32
      %dma_wait3A_1003 = tpu.memref_slice %arg8[%dma_wait3A_1001, %dma_wait3A_1002] : memref<2x128xi32, #tpu.memory_space<vmem>> -> memref<1x128xi32, #tpu.memory_space<vmem>>
      %dma_wait3A_1004 = tpu.memref_squeeze %dma_wait3A_1003 : memref<1x128xi32, #tpu.memory_space<vmem>> -> memref<128xi32, #tpu.memory_space<vmem>>
      %dma_wait3A_1005 = arith.constant 0 : i32
      %dma_wait3A_1006 = arith.constant 0 : i32
      %dma_wait3A_1007 = tpu.memref_slice %arg6[%dma_wait3A_1005, %dma_wait3A_1006] : memref<10240x128xf32, #tpu.memory_space<vmem_shared>> -> memref<10240x128xf32, #tpu.memory_space<vmem_shared>>
      tpu.wait_indirect_dma semaphore(%arg13 : memref<!tpu.dma_semaphore, #tpu.memory_space<semaphore_mem>>) src(%arg9 : memref<128x128xf32, #tpu.memory_space<vmem>>) dst(%dma_wait3A_1007 : memref<10240x128xf32, #tpu.memory_space<vmem_shared>>)
      %add3A_1008 = arith.constant 1 : i32
      %add3A_1009 = arith.addi %add3A_1000, %add3A_1008 : i32
      %lt3A = arith.cmpi slt, %add3A_1009, %select_n3A : i32
      %convert_element_type3A_1010 = arith.extui %lt3A : i1 to i32
      %cond3A_1011 = arith.constant 0 : i32
      %cond3A_1012 = arith.cmpi ne, %convert_element_type3A_1010, %cond3A_1011 : i32
      scf.if %cond3A_1012 {
        %add3A_1070 = arith.addi %select_n3A_8, %add3A_1000 : i32
        %add3A_1071 = arith.constant 1 : i32
        %add3A_1072 = arith.addi %add3A_1070, %add3A_1071 : i32
        %dma_start3A_1073 = arith.constant 0 : i32
        %dma_start3A_1074 = arith.constant 0 : i32
        %dma_start3A_1075 = tpu.memref_slice %arg8[%dma_start3A_1073, %dma_start3A_1074] : memref<2x128xi32, #tpu.memory_space<vmem>> -> memref<1x128xi32, #tpu.memory_space<vmem>>
        %dma_start3A_1076 = tpu.memref_squeeze %dma_start3A_1075 : memref<1x128xi32, #tpu.memory_space<vmem>> -> memref<128xi32, #tpu.memory_space<vmem>>
        %dma_start3A_1077 = arith.constant 0 : i32
        %dma_start3A_1078 = tpu.memref_slice %arg4[%add3A_1072, %dma_start3A_1077] : memref<2672x128xi32, #tpu.memory_space<hbm>> -> memref<1x128xi32, #tpu.memory_space<hbm>>
        %dma_start3A_1079 = tpu.memref_squeeze %dma_start3A_1078 : memref<1x128xi32, #tpu.memory_space<hbm>> -> memref<128xi32, #tpu.memory_space<hbm>>
        %dma_start3A_1080 = arith.constant 0 : i32
        %dma_start3A_1081 = tpu.memref_slice %arg8[%dma_start3A_1073, %dma_start3A_1080] : memref<2x128xi32, #tpu.memory_space<vmem>> -> memref<1x128xi32, #tpu.memory_space<vmem>>
        %dma_start3A_1082 = tpu.memref_squeeze %dma_start3A_1081 : memref<1x128xi32, #tpu.memory_space<vmem>> -> memref<128xi32, #tpu.memory_space<vmem>>
        %dma_start3A_1083 = arith.constant 0 : i32
        %dma_start3A_1084 = tpu.memref_slice %arg4[%add3A_1072, %dma_start3A_1083] : memref<2672x128xi32, #tpu.memory_space<hbm>> -> memref<1x128xi32, #tpu.memory_space<hbm>>
        %dma_start3A_1085 = tpu.memref_squeeze %dma_start3A_1084 : memref<1x128xi32, #tpu.memory_space<hbm>> -> memref<128xi32, #tpu.memory_space<hbm>>
        tpu.enqueue_dma source(%dma_start3A_1085 : memref<128xi32, #tpu.memory_space<hbm>>) target(%dma_start3A_1082 : memref<128xi32, #tpu.memory_space<vmem>>) target_semaphore(%arg15 : memref<!tpu.dma_semaphore, #tpu.memory_space<semaphore_mem>>)
        %add3A_1086 = arith.constant 1 : i32
        %add3A_1087 = arith.addi %add3A_1000, %add3A_1086 : i32
        %dma_start3A_1088 = arith.constant 0 : i32
        %dma_start3A_1089 = arith.constant 0 : i32
        %dma_start3A_1090 = tpu.memref_slice %arg9[%dma_start3A_1088, %dma_start3A_1089] : memref<128x128xf32, #tpu.memory_space<vmem>> -> memref<32x128xf32, #tpu.memory_space<vmem>>
        %dma_start3A_1091 = arith.constant 0 : i32
        %dma_start3A_1092 = tpu.memref_slice %arg7[%add3A_1087, %dma_start3A_1091] : memref<112x128xi32, #tpu.memory_space<vmem>> -> memref<1x32xi32, #tpu.memory_space<vmem>>
        %dma_start3A_1093 = tpu.memref_squeeze %dma_start3A_1092 : memref<1x32xi32, #tpu.memory_space<vmem>> -> memref<32xi32, #tpu.memory_space<vmem>>
        %dma_start3A_1094 = arith.constant 0 : i32
        %dma_start3A_1095 = arith.constant 0 : i32
        %dma_start3A_1096 = tpu.memref_slice %arg2[%dma_start3A_1094, %dma_start3A_1095] : memref<10000x128xf32, #tpu.memory_space<hbm>> -> memref<10000x128xf32, #tpu.memory_space<hbm>>
        tpu.enqueue_indirect_dma source(%dma_start3A_1096 : memref<10000x128xf32, #tpu.memory_space<hbm>>) target(%dma_start3A_1090 : memref<32x128xf32, #tpu.memory_space<vmem>>) offsets(%dma_start3A_1093 : memref<32xi32, #tpu.memory_space<vmem>>) semaphore(%arg11 : memref<!tpu.dma_semaphore, #tpu.memory_space<semaphore_mem>>)
        %dma_start3A_1097 = arith.constant 32 : i32
        %dma_start3A_1098 = arith.constant 0 : i32
        %dma_start3A_1099 = tpu.memref_slice %arg9[%dma_start3A_1097, %dma_start3A_1098] : memref<128x128xf32, #tpu.memory_space<vmem>> -> memref<32x128xf32, #tpu.memory_space<vmem>>
        %dma_start3A_1100 = arith.constant 32 : i32
        %dma_start3A_1101 = tpu.memref_slice %arg7[%add3A_1087, %dma_start3A_1100] : memref<112x128xi32, #tpu.memory_space<vmem>> -> memref<1x32xi32, #tpu.memory_space<vmem>>
        %dma_start3A_1102 = tpu.memref_squeeze %dma_start3A_1101 : memref<1x32xi32, #tpu.memory_space<vmem>> -> memref<32xi32, #tpu.memory_space<vmem>>
        %dma_start3A_1103 = arith.constant 0 : i32
        %dma_start3A_1104 = arith.constant 0 : i32
        %dma_start3A_1105 = tpu.memref_slice %arg2[%dma_start3A_1103, %dma_start3A_1104] : memref<10000x128xf32, #tpu.memory_space<hbm>> -> memref<10000x128xf32, #tpu.memory_space<hbm>>
        tpu.enqueue_indirect_dma source(%dma_start3A_1105 : memref<10000x128xf32, #tpu.memory_space<hbm>>) target(%dma_start3A_1099 : memref<32x128xf32, #tpu.memory_space<vmem>>) offsets(%dma_start3A_1102 : memref<32xi32, #tpu.memory_space<vmem>>) semaphore(%arg11 : memref<!tpu.dma_semaphore, #tpu.memory_space<semaphore_mem>>)
        %dma_start3A_1106 = arith.constant 64 : i32
        %dma_start3A_1107 = arith.constant 0 : i32
        %dma_start3A_1108 = tpu.memref_slice %arg9[%dma_start3A_1106, %dma_start3A_1107] : memref<128x128xf32, #tpu.memory_space<vmem>> -> memref<32x128xf32, #tpu.memory_space<vmem>>
        %dma_start3A_1109 = arith.constant 64 : i32
        %dma_start3A_1110 = tpu.memref_slice %arg7[%add3A_1087, %dma_start3A_1109] : memref<112x128xi32, #tpu.memory_space<vmem>> -> memref<1x32xi32, #tpu.memory_space<vmem>>
        %dma_start3A_1111 = tpu.memref_squeeze %dma_start3A_1110 : memref<1x32xi32, #tpu.memory_space<vmem>> -> memref<32xi32, #tpu.memory_space<vmem>>
        %dma_start3A_1112 = arith.constant 0 : i32
        %dma_start3A_1113 = arith.constant 0 : i32
        %dma_start3A_1114 = tpu.memref_slice %arg2[%dma_start3A_1112, %dma_start3A_1113] : memref<10000x128xf32, #tpu.memory_space<hbm>> -> memref<10000x128xf32, #tpu.memory_space<hbm>>
        tpu.enqueue_indirect_dma source(%dma_start3A_1114 : memref<10000x128xf32, #tpu.memory_space<hbm>>) target(%dma_start3A_1108 : memref<32x128xf32, #tpu.memory_space<vmem>>) offsets(%dma_start3A_1111 : memref<32xi32, #tpu.memory_space<vmem>>) semaphore(%arg11 : memref<!tpu.dma_semaphore, #tpu.memory_space<semaphore_mem>>)
        %dma_start3A_1115 = arith.constant 96 : i32
        %dma_start3A_1116 = arith.constant 0 : i32
        %dma_start3A_1117 = tpu.memref_slice %arg9[%dma_start3A_1115, %dma_start3A_1116] : memref<128x128xf32, #tpu.memory_space<vmem>> -> memref<32x128xf32, #tpu.memory_space<vmem>>
        %dma_start3A_1118 = arith.constant 96 : i32
        %dma_start3A_1119 = tpu.memref_slice %arg7[%add3A_1087, %dma_start3A_1118] : memref<112x128xi32, #tpu.memory_space<vmem>> -> memref<1x32xi32, #tpu.memory_space<vmem>>
        %dma_start3A_1120 = tpu.memref_squeeze %dma_start3A_1119 : memref<1x32xi32, #tpu.memory_space<vmem>> -> memref<32xi32, #tpu.memory_space<vmem>>
        %dma_start3A_1121 = arith.constant 0 : i32
        %dma_start3A_1122 = arith.constant 0 : i32
        %dma_start3A_1123 = tpu.memref_slice %arg2[%dma_start3A_1121, %dma_start3A_1122] : memref<10000x128xf32, #tpu.memory_space<hbm>> -> memref<10000x128xf32, #tpu.memory_space<hbm>>
        tpu.enqueue_indirect_dma source(%dma_start3A_1123 : memref<10000x128xf32, #tpu.memory_space<hbm>>) target(%dma_start3A_1117 : memref<32x128xf32, #tpu.memory_space<vmem>>) offsets(%dma_start3A_1120 : memref<32xi32, #tpu.memory_space<vmem>>) semaphore(%arg11 : memref<!tpu.dma_semaphore, #tpu.memory_space<semaphore_mem>>)
      } else {
      }
      %add3A_1013 = arith.addi %select_n3A_8, %add3A_1000 : i32
      %dma_wait3A_1014 = arith.constant 1 : i32
      %dma_wait3A_1015 = arith.constant 0 : i32
      %dma_wait3A_1016 = tpu.memref_slice %arg8[%dma_wait3A_1014, %dma_wait3A_1015] : memref<2x128xi32, #tpu.memory_space<vmem>> -> memref<1x128xi32, #tpu.memory_space<vmem>>
      %dma_wait3A_1017 = tpu.memref_squeeze %dma_wait3A_1016 : memref<1x128xi32, #tpu.memory_space<vmem>> -> memref<128xi32, #tpu.memory_space<vmem>>
      %dma_wait3A_1018 = arith.constant 0 : i32
      %dma_wait3A_1019 = tpu.memref_slice %arg4[%add3A_1013, %dma_wait3A_1018] : memref<2672x128xi32, #tpu.memory_space<hbm>> -> memref<1x128xi32, #tpu.memory_space<hbm>>
      %dma_wait3A_1020 = tpu.memref_squeeze %dma_wait3A_1019 : memref<1x128xi32, #tpu.memory_space<hbm>> -> memref<128xi32, #tpu.memory_space<hbm>>
      %dma_wait3A_1021 = arith.constant 0 : i32
      %dma_wait3A_1022 = tpu.memref_slice %arg8[%dma_wait3A_1014, %dma_wait3A_1021] : memref<2x128xi32, #tpu.memory_space<vmem>> -> memref<1x128xi32, #tpu.memory_space<vmem>>
      %dma_wait3A_1023 = tpu.memref_squeeze %dma_wait3A_1022 : memref<1x128xi32, #tpu.memory_space<vmem>> -> memref<128xi32, #tpu.memory_space<vmem>>
      %dma_wait3A_1024 = arith.constant 0 : i32
      %dma_wait3A_1025 = tpu.memref_slice %arg4[%add3A_1013, %dma_wait3A_1024] : memref<2672x128xi32, #tpu.memory_space<hbm>> -> memref<1x128xi32, #tpu.memory_space<hbm>>
      %dma_wait3A_1026 = tpu.memref_squeeze %dma_wait3A_1025 : memref<1x128xi32, #tpu.memory_space<hbm>> -> memref<128xi32, #tpu.memory_space<hbm>>
      tpu.wait_dma2 semaphore(%arg16 : memref<!tpu.dma_semaphore, #tpu.memory_space<semaphore_mem>>) src(%dma_wait3A_1026 : memref<128xi32, #tpu.memory_space<hbm>>) dst(%dma_wait3A_1023 : memref<128xi32, #tpu.memory_space<vmem>>)
      %dma_wait3A_1027 = arith.constant 0 : i32
      %dma_wait3A_1028 = arith.constant 0 : i32
      %dma_wait3A_1029 = tpu.memref_slice %arg10[%dma_wait3A_1027, %dma_wait3A_1028] : memref<128x128xf32, #tpu.memory_space<vmem>> -> memref<32x128xf32, #tpu.memory_space<vmem>>
      %dma_wait3A_1030 = arith.constant 0 : i32
      %dma_wait3A_1031 = tpu.memref_slice %arg7[%add3A_1000, %dma_wait3A_1030] : memref<112x128xi32, #tpu.memory_space<vmem>> -> memref<1x32xi32, #tpu.memory_space<vmem>>
      %dma_wait3A_1032 = tpu.memref_squeeze %dma_wait3A_1031 : memref<1x32xi32, #tpu.memory_space<vmem>> -> memref<32xi32, #tpu.memory_space<vmem>>
      %dma_wait3A_1033 = arith.constant 0 : i32
      %dma_wait3A_1034 = arith.constant 0 : i32
      %dma_wait3A_1035 = tpu.memref_slice %arg2[%dma_wait3A_1033, %dma_wait3A_1034] : memref<10000x128xf32, #tpu.memory_space<hbm>> -> memref<10000x128xf32, #tpu.memory_space<hbm>>
      tpu.wait_indirect_dma semaphore(%arg12 : memref<!tpu.dma_semaphore, #tpu.memory_space<semaphore_mem>>) src(%dma_wait3A_1035 : memref<10000x128xf32, #tpu.memory_space<hbm>>) dst(%dma_wait3A_1029 : memref<32x128xf32, #tpu.memory_space<vmem>>)
      %dma_wait3A_1036 = arith.constant 32 : i32
      %dma_wait3A_1037 = arith.constant 0 : i32
      %dma_wait3A_1038 = tpu.memref_slice %arg10[%dma_wait3A_1036, %dma_wait3A_1037] : memref<128x128xf32, #tpu.memory_space<vmem>> -> memref<32x128xf32, #tpu.memory_space<vmem>>
      %dma_wait3A_1039 = arith.constant 32 : i32
      %dma_wait3A_1040 = tpu.memref_slice %arg7[%add3A_1000, %dma_wait3A_1039] : memref<112x128xi32, #tpu.memory_space<vmem>> -> memref<1x32xi32, #tpu.memory_space<vmem>>
      %dma_wait3A_1041 = tpu.memref_squeeze %dma_wait3A_1040 : memref<1x32xi32, #tpu.memory_space<vmem>> -> memref<32xi32, #tpu.memory_space<vmem>>
      %dma_wait3A_1042 = arith.constant 0 : i32
      %dma_wait3A_1043 = arith.constant 0 : i32
      %dma_wait3A_1044 = tpu.memref_slice %arg2[%dma_wait3A_1042, %dma_wait3A_1043] : memref<10000x128xf32, #tpu.memory_space<hbm>> -> memref<10000x128xf32, #tpu.memory_space<hbm>>
      tpu.wait_indirect_dma semaphore(%arg12 : memref<!tpu.dma_semaphore, #tpu.memory_space<semaphore_mem>>) src(%dma_wait3A_1044 : memref<10000x128xf32, #tpu.memory_space<hbm>>) dst(%dma_wait3A_1038 : memref<32x128xf32, #tpu.memory_space<vmem>>)
      %dma_wait3A_1045 = arith.constant 64 : i32
      %dma_wait3A_1046 = arith.constant 0 : i32
      %dma_wait3A_1047 = tpu.memref_slice %arg10[%dma_wait3A_1045, %dma_wait3A_1046] : memref<128x128xf32, #tpu.memory_space<vmem>> -> memref<32x128xf32, #tpu.memory_space<vmem>>
      %dma_wait3A_1048 = arith.constant 64 : i32
      %dma_wait3A_1049 = tpu.memref_slice %arg7[%add3A_1000, %dma_wait3A_1048] : memref<112x128xi32, #tpu.memory_space<vmem>> -> memref<1x32xi32, #tpu.memory_space<vmem>>
      %dma_wait3A_1050 = tpu.memref_squeeze %dma_wait3A_1049 : memref<1x32xi32, #tpu.memory_space<vmem>> -> memref<32xi32, #tpu.memory_space<vmem>>
      %dma_wait3A_1051 = arith.constant 0 : i32
      %dma_wait3A_1052 = arith.constant 0 : i32
      %dma_wait3A_1053 = tpu.memref_slice %arg2[%dma_wait3A_1051, %dma_wait3A_1052] : memref<10000x128xf32, #tpu.memory_space<hbm>> -> memref<10000x128xf32, #tpu.memory_space<hbm>>
      tpu.wait_indirect_dma semaphore(%arg12 : memref<!tpu.dma_semaphore, #tpu.memory_space<semaphore_mem>>) src(%dma_wait3A_1053 : memref<10000x128xf32, #tpu.memory_space<hbm>>) dst(%dma_wait3A_1047 : memref<32x128xf32, #tpu.memory_space<vmem>>)
      %dma_wait3A_1054 = arith.constant 96 : i32
      %dma_wait3A_1055 = arith.constant 0 : i32
      %dma_wait3A_1056 = tpu.memref_slice %arg10[%dma_wait3A_1054, %dma_wait3A_1055] : memref<128x128xf32, #tpu.memory_space<vmem>> -> memref<32x128xf32, #tpu.memory_space<vmem>>
      %dma_wait3A_1057 = arith.constant 96 : i32
      %dma_wait3A_1058 = tpu.memref_slice %arg7[%add3A_1000, %dma_wait3A_1057] : memref<112x128xi32, #tpu.memory_space<vmem>> -> memref<1x32xi32, #tpu.memory_space<vmem>>
      %dma_wait3A_1059 = tpu.memref_squeeze %dma_wait3A_1058 : memref<1x32xi32, #tpu.memory_space<vmem>> -> memref<32xi32, #tpu.memory_space<vmem>>
      %dma_wait3A_1060 = arith.constant 0 : i32
      %dma_wait3A_1061 = arith.constant 0 : i32
      %dma_wait3A_1062 = tpu.memref_slice %arg2[%dma_wait3A_1060, %dma_wait3A_1061] : memref<10000x128xf32, #tpu.memory_space<hbm>> -> memref<10000x128xf32, #tpu.memory_space<hbm>>
      tpu.wait_indirect_dma semaphore(%arg12 : memref<!tpu.dma_semaphore, #tpu.memory_space<semaphore_mem>>) src(%dma_wait3A_1062 : memref<10000x128xf32, #tpu.memory_space<hbm>>) dst(%dma_wait3A_1056 : memref<32x128xf32, #tpu.memory_space<vmem>>)
      %dma_start3A_1063 = arith.constant 1 : i32
      %dma_start3A_1064 = arith.constant 0 : i32
      %dma_start3A_1065 = tpu.memref_slice %arg8[%dma_start3A_1063, %dma_start3A_1064] : memref<2x128xi32, #tpu.memory_space<vmem>> -> memref<1x128xi32, #tpu.memory_space<vmem>>
      %dma_start3A_1066 = tpu.memref_squeeze %dma_start3A_1065 : memref<1x128xi32, #tpu.memory_space<vmem>> -> memref<128xi32, #tpu.memory_space<vmem>>
      %dma_start3A_1067 = arith.constant 0 : i32
      %dma_start3A_1068 = arith.constant 0 : i32
      %dma_start3A_1069 = tpu.memref_slice %arg6[%dma_start3A_1067, %dma_start3A_1068] : memref<10240x128xf32, #tpu.memory_space<vmem_shared>> -> memref<10240x128xf32, #tpu.memory_space<vmem_shared>>
      tpu.enqueue_indirect_dma source(%arg10 : memref<128x128xf32, #tpu.memory_space<vmem>>) target(%dma_start3A_1069 : memref<10240x128xf32, #tpu.memory_space<vmem_shared>>) offsets(%dma_start3A_1066 : memref<128xi32, #tpu.memory_space<vmem>>) semaphore(%arg14 : memref<!tpu.dma_semaphore, #tpu.memory_space<semaphore_mem>>) {add = true}
    }
    %dma_wait3A = arith.constant 1 : i32
    %dma_wait3A_928 = arith.constant 0 : i32
    %dma_wait3A_929 = tpu.memref_slice %arg8[%dma_wait3A, %dma_wait3A_928] : memref<2x128xi32, #tpu.memory_space<vmem>> -> memref<1x128xi32, #tpu.memory_space<vmem>>
    %dma_wait3A_930 = tpu.memref_squeeze %dma_wait3A_929 : memref<1x128xi32, #tpu.memory_space<vmem>> -> memref<128xi32, #tpu.memory_space<vmem>>
    %dma_wait3A_931 = arith.constant 0 : i32
    %dma_wait3A_932 = arith.constant 0 : i32
    %dma_wait3A_933 = tpu.memref_slice %arg6[%dma_wait3A_931, %dma_wait3A_932] : memref<10240x128xf32, #tpu.memory_space<vmem_shared>> -> memref<10240x128xf32, #tpu.memory_space<vmem_shared>>
    tpu.wait_indirect_dma semaphore(%arg14 : memref<!tpu.dma_semaphore, #tpu.memory_space<semaphore_mem>>) src(%arg10 : memref<128x128xf32, #tpu.memory_space<vmem>>) dst(%dma_wait3A_933 : memref<10240x128xf32, #tpu.memory_space<vmem_shared>>)
    %barrier3A_934 = arith.constant 0 : index
    tpu.barrier barrier_id(%barrier3A_934)
    "tpu.region"() ({
      %run_scoped3A = tpu.sem_alloc : memref<!tpu.dma_semaphore, #tpu.memory_space<semaphore_mem>>
      %dma_start3A_935 = arith.constant 0 : i32
      %dma_start3A_936 = tpu.memref_slice %arg5[%arg0, %mul3A_778, %dma_start3A_935] : memref<2x10240x128xf32, #tpu.memory_space<hbm>> -> memref<1x640x128xf32, #tpu.memory_space<hbm>>
      %dma_start3A_937 = tpu.memref_squeeze %dma_start3A_936 : memref<1x640x128xf32, #tpu.memory_space<hbm>> -> memref<640x128xf32, #tpu.memory_space<hbm>>
      %dma_start3A_938 = arith.constant 0 : i32
      %dma_start3A_939 = tpu.memref_slice %arg6[%mul3A_778, %dma_start3A_938] : memref<10240x128xf32, #tpu.memory_space<vmem_shared>> -> memref<640x128xf32, #tpu.memory_space<vmem_shared>>
      tpu.enqueue_dma source(%dma_start3A_939 : memref<640x128xf32, #tpu.memory_space<vmem_shared>>) target(%dma_start3A_937 : memref<640x128xf32, #tpu.memory_space<hbm>>) target_semaphore(%run_scoped3A : memref<!tpu.dma_semaphore, #tpu.memory_space<semaphore_mem>>)
      %dma_wait3A_940 = arith.constant 0 : i32
      %dma_wait3A_941 = tpu.memref_slice %arg5[%arg0, %mul3A_778, %dma_wait3A_940] : memref<2x10240x128xf32, #tpu.memory_space<hbm>> -> memref<1x640x128xf32, #tpu.memory_space<hbm>>
      %dma_wait3A_942 = tpu.memref_squeeze %dma_wait3A_941 : memref<1x640x128xf32, #tpu.memory_space<hbm>> -> memref<640x128xf32, #tpu.memory_space<hbm>>
      %dma_wait3A_943 = arith.constant 0 : i32
      %dma_wait3A_944 = tpu.memref_slice %arg6[%mul3A_778, %dma_wait3A_943] : memref<10240x128xf32, #tpu.memory_space<vmem_shared>> -> memref<640x128xf32, #tpu.memory_space<vmem_shared>>
      tpu.wait_dma2 semaphore(%run_scoped3A : memref<!tpu.dma_semaphore, #tpu.memory_space<semaphore_mem>>) src(%dma_wait3A_944 : memref<640x128xf32, #tpu.memory_space<vmem_shared>>) dst(%dma_wait3A_942 : memref<640x128xf32, #tpu.memory_space<hbm>>)
      tpu.yield
    }) : () -> ()
    return
  }
}

module attributes {stable_mosaic.version = 14 : i64} {
  func.func @_combine_body(%arg0: i32, %arg1: memref<2x1000x128xf32, #tpu.memory_space<vmem>>, %arg2: memref<2x1000x128xf32, #tpu.memory_space<vmem>>, %arg3: memref<1000x128xf32, #tpu.memory_space<vmem>>) attributes {dimension_semantics = [#tpu.dimension_semantics<arbitrary>], iteration_bounds = array<i64: 10>, scalar_prefetch = 0 : i64, scratch_operands = 0 : i64, tpu.core_type = #tpu.core_type<tc>, window_params = [{transform_indices = @transform_0, window_bounds = array<i64: 2, 1000, 128>}, {transform_indices = @transform_1, window_bounds = array<i64: 2, 1000, 128>}, {transform_indices = @transform_2, window_bounds = array<i64: 1000, 128>}]} {
    %get3A = arith.constant 0 : index
    %get3A_0 = arith.constant 0 : index
    %get3A_1 = arith.constant 0 : index
    %get3A_2 = vector.load %arg2[%get3A, %get3A_0, %get3A_1] : memref<2x1000x128xf32, #tpu.memory_space<vmem>>, vector<1x1000x1xf32>
    %get3A_3 = vector.shape_cast %get3A_2 : vector<1x1000x1xf32> to vector<1000xf32>
    %get3A_4 = arith.constant 1 : index
    %get3A_5 = arith.constant 0 : index
    %get3A_6 = arith.constant 0 : index
    %get3A_7 = vector.load %arg2[%get3A_4, %get3A_5, %get3A_6] : memref<2x1000x128xf32, #tpu.memory_space<vmem>>, vector<1x1000x1xf32>
    %get3A_8 = vector.shape_cast %get3A_7 : vector<1x1000x1xf32> to vector<1000xf32>
    %add3A = arith.addf %get3A_3, %get3A_8 : vector<1000xf32>
    %gt3A = arith.constant 0.000000e+00 : f32
    %gt3A_9 = vector.broadcast %gt3A : f32 to vector<1000xf32>
    %gt3A_10 = arith.cmpf ogt, %add3A, %gt3A_9 : vector<1000xf32>
    %rsqrt3A = math.rsqrt %add3A : vector<1000xf32>
    %jit3A = arith.constant 0.000000e+00 : f32
    %broadcast_in_dim3A = vector.broadcast %jit3A : f32 to vector<1000xf32>
    %select_n3A = arith.select %gt3A_10, %rsqrt3A, %broadcast_in_dim3A : vector<1000xi1>, vector<1000xf32>
    %get3A_11 = arith.constant 0 : index
    %get3A_12 = arith.constant 0 : index
    %get3A_13 = arith.constant 0 : index
    %get3A_14 = vector.load %arg1[%get3A_11, %get3A_12, %get3A_13] : memref<2x1000x128xf32, #tpu.memory_space<vmem>>, vector<1x1000x128xf32>
    %get3A_15 = vector.shape_cast %get3A_14 : vector<1x1000x128xf32> to vector<1000x128xf32>
    %get3A_16 = arith.constant 1 : index
    %get3A_17 = arith.constant 0 : index
    %get3A_18 = arith.constant 0 : index
    %get3A_19 = vector.load %arg1[%get3A_16, %get3A_17, %get3A_18] : memref<2x1000x128xf32, #tpu.memory_space<vmem>>, vector<1x1000x128xf32>
    %get3A_20 = vector.shape_cast %get3A_19 : vector<1x1000x128xf32> to vector<1000x128xf32>
    %add3A_21 = arith.addf %get3A_15, %get3A_20 : vector<1000x128xf32>
    %broadcast_in_dim3A_22 = vector.shape_cast %select_n3A : vector<1000xf32> to vector<1000x1xf32>
    %mul3A = vector.broadcast %broadcast_in_dim3A_22 : vector<1000x1xf32> to vector<1000x128xf32>
    %mul3A_23 = arith.mulf %add3A_21, %mul3A : vector<1000x128xf32>
    %swap3A = arith.constant 0 : index
    %swap3A_24 = arith.constant 0 : index
    %swap3A_25 = vector.load %arg3[%swap3A, %swap3A_24] : memref<1000x128xf32, #tpu.memory_space<vmem>>, vector<1000x128xf32>
    tpu.vector_store %arg3[%swap3A, %swap3A_24], %mul3A_23 {strides = array<i32>} : memref<1000x128xf32, #tpu.memory_space<vmem>>, vector<1000x128xf32>,
    return
  }
  func.func @transform_0(%arg0: i32) -> (i32, i32, i32) {
    %c0_i32 = arith.constant 0 : i32
    %c0_i32_0 = arith.constant 0 : i32
    %c0_i32_1 = arith.constant 0 : i32
    return %c0_i32, %arg0, %c0_i32_0 : i32, i32, i32
  }
  func.func @transform_1(%arg0: i32) -> (i32, i32, i32) {
    %c0_i32 = arith.constant 0 : i32
    %c0_i32_0 = arith.constant 0 : i32
    %c0_i32_1 = arith.constant 0 : i32
    return %c0_i32, %arg0, %c0_i32_0 : i32, i32, i32
  }
  func.func @transform_2(%arg0: i32) -> (i32, i32) {
    %c0_i32 = arith.constant 0 : i32
    %c0_i32_0 = arith.constant 0 : i32
    return %arg0, %c0_i32 : i32, i32
  }
}

module attributes {stable_mosaic.version = 14 : i64} {
  func.func @_norm_body(%arg0: i32, %arg1: memref<2x1000x128xf32, #tpu.memory_space<vmem>>, %arg2: memref<1000x128xf32, #tpu.memory_space<vmem>>, %arg3: memref<1000x128xf32, #tpu.memory_space<vmem>>) attributes {dimension_semantics = [#tpu.dimension_semantics<arbitrary>], iteration_bounds = array<i64: 10>, scalar_prefetch = 0 : i64, scratch_operands = 0 : i64, tpu.core_type = #tpu.core_type<tc>, window_params = [{transform_indices = @transform_0, window_bounds = array<i64: 2, 1000, 128>}, {transform_indices = @transform_1, window_bounds = array<i64: 1000, 128>}, {transform_indices = @transform_2, window_bounds = array<i64: 1000, 128>}]} {
    %get3A = arith.constant 0 : index
    %get3A_0 = arith.constant 0 : index
    %get3A_1 = arith.constant 0 : index
    %get3A_2 = vector.load %arg1[%get3A, %get3A_0, %get3A_1] : memref<2x1000x128xf32, #tpu.memory_space<vmem>>, vector<1x1000x1xf32>
    %get3A_3 = vector.shape_cast %get3A_2 : vector<1x1000x1xf32> to vector<1000xf32>
    %get3A_4 = arith.constant 1 : index
    %get3A_5 = arith.constant 0 : index
    %get3A_6 = arith.constant 0 : index
    %get3A_7 = vector.load %arg1[%get3A_4, %get3A_5, %get3A_6] : memref<2x1000x128xf32, #tpu.memory_space<vmem>>, vector<1x1000x1xf32>
    %get3A_8 = vector.shape_cast %get3A_7 : vector<1x1000x1xf32> to vector<1000xf32>
    %add3A = arith.addf %get3A_3, %get3A_8 : vector<1000xf32>
    %gt3A = arith.constant 0.000000e+00 : f32
    %gt3A_9 = vector.broadcast %gt3A : f32 to vector<1000xf32>
    %gt3A_10 = arith.cmpf ogt, %add3A, %gt3A_9 : vector<1000xf32>
    %rsqrt3A = math.rsqrt %add3A : vector<1000xf32>
    %jit3A = arith.constant 0.000000e+00 : f32
    %broadcast_in_dim3A = vector.broadcast %jit3A : f32 to vector<1000xf32>
    %select_n3A = arith.select %gt3A_10, %rsqrt3A, %broadcast_in_dim3A : vector<1000xi1>, vector<1000xf32>
    %get3A_11 = arith.constant 0 : index
    %get3A_12 = arith.constant 0 : index
    %get3A_13 = vector.load %arg2[%get3A_11, %get3A_12] : memref<1000x128xf32, #tpu.memory_space<vmem>>, vector<1000x128xf32>
    %broadcast_in_dim3A_14 = vector.shape_cast %select_n3A : vector<1000xf32> to vector<1000x1xf32>
    %mul3A = vector.broadcast %broadcast_in_dim3A_14 : vector<1000x1xf32> to vector<1000x128xf32>
    %mul3A_15 = arith.mulf %get3A_13, %mul3A : vector<1000x128xf32>
    %swap3A = arith.constant 0 : index
    %swap3A_16 = arith.constant 0 : index
    %swap3A_17 = vector.load %arg3[%swap3A, %swap3A_16] : memref<1000x128xf32, #tpu.memory_space<vmem>>, vector<1000x128xf32>
    tpu.vector_store %arg3[%swap3A, %swap3A_16], %mul3A_15 {strides = array<i32>} : memref<1000x128xf32, #tpu.memory_space<vmem>>, vector<1000x128xf32>,
    return
  }
  func.func @transform_0(%arg0: i32) -> (i32, i32, i32) {
    %c0_i32 = arith.constant 0 : i32
    %c0_i32_0 = arith.constant 0 : i32
    %c0_i32_1 = arith.constant 0 : i32
    return %c0_i32, %arg0, %c0_i32_0 : i32, i32, i32
  }
  func.func @transform_1(%arg0: i32) -> (i32, i32) {
    %c0_i32 = arith.constant 0 : i32
    %c0_i32_0 = arith.constant 0 : i32
    return %arg0, %c0_i32 : i32, i32
  }
  func.func @transform_2(%arg0: i32) -> (i32, i32) {
    %c0_i32 = arith.constant 0 : i32
    %c0_i32_0 = arith.constant 0 : i32
    return %arg0, %c0_i32 : i32, i32
  }
}

</mosaic_0001>

<sc_bundles>
// kernel: kernel.6.cloned.1.call-start
scs
__scs_entry_jumppad:
0x0: {  	(pc) =	sbr.rel $0x88, $3  }
0x1: {  	(tag) =	ssettag $0x0;
	lr =	simm.s32 $0x1  }
0x2: {  	[smem:$0x3F9F] =	sst lr;
	_ =	strace $0xD0000000  }
0x3: {  	_ = 	snop  }
0x4: {  	_ = 	snop  }
0x5: {  	_ = 	snop  }
0x6: {  	_ = 	snop  }
0x7: {  	_ = 	snop  }
__scs_overlays_trampoline_lowered:
0x8: {  	[smem:$0x3FAE] =	sst s0  }
0x9: {  	[smem:$0x3FAF] =	sst s1  }
0xa: {  	[smem:$0x3FB0] =	sst s2  }
0xb: {  	[smem:$0x3FB1] =	sst s3  }
0xc: {  	[smem:$0x3FB2] =	sst s4  }
0xd: {  	[smem:$0x3FB3] =	sst s5  }
0xe: {  	[smem:$0x3FB4] =	sst s6  }
0xf: {  	[smem:$0x3FB5] =	sst s7  }
0x10: {  	[smem:$0x3FB6] =	sst s8  }
0x11: {  	[smem:$0x3FB7] =	sst s9;
	s0 =	simm.s32 @!p0 $0x0  }
0x12: {  	s1 =	sld [smem:$0x3F9D];
	s0 =	simm.s32 @p0 $0x1  }
0x13: {  	[smem:$0x3FB8] =	sst s0;
	s0 =	simm.s32 @!p1 $0x0  }
0x14: {  	s2 =	sld [smem:$0x3F9C];
	s0 =	simm.s32 @p1 $0x1  }
0x15: {  	[smem:$0x3FB9] =	sst s0;
	s0 =	simm.s32 @!p2 $0x0  }
0x16: {  	s3 =	sld [smem:$0x3FDB];
	s0 =	simm.s32 @p2 $0x1  }
0x17: {  	s4 =	simm.s32 $0x1BF5;
	[smem:$0x3FBB] =	sst s0  }
0x18: {  	s0 =	sld [smem:$0x3F9E];
	_ =	swait.ge [sflag:s4], $0x0  }
0x19: {  	s7 =	sld [smem:$0x3F9F]  }
0x1a: {  	s8 =	sadd.s32 $0xFFFFE003, lr  }
0x1b: {  	s9 =	sadd.s32 $0xFFFFFEF7, lr;
	s5 =	simm.s32 $0xFFFFFFFF;
	p2 =	slt.u32 s8, $0xFFFFF086  }
0x1c: {  	p1 =	slt.u32 s9, $0xF7A;
	s5 =	simm.s32 @!p2 $0x0  }
0x1d: {  	s5 =	simm.s32 @p1 $0x1;
	p0 =	seq.s32 s7, s2  }
0x1e: {  	s7 =	smul.u32 @!p0 $0xF7A, s2;
	p2 =	seq.s32 @!p0 s5, $0x0  }
0x1f: {  	s9 =	smul.u32 $0xF7A, s1;
	s8 =	simm.s32 @!p0 $0x1BF5;
	p2 =	por !p2, p0  }
0x20: {  	[sflag:s8] =	ssyncset.s32 @!p0 $0xFFFFF086;
	s6 =	sadd.s32 @!p0 s3, s7;
	s7 =	simm.s32 @!p0 $0x108  }
0x21: {  	s3 =	sadd.s32 s3, s9;
	s6 =	sadd.s32 @!p0 $0x88, s6;
	s7 =	simm.s32 @p2 $0x1082  }
0x22: {  	[simem:s7], [sflag:s8] =	dma.local @!p0 [hbm:s6], $0xF7A  }
0x23: {  	s9 =	sor.u32 $0xD0000000, s2;
	s6 =	simm.s32 $0x108;
	_ =	swait.ge @!p0 [sflag:s8], $0x0  }
0x24: {  	s3 =	sadd.s32 $0x88, s3;
	s6 =	simm.s32 @!p1 $0x1082;
	[sflag:s4] =	ssyncset.s32 $0xFFFFF086  }
0x25: {  	[simem:s6], [sflag:s4] =	dma.local [hbm:s3], $0xF7A  }
0x26: {  	[smem:$0x3F9F] =	sst s1;
	(tag) =	ssettag s2;
	_ =	strace s9  }
0x27: {  	s1 =	sld [smem:$0x3FAF]  }
0x28: {  	s2 =	sld [smem:$0x3FB0]  }
0x29: {  	s4 =	sld [smem:$0x3FB2]  }
0x2a: {  	p0 =	seq.s32 s5, $0x0;
	s5 =	sld [smem:$0x3FB3]  }
0x2b: {  	s6 =	sld [smem:$0x3FB4]  }
0x2c: {  	s7 =	sld [smem:$0x3FB5]  }
0x2d: {  	s3 =	simm.s32 $0x108;
	s8 =	sld [smem:$0x3FB6]  }
0x2e: {  	s3 =	simm.s32 @!p0 $0x1082;
	s9 =	sld [smem:$0x3FB7]  }
0x2f: {  	lr =	sadd.s32 s0, s3;
	s0 =	sld [smem:$0x3FAE]  }
0x30: {  	s3 =	sld [smem:$0x3FB1]  }
0x31: {  	[smem:$0x3FBA] =	sst s10  }
0x32: {  	s10 =	sld [smem:$0x3FB8];
	_ =	sdelay $0x3  }
0x33: {  	p0 =	seq.s32 s10, $0x1;
	s10 =	sld [smem:$0x3FBA];
	_ =	sdelay $0x3  }
0x34: {  	[smem:$0x3FBA] =	sst s10  }
0x35: {  	s10 =	sld [smem:$0x3FB9];
	_ =	sdelay $0x3  }
0x36: {  	p1 =	seq.s32 s10, $0x1;
	s10 =	sld [smem:$0x3FBA];
	_ =	sdelay $0x3  }
0x37: {  	[smem:$0x3FBA] =	sst s10  }
0x38: {  	s10 =	sld [smem:$0x3FBB]  }
0x39: {  	_ = 	snop;
	(pc) =	sbr.ind lr, $3  }
0x3a: {  	_ = 	snop  }
0x3b: {  	_ = 	snop  }
0x3c: {  	p2 =	seq.s32 s10, $0x1;
	s10 =	sld [smem:$0x3FBA]  }
0x3d: {  	_ =	shalt  }
0x3e: {  	_ =	shalt  }
0x3f: {  	_ =	shalt  }
0x40: {  	_ =	shalt  }
0x41: {  	_ =	shalt  }
0x42: {  	_ =	shalt  }
0x43: {  	_ =	shalt  }
0x44: {  	_ =	shalt  }
0x45: {  	_ =	shalt  }
0x46: {  	_ =	shalt  }
0x47: {  	_ =	shalt  }
0x48: {  	_ =	shalt  }
0x49: {  	_ =	shalt  }
0x4a: {  	_ =	shalt  }
0x4b: {  	_ =	shalt  }
0x4c: {  	_ =	shalt  }
0x4d: {  	_ =	shalt  }
0x4e: {  	_ =	shalt  }
0x4f: {  	_ =	shalt  }
0x50: {  	_ =	shalt  }
0x51: {  	_ =	shalt  }
0x52: {  	_ =	shalt  }
0x53: {  	_ =	shalt  }
0x54: {  	_ =	shalt  }
0x55: {  	_ =	shalt  }
0x56: {  	_ =	shalt  }
0x57: {  	_ =	shalt  }
0x58: {  	_ =	shalt  }
0x59: {  	_ =	shalt  }
0x5a: {  	_ =	shalt  }
0x5b: {  	_ =	shalt  }
0x5c: {  	_ =	shalt  }
0x5d: {  	_ =	shalt  }
0x5e: {  	_ =	shalt  }
0x5f: {  	_ =	shalt  }
0x60: {  	_ =	shalt  }
0x61: {  	_ =	shalt  }
0x62: {  	_ =	shalt  }
0x63: {  	_ =	shalt  }
0x64: {  	_ =	shalt  }
0x65: {  	_ =	shalt  }
0x66: {  	_ =	shalt  }
0x67: {  	_ =	shalt  }
0x68: {  	_ =	shalt  }
0x69: {  	_ =	shalt  }
0x6a: {  	_ =	shalt  }
0x6b: {  	_ =	shalt  }
0x6c: {  	_ =	shalt  }
0x6d: {  	_ =	shalt  }
0x6e: {  	_ =	shalt  }
0x6f: {  	_ =	shalt  }
0x70: {  	_ =	shalt  }
0x71: {  	_ =	shalt  }
0x72: {  	_ =	shalt  }
0x73: {  	_ =	shalt  }
0x74: {  	_ =	shalt  }
0x75: {  	_ =	shalt  }
0x76: {  	_ =	shalt  }
0x77: {  	_ =	shalt  }
0x78: {  	_ =	shalt  }
0x79: {  	_ =	shalt  }
0x7a: {  	_ =	shalt  }
0x7b: {  	_ =	shalt  }
0x7c: {  	_ =	shalt  }
0x7d: {  	_ =	shalt  }
0x7e: {  	_ =	shalt  }
0x7f: {  	_ =	shalt  }
0x80: {  	_ =	shalt  }
0x81: {  	_ =	shalt  }
0x82: {  	_ =	shalt  }
0x83: {  	_ =	shalt  }
0x84: {  	_ =	shalt  }
0x85: {  	_ =	shalt  }
0x86: {  	_ =	shalt  }
0x87: {  	_ =	shalt  }
.Lfunc_end0:
.L_simem_size_0:
called_computation_lowered:
.L_overlay_start_0:
0x88: {  	s2 =	sld [smem:$0x3FD9]  }
0x89: {  	s3 =	sld [smem:$0x3FFE];
	_ =	sdelay $0x1  }
0x8a: {  	s1 =	srdreg.scid  }
0x8b: {  	s0 =	sand.u32 $0x1, s1  }
0x8c: {  	s16 =	sshll.u32 s0, $0xA;
	s2 =	sadd.s32 s3, s2  }
0x8d: {  	s2 =	sadd.s32 s2, s16  }
0x8e: {  	[smem:$0x3FC6] =	sst s2  }
0x8f: {  	_ = 	snop  }
0x90: {  	(tm) =	ssettm $0x1  }
0x91: {  	s17 =	sld [smem:$0x3FFB];
	_ =	sdelay $0x3  }
0x92: {  	_ =	strace s17  }
0x93: {  	s2 =	sld [smem:$0x3FFC];
	_ =	sdelay $0x3  }
0x94: {  	_ =	strace s2  }
0x95: {  	s2 =	sld [smem:$0x3FFD];
	_ =	sdelay $0x3  }
0x96: {  	_ =	strace s2  }
0x97: {  	_ =	strace $0x8FFFFFFF  }
0x98: {  	s18 =	sld [smem:$0x3FDB];
	_ =	sdelay $0x1  }
0x99: {  	s19 =	simm.s32 $_scs_section_size  }
0x9a: {  	s4 =	simm.s32 $_size__tile_overlayer_lowered;
	s5 =	simm.s32 $_tile_overlayer_lowered  }
0x9b: {  	s22 =	simm.s32 $0x1BFF;
	s21 =	sshll.u32 s5, $0x1;
	s2 =	sadd.s32 s19, s18  }
0x9c: {  	s6 =	simm.s32 $0x0;
	s20 =	sshll.u32 s4, $0x1;
	s4 =	sadd.s32 s21, s2  }
0x9d: {  	[timem:s6], [sflag:s22] =	dma.local [hbm:s4], s20  }
0x9e: {  	_ =	swait.ge [sflag:s22], s20  }
0x9f: {  	s3 =	ssub.s32 $0x0, s20;
	[sflag:s22] =	ssyncset.done $0x0  }
0xa0: {  	[sflag:s22] =	ssyncadd.s32 s3;
	_ =	sdelay $0x1  }
0xa1: {  	s23 =	simm.s32 $0x1B8B  }
0xa2: {  	_ =	swait.ge [sflag:s23], $0x1  }
0xa3: {  	[sflag:s23] =	ssyncset.done $0x0  }
0xa4: {  	s25 =	simm.s32 $0x1B8E;
	s24 =	sld [smem:$0x3FFE];
	[sflag:s23] =	ssyncadd.s32 $0xFFFFFFFF  }
0xa5: {  	s26 =	simm.s32 $execute0_lowered;
	[smem:$0x3FD2] =	sst s25  }
0xa6: {  	s4 =	sshll.u32 s26, $0x1;
	_ =	strace $0x80000046;
	[dreg:$0x1] =	wrdreg $0xFFFFFFFF  }
0xa7: {  	s28 =	simm.s32 $_size_execute0_lowered;
	s2 =	sadd.s32 s2, s4;
	[dreg:$0x0] =	wrdreg $0x0  }
0xa8: {  	s4 =	sshll.u32 s28, $0x1;
	[dreg:$0x2] =	wrdreg s2  }
0xa9: {  	[dreg:$0x3] =	wrdreg s4  }
0xaa: {  	[dreg:$0x4] =	wrdreg $0xC0  }
0xab: {  	_ =	task [dreg:s6], $0x5FFFF  }
0xac: {  	[dreg:$0x1] =	wrdreg $0xFFFFFFFF  }
0xad: {  	[dreg:$0x0] =	wrdreg $0x60  }
0xae: {  	[dreg:$0x2] =	wrdreg s24  }
0xaf: {  	[dreg:$0x3] =	wrdreg $0x0  }
0xb0: {  	[dreg:$0x4] =	wrdreg $0x9  }
0xb1: {  	_ =	task.clear_ibuf [dreg:s6], $0x5FFFF;
	_ =	strace $0x90000046  }
0xb2: {  	s29 =	simm.s32 $0x9;
	_ =	strace $0x80000048  }
0xb3: {  	_ =	swait.ge [sflag:s29], $0x1  }
0xb4: {  	[sflag:s29] =	ssyncadd.s32 $0xFFFFFFFF  }
0xb5: {  	_ =	strace $0x90000048  }
0xb6: {  	_ =	sfence  }
0xb7: {  	s30 =	sld [smem:$0x0];
	_ =	sdelay $0x2  }
0xb8: {  	s31 =	sshll.u32 s1, $0xD;
	s1 =	sshrl.u32 s1, $0x2  }
0xb9: {  	s3 =	sand.u32 $0x4000, s31;
	s1 =	sadd.s32 s1, s30  }
0xba: {  	s0 =	sor.u32 s3, s0;
	s1 =	sshll.u32 s1, $0x11  }
0xbb: {  	s0 =	sor.u32 s1, s0  }
0xbc: {  	s0 =	sadd.s32 $0x8F2B, s0  }
0xbd: {  	[sflag:s0] =	ssyncadd.remote.s32 $0x1  }
0xbe: {  	_ =	sfence.sel $0xFFFF  }
0xbf: {  	[dreg:$0x0] =	wrdreg $0xFFFFFFFF;
	(pc) =	sbr.abs _section_cstart, $3  }
0xc0: {  	[dreg:$0x1] =	wrdreg $0xFFFFFFFF  }
0xc1: {  	_ =	task.clear_ibuf [dreg:s6], $0x2FFFF;
	_ =	strace $0x9FFFFFFF  }
0xc2: {  	(tm) =	ssettm $0x7FFFFFFF  }
0xc3: {  	_ =	shalt  }
tec
execute0_lowered:
.L_overlay_start_1:
0x0: {  	(tag) =	ssettag $0x1  }
0x1: {  	s4 =	rddreg [dreg:$0x0]  }
0x2: {  	s2 =	rddreg [dreg:$0x1];
	s1 =	srdreg.scid  }
0x3: {  	s0 =	rddreg [dreg:$0x2];
	s3 =	simm.s32 $0x0;
	s10 =	simm.s32 $0x1A800  }
0x4: {  	s11 =	simm.s32 $0x80;
	s12 =	simm.s32 $0x16800;
	s5 =	sand.u32 $0x1, s1  }
0x5: {  	s15 =	simm.s32 $0x0;
	s1 =	stileid.u32;
	s6 =	smul.u32 $0x140000, s5  }
0x6: {  	[smem:$0x7FF] =	sst s3;
	s7 =	sshll.u32 s5, $0x4;
	s8 =	smul.u32 $0x14000, s1  }
0x7: {  	_ =	strace $0x80000047;
	s5 =	ssub.s32 $0x2, s5;
	s29 =	smul.u32 $0x50000, s1  }
0x8: {  	s13 =	sshll.u32 s1, $0x6;
	s7 =	sor.u32 s1, s7;
	s30 =	sshrl.u32 s5, $0x1  }
0x9: {  	s13 =	sor.u32 $0x1C01, s13;
	s7 =	smul.u32 $0x500, s7;
	s6 =	sadd.s32 s8, s6  }
0xa: {  	s9 =	ssub.s32 s5, s30;
	s31 =	sshrl.u32 s29, $0x2;
	s8 =	simm.s32 $0x14000  }
0xb: {  	s6 =	sshrl.u32 s6, $0x3;
	s5 =	sadd.s32 s31, s2;
	s7 =	sadd.s32 s7, s4  }
0xc: {  	s6 =	sadd.s32 s6, s4;
	s14 =	sshrl.u32 s5, $0x3;
	s4 =	sadd.s32 $0xB800, s7  }
0xd: {  	v0 =	vimm.f32 $1.000000000e+00;
	v1 =	vimm.f32 $0.0e+00;
	s6 =	sadd.s32 $0x16000, s6;
	s7 =	smax.u32 s9, $0x1;
	s9 =	simm.s32 $0x1  }
.LBB2_1:
0xe: {  	[tilespmem:s8], [sflag:$0x1] =	stream.linear.gather [hbm4b:s4+s3], $0x2800, $0x38;
	[tilespmem:$0x1B000] =	vst v63  }
0xf: {  	_ =	swait.ge [sflag:s9], $0x2800  }
0x10: {  	[sflag:s9] =	ssyncset.done $0x0  }
0x11: {  	s16 =	simm.s32 $0x0;
	s17 =	simm.s32 $0x200;
	[sflag:s9] =	ssyncadd.s32 $0xFFFFD800  }
.LBB2_2:
0x12: {  	p0 =	sne.s32 s17, $0xFE00;
	[tilespmem:s16+$0x16870] =	vst v0  }
0x13: {  	[tilespmem:s16+$0x16800] =	vst v0  }
0x14: {  	[tilespmem:s16+$0x16810] =	vst v0  }
.Ltmp0:
0x15: {  	[tilespmem:s16+$0x16820] =	vst v0;
	(pc) =	sbr.rel @p0 .LBB2_2-.Ltmp0, $4  }
0x16: {  	[tilespmem:s16+$0x16830] =	vst v0  }
0x17: {  	[tilespmem:s16+$0x16840] =	vst v0  }
0x18: {  	[tilespmem:s16+$0x16850] =	vst v0  }
0x19: {  	[tilespmem:s16+$0x16860] =	vst v0;
	s16 =	sshra.s32 s17, $0x2;
	s17 =	sadd.s32 $0x200, s17  }
0x1a: {  	[tilespmem:s16+$0x16870] =	vst v0  }
0x1b: {  	[tilespmem:s16+$0x16800] =	vst v0  }
0x1c: {  	[tilespmem:s16+$0x16810] =	vst v0  }
0x1d: {  	[tilespmem:s16+$0x16820] =	vst v0  }
0x1e: {  	[tilespmem:s16+$0x16830] =	vst v0  }
0x1f: {  	[tilespmem:s16+$0x16840] =	vst v0  }
0x20: {  	[tilespmem:s16+$0x16850] =	vst v0  }
0x21: {  	[tilespmem:s16+$0x16860] =	vst v0  }
0x22: {  	[tilespmem:$0x1A800] =	vst v1  }
0x23: {  	[tilespmem:$0x1A810] =	vst v1  }
0x24: {  	[tilespmem:$0x1A820] =	vst v1  }
0x25: {  	[tilespmem:$0x1A830] =	vst v1  }
0x26: {  	[tilespmem:$0x1A840] =	vst v1  }
0x27: {  	[tilespmem:$0x1A850] =	vst v1  }
0x28: {  	[tilespmem:$0x1A860] =	vst v1  }
0x29: {  	[tilespmem:$0x1A870] =	vst v1  }
0x2a: {  	[tilespmem:$0x1A880] =	vst v1  }
0x2b: {  	[tilespmem:$0x1A890] =	vst v1  }
0x2c: {  	[tilespmem:$0x1A8A0] =	vst v1  }
0x2d: {  	[tilespmem:$0x1A8B0] =	vst v1  }
0x2e: {  	[tilespmem:$0x1A8C0] =	vst v1  }
0x2f: {  	[tilespmem:$0x1A8D0] =	vst v1  }
0x30: {  	[tilespmem:$0x1A8E0] =	vst v1  }
0x31: {  	[tilespmem:$0x1A8F0] =	vst v1  }
0x32: {  	[tilespmem:$0x1A900] =	vst v1  }
0x33: {  	[tilespmem:$0x1A910] =	vst v1  }
0x34: {  	[tilespmem:$0x1A920] =	vst v1  }
0x35: {  	[tilespmem:$0x1A930] =	vst v1  }
0x36: {  	[tilespmem:$0x1A940] =	vst v1  }
0x37: {  	[tilespmem:$0x1A950] =	vst v1  }
0x38: {  	[tilespmem:$0x1A960] =	vst v1  }
0x39: {  	[tilespmem:$0x1A970] =	vst v1  }
0x3a: {  	[tilespmem:$0x1A980] =	vst v1  }
0x3b: {  	[tilespmem:$0x1A990] =	vst v1  }
0x3c: {  	[tilespmem:$0x1A9A0] =	vst v1  }
0x3d: {  	[tilespmem:$0x1A9B0] =	vst v1  }
0x3e: {  	[tilespmem:$0x1A9C0] =	vst v1  }
0x3f: {  	[tilespmem:$0x1A9D0] =	vst v1  }
0x40: {  	[tilespmem:$0x1A9E0] =	vst v1  }
0x41: {  	[tilespmem:$0x1A9F0] =	vst v1  }
0x42: {  	[tilespmem:$0x1AA00] =	vst v1  }
0x43: {  	[tilespmem:$0x1AA10] =	vst v1  }
0x44: {  	[tilespmem:$0x1AA20] =	vst v1  }
0x45: {  	[tilespmem:$0x1AA30] =	vst v1  }
0x46: {  	[tilespmem:$0x1AA40] =	vst v1  }
0x47: {  	[tilespmem:$0x1AA50] =	vst v1  }
0x48: {  	[tilespmem:$0x1AA60] =	vst v1  }
0x49: {  	[tilespmem:$0x1AA70] =	vst v1  }
0x4a: {  	[tilespmem:$0x1AA80] =	vst v1  }
0x4b: {  	[tilespmem:$0x1AA90] =	vst v1  }
0x4c: {  	[tilespmem:$0x1AAA0] =	vst v1  }
0x4d: {  	[tilespmem:$0x1AAB0] =	vst v1  }
0x4e: {  	[tilespmem:$0x1AAC0] =	vst v1  }
0x4f: {  	[tilespmem:$0x1AAD0] =	vst v1  }
0x50: {  	[tilespmem:$0x1AAE0] =	vst v1  }
0x51: {  	[tilespmem:$0x1AAF0] =	vst v1  }
0x52: {  	[tilespmem:$0x1AB00] =	vst v1  }
0x53: {  	[tilespmem:$0x1AB10] =	vst v1  }
0x54: {  	[tilespmem:$0x1AB20] =	vst v1  }
0x55: {  	[tilespmem:$0x1AB30] =	vst v1  }
0x56: {  	[tilespmem:$0x1AB40] =	vst v1  }
0x57: {  	[tilespmem:$0x1AB50] =	vst v1  }
0x58: {  	[tilespmem:$0x1AB60] =	vst v1  }
0x59: {  	[tilespmem:$0x1AB70] =	vst v1  }
0x5a: {  	[tilespmem:$0x1AB80] =	vst v1  }
0x5b: {  	[tilespmem:$0x1AB90] =	vst v1  }
0x5c: {  	[tilespmem:$0x1ABA0] =	vst v1  }
0x5d: {  	[tilespmem:$0x1ABB0] =	vst v1  }
0x5e: {  	[tilespmem:$0x1ABC0] =	vst v1  }
0x5f: {  	[tilespmem:$0x1ABD0] =	vst v1  }
0x60: {  	[tilespmem:$0x1ABE0] =	vst v1  }
0x61: {  	[tilespmem:$0x1ABF0] =	vst v1  }
0x62: {  	[tilespmem:$0x1AC00] =	vst v1  }
0x63: {  	[tilespmem:$0x1AC10] =	vst v1  }
0x64: {  	[tilespmem:$0x1AC20] =	vst v1  }
0x65: {  	[tilespmem:$0x1AC30] =	vst v1  }
0x66: {  	[tilespmem:$0x1AC40] =	vst v1  }
0x67: {  	[tilespmem:$0x1AC50] =	vst v1  }
0x68: {  	[tilespmem:$0x1AC60] =	vst v1  }
0x69: {  	[tilespmem:$0x1AC70] =	vst v1  }
0x6a: {  	[tilespmem:$0x1AC80] =	vst v1  }
0x6b: {  	[tilespmem:$0x1AC90] =	vst v1  }
0x6c: {  	[tilespmem:$0x1ACA0] =	vst v1  }
0x6d: {  	[tilespmem:$0x1ACB0] =	vst v1  }
0x6e: {  	[tilespmem:$0x1ACC0] =	vst v1  }
0x6f: {  	[tilespmem:$0x1ACD0] =	vst v1  }
0x70: {  	[tilespmem:$0x1ACE0] =	vst v1  }
0x71: {  	[tilespmem:$0x1ACF0] =	vst v1  }
0x72: {  	[tilespmem:$0x1AD00] =	vst v1  }
0x73: {  	[tilespmem:$0x1AD10] =	vst v1  }
0x74: {  	[tilespmem:$0x1AD20] =	vst v1  }
0x75: {  	[tilespmem:$0x1AD30] =	vst v1  }
0x76: {  	[tilespmem:$0x1AD40] =	vst v1  }
0x77: {  	[tilespmem:$0x1AD50] =	vst v1  }
0x78: {  	[tilespmem:$0x1AD60] =	vst v1  }
0x79: {  	[tilespmem:$0x1AD70] =	vst v1  }
0x7a: {  	[tilespmem:$0x1AD80] =	vst v1  }
0x7b: {  	[tilespmem:$0x1AD90] =	vst v1  }
0x7c: {  	[tilespmem:$0x1ADA0] =	vst v1  }
0x7d: {  	[tilespmem:$0x1ADB0] =	vst v1  }
0x7e: {  	[tilespmem:$0x1ADC0] =	vst v1  }
0x7f: {  	[tilespmem:$0x1ADD0] =	vst v1  }
0x80: {  	[tilespmem:$0x1ADE0] =	vst v1  }
0x81: {  	[tilespmem:$0x1ADF0] =	vst v1  }
0x82: {  	[tilespmem:$0x1AE00] =	vst v1  }
0x83: {  	[tilespmem:$0x1AE10] =	vst v1  }
0x84: {  	[tilespmem:$0x1AE20] =	vst v1  }
0x85: {  	[tilespmem:$0x1AE30] =	vst v1  }
0x86: {  	[tilespmem:$0x1AE40] =	vst v1  }
0x87: {  	[tilespmem:$0x1AE50] =	vst v1  }
0x88: {  	[tilespmem:$0x1AE60] =	vst v1  }
0x89: {  	[tilespmem:$0x1AE70] =	vst v1  }
0x8a: {  	[tilespmem:$0x1AE80] =	vst v1  }
0x8b: {  	[tilespmem:$0x1AE90] =	vst v1  }
0x8c: {  	[tilespmem:$0x1AEA0] =	vst v1  }
0x8d: {  	[tilespmem:$0x1AEB0] =	vst v1  }
0x8e: {  	[tilespmem:$0x1AEC0] =	vst v1  }
0x8f: {  	[tilespmem:$0x1AED0] =	vst v1  }
0x90: {  	[tilespmem:$0x1AEE0] =	vst v1  }
0x91: {  	[tilespmem:$0x1AEF0] =	vst v1  }
0x92: {  	[tilespmem:$0x1AF00] =	vst v1  }
0x93: {  	[tilespmem:$0x1AF10] =	vst v1  }
0x94: {  	[tilespmem:$0x1AF20] =	vst v1  }
0x95: {  	[tilespmem:$0x1AF30] =	vst v1  }
0x96: {  	[tilespmem:$0x1AF40] =	vst v1  }
0x97: {  	[tilespmem:$0x1AF50] =	vst v1  }
0x98: {  	[tilespmem:$0x1AF60] =	vst v1  }
0x99: {  	[tilespmem:$0x1AF70] =	vst v1  }
0x9a: {  	[tilespmem:$0x1AF80] =	vst v1  }
0x9b: {  	[tilespmem:$0x1AF90] =	vst v1  }
0x9c: {  	[tilespmem:$0x1AFA0] =	vst v1  }
0x9d: {  	[tilespmem:$0x1AFB0] =	vst v1  }
0x9e: {  	[tilespmem:$0x1AFC0] =	vst v1  }
0x9f: {  	[tilespmem:$0x1AFD0] =	vst v1  }
0xa0: {  	[tilespmem:$0x1AFE0] =	vst v1  }
0xa1: {  	s31 =	sadd.s32 $0x0, s5;
	[tilespmem:$0x1AFF0] =	vst v1  }
0xa2: {  	[spmem:s31] =	stream.linear.scatter [tilespmem:s10], [sflag:$0x1], $0x800, $0x38;
	[tilespmem:$0x1B000] =	vst v63  }
0xa3: {  	s16 =	simm.s32 $0x2000;
	_ =	swait.ge [sflag:s9], $0x800  }
.LBB2_4:
0xa4: {  	s17 =	sshra.s32 s16, $0x2;
	[sflag:s9] =	ssyncset.done $0x0;
	p0 =	sne.s32 s16, $0x4E000  }
.Ltmp1:
0xa5: {  	s17 =	sadd.s32 s17, s5;
	[sflag:s9] =	ssyncadd.s32 $0xFFFFF800;
	(pc) =	sbr.rel @p0 .LBB2_4-.Ltmp1, $3  }
0xa6: {  	[spmem:s17] =	stream.linear.scatter [tilespmem:s10], [sflag:$0x1], $0x800, $0x38;
	[tilespmem:$0x1B000] =	vst v63  }
0xa7: {  	s16 =	sadd.s32 $0x2000, s16;
	_ =	sdelay $0x1  }
0xa8: {  	_ =	swait.ge [sflag:s9], $0x800  }
0xa9: {  	[sflag:s9] =	ssyncset.done $0x0  }
0xaa: {  	[sflag:s9] =	ssyncadd.s32 $0xFFFFF800  }
0xab: {  	s16 =	simm.s32 $0x14000;
	[bflag:$0x0] =	sbarrier.arrive $0xFFFF  }
0xac: {  	[spmem:s2] =	stream.indirect.scatter.add.f32 [tilespmem:s12], [sflag:$0x1], $0x80, s16, s11, $0xb8;
	[tilespmem:$0x1B000] =	vst v63  }
0xad: {  	s16 =	simm.s32 $0x200;
	_ =	swait.ge [sflag:s9], $0x4000  }
.LBB2_6:
0xae: {  	s17 =	sshra.s32 s16, $0x2;
	[sflag:s9] =	ssyncset.done $0x0;
	p0 =	sne.s32 s16, $0x9E00  }
.Ltmp2:
0xaf: {  	s17 =	sadd.s32 $0x14000, s17;
	[sflag:s9] =	ssyncadd.s32 $0xFFFFC000;
	(pc) =	sbr.rel @p0 .LBB2_6-.Ltmp2, $3  }
0xb0: {  	[spmem:s2] =	stream.indirect.scatter.add.f32 [tilespmem:s12], [sflag:$0x1], $0x80, s17, s11, $0xb8;
	[tilespmem:$0x1B000] =	vst v63  }
0xb1: {  	s16 =	sadd.s32 $0x200, s16;
	_ =	sdelay $0x1  }
0xb2: {  	_ =	swait.ge [sflag:s9], $0x4000  }
0xb3: {  	[sflag:s9] =	ssyncset.done $0x0;
	s15 =	sadd.s32 $0x1, s15  }
0xb4: {  	[sflag:s9] =	ssyncadd.s32 $0xFFFFC000;
	p0 =	sne.s32 s15, s7  }
.Ltmp3:
0xb5: {  	[bflag:$0x0] =	sbarrier.arrive $0xFFFF;
	(pc) =	sbr.rel @p0 .LBB2_1-.Ltmp3, $4  }
0xb6: {  	[hbm:s6], [sflag:s13] =	dma.local [spmem:s14], $0x2800  }
0xb7: {  	_ =	swait.ge [sflag:s9], $0x2800  }
0xb8: {  	[sflag:s9] =	ssyncset.done $0x0  }
0xb9: {  	[sflag:s9] =	ssyncadd.s32 $0xFFFFD800  }
0xba: {  	_ =	sfence.sel $0x180000  }
0xbb: {  	[bflag:$0x0] =	sbarrier.arrive $0xFFFF  }
0xbc: {  	p0 =	sne.s32 s1, $0x0;
	_ =	strace $0x90000047  }
0xbd: {  	s0 =	sadd.s32 @!p0 $0x100000, s0;
	[bflag:$0x2] =	sbarrier.arrive $0xFFFF  }
0xbe: {  	[sflag:s0] =	ssyncadd.tile.s32 @!p0 $0x1;
	_ =	shalt  }
.Lfunc_end2:
_tile_overlayer_lowered:
.L_overlay_start_2:
0xbf: {  	(tag) =	ssettag $0x2  }
0xc0: {  	s0 =	rddreg [dreg:$0x0];
	s2 =	stileid.u32  }
0xc1: {  	s1 =	rddreg [dreg:$0x1];
	p0 =	sne.s32 s2, $0x0  }
0xc2: {  	s3 =	rddreg [dreg:$0x2];
	[bflag:$0x3] =	sbarrier.arrive $0xFFFF;
	s2 =	simm.s32 @!p0 $0x1C01  }
0xc3: {  	[timem:s3], [sflag:s2] =	dma.local @!p0 [hbm:s0], s1  }
0xc4: {  	s0 =	simm.s32 @!p0 $0x1  }
0xc5: {  	_ =	swait.ge @!p0 [sflag:s0], s1  }
0xc6: {  	s1 =	ssub.s32 @!p0 $0x0, s1;
	[sflag:s0] =	ssyncset.done @!p0 $0x0  }
0xc7: {  	[sflag:s0] =	ssyncadd.s32 @!p0 s1  }
0xc8: {  	[bflag:$0x3] =	sbarrier.arrive $0xFFFF  }
0xc9: {  	_ =	shalt  }

// kernel: kernel.9.cloned.1.call-start
scs
__scs_entry_jumppad:
0x0: {  	(pc) =	sbr.rel $0x88, $3  }
0x1: {  	(tag) =	ssettag $0x0;
	lr =	simm.s32 $0x1  }
0x2: {  	[smem:$0x3F9F] =	sst lr;
	_ =	strace $0xD0000000  }
0x3: {  	_ = 	snop  }
0x4: {  	_ = 	snop  }
0x5: {  	_ = 	snop  }
0x6: {  	_ = 	snop  }
0x7: {  	_ = 	snop  }
__scs_overlays_trampoline_lowered:
0x8: {  	[smem:$0x3FAE] =	sst s0  }
0x9: {  	[smem:$0x3FAF] =	sst s1  }
0xa: {  	[smem:$0x3FB0] =	sst s2  }
0xb: {  	[smem:$0x3FB1] =	sst s3  }
0xc: {  	[smem:$0x3FB2] =	sst s4  }
0xd: {  	[smem:$0x3FB3] =	sst s5  }
0xe: {  	[smem:$0x3FB4] =	sst s6  }
0xf: {  	[smem:$0x3FB5] =	sst s7  }
0x10: {  	[smem:$0x3FB6] =	sst s8  }
0x11: {  	[smem:$0x3FB7] =	sst s9;
	s0 =	simm.s32 @!p0 $0x0  }
0x12: {  	s1 =	sld [smem:$0x3F9D];
	s0 =	simm.s32 @p0 $0x1  }
0x13: {  	[smem:$0x3FB8] =	sst s0;
	s0 =	simm.s32 @!p1 $0x0  }
0x14: {  	s2 =	sld [smem:$0x3F9C];
	s0 =	simm.s32 @p1 $0x1  }
0x15: {  	[smem:$0x3FB9] =	sst s0;
	s0 =	simm.s32 @!p2 $0x0  }
0x16: {  	s3 =	sld [smem:$0x3FDB];
	s0 =	simm.s32 @p2 $0x1  }
0x17: {  	s4 =	simm.s32 $0x1BF5;
	[smem:$0x3FBB] =	sst s0  }
0x18: {  	s0 =	sld [smem:$0x3F9E];
	_ =	swait.ge [sflag:s4], $0x0  }
0x19: {  	s7 =	sld [smem:$0x3F9F]  }
0x1a: {  	s8 =	sadd.s32 $0xFFFFE003, lr  }
0x1b: {  	s9 =	sadd.s32 $0xFFFFFEF7, lr;
	s5 =	simm.s32 $0xFFFFFFFF;
	p2 =	slt.u32 s8, $0xFFFFF086  }
0x1c: {  	p1 =	slt.u32 s9, $0xF7A;
	s5 =	simm.s32 @!p2 $0x0  }
0x1d: {  	s5 =	simm.s32 @p1 $0x1;
	p0 =	seq.s32 s7, s2  }
0x1e: {  	s7 =	smul.u32 @!p0 $0xF7A, s2;
	p2 =	seq.s32 @!p0 s5, $0x0  }
0x1f: {  	s9 =	smul.u32 $0xF7A, s1;
	s8 =	simm.s32 @!p0 $0x1BF5;
	p2 =	por !p2, p0  }
0x20: {  	[sflag:s8] =	ssyncset.s32 @!p0 $0xFFFFF086;
	s6 =	sadd.s32 @!p0 s3, s7;
	s7 =	simm.s32 @!p0 $0x108  }
0x21: {  	s3 =	sadd.s32 s3, s9;
	s6 =	sadd.s32 @!p0 $0x88, s6;
	s7 =	simm.s32 @p2 $0x1082  }
0x22: {  	[simem:s7], [sflag:s8] =	dma.local @!p0 [hbm:s6], $0xF7A  }
0x23: {  	s9 =	sor.u32 $0xD0000000, s2;
	s6 =	simm.s32 $0x108;
	_ =	swait.ge @!p0 [sflag:s8], $0x0  }
0x24: {  	s3 =	sadd.s32 $0x88, s3;
	s6 =	simm.s32 @!p1 $0x1082;
	[sflag:s4] =	ssyncset.s32 $0xFFFFF086  }
0x25: {  	[simem:s6], [sflag:s4] =	dma.local [hbm:s3], $0xF7A  }
0x26: {  	[smem:$0x3F9F] =	sst s1;
	(tag) =	ssettag s2;
	_ =	strace s9  }
0x27: {  	s1 =	sld [smem:$0x3FAF]  }
0x28: {  	s2 =	sld [smem:$0x3FB0]  }
0x29: {  	s4 =	sld [smem:$0x3FB2]  }
0x2a: {  	p0 =	seq.s32 s5, $0x0;
	s5 =	sld [smem:$0x3FB3]  }
0x2b: {  	s6 =	sld [smem:$0x3FB4]  }
0x2c: {  	s7 =	sld [smem:$0x3FB5]  }
0x2d: {  	s3 =	simm.s32 $0x108;
	s8 =	sld [smem:$0x3FB6]  }
0x2e: {  	s3 =	simm.s32 @!p0 $0x1082;
	s9 =	sld [smem:$0x3FB7]  }
0x2f: {  	lr =	sadd.s32 s0, s3;
	s0 =	sld [smem:$0x3FAE]  }
0x30: {  	s3 =	sld [smem:$0x3FB1]  }
0x31: {  	[smem:$0x3FBA] =	sst s10  }
0x32: {  	s10 =	sld [smem:$0x3FB8];
	_ =	sdelay $0x3  }
0x33: {  	p0 =	seq.s32 s10, $0x1;
	s10 =	sld [smem:$0x3FBA];
	_ =	sdelay $0x3  }
0x34: {  	[smem:$0x3FBA] =	sst s10  }
0x35: {  	s10 =	sld [smem:$0x3FB9];
	_ =	sdelay $0x3  }
0x36: {  	p1 =	seq.s32 s10, $0x1;
	s10 =	sld [smem:$0x3FBA];
	_ =	sdelay $0x3  }
0x37: {  	[smem:$0x3FBA] =	sst s10  }
0x38: {  	s10 =	sld [smem:$0x3FBB]  }
0x39: {  	_ = 	snop;
	(pc) =	sbr.ind lr, $3  }
0x3a: {  	_ = 	snop  }
0x3b: {  	_ = 	snop  }
0x3c: {  	p2 =	seq.s32 s10, $0x1;
	s10 =	sld [smem:$0x3FBA]  }
0x3d: {  	_ =	shalt  }
0x3e: {  	_ =	shalt  }
0x3f: {  	_ =	shalt  }
0x40: {  	_ =	shalt  }
0x41: {  	_ =	shalt  }
0x42: {  	_ =	shalt  }
0x43: {  	_ =	shalt  }
0x44: {  	_ =	shalt  }
0x45: {  	_ =	shalt  }
0x46: {  	_ =	shalt  }
0x47: {  	_ =	shalt  }
0x48: {  	_ =	shalt  }
0x49: {  	_ =	shalt  }
0x4a: {  	_ =	shalt  }
0x4b: {  	_ =	shalt  }
0x4c: {  	_ =	shalt  }
0x4d: {  	_ =	shalt  }
0x4e: {  	_ =	shalt  }
0x4f: {  	_ =	shalt  }
0x50: {  	_ =	shalt  }
0x51: {  	_ =	shalt  }
0x52: {  	_ =	shalt  }
0x53: {  	_ =	shalt  }
0x54: {  	_ =	shalt  }
0x55: {  	_ =	shalt  }
0x56: {  	_ =	shalt  }
0x57: {  	_ =	shalt  }
0x58: {  	_ =	shalt  }
0x59: {  	_ =	shalt  }
0x5a: {  	_ =	shalt  }
0x5b: {  	_ =	shalt  }
0x5c: {  	_ =	shalt  }
0x5d: {  	_ =	shalt  }
0x5e: {  	_ =	shalt  }
0x5f: {  	_ =	shalt  }
0x60: {  	_ =	shalt  }
0x61: {  	_ =	shalt  }
0x62: {  	_ =	shalt  }
0x63: {  	_ =	shalt  }
0x64: {  	_ =	shalt  }
0x65: {  	_ =	shalt  }
0x66: {  	_ =	shalt  }
0x67: {  	_ =	shalt  }
0x68: {  	_ =	shalt  }
0x69: {  	_ =	shalt  }
0x6a: {  	_ =	shalt  }
0x6b: {  	_ =	shalt  }
0x6c: {  	_ =	shalt  }
0x6d: {  	_ =	shalt  }
0x6e: {  	_ =	shalt  }
0x6f: {  	_ =	shalt  }
0x70: {  	_ =	shalt  }
0x71: {  	_ =	shalt  }
0x72: {  	_ =	shalt  }
0x73: {  	_ =	shalt  }
0x74: {  	_ =	shalt  }
0x75: {  	_ =	shalt  }
0x76: {  	_ =	shalt  }
0x77: {  	_ =	shalt  }
0x78: {  	_ =	shalt  }
0x79: {  	_ =	shalt  }
0x7a: {  	_ =	shalt  }
0x7b: {  	_ =	shalt  }
0x7c: {  	_ =	shalt  }
0x7d: {  	_ =	shalt  }
0x7e: {  	_ =	shalt  }
0x7f: {  	_ =	shalt  }
0x80: {  	_ =	shalt  }
0x81: {  	_ =	shalt  }
0x82: {  	_ =	shalt  }
0x83: {  	_ =	shalt  }
0x84: {  	_ =	shalt  }
0x85: {  	_ =	shalt  }
0x86: {  	_ =	shalt  }
0x87: {  	_ =	shalt  }
.Lfunc_end0:
.L_simem_size_0:
called_computation.1_lowered:
.L_overlay_start_0:
0x88: {  	s2 =	sld [smem:$0x3FD9]  }
0x89: {  	s3 =	sld [smem:$0x3FFE];
	_ =	sdelay $0x1  }
0x8a: {  	s1 =	srdreg.scid  }
0x8b: {  	s0 =	sand.u32 $0x1, s1  }
0x8c: {  	s17 =	sshll.u32 s0, $0xA;
	s2 =	sadd.s32 s3, s2  }
0x8d: {  	s2 =	sadd.s32 s2, s17  }
0x8e: {  	[smem:$0x3FC6] =	sst s2  }
0x8f: {  	_ = 	snop  }
0x90: {  	s2 =	sld [smem:$0x3FD0];
	(tm) =	ssettm $0x1  }
0x91: {  	s18 =	sld [smem:$0x3FFB];
	_ =	sdelay $0x3  }
0x92: {  	_ =	strace s18  }
0x93: {  	s3 =	sld [smem:$0x3FFC];
	_ =	sdelay $0x3  }
0x94: {  	_ =	strace s3  }
0x95: {  	s3 =	sld [smem:$0x3FFD];
	_ =	sdelay $0x3  }
0x96: {  	_ =	strace s3  }
0x97: {  	_ =	strace $0x8FFFFFFF  }
0x98: {  	s19 =	sld [smem:$0x3FDB];
	_ =	sdelay $0x1  }
0x99: {  	s4 =	simm.s32 $_scs_section_size  }
0x9a: {  	s5 =	simm.s32 $_size__tile_overlayer_lowered;
	s6 =	simm.s32 $_tile_overlayer_lowered  }
0x9b: {  	s22 =	simm.s32 $0x1BFF;
	s21 =	sshll.u32 s6, $0x1;
	s3 =	sadd.s32 s4, s19  }
0x9c: {  	s7 =	simm.s32 $0x0;
	s20 =	sshll.u32 s5, $0x1;
	s5 =	sadd.s32 s21, s3  }
0x9d: {  	[timem:s7], [sflag:s22] =	dma.local [hbm:s5], s20  }
0x9e: {  	_ =	swait.ge [sflag:s22], s20  }
0x9f: {  	s4 =	ssub.s32 $0x0, s20;
	[sflag:s22] =	ssyncset.done $0x0  }
0xa0: {  	[sflag:s22] =	ssyncadd.s32 s4;
	_ =	sdelay $0x1  }
0xa1: {  	s23 =	simm.s32 $0x1B8B  }
0xa2: {  	_ =	swait.ge [sflag:s23], $0x1  }
0xa3: {  	[sflag:s23] =	ssyncset.done $0x0  }
0xa4: {  	s25 =	simm.s32 $0x1B8E;
	s24 =	sld [smem:$0x3FFE];
	[sflag:s23] =	ssyncadd.s32 $0xFFFFFFFF  }
0xa5: {  	s26 =	simm.s32 $execute0_lowered;
	[smem:$0x3FD2] =	sst s25  }
0xa6: {  	s5 =	sshll.u32 s26, $0x1;
	_ =	strace $0x80000049;
	[dreg:$0x1] =	wrdreg $0xFFFFFFFF  }
0xa7: {  	s28 =	simm.s32 $_size_execute0_lowered;
	s3 =	sadd.s32 s3, s5;
	[dreg:$0x0] =	wrdreg $0x0  }
0xa8: {  	s5 =	sshll.u32 s28, $0x1;
	[dreg:$0x2] =	wrdreg s3  }
0xa9: {  	[dreg:$0x3] =	wrdreg s5  }
0xaa: {  	[dreg:$0x4] =	wrdreg $0xC0  }
0xab: {  	_ =	task [dreg:s7], $0x5FFFF  }
0xac: {  	[dreg:$0x1] =	wrdreg $0xFFFFFFFF  }
0xad: {  	[dreg:$0x0] =	wrdreg $0x60  }
0xae: {  	[dreg:$0x2] =	wrdreg s2  }
0xaf: {  	[dreg:$0x3] =	wrdreg s24  }
0xb0: {  	[dreg:$0x4] =	wrdreg $0x0  }
0xb1: {  	[dreg:$0x5] =	wrdreg $0x9  }
0xb2: {  	_ =	task.clear_ibuf [dreg:s7], $0x6FFFF;
	_ =	strace $0x90000049  }
0xb3: {  	s29 =	simm.s32 $0x9;
	_ =	strace $0x8000004B  }
0xb4: {  	_ =	swait.ge [sflag:s29], $0x1  }
0xb5: {  	[sflag:s29] =	ssyncadd.s32 $0xFFFFFFFF  }
0xb6: {  	_ =	strace $0x9000004B  }
0xb7: {  	_ =	sfence  }
0xb8: {  	s30 =	sld [smem:$0x0];
	_ =	sdelay $0x2  }
0xb9: {  	s31 =	sshll.u32 s1, $0xD;
	s1 =	sshrl.u32 s1, $0x2  }
0xba: {  	s3 =	sand.u32 $0x4000, s31;
	s1 =	sadd.s32 s1, s30  }
0xbb: {  	s0 =	sor.u32 s3, s0;
	s1 =	sshll.u32 s1, $0x11  }
0xbc: {  	s0 =	sor.u32 s1, s0  }
0xbd: {  	s0 =	sadd.s32 $0x8F2B, s0  }
0xbe: {  	[sflag:s0] =	ssyncadd.remote.s32 $0x1  }
0xbf: {  	_ =	sfence.sel $0xFFFF  }
0xc0: {  	[dreg:$0x0] =	wrdreg $0xFFFFFFFF;
	(pc) =	sbr.abs _section_cstart, $3  }
0xc1: {  	[dreg:$0x1] =	wrdreg $0xFFFFFFFF  }
0xc2: {  	_ =	task.clear_ibuf [dreg:s7], $0x2FFFF;
	_ =	strace $0x9FFFFFFF  }
0xc3: {  	(tm) =	ssettm $0x7FFFFFFF  }
tec
execute0_lowered:
.L_overlay_start_1:
0x0: {  	(tag) =	ssettag $0x1  }
0x1: {  	s2 =	rddreg [dreg:$0x0]  }
0x2: {  	s0 =	rddreg [dreg:$0x1]  }
0x3: {  	s3 =	rddreg [dreg:$0x2];
	s10 =	stileid.u32  }
0x4: {  	s5 =	simm.s32 $0x0;
	s1 =	srdreg.scid;
	s14 =	simm.s32 $0x14000  }
0x5: {  	s15 =	simm.s32 $0x7;
	s16 =	simm.s32 $0x17900;
	s17 =	simm.s32 $0x17800  }
0x6: {  	s18 =	simm.s32 $0x20;
	s28 =	simm.s32 $0x1B900;
	s4 =	smul.u32 $0x30, s10  }
0x7: {  	s20 =	simm.s32 $0x5;
	[smem:$0x7FF] =	sst s5;
	s5 =	smul.u32 $0x70, s10  }
0x8: {  	s21 =	simm.s32 $0x1;
	s1 =	sand.u32 $0x1, s1;
	s7 =	smul.u32 $0x14000, s10  }
0x9: {  	s29 =	simm.s32 $0x0;
	s22 =	smul.u32 $0x50000, s10;
	p0 =	seq.s32 s1, $0x0  }
0xa: {  	s6 =	smul.u32 $0x140000, s1;
	_ =	strace $0x8000004A;
	s1 =	ssub.s32 $0x2, s1  }
0xb: {  	s4 =	sadd.s32 $0x700, s4;
	s23 =	sshrl.u32 s1, $0x1;
	s24 =	sshrl.u32 s22, $0x2  }
0xc: {  	s22 =	simm.s32 $0x80;
	s4 =	smov.u32 @p0 s5;
	s5 =	sadd.s32 $0xB800, s0  }
0xd: {  	s6 =	sadd.s32 s7, s6;
	s1 =	ssub.s32 s1, s23;
	s23 =	simm.s32 $0x6  }
0xe: {  	s9 =	sshll.u32 s4, $0x4;
	s6 =	sshrl.u32 s6, $0x3;
	s12 =	smax.u32 s1, $0x1  }
0xf: {  	s31 =	sshll.u32 s4, $0x7;
	s1 =	simm.s32 $0x3;
	s8 =	sadd.s32 s9, s0  }
0x10: {  	s0 =	sadd.s32 s6, s0;
	s6 =	simm.s32 $0x70;
	s9 =	sadd.s32 s5, s9  }
0x11: {  	[dreg:$0x4] =	wrdreg s31;
	s6 =	simm.s32 @!p0 $0x30;
	s25 =	sadd.s32 $0x1000, s8  }
0x12: {  	s8 =	sadd.s32 s24, s3;
	s26 =	sadd.s32 $0x10, s9;
	[dreg:$0x6] =	wrdreg s25  }
0x13: {  	s0 =	sadd.s32 $0x16000, s0;
	s24 =	simm.s32 $0x2;
	[dreg:$0x7] =	wrdreg s26  }
0x14: {  	[dreg:$0x8] =	wrdreg s0;
	s30 =	sshll.u32 s6, $0x9;
	s0 =	sadd.s32 $0x20, s9  }
0x15: {  	v0 =	vimm.f32 $0.0e+00;
	s25 =	simm.s32 $0x17880;
	s26 =	simm.s32 $0x4;
	[dreg:$0x5] =	wrdreg s30  }
.LBB2_1:
0x16: {  	s4 =	simm.s32 $0x0;
	s7 =	rddreg [dreg:$0x6]  }
0x17: {  	[tilespmem:s14], [sflag:$0x7] =	stream.linear.gather [hbm4b:s7+s4], $0x3800, $0x38;
	[tilespmem:$0x1F900] =	vst v63  }
0x18: {  	_ =	swait.ge [sflag:s15], $0x3800  }
0x19: {  	[sflag:s15] =	ssyncset.done $0x0  }
0x1a: {  	[sflag:s15] =	ssyncadd.s32 $0xFFFFC800  }
0x1b: {  	[tilespmem:$0x17900] =	vst v0  }
0x1c: {  	[tilespmem:$0x17910] =	vst v0  }
0x1d: {  	[tilespmem:$0x17920] =	vst v0  }
0x1e: {  	[tilespmem:$0x17930] =	vst v0  }
0x1f: {  	[tilespmem:$0x17940] =	vst v0  }
0x20: {  	[tilespmem:$0x17950] =	vst v0  }
0x21: {  	[tilespmem:$0x17960] =	vst v0  }
0x22: {  	[tilespmem:$0x17970] =	vst v0  }
0x23: {  	[tilespmem:$0x17980] =	vst v0  }
0x24: {  	[tilespmem:$0x17990] =	vst v0  }
0x25: {  	[tilespmem:$0x179A0] =	vst v0  }
0x26: {  	[tilespmem:$0x179B0] =	vst v0  }
0x27: {  	[tilespmem:$0x179C0] =	vst v0  }
0x28: {  	[tilespmem:$0x179D0] =	vst v0  }
0x29: {  	[tilespmem:$0x179E0] =	vst v0  }
0x2a: {  	[tilespmem:$0x179F0] =	vst v0  }
0x2b: {  	[tilespmem:$0x17A00] =	vst v0  }
0x2c: {  	[tilespmem:$0x17A10] =	vst v0  }
0x2d: {  	[tilespmem:$0x17A20] =	vst v0  }
0x2e: {  	[tilespmem:$0x17A30] =	vst v0  }
0x2f: {  	[tilespmem:$0x17A40] =	vst v0  }
0x30: {  	[tilespmem:$0x17A50] =	vst v0  }
0x31: {  	[tilespmem:$0x17A60] =	vst v0  }
0x32: {  	[tilespmem:$0x17A70] =	vst v0  }
0x33: {  	[tilespmem:$0x17A80] =	vst v0  }
0x34: {  	[tilespmem:$0x17A90] =	vst v0  }
0x35: {  	[tilespmem:$0x17AA0] =	vst v0  }
0x36: {  	[tilespmem:$0x17AB0] =	vst v0  }
0x37: {  	[tilespmem:$0x17AC0] =	vst v0  }
0x38: {  	[tilespmem:$0x17AD0] =	vst v0  }
0x39: {  	[tilespmem:$0x17AE0] =	vst v0  }
0x3a: {  	[tilespmem:$0x17AF0] =	vst v0  }
0x3b: {  	[tilespmem:$0x17B00] =	vst v0  }
0x3c: {  	[tilespmem:$0x17B10] =	vst v0  }
0x3d: {  	[tilespmem:$0x17B20] =	vst v0  }
0x3e: {  	[tilespmem:$0x17B30] =	vst v0  }
0x3f: {  	[tilespmem:$0x17B40] =	vst v0  }
0x40: {  	[tilespmem:$0x17B50] =	vst v0  }
0x41: {  	[tilespmem:$0x17B60] =	vst v0  }
0x42: {  	[tilespmem:$0x17B70] =	vst v0  }
0x43: {  	[tilespmem:$0x17B80] =	vst v0  }
0x44: {  	[tilespmem:$0x17B90] =	vst v0  }
0x45: {  	[tilespmem:$0x17BA0] =	vst v0  }
0x46: {  	[tilespmem:$0x17BB0] =	vst v0  }
0x47: {  	[tilespmem:$0x17BC0] =	vst v0  }
0x48: {  	[tilespmem:$0x17BD0] =	vst v0  }
0x49: {  	[tilespmem:$0x17BE0] =	vst v0  }
0x4a: {  	[tilespmem:$0x17BF0] =	vst v0  }
0x4b: {  	[tilespmem:$0x17C00] =	vst v0  }
0x4c: {  	[tilespmem:$0x17C10] =	vst v0  }
0x4d: {  	[tilespmem:$0x17C20] =	vst v0  }
0x4e: {  	[tilespmem:$0x17C30] =	vst v0  }
0x4f: {  	[tilespmem:$0x17C40] =	vst v0  }
0x50: {  	[tilespmem:$0x17C50] =	vst v0  }
0x51: {  	[tilespmem:$0x17C60] =	vst v0  }
0x52: {  	[tilespmem:$0x17C70] =	vst v0  }
0x53: {  	[tilespmem:$0x17C80] =	vst v0  }
0x54: {  	[tilespmem:$0x17C90] =	vst v0  }
0x55: {  	[tilespmem:$0x17CA0] =	vst v0  }
0x56: {  	[tilespmem:$0x17CB0] =	vst v0  }
0x57: {  	[tilespmem:$0x17CC0] =	vst v0  }
0x58: {  	[tilespmem:$0x17CD0] =	vst v0  }
0x59: {  	[tilespmem:$0x17CE0] =	vst v0  }
0x5a: {  	[tilespmem:$0x17CF0] =	vst v0  }
0x5b: {  	[tilespmem:$0x17D00] =	vst v0  }
0x5c: {  	[tilespmem:$0x17D10] =	vst v0  }
0x5d: {  	[tilespmem:$0x17D20] =	vst v0  }
0x5e: {  	[tilespmem:$0x17D30] =	vst v0  }
0x5f: {  	[tilespmem:$0x17D40] =	vst v0  }
0x60: {  	[tilespmem:$0x17D50] =	vst v0  }
0x61: {  	[tilespmem:$0x17D60] =	vst v0  }
0x62: {  	[tilespmem:$0x17D70] =	vst v0  }
0x63: {  	[tilespmem:$0x17D80] =	vst v0  }
0x64: {  	[tilespmem:$0x17D90] =	vst v0  }
0x65: {  	[tilespmem:$0x17DA0] =	vst v0  }
0x66: {  	[tilespmem:$0x17DB0] =	vst v0  }
0x67: {  	[tilespmem:$0x17DC0] =	vst v0  }
0x68: {  	[tilespmem:$0x17DD0] =	vst v0  }
0x69: {  	[tilespmem:$0x17DE0] =	vst v0  }
0x6a: {  	[tilespmem:$0x17DF0] =	vst v0  }
0x6b: {  	[tilespmem:$0x17E00] =	vst v0  }
0x6c: {  	[tilespmem:$0x17E10] =	vst v0  }
0x6d: {  	[tilespmem:$0x17E20] =	vst v0  }
0x6e: {  	[tilespmem:$0x17E30] =	vst v0  }
0x6f: {  	[tilespmem:$0x17E40] =	vst v0  }
0x70: {  	[tilespmem:$0x17E50] =	vst v0  }
0x71: {  	[tilespmem:$0x17E60] =	vst v0  }
0x72: {  	[tilespmem:$0x17E70] =	vst v0  }
0x73: {  	[tilespmem:$0x17E80] =	vst v0  }
0x74: {  	[tilespmem:$0x17E90] =	vst v0  }
0x75: {  	[tilespmem:$0x17EA0] =	vst v0  }
0x76: {  	[tilespmem:$0x17EB0] =	vst v0  }
0x77: {  	[tilespmem:$0x17EC0] =	vst v0  }
0x78: {  	[tilespmem:$0x17ED0] =	vst v0  }
0x79: {  	[tilespmem:$0x17EE0] =	vst v0  }
0x7a: {  	[tilespmem:$0x17EF0] =	vst v0  }
0x7b: {  	[tilespmem:$0x17F00] =	vst v0  }
0x7c: {  	[tilespmem:$0x17F10] =	vst v0  }
0x7d: {  	[tilespmem:$0x17F20] =	vst v0  }
0x7e: {  	[tilespmem:$0x17F30] =	vst v0  }
0x7f: {  	[tilespmem:$0x17F40] =	vst v0  }
0x80: {  	[tilespmem:$0x17F50] =	vst v0  }
0x81: {  	[tilespmem:$0x17F60] =	vst v0  }
0x82: {  	[tilespmem:$0x17F70] =	vst v0  }
0x83: {  	[tilespmem:$0x17F80] =	vst v0  }
0x84: {  	[tilespmem:$0x17F90] =	vst v0  }
0x85: {  	[tilespmem:$0x17FA0] =	vst v0  }
0x86: {  	[tilespmem:$0x17FB0] =	vst v0  }
0x87: {  	[tilespmem:$0x17FC0] =	vst v0  }
0x88: {  	[tilespmem:$0x17FD0] =	vst v0  }
0x89: {  	[tilespmem:$0x17FE0] =	vst v0  }
0x8a: {  	[tilespmem:$0x17FF0] =	vst v0  }
0x8b: {  	[tilespmem:$0x18000] =	vst v0  }
0x8c: {  	[tilespmem:$0x18010] =	vst v0  }
0x8d: {  	[tilespmem:$0x18020] =	vst v0  }
0x8e: {  	[tilespmem:$0x18030] =	vst v0  }
0x8f: {  	[tilespmem:$0x18040] =	vst v0  }
0x90: {  	[tilespmem:$0x18050] =	vst v0  }
0x91: {  	[tilespmem:$0x18060] =	vst v0  }
0x92: {  	[tilespmem:$0x18070] =	vst v0  }
0x93: {  	[tilespmem:$0x18080] =	vst v0  }
0x94: {  	[tilespmem:$0x18090] =	vst v0  }
0x95: {  	[tilespmem:$0x180A0] =	vst v0  }
0x96: {  	[tilespmem:$0x180B0] =	vst v0  }
0x97: {  	[tilespmem:$0x180C0] =	vst v0  }
0x98: {  	[tilespmem:$0x180D0] =	vst v0  }
0x99: {  	[tilespmem:$0x180E0] =	vst v0  }
0x9a: {  	s31 =	sadd.s32 $0x0, s8;
	[tilespmem:$0x180F0] =	vst v0  }
0x9b: {  	[spmem:s31] =	stream.linear.scatter [tilespmem:s16], [sflag:$0x7], $0x800, $0x38;
	[tilespmem:$0x1F900] =	vst v63  }
0x9c: {  	s4 =	simm.s32 $0x2000;
	_ =	swait.ge [sflag:s15], $0x800  }
.LBB2_2:
0x9d: {  	s13 =	sshra.s32 s4, $0x2;
	[sflag:s15] =	ssyncset.done $0x0;
	p0 =	sne.s32 s4, $0x4E000  }
.Ltmp0:
0x9e: {  	s13 =	sadd.s32 s13, s8;
	[sflag:s15] =	ssyncadd.s32 $0xFFFFF800;
	(pc) =	sbr.rel @p0 .LBB2_2-.Ltmp0, $3  }
0x9f: {  	[spmem:s13] =	stream.linear.scatter [tilespmem:s16], [sflag:$0x7], $0x800, $0x38;
	[tilespmem:$0x1F900] =	vst v63  }
0xa0: {  	s4 =	sadd.s32 $0x2000, s4;
	_ =	sdelay $0x1  }
0xa1: {  	_ =	swait.ge [sflag:s15], $0x800  }
0xa2: {  	[sflag:s15] =	ssyncset.done $0x0  }
0xa3: {  	[sflag:s15] =	ssyncadd.s32 $0xFFFFF800  }
0xa4: {  	s30 =	simm.s32 $0x0;
	[bflag:$0x0] =	sbarrier.arrive $0xFFFF  }
0xa5: {  	[tilespmem:s17], [sflag:$0x5] =	stream.linear.gather [hbm4b:s9+s30], $0x80, $0x38;
	[tilespmem:$0x1F900] =	vst v63  }
0xa6: {  	_ = 	snop  }
0xa7: {  	[tilespmem:s16], [sflag:$0x1] =	stream.indirect.gather [hbm4b:s2+s18], $0x80, s14, s18, $0xb8;
	[tilespmem:$0x1F900] =	vst v63  }
0xa8: {  	s4 =	simm.s32 $0x14020;
	s7 =	simm.s32 $0x18900  }
0xa9: {  	[tilespmem:s7], [sflag:$0x1] =	stream.indirect.gather [hbm4b:s2+s18], $0x80, s4, s18, $0xb8;
	[tilespmem:$0x1F900] =	vst v63  }
0xaa: {  	s10 =	simm.s32 $0x14040;
	s11 =	simm.s32 $0x19900  }
0xab: {  	[tilespmem:s11], [sflag:$0x1] =	stream.indirect.gather [hbm4b:s2+s18], $0x80, s10, s18, $0xb8;
	[tilespmem:$0x1F900] =	vst v63  }
0xac: {  	s13 =	simm.s32 $0x14060;
	s19 =	simm.s32 $0x1A900  }
0xad: {  	[tilespmem:s19], [sflag:$0x1] =	stream.indirect.gather [hbm4b:s2+s18], $0x80, s13, s18, $0xb8;
	[tilespmem:$0x1F900] =	vst v63  }
0xae: {  	s10 =	rddreg [dreg:$0x7]  }
0xaf: {  	[tilespmem:s25], [sflag:$0x6] =	stream.linear.gather [hbm4b:s10+s30], $0x80, $0x38;
	[tilespmem:$0x1F900] =	vst v63  }
0xb0: {  	s11 =	simm.s32 $0x14080  }
0xb1: {  	[tilespmem:s28], [sflag:$0x2] =	stream.indirect.gather [hbm4b:s2+s18], $0x80, s11, s18, $0xb8;
	[tilespmem:$0x1F900] =	vst v63  }
0xb2: {  	s13 =	simm.s32 $0x140A0;
	s19 =	simm.s32 $0x1C900  }
0xb3: {  	[tilespmem:s19], [sflag:$0x2] =	stream.indirect.gather [hbm4b:s2+s18], $0x80, s13, s18, $0xb8;
	[tilespmem:$0x1F900] =	vst v63  }
0xb4: {  	s10 =	simm.s32 $0x140C0;
	s11 =	simm.s32 $0x1D900  }
0xb5: {  	[tilespmem:s11], [sflag:$0x2] =	stream.indirect.gather [hbm4b:s2+s18], $0x80, s10, s18, $0xb8;
	[tilespmem:$0x1F900] =	vst v63  }
0xb6: {  	s13 =	simm.s32 $0x140E0;
	s19 =	simm.s32 $0x1E900  }
0xb7: {  	[tilespmem:s19], [sflag:$0x2] =	stream.indirect.gather [hbm4b:s2+s18], $0x80, s13, s18, $0xb8;
	[tilespmem:$0x1F900] =	vst v63  }
0xb8: {  	s31 =	simm.s32 $0x1;
	s4 =	simm.s32 $0x0;
	s13 =	smov.u32 s0  }
.LBB2_4:
0xb9: {  	p1 =	seq.s32 s4, $0x0  }
0xba: {  	s19 =	simm.s32 @!p1 $0x4  }
0xbb: {  	p0 =	sge.u32 @!p1 s31, s6;
	_ =	swait.ge @!p1 [sflag:s19], $0x4000  }
0xbc: {  	p0 =	por p0, p1;
	s7 =	rddreg [dreg:$0x4]  }
0xbd: {  	s7 =	sadd.s32 @!p0 s30, s7  }
0xbe: {  	s10 =	sand.u32 @!p0 $0x300, s30;
	s7 =	sand.u32 @!p0 $0xFFFFFC00, s7  }
0xbf: {  	s7 =	sor.u32 @!p0 s7, s10  }
0xc0: {  	[sflag:s19] =	ssyncset.done @!p1 $0x0;
	s7 =	sshrl.u32 @!p0 s7, $0x3  }
0xc1: {  	[sflag:s19] =	ssyncadd.s32 @!p1 $0xFFFFC000;
	s7 =	sadd.s32 @!p0 s7, s5  }
0xc2: {  	s19 =	simm.s32 @!p0 $0x17880;
	s10 =	simm.s32 @!p0 $0x0;
	s7 =	sadd.s32 @!p0 $0x10, s7  }
0xc3: {  	[tilespmem:s19], [sflag:$0x6] =	stream.linear.gather @!p0 [hbm4b:s7+s10], $0x80, $0x38;
	[tilespmem:$0x1F900] =	vst v63  }
0xc4: {  	s7 =	sshra.s32 @!p0 s4, $0x2  }
0xc5: {  	s11 =	simm.s32 @!p0 $0x1B900;
	s19 =	simm.s32 @!p0 $0x20;
	s10 =	sadd.s32 @!p0 $0x14080, s7  }
0xc6: {  	[tilespmem:s11], [sflag:$0x2] =	stream.indirect.gather @!p0 [hbm4b:s2+s19], $0x80, s10, s19, $0xb8;
	[tilespmem:$0x1F900] =	vst v63  }
0xc7: {  	s10 =	sadd.s32 @!p0 $0x140A0, s7;
	s11 =	simm.s32 @!p0 $0x1C900  }
0xc8: {  	[tilespmem:s11], [sflag:$0x2] =	stream.indirect.gather @!p0 [hbm4b:s2+s19], $0x80, s10, s19, $0xb8;
	[tilespmem:$0x1F900] =	vst v63  }
0xc9: {  	s10 =	sadd.s32 @!p0 $0x140C0, s7;
	s11 =	simm.s32 @!p0 $0x1D900  }
0xca: {  	[tilespmem:s11], [sflag:$0x2] =	stream.indirect.gather @!p0 [hbm4b:s2+s19], $0x80, s10, s19, $0xb8;
	[tilespmem:$0x1F900] =	vst v63  }
0xcb: {  	s7 =	sadd.s32 @!p0 $0x140E0, s7;
	s10 =	simm.s32 @!p0 $0x1E900  }
0xcc: {  	[tilespmem:s10], [sflag:$0x2] =	stream.indirect.gather @!p0 [hbm4b:s2+s19], $0x80, s7, s19, $0xb8;
	[tilespmem:$0x1F900] =	vst v63  }
0xcd: {  	_ =	swait.ge [sflag:s20], $0x80  }
0xce: {  	[sflag:s20] =	ssyncset.done $0x0  }
0xcf: {  	[sflag:s20] =	ssyncadd.s32 $0xFFFFFF80  }
0xd0: {  	_ =	swait.ge [sflag:s21], $0x1000  }
0xd1: {  	[sflag:s21] =	ssyncset.done $0x0  }
0xd2: {  	[sflag:s21] =	ssyncadd.s32 $0xFFFFF000  }
0xd3: {  	_ =	swait.ge [sflag:s21], $0x1000  }
0xd4: {  	[sflag:s21] =	ssyncset.done $0x0  }
0xd5: {  	[sflag:s21] =	ssyncadd.s32 $0xFFFFF000  }
0xd6: {  	_ =	swait.ge [sflag:s21], $0x1000  }
0xd7: {  	[sflag:s21] =	ssyncset.done $0x0  }
0xd8: {  	[sflag:s21] =	ssyncadd.s32 $0xFFFFF000  }
0xd9: {  	_ =	swait.ge [sflag:s21], $0x1000  }
0xda: {  	[sflag:s21] =	ssyncset.done $0x0  }
0xdb: {  	[sflag:s21] =	ssyncadd.s32 $0xFFFFF000  }
0xdc: {  	[spmem:s3] =	stream.indirect.scatter.add.f32 [tilespmem:s16], [sflag:$0x3], $0x80, s17, s22, $0xb8;
	[tilespmem:$0x1F900] =	vst v63  }
0xdd: {  	s11 =	sadd.s32 $0x1, s31;
	_ =	swait.ge [sflag:s1], $0x4000  }
0xde: {  	p0 =	sge.u32 s11, s6;
	[sflag:s1] =	ssyncset.done $0x0  }
0xdf: {  	s7 =	simm.s32 @!p0 $0x0;
	s10 =	simm.s32 @!p0 $0x17800;
	[sflag:s1] =	ssyncadd.s32 $0xFFFFC000  }
0xe0: {  	[tilespmem:s10], [sflag:$0x5] =	stream.linear.gather @!p0 [hbm4b:s13+s7], $0x80, $0x38;
	[tilespmem:$0x1F900] =	vst v63  }
0xe1: {  	s7 =	sshra.s32 @!p0 s4, $0x2  }
0xe2: {  	s11 =	simm.s32 @!p0 $0x20;
	s19 =	simm.s32 @!p0 $0x17900;
	s10 =	sadd.s32 @!p0 $0x14100, s7  }
0xe3: {  	[tilespmem:s19], [sflag:$0x1] =	stream.indirect.gather @!p0 [hbm4b:s2+s11], $0x80, s10, s11, $0xb8;
	[tilespmem:$0x1F900] =	vst v63  }
0xe4: {  	s10 =	sadd.s32 @!p0 $0x14120, s7;
	s19 =	simm.s32 @!p0 $0x18900  }
0xe5: {  	[tilespmem:s19], [sflag:$0x1] =	stream.indirect.gather @!p0 [hbm4b:s2+s11], $0x80, s10, s11, $0xb8;
	[tilespmem:$0x1F900] =	vst v63  }
0xe6: {  	s10 =	sadd.s32 @!p0 $0x14140, s7;
	s19 =	simm.s32 @!p0 $0x19900  }
0xe7: {  	[tilespmem:s19], [sflag:$0x1] =	stream.indirect.gather @!p0 [hbm4b:s2+s11], $0x80, s10, s11, $0xb8;
	[tilespmem:$0x1F900] =	vst v63  }
0xe8: {  	s7 =	sadd.s32 @!p0 $0x14160, s7;
	s10 =	simm.s32 @!p0 $0x1A900  }
0xe9: {  	[tilespmem:s10], [sflag:$0x1] =	stream.indirect.gather @!p0 [hbm4b:s2+s11], $0x80, s7, s11, $0xb8;
	[tilespmem:$0x1F900] =	vst v63  }
0xea: {  	_ =	swait.ge [sflag:s23], $0x80  }
0xeb: {  	[sflag:s23] =	ssyncset.done $0x0  }
0xec: {  	[sflag:s23] =	ssyncadd.s32 $0xFFFFFF80  }
0xed: {  	_ =	swait.ge [sflag:s24], $0x1000  }
0xee: {  	[sflag:s24] =	ssyncset.done $0x0  }
0xef: {  	[sflag:s24] =	ssyncadd.s32 $0xFFFFF000  }
0xf0: {  	_ =	swait.ge [sflag:s24], $0x1000  }
0xf1: {  	[sflag:s24] =	ssyncset.done $0x0  }
0xf2: {  	[sflag:s24] =	ssyncadd.s32 $0xFFFFF000  }
0xf3: {  	_ =	swait.ge [sflag:s24], $0x1000  }
0xf4: {  	[sflag:s24] =	ssyncset.done $0x0  }
0xf5: {  	[sflag:s24] =	ssyncadd.s32 $0xFFFFF000  }
0xf6: {  	_ =	swait.ge [sflag:s24], $0x1000  }
0xf7: {  	s4 =	sadd.s32 $0x400, s4;
	s19 =	rddreg [dreg:$0x5]  }
0xf8: {  	p0 =	sne.s32 s19, s4  }
.Ltmp1:
0xf9: {  	_ = 	snop;
	(pc) =	sbr.rel @p0 .LBB2_4-.Ltmp1, $4  }
0xfa: {  	_ = 	snop  }
0xfb: {  	s30 =	sadd.s32 $0x100, s30;
	[sflag:s24] =	ssyncset.done $0x0  }
0xfc: {  	s31 =	sadd.s32 $0x2, s31;
	s13 =	sadd.s32 $0x20, s13;
	[sflag:s24] =	ssyncadd.s32 $0xFFFFF000  }
0xfd: {  	[spmem:s3] =	stream.indirect.scatter.add.f32 [tilespmem:s28], [sflag:$0x4], $0x80, s25, s22, $0xb8;
	[tilespmem:$0x1F900] =	vst v63  }
0xfe: {  	_ =	swait.ge [sflag:s26], $0x4000  }
0xff: {  	s4 =	stileid.u32;
	[sflag:s26] =	ssyncset.done $0x0  }
0x100: {  	s7 =	sshrl.u32 s8, $0x3;
	s29 =	sadd.s32 $0x1, s29;
	[sflag:s26] =	ssyncadd.s32 $0xFFFFC000  }
0x101: {  	s4 =	sshll.u32 s4, $0x6;
	p0 =	sne.s32 s29, s12;
	[bflag:$0x0] =	sbarrier.arrive $0xFFFF  }
.Ltmp2:
0x102: {  	s4 =	sor.u32 $0x1C07, s4;
	s10 =	rddreg [dreg:$0x8];
	(pc) =	sbr.rel @p0 .LBB2_1-.Ltmp2, $4  }
0x103: {  	[hbm:s10], [sflag:s4] =	dma.local [spmem:s7], $0x2800  }
0x104: {  	_ =	swait.ge [sflag:s15], $0x2800  }
0x105: {  	[sflag:s15] =	ssyncset.done $0x0  }
0x106: {  	[sflag:s15] =	ssyncadd.s32 $0xFFFFD800  }
0x107: {  	_ =	sfence.sel $0x180000  }
0x108: {  	[bflag:$0x0] =	sbarrier.arrive $0xFFFF  }
0x109: {  	_ =	strace $0x9000004A  }
0x10a: {  	s0 =	stileid.u32;
	[bflag:$0x2] =	sbarrier.arrive $0xFFFF  }
0x10b: {  	p0 =	sne.s32 s0, $0x0;
	s0 =	rddreg [dreg:$0x3]  }
0x10c: {  	s0 =	sadd.s32 @!p0 $0x100000, s0  }
0x10d: {  	[sflag:s0] =	ssyncadd.tile.s32 @!p0 $0x1;
	_ =	shalt  }
.Lfunc_end2:
_tile_overlayer_lowered:
.L_overlay_start_2:
0x10e: {  	(tag) =	ssettag $0x2  }
0x10f: {  	s0 =	rddreg [dreg:$0x0];
	s2 =	stileid.u32  }
0x110: {  	s1 =	rddreg [dreg:$0x1];
	p0 =	sne.s32 s2, $0x0  }
0x111: {  	s3 =	rddreg [dreg:$0x2];
	[bflag:$0x3] =	sbarrier.arrive $0xFFFF;
	s2 =	simm.s32 @!p0 $0x1C07  }
0x112: {  	[timem:s3], [sflag:s2] =	dma.local @!p0 [hbm:s0], s1  }
0x113: {  	s0 =	simm.s32 @!p0 $0x7  }
0x114: {  	_ =	swait.ge @!p0 [sflag:s0], s1  }
0x115: {  	s1 =	ssub.s32 @!p0 $0x0, s1;
	[sflag:s0] =	ssyncset.done @!p0 $0x0  }
0x116: {  	[sflag:s0] =	ssyncadd.s32 @!p0 s1  }
0x117: {  	[bflag:$0x3] =	sbarrier.arrive $0xFFFF  }
0x118: {  	_ =	shalt  }

</sc_bundles>
